<compile_context>
chip_gen: v7x
topology: tpu7x:2x2x1
jax: 0.10.2.dev20260603
libtpu: 0.0.44.dev20260713+nightly
codegen_flags: <defaults>
</compile_context>

<pallas_src>
import functools

import numpy as np

import jax
import jax.numpy as jnp
from jax import lax
from jax.experimental import pallas as pl
from jax.experimental.pallas import tpu as pltpu
from jax.experimental.pallas import tpu_sc as plsc

_N = 10000
_E = 320000
_D = 128
_SLOPE = 0.2
_NEG = -1e30

_CHUNK = 128
_NW = 32
_CPW = 80
_NCH = _NW * _CPW
_EPAD = (_NCH + 8) * _CHUNK
_NACC = 10240
_ROWS_PER_TILE = _NACC // 16
_ACC_W = 80



def _np_consts():
    mask1 = np.zeros((64, 16), np.float32)
    for h in range(8):
        mask1[h * 8:(h + 1) * 8, h] = 1.0
    mask2 = np.zeros((64, 16), np.float32)
    mask2[:, 0] = 1.0
    padrow1 = np.concatenate([np.zeros((1, 8), np.float32),
                              np.full((1, 8), _NEG, np.float32)], axis=1)
    padrow2 = np.concatenate([np.zeros((1, 1), np.float32),
                              np.full((1, 15), _NEG, np.float32)], axis=1)
    p1 = np.zeros((16, 64), np.float32)
    for h in range(8):
        p1[h, h * 8:(h + 1) * 8] = 1.0
    p2 = np.zeros((16, 64), np.float32)
    p2[0, :] = 1.0
    plm = np.zeros((64, 32), np.float32)
    phm = np.zeros((64, 32), np.float32)
    for g in range(2):
        for i in range(16):
            plm[32 * g + i, 16 * g + i] = 1.0
            phm[32 * g + 16 + i, 16 * g + i] = 1.0
    return mask1, mask2, padrow1, padrow2, p1, p2, plm, phm


_MASK1, _MASK2, _PADROW1, _PADROW2, _P1, _P2, _PLM, _PHM = _np_consts()



def _pack_bf16_pairs(h, pl_ref, ph_ref):
    lo = jnp.dot(h, pl_ref[...], preferred_element_type=jnp.float32)
    hi = jnp.dot(h, ph_ref[...], preferred_element_type=jnp.float32)
    lo_b = lax.bitcast_convert_type(
        lo.astype(jnp.bfloat16).astype(jnp.float32), jnp.int32)
    hi_b = lax.bitcast_convert_type(
        hi.astype(jnp.bfloat16).astype(jnp.float32), jnp.int32)
    return lax.shift_right_logical(lo_b, 16) | (hi_b & jnp.int32(-65536))


def _dense1_body(x_ref, w_ref, ms_ref, md_ref, pad_ref, pl_ref, ph_ref,
                 h_ref, sa_ref, da_ref):
    h = jnp.dot(x_ref[...], w_ref[...], preferred_element_type=jnp.float32)
    h_ref[...] = _pack_bf16_pairs(h, pl_ref, ph_ref)
    sa_ref[...] = jnp.dot(h, ms_ref[...], preferred_element_type=jnp.float32)
    da_ref[...] = (jnp.dot(h, md_ref[...], preferred_element_type=jnp.float32)
                   + pad_ref[...])


def _mid_body(a_ref, p_ref, b1_ref, w2_ref, ms_ref, md_ref, pad_ref,
              pl_ref, ph_ref, h2_ref, sa_ref, da_ref):
    a = a_ref[0] + a_ref[1]
    den = jnp.dot(a[:, 0:16], p_ref[...], preferred_element_type=jnp.float32)
    o1 = a[:, 16:_ACC_W] / (den + 1e-16) + b1_ref[...]
    g = jnp.where(o1 > 0, o1, jnp.exp(o1) - 1.0)
    h2 = jnp.dot(g, w2_ref[...], preferred_element_type=jnp.float32)
    h2_ref[...] = _pack_bf16_pairs(h2, pl_ref, ph_ref)
    sa_ref[...] = jnp.dot(h2, ms_ref[...], preferred_element_type=jnp.float32)
    da_ref[...] = (jnp.dot(h2, md_ref[...], preferred_element_type=jnp.float32)
                   + pad_ref[...])


def _fin_body(a_ref, p_ref, b2_ref, out_ref):
    a = a_ref[0] + a_ref[1]
    den = jnp.dot(a[:, 0:16], p_ref[...], preferred_element_type=jnp.float32)
    out_ref[...] = a[:, 16:_ACC_W] / (den + 1e-16) + b2_ref[...]


_R = 2048


def _dense1(x, w1, ms, md, pad, plm, phm):
    return pl.pallas_call(
        _dense1_body,
        grid=(_NACC // _R,),
        in_specs=[
            pl.BlockSpec((_R, _D), lambda i: (i, 0)),
            pl.BlockSpec((_D, 64), lambda i: (0, 0)),
            pl.BlockSpec((64, 16), lambda i: (0, 0)),
            pl.BlockSpec((64, 16), lambda i: (0, 0)),
            pl.BlockSpec((1, 16), lambda i: (0, 0)),
            pl.BlockSpec((64, 32), lambda i: (0, 0)),
            pl.BlockSpec((64, 32), lambda i: (0, 0)),
        ],
        out_specs=[
            pl.BlockSpec((_R, 32), lambda i: (i, 0)),
            pl.BlockSpec((_R, 16), lambda i: (i, 0)),
            pl.BlockSpec((_R, 16), lambda i: (i, 0)),
        ],
        out_shape=[
            jax.ShapeDtypeStruct((_NACC, 32), jnp.int32),
            jax.ShapeDtypeStruct((_NACC, 16), jnp.float32),
            jax.ShapeDtypeStruct((_NACC, 16), jnp.float32),
        ],
    )(x, w1, ms, md, pad, plm, phm)


def _mid(acc, p, b1, w2, ms, md, pad, plm, phm):
    return pl.pallas_call(
        _mid_body,
        grid=(_NACC // _R,),
        in_specs=[
            pl.BlockSpec((2, _R, _ACC_W), lambda i: (0, i, 0)),
            pl.BlockSpec((16, 64), lambda i: (0, 0)),
            pl.BlockSpec((1, 64), lambda i: (0, 0)),
            pl.BlockSpec((64, 64), lambda i: (0, 0)),
            pl.BlockSpec((64, 16), lambda i: (0, 0)),
            pl.BlockSpec((64, 16), lambda i: (0, 0)),
            pl.BlockSpec((1, 16), lambda i: (0, 0)),
            pl.BlockSpec((64, 32), lambda i: (0, 0)),
            pl.BlockSpec((64, 32), lambda i: (0, 0)),
        ],
        out_specs=[
            pl.BlockSpec((_R, 32), lambda i: (i, 0)),
            pl.BlockSpec((_R, 16), lambda i: (i, 0)),
            pl.BlockSpec((_R, 16), lambda i: (i, 0)),
        ],
        out_shape=[
            jax.ShapeDtypeStruct((_NACC, 32), jnp.int32),
            jax.ShapeDtypeStruct((_NACC, 16), jnp.float32),
            jax.ShapeDtypeStruct((_NACC, 16), jnp.float32),
        ],
    )(acc, p, b1, w2, ms, md, pad, plm, phm)


def _fin(acc, p, b2):
    return pl.pallas_call(
        _fin_body,
        grid=(_NACC // _R,),
        in_specs=[
            pl.BlockSpec((2, _R, _ACC_W), lambda i: (0, i, 0)),
            pl.BlockSpec((16, 64), lambda i: (0, 0)),
            pl.BlockSpec((1, 64), lambda i: (0, 0)),
        ],
        out_specs=pl.BlockSpec((_R, 64), lambda i: (i, 0)),
        out_shape=jax.ShapeDtypeStruct((_NACC, 64), jnp.float32),
    )(acc, p, b2)



def _make_edge_kernel(multi_head):
    mesh = plsc.VectorSubcoreMesh(core_axis_name="c", subcore_axis_name="s",
                                  num_cores=2, num_subcores=16)

    @functools.partial(
        pl.kernel,
        out_type=jax.ShapeDtypeStruct((2, _NACC, _ACC_W), jnp.float32),
        mesh=mesh,
        compiler_params=pltpu.CompilerParams(use_tc_tiling_on_sc=False),
        scratch_types=[
            pltpu.VMEM((_CPW + 1, _CHUNK), jnp.int32),
            pltpu.VMEM((_CPW + 1, _CHUNK), jnp.int32),
            pltpu.VMEM((2, _CHUNK, 16), jnp.float32),
            pltpu.VMEM((2, _CHUNK, 16), jnp.float32),
            pltpu.VMEM((2, _CHUNK, 32), jnp.int32),
            pltpu.VMEM((2, _CHUNK, _ACC_W), jnp.float32),
            pltpu.VMEM_SHARED((_NACC, _ACC_W), jnp.float32),
            pltpu.VMEM_SHARED((_NACC, 32), jnp.int32),
            pltpu.SemaphoreType.DMA,
            pltpu.SemaphoreType.DMA,
            pltpu.SemaphoreType.DMA,
            pltpu.SemaphoreType.DMA,
            pltpu.SemaphoreType.DMA,
            pltpu.SemaphoreType.DMA,
            pltpu.SemaphoreType.DMA,
            pltpu.SemaphoreType.DMA,
        ],
    )
    def edge_kernel(src_hbm, dst_hbm, sa_hbm, da_hbm, h_hbm, z_hbm, out_hbm,
                    srcA, dstA, av, bv, hv, msgv, acc, h_t,
                    sa0, sb0, sh0, sa1, sb1, sh1, sc0, sc1):
        cid = lax.axis_index("c")
        sid = lax.axis_index("s")
        wid = sid * 2 + cid
        row0 = sid * _ROWS_PER_TILE
        sems = ((sa0, sb0, sh0), (sa1, sb1, sh1))
        scsems = (sc0, sc1)

        stripe = pl.ds(row0, _ROWS_PER_TILE)
        pltpu.sync_copy(z_hbm.at[stripe], acc.at[stripe])
        pltpu.sync_copy(h_hbm.at[stripe], h_t.at[stripe])
        plsc.subcore_barrier()

        sel = lax.iota(jnp.int32, 16) >= 8
        c0 = wid * _CPW
        pltpu.sync_copy(src_hbm.at[pl.ds(c0, _CPW + 1)], srcA)
        pltpu.sync_copy(dst_hbm.at[pl.ds(c0, _CPW + 1)], dstA)

        def issue(m, b):
            s = sems[b]
            pltpu.async_copy(sa_hbm.at[srcA.at[m]], av.at[b], s[0])
            pltpu.async_copy(da_hbm.at[dstA.at[m]], bv.at[b], s[1])
            pltpu.async_copy(h_t.at[srcA.at[m]], hv.at[b], s[2])

        def drain(b):
            s = sems[b]
            pltpu.make_async_copy(sa_hbm.at[srcA.at[0]], av.at[b], s[0]).wait()
            pltpu.make_async_copy(da_hbm.at[dstA.at[0]], bv.at[b], s[1]).wait()
            pltpu.make_async_copy(h_t.at[srcA.at[0]], hv.at[b], s[2]).wait()

        def compute(b):
            @plsc.parallel_loop(0, _CHUNK, step=1)
            def edge_body(k):
                t = av[b, k] + bv[b, k]
                t = jnp.maximum(t, _SLOPE * t)
                w = jnp.exp(t)
                msgv[b, k, pl.ds(0, 16)] = w
                for g in range(2):
                    u = hv[b, k, pl.ds(16 * g, 16)]
                    h0 = lax.bitcast_convert_type(u << 16, jnp.float32)
                    h1 = lax.bitcast_convert_type(u & jnp.int32(-65536), jnp.float32)
                    for i, hj in enumerate((h0, h1)):
                        j = 2 * g + i
                        if multi_head:
                            wb = jnp.where(sel, w[2 * j + 1], w[2 * j])
                        else:
                            wb = jnp.broadcast_to(w[0], (16,))
                        msgv[b, k, pl.ds(16 + j * 16, 16)] = wb * hj

        def chunk_step(m, b, wait_sc, issue_next):
            drain(b)
            if issue_next:
                issue(m + 1, 1 - b)
            if wait_sc:
                pltpu.make_async_copy(msgv.at[b], acc.at[dstA.at[0]],
                                      scsems[b]).wait()
            compute(b)
            pltpu.async_copy(msgv.at[b], acc.at[dstA.at[m]], scsems[b],
                             add=True)

        issue(0, 0)
        chunk_step(0, 0, False, True)
        chunk_step(1, 1, False, True)

        def pair_body(p, carry):
            for b in (0, 1):
                chunk_step(2 * p + b, b, True, True)
            return carry

        lax.fori_loop(1, _CPW // 2, pair_body, 0)
        drain(0)
        pltpu.make_async_copy(msgv.at[0], acc.at[dstA.at[0]], scsems[0]).wait()
        pltpu.make_async_copy(msgv.at[1], acc.at[dstA.at[0]], scsems[1]).wait()
        plsc.subcore_barrier()
        pltpu.sync_copy(acc.at[pl.ds(row0, _ROWS_PER_TILE)],
                        out_hbm.at[cid, pl.ds(row0, _ROWS_PER_TILE)])

    return edge_kernel


_edge1 = _make_edge_kernel(True)
_edge2 = _make_edge_kernel(False)



def kernel(x, adjs, W1, a_src1, a_dst1, b1, W2, a_src2, a_dst2, b2):
    f32 = jnp.float32
    x = jnp.concatenate([x.astype(f32),
                         jnp.zeros((_NACC - _N, _D), f32)], axis=0)
    src = jnp.concatenate([adjs[0].astype(jnp.int32),
                           jnp.full((_EPAD - _E,), _N, jnp.int32)])
    dst = jnp.concatenate([adjs[1].astype(jnp.int32),
                           jnp.full((_EPAD - _E,), _NACC - 1, jnp.int32)])
    src = src.reshape(_NCH + 8, _CHUNK)
    dst = dst.reshape(_NCH + 8, _CHUNK)

    ms1 = a_src1.astype(f32).reshape(64, 1) * _MASK1
    md1 = a_dst1.astype(f32).reshape(64, 1) * _MASK1
    ms2 = a_src2.astype(f32).reshape(64, 1) * _MASK2
    md2 = a_dst2.astype(f32).reshape(64, 1) * _MASK2

    zacc = jnp.zeros((_NACC, _ACC_W), f32)

    h1, sa1, da1 = _dense1(x, W1.astype(f32), ms1, md1, _PADROW1, _PLM, _PHM)
    acc1 = _edge1(src, dst, sa1, da1, h1, zacc)
    h2, sa2, da2 = _mid(acc1, _P1, b1.astype(f32).reshape(1, 64),
                        W2.astype(f32), ms2, md2, _PADROW2, _PLM, _PHM)
    acc2 = _edge2(src, dst, sa2, da2, h2, zacc)
    out = _fin(acc2, _P2, b2.astype(f32).reshape(1, 64))
    return out[:_N]

# --- scband reference (transcript-rebuilt; emitter-appended) ---
"""Pipeline reference for scband-gat-16097537425901 (READ-ONLY COPY).

The authoritative reference and input builder live on the scoring server;
editing this copy changes nothing except your own understanding.
"""

import jax, jax.numpy as jnp
import numpy as np

N_NODES = 10000
N_EDGES = 320000
D_FEAT = 128
HEADS = 8
HEAD_DIM = 8
N_CLASSES = 64
NEG_SLOPE = 0.2


def setup_inputs(seed: int = 0) -> dict:
    key = jax.random.key(seed)
    ks = jax.random.split(key, 12)
    x = jax.random.normal(ks[0], (N_NODES, D_FEAT), dtype=jnp.float32)
    edge_index = jax.random.randint(ks[1], (2, N_EDGES), 0, N_NODES, dtype=jnp.int64)
    # layer 1: in=128 -> heads=8, ch=8, concat -> out 64
    W1 = jax.random.normal(ks[2], (D_FEAT, HEADS * HEAD_DIM), dtype=jnp.float32) * 0.1
    a_src1 = jax.random.normal(ks[3], (HEADS, HEAD_DIM), dtype=jnp.float32) * 0.1
    a_dst1 = jax.random.normal(ks[4], (HEADS, HEAD_DIM), dtype=jnp.float32) * 0.1
    b1 = jnp.zeros((HEADS * HEAD_DIM,), dtype=jnp.float32)
    # layer 2: in=64 -> heads=1, ch=n_classes, mean (concat=False)
    W2 = jax.random.normal(ks[5], (HEADS * HEAD_DIM, 1 * N_CLASSES), dtype=jnp.float32) * 0.1
    a_src2 = jax.random.normal(ks[6], (1, N_CLASSES), dtype=jnp.float32) * 0.1
    a_dst2 = jax.random.normal(ks[7], (1, N_CLASSES), dtype=jnp.float32) * 0.1
    b2 = jnp.zeros((N_CLASSES,), dtype=jnp.float32)
    return {"x": x, "adjs": edge_index, "W1": W1, "a_src1": a_src1, "a_dst1": a_dst1,
            "b1": b1, "W2": W2, "a_src2": a_src2, "a_dst2": a_dst2, "b2": b2}


def _gat_layer(x, edge_index, W, a_src, a_dst, b, heads, ch, concat, neg_slope):
    N = x.shape[0]
    h = (x @ W).reshape(N, heads, ch)
    alpha_src = jnp.sum(h * a_src[None, :, :], axis=-1)  # [N, H]
    alpha_dst = jnp.sum(h * a_dst[None, :, :], axis=-1)  # [N, H]
    src = edge_index[0]
    dst = edge_index[1]
    e = alpha_src[src] + alpha_dst[dst]  # [E, H]
    e = jnp.where(e > 0, e, neg_slope * e)  # leaky_relu
    m = jax.ops.segment_max(e, dst, num_segments=N)
    m = jnp.where(jnp.isfinite(m), m, 0.0)
    ex = jnp.exp(e - jax.lax.stop_gradient(m[dst]))
    denom = jax.ops.segment_sum(ex, dst, num_segments=N)
    alpha = ex / (denom[dst] + 1e-16)  # [E, H]
    msg = h[src] * alpha[:, :, None]  # [E, H, C]
    out = jax.ops.segment_sum(msg, dst, num_segments=N)  # [N, H, C]
    if concat:
        out = out.reshape(N, heads * ch)
    else:
        out = jnp.mean(out, axis=1)
    return out + b


def reference(x, adjs, W1, a_src1, a_dst1, b1, W2, a_src2, a_dst2, b2):
    # eval mode: F.dropout is identity
    h = _gat_layer(x, adjs, W1, a_src1, a_dst1, b1, HEADS, HEAD_DIM, True, NEG_SLOPE)
    h = jax.nn.elu(h)
    out = _gat_layer(h, adjs, W2, a_src2, a_dst2, b2, 1, N_CLASSES, False, NEG_SLOPE)
    return out

if __name__ == "__main__":
    import jax
    _d = setup_inputs()
    print(jax.jit(kernel)(*tuple(_d.values())))

</pallas_src>

<mosaic_0001>
#map = affine_map<(d0, d1) -> (0, 0)>
#map1 = affine_map<(d0, d1) -> (0, 0, 0)>
module attributes {stable_mosaic.version = 14 : i64} {
  func.func @edge_kernel(%arg0: i32, %arg1: i32, %arg2: memref<2568x128xi32, #tpu.memory_space<hbm>>, %arg3: memref<2568x128xi32, #tpu.memory_space<hbm>>, %arg4: memref<10240x16xf32, #tpu.memory_space<hbm>>, %arg5: memref<10240x16xf32, #tpu.memory_space<hbm>>, %arg6: memref<10240x32xi32, #tpu.memory_space<hbm>>, %arg7: memref<10240x80xf32, #tpu.memory_space<hbm>>, %arg8: memref<2x10240x80xf32, #tpu.memory_space<hbm>>, %arg9: memref<81x128xi32, #tpu.memory_space<vmem>>, %arg10: memref<81x128xi32, #tpu.memory_space<vmem>>, %arg11: memref<2x128x16xf32, #tpu.memory_space<vmem>>, %arg12: memref<2x128x16xf32, #tpu.memory_space<vmem>>, %arg13: memref<2x128x32xi32, #tpu.memory_space<vmem>>, %arg14: memref<2x128x80xf32, #tpu.memory_space<vmem>>, %arg15: memref<10240x80xf32, #tpu.memory_space<vmem_shared>>, %arg16: memref<10240x32xi32, #tpu.memory_space<vmem_shared>>, %arg17: memref<!tpu.dma_semaphore, #tpu.memory_space<semaphore_mem>>, %arg18: memref<!tpu.dma_semaphore, #tpu.memory_space<semaphore_mem>>, %arg19: memref<!tpu.dma_semaphore, #tpu.memory_space<semaphore_mem>>, %arg20: memref<!tpu.dma_semaphore, #tpu.memory_space<semaphore_mem>>, %arg21: memref<!tpu.dma_semaphore, #tpu.memory_space<semaphore_mem>>, %arg22: memref<!tpu.dma_semaphore, #tpu.memory_space<semaphore_mem>>, %arg23: memref<!tpu.dma_semaphore, #tpu.memory_space<semaphore_mem>>, %arg24: memref<!tpu.dma_semaphore, #tpu.memory_space<semaphore_mem>>) attributes {dimension_semantics = [#tpu.dimension_semantics<core_parallel>, #tpu.dimension_semantics<subcore_parallel>], iteration_bounds = array<i64: 2, 16>, scalar_prefetch = 0 : i64, scratch_operands = 16 : i64, tpu.core_type = #tpu.core_type<sc_vector_subcore>, window_params = [{transform_indices = #map}, {transform_indices = #map}, {transform_indices = #map}, {transform_indices = #map}, {transform_indices = #map}, {transform_indices = #map}, {transform_indices = #map1}]} {
    %mul3A = arith.constant 2 : i32
    %mul3A_0 = arith.muli %arg1, %mul3A : i32
    %add3A = arith.addi %mul3A_0, %arg0 : i32
    %mul3A_1 = arith.constant 640 : i32
    %mul3A_2 = arith.muli %arg1, %mul3A_1 : i32
    "tpu.region"() ({
      %run_scoped3A = tpu.sem_alloc : memref<!tpu.dma_semaphore, #tpu.memory_space<semaphore_mem>>
      %dma_start3A_280 = arith.constant 0 : i32
      %dma_start3A_281 = tpu.memref_slice %arg15[%mul3A_2, %dma_start3A_280] : memref<10240x80xf32, #tpu.memory_space<vmem_shared>> -> memref<640x80xf32, #tpu.memory_space<vmem_shared>>
      %dma_start3A_282 = arith.constant 0 : i32
      %dma_start3A_283 = tpu.memref_slice %arg7[%mul3A_2, %dma_start3A_282] : memref<10240x80xf32, #tpu.memory_space<hbm>> -> memref<640x80xf32, #tpu.memory_space<hbm>>
      tpu.enqueue_dma source(%dma_start3A_283 : memref<640x80xf32, #tpu.memory_space<hbm>>) target(%dma_start3A_281 : memref<640x80xf32, #tpu.memory_space<vmem_shared>>) target_semaphore(%run_scoped3A : memref<!tpu.dma_semaphore, #tpu.memory_space<semaphore_mem>>)
      %dma_wait3A_284 = arith.constant 0 : i32
      %dma_wait3A_285 = tpu.memref_slice %arg15[%mul3A_2, %dma_wait3A_284] : memref<10240x80xf32, #tpu.memory_space<vmem_shared>> -> memref<640x80xf32, #tpu.memory_space<vmem_shared>>
      %dma_wait3A_286 = arith.constant 0 : i32
      %dma_wait3A_287 = tpu.memref_slice %arg7[%mul3A_2, %dma_wait3A_286] : memref<10240x80xf32, #tpu.memory_space<hbm>> -> memref<640x80xf32, #tpu.memory_space<hbm>>
      tpu.wait_dma2 semaphore(%run_scoped3A : memref<!tpu.dma_semaphore, #tpu.memory_space<semaphore_mem>>) src(%dma_wait3A_287 : memref<640x80xf32, #tpu.memory_space<hbm>>) dst(%dma_wait3A_285 : memref<640x80xf32, #tpu.memory_space<vmem_shared>>)
      tpu.yield
    }) : () -> ()
    "tpu.region"() ({
      %run_scoped3A = tpu.sem_alloc : memref<!tpu.dma_semaphore, #tpu.memory_space<semaphore_mem>>
      %dma_start3A_280 = arith.constant 0 : i32
      %dma_start3A_281 = tpu.memref_slice %arg16[%mul3A_2, %dma_start3A_280] : memref<10240x32xi32, #tpu.memory_space<vmem_shared>> -> memref<640x32xi32, #tpu.memory_space<vmem_shared>>
      %dma_start3A_282 = arith.constant 0 : i32
      %dma_start3A_283 = tpu.memref_slice %arg6[%mul3A_2, %dma_start3A_282] : memref<10240x32xi32, #tpu.memory_space<hbm>> -> memref<640x32xi32, #tpu.memory_space<hbm>>
      tpu.enqueue_dma source(%dma_start3A_283 : memref<640x32xi32, #tpu.memory_space<hbm>>) target(%dma_start3A_281 : memref<640x32xi32, #tpu.memory_space<vmem_shared>>) target_semaphore(%run_scoped3A : memref<!tpu.dma_semaphore, #tpu.memory_space<semaphore_mem>>)
      %dma_wait3A_284 = arith.constant 0 : i32
      %dma_wait3A_285 = tpu.memref_slice %arg16[%mul3A_2, %dma_wait3A_284] : memref<10240x32xi32, #tpu.memory_space<vmem_shared>> -> memref<640x32xi32, #tpu.memory_space<vmem_shared>>
      %dma_wait3A_286 = arith.constant 0 : i32
      %dma_wait3A_287 = tpu.memref_slice %arg6[%mul3A_2, %dma_wait3A_286] : memref<10240x32xi32, #tpu.memory_space<hbm>> -> memref<640x32xi32, #tpu.memory_space<hbm>>
      tpu.wait_dma2 semaphore(%run_scoped3A : memref<!tpu.dma_semaphore, #tpu.memory_space<semaphore_mem>>) src(%dma_wait3A_287 : memref<640x32xi32, #tpu.memory_space<hbm>>) dst(%dma_wait3A_285 : memref<640x32xi32, #tpu.memory_space<vmem_shared>>)
      tpu.yield
    }) : () -> ()
    %barrier3A = arith.constant 0 : index
    tpu.barrier barrier_id(%barrier3A)
    %iota3A = tpu.iota {dimensions = array<i32: 0>} : vector<16xi32>
    %ge3A = arith.constant 8 : i32
    %ge3A_3 = vector.broadcast %ge3A : i32 to vector<16xi32>
    %ge3A_4 = arith.cmpi sge, %iota3A, %ge3A_3 : vector<16xi32>
    %mul3A_5 = arith.constant 80 : i32
    %mul3A_6 = arith.muli %add3A, %mul3A_5 : i32
    "tpu.region"() ({
      %run_scoped3A = tpu.sem_alloc : memref<!tpu.dma_semaphore, #tpu.memory_space<semaphore_mem>>
      %dma_start3A_280 = arith.constant 0 : i32
      %dma_start3A_281 = tpu.memref_slice %arg2[%mul3A_6, %dma_start3A_280] : memref<2568x128xi32, #tpu.memory_space<hbm>> -> memref<81x128xi32, #tpu.memory_space<hbm>>
      %dma_start3A_282 = arith.constant 0 : i32
      %dma_start3A_283 = tpu.memref_slice %arg2[%mul3A_6, %dma_start3A_282] : memref<2568x128xi32, #tpu.memory_space<hbm>> -> memref<81x128xi32, #tpu.memory_space<hbm>>
      tpu.enqueue_dma source(%dma_start3A_283 : memref<81x128xi32, #tpu.memory_space<hbm>>) target(%arg9 : memref<81x128xi32, #tpu.memory_space<vmem>>) target_semaphore(%run_scoped3A : memref<!tpu.dma_semaphore, #tpu.memory_space<semaphore_mem>>)
      %dma_wait3A_284 = arith.constant 0 : i32
      %dma_wait3A_285 = tpu.memref_slice %arg2[%mul3A_6, %dma_wait3A_284] : memref<2568x128xi32, #tpu.memory_space<hbm>> -> memref<81x128xi32, #tpu.memory_space<hbm>>
      %dma_wait3A_286 = arith.constant 0 : i32
      %dma_wait3A_287 = tpu.memref_slice %arg2[%mul3A_6, %dma_wait3A_286] : memref<2568x128xi32, #tpu.memory_space<hbm>> -> memref<81x128xi32, #tpu.memory_space<hbm>>
      tpu.wait_dma2 semaphore(%run_scoped3A : memref<!tpu.dma_semaphore, #tpu.memory_space<semaphore_mem>>) src(%dma_wait3A_287 : memref<81x128xi32, #tpu.memory_space<hbm>>) dst(%arg9 : memref<81x128xi32, #tpu.memory_space<vmem>>)
      tpu.yield
    }) : () -> ()
    "tpu.region"() ({
      %run_scoped3A = tpu.sem_alloc : memref<!tpu.dma_semaphore, #tpu.memory_space<semaphore_mem>>
      %dma_start3A_280 = arith.constant 0 : i32
      %dma_start3A_281 = tpu.memref_slice %arg3[%mul3A_6, %dma_start3A_280] : memref<2568x128xi32, #tpu.memory_space<hbm>> -> memref<81x128xi32, #tpu.memory_space<hbm>>
      %dma_start3A_282 = arith.constant 0 : i32
      %dma_start3A_283 = tpu.memref_slice %arg3[%mul3A_6, %dma_start3A_282] : memref<2568x128xi32, #tpu.memory_space<hbm>> -> memref<81x128xi32, #tpu.memory_space<hbm>>
      tpu.enqueue_dma source(%dma_start3A_283 : memref<81x128xi32, #tpu.memory_space<hbm>>) target(%arg10 : memref<81x128xi32, #tpu.memory_space<vmem>>) target_semaphore(%run_scoped3A : memref<!tpu.dma_semaphore, #tpu.memory_space<semaphore_mem>>)
      %dma_wait3A_284 = arith.constant 0 : i32
      %dma_wait3A_285 = tpu.memref_slice %arg3[%mul3A_6, %dma_wait3A_284] : memref<2568x128xi32, #tpu.memory_space<hbm>> -> memref<81x128xi32, #tpu.memory_space<hbm>>
      %dma_wait3A_286 = arith.constant 0 : i32
      %dma_wait3A_287 = tpu.memref_slice %arg3[%mul3A_6, %dma_wait3A_286] : memref<2568x128xi32, #tpu.memory_space<hbm>> -> memref<81x128xi32, #tpu.memory_space<hbm>>
      tpu.wait_dma2 semaphore(%run_scoped3A : memref<!tpu.dma_semaphore, #tpu.memory_space<semaphore_mem>>) src(%dma_wait3A_287 : memref<81x128xi32, #tpu.memory_space<hbm>>) dst(%arg10 : memref<81x128xi32, #tpu.memory_space<vmem>>)
      tpu.yield
    }) : () -> ()
    %dma_start3A = arith.constant 0 : i32
    %dma_start3A_7 = arith.constant 0 : i32
    %dma_start3A_8 = arith.constant 0 : i32
    %dma_start3A_9 = arith.constant 0 : i32
    %dma_start3A_10 = tpu.memref_slice %arg11[%dma_start3A_7, %dma_start3A_8, %dma_start3A_9] : memref<2x128x16xf32, #tpu.memory_space<vmem>> -> memref<1x128x16xf32, #tpu.memory_space<vmem>>
    %dma_start3A_11 = tpu.memref_squeeze %dma_start3A_10 : memref<1x128x16xf32, #tpu.memory_space<vmem>> -> memref<128x16xf32, #tpu.memory_space<vmem>>
    %dma_start3A_12 = arith.constant 0 : i32
    %dma_start3A_13 = tpu.memref_slice %arg9[%dma_start3A, %dma_start3A_12] : memref<81x128xi32, #tpu.memory_space<vmem>> -> memref<1x128xi32, #tpu.memory_space<vmem>>
    %dma_start3A_14 = tpu.memref_squeeze %dma_start3A_13 : memref<1x128xi32, #tpu.memory_space<vmem>> -> memref<128xi32, #tpu.memory_space<vmem>>
    %dma_start3A_15 = arith.constant 0 : i32
    %dma_start3A_16 = arith.constant 0 : i32
    %dma_start3A_17 = tpu.memref_slice %arg4[%dma_start3A_15, %dma_start3A_16] : memref<10240x16xf32, #tpu.memory_space<hbm>> -> memref<10240x16xf32, #tpu.memory_space<hbm>>
    tpu.enqueue_indirect_dma source(%dma_start3A_17 : memref<10240x16xf32, #tpu.memory_space<hbm>>) target(%dma_start3A_11 : memref<128x16xf32, #tpu.memory_space<vmem>>) offsets(%dma_start3A_14 : memref<128xi32, #tpu.memory_space<vmem>>) semaphore(%arg17 : memref<!tpu.dma_semaphore, #tpu.memory_space<semaphore_mem>>)
    %dma_start3A_18 = arith.constant 0 : i32
    %dma_start3A_19 = arith.constant 0 : i32
    %dma_start3A_20 = arith.constant 0 : i32
    %dma_start3A_21 = arith.constant 0 : i32
    %dma_start3A_22 = tpu.memref_slice %arg12[%dma_start3A_19, %dma_start3A_20, %dma_start3A_21] : memref<2x128x16xf32, #tpu.memory_space<vmem>> -> memref<1x128x16xf32, #tpu.memory_space<vmem>>
    %dma_start3A_23 = tpu.memref_squeeze %dma_start3A_22 : memref<1x128x16xf32, #tpu.memory_space<vmem>> -> memref<128x16xf32, #tpu.memory_space<vmem>>
    %dma_start3A_24 = arith.constant 0 : i32
    %dma_start3A_25 = tpu.memref_slice %arg10[%dma_start3A_18, %dma_start3A_24] : memref<81x128xi32, #tpu.memory_space<vmem>> -> memref<1x128xi32, #tpu.memory_space<vmem>>
    %dma_start3A_26 = tpu.memref_squeeze %dma_start3A_25 : memref<1x128xi32, #tpu.memory_space<vmem>> -> memref<128xi32, #tpu.memory_space<vmem>>
    %dma_start3A_27 = arith.constant 0 : i32
    %dma_start3A_28 = arith.constant 0 : i32
    %dma_start3A_29 = tpu.memref_slice %arg5[%dma_start3A_27, %dma_start3A_28] : memref<10240x16xf32, #tpu.memory_space<hbm>> -> memref<10240x16xf32, #tpu.memory_space<hbm>>
    tpu.enqueue_indirect_dma source(%dma_start3A_29 : memref<10240x16xf32, #tpu.memory_space<hbm>>) target(%dma_start3A_23 : memref<128x16xf32, #tpu.memory_space<vmem>>) offsets(%dma_start3A_26 : memref<128xi32, #tpu.memory_space<vmem>>) semaphore(%arg18 : memref<!tpu.dma_semaphore, #tpu.memory_space<semaphore_mem>>)
    %dma_start3A_30 = arith.constant 0 : i32
    %dma_start3A_31 = arith.constant 0 : i32
    %dma_start3A_32 = arith.constant 0 : i32
    %dma_start3A_33 = arith.constant 0 : i32
    %dma_start3A_34 = tpu.memref_slice %arg13[%dma_start3A_31, %dma_start3A_32, %dma_start3A_33] : memref<2x128x32xi32, #tpu.memory_space<vmem>> -> memref<1x128x32xi32, #tpu.memory_space<vmem>>
    %dma_start3A_35 = tpu.memref_squeeze %dma_start3A_34 : memref<1x128x32xi32, #tpu.memory_space<vmem>> -> memref<128x32xi32, #tpu.memory_space<vmem>>
    %dma_start3A_36 = arith.constant 0 : i32
    %dma_start3A_37 = tpu.memref_slice %arg9[%dma_start3A_30, %dma_start3A_36] : memref<81x128xi32, #tpu.memory_space<vmem>> -> memref<1x128xi32, #tpu.memory_space<vmem>>
    %dma_start3A_38 = tpu.memref_squeeze %dma_start3A_37 : memref<1x128xi32, #tpu.memory_space<vmem>> -> memref<128xi32, #tpu.memory_space<vmem>>
    %dma_start3A_39 = arith.constant 0 : i32
    %dma_start3A_40 = arith.constant 0 : i32
    %dma_start3A_41 = tpu.memref_slice %arg16[%dma_start3A_39, %dma_start3A_40] : memref<10240x32xi32, #tpu.memory_space<vmem_shared>> -> memref<10240x32xi32, #tpu.memory_space<vmem_shared>>
    tpu.enqueue_indirect_dma source(%dma_start3A_41 : memref<10240x32xi32, #tpu.memory_space<vmem_shared>>) target(%dma_start3A_35 : memref<128x32xi32, #tpu.memory_space<vmem>>) offsets(%dma_start3A_38 : memref<128xi32, #tpu.memory_space<vmem>>) semaphore(%arg19 : memref<!tpu.dma_semaphore, #tpu.memory_space<semaphore_mem>>)
    %dma_wait3A = arith.constant 0 : i32
    %dma_wait3A_42 = arith.constant 0 : i32
    %dma_wait3A_43 = arith.constant 0 : i32
    %dma_wait3A_44 = arith.constant 0 : i32
    %dma_wait3A_45 = tpu.memref_slice %arg11[%dma_wait3A_42, %dma_wait3A_43, %dma_wait3A_44] : memref<2x128x16xf32, #tpu.memory_space<vmem>> -> memref<1x128x16xf32, #tpu.memory_space<vmem>>
    %dma_wait3A_46 = tpu.memref_squeeze %dma_wait3A_45 : memref<1x128x16xf32, #tpu.memory_space<vmem>> -> memref<128x16xf32, #tpu.memory_space<vmem>>
    %dma_wait3A_47 = arith.constant 0 : i32
    %dma_wait3A_48 = tpu.memref_slice %arg9[%dma_wait3A, %dma_wait3A_47] : memref<81x128xi32, #tpu.memory_space<vmem>> -> memref<1x128xi32, #tpu.memory_space<vmem>>
    %dma_wait3A_49 = tpu.memref_squeeze %dma_wait3A_48 : memref<1x128xi32, #tpu.memory_space<vmem>> -> memref<128xi32, #tpu.memory_space<vmem>>
    %dma_wait3A_50 = arith.constant 0 : i32
    %dma_wait3A_51 = arith.constant 0 : i32
    %dma_wait3A_52 = tpu.memref_slice %arg4[%dma_wait3A_50, %dma_wait3A_51] : memref<10240x16xf32, #tpu.memory_space<hbm>> -> memref<10240x16xf32, #tpu.memory_space<hbm>>
    tpu.wait_indirect_dma semaphore(%arg17 : memref<!tpu.dma_semaphore, #tpu.memory_space<semaphore_mem>>) src(%dma_wait3A_52 : memref<10240x16xf32, #tpu.memory_space<hbm>>) dst(%dma_wait3A_46 : memref<128x16xf32, #tpu.memory_space<vmem>>)
    %dma_wait3A_53 = arith.constant 0 : i32
    %dma_wait3A_54 = arith.constant 0 : i32
    %dma_wait3A_55 = arith.constant 0 : i32
    %dma_wait3A_56 = arith.constant 0 : i32
    %dma_wait3A_57 = tpu.memref_slice %arg12[%dma_wait3A_54, %dma_wait3A_55, %dma_wait3A_56] : memref<2x128x16xf32, #tpu.memory_space<vmem>> -> memref<1x128x16xf32, #tpu.memory_space<vmem>>
    %dma_wait3A_58 = tpu.memref_squeeze %dma_wait3A_57 : memref<1x128x16xf32, #tpu.memory_space<vmem>> -> memref<128x16xf32, #tpu.memory_space<vmem>>
    %dma_wait3A_59 = arith.constant 0 : i32
    %dma_wait3A_60 = tpu.memref_slice %arg10[%dma_wait3A_53, %dma_wait3A_59] : memref<81x128xi32, #tpu.memory_space<vmem>> -> memref<1x128xi32, #tpu.memory_space<vmem>>
    %dma_wait3A_61 = tpu.memref_squeeze %dma_wait3A_60 : memref<1x128xi32, #tpu.memory_space<vmem>> -> memref<128xi32, #tpu.memory_space<vmem>>
    %dma_wait3A_62 = arith.constant 0 : i32
    %dma_wait3A_63 = arith.constant 0 : i32
    %dma_wait3A_64 = tpu.memref_slice %arg5[%dma_wait3A_62, %dma_wait3A_63] : memref<10240x16xf32, #tpu.memory_space<hbm>> -> memref<10240x16xf32, #tpu.memory_space<hbm>>
    tpu.wait_indirect_dma semaphore(%arg18 : memref<!tpu.dma_semaphore, #tpu.memory_space<semaphore_mem>>) src(%dma_wait3A_64 : memref<10240x16xf32, #tpu.memory_space<hbm>>) dst(%dma_wait3A_58 : memref<128x16xf32, #tpu.memory_space<vmem>>)
    %dma_wait3A_65 = arith.constant 0 : i32
    %dma_wait3A_66 = arith.constant 0 : i32
    %dma_wait3A_67 = arith.constant 0 : i32
    %dma_wait3A_68 = arith.constant 0 : i32
    %dma_wait3A_69 = tpu.memref_slice %arg13[%dma_wait3A_66, %dma_wait3A_67, %dma_wait3A_68] : memref<2x128x32xi32, #tpu.memory_space<vmem>> -> memref<1x128x32xi32, #tpu.memory_space<vmem>>
    %dma_wait3A_70 = tpu.memref_squeeze %dma_wait3A_69 : memref<1x128x32xi32, #tpu.memory_space<vmem>> -> memref<128x32xi32, #tpu.memory_space<vmem>>
    %dma_wait3A_71 = arith.constant 0 : i32
    %dma_wait3A_72 = tpu.memref_slice %arg9[%dma_wait3A_65, %dma_wait3A_71] : memref<81x128xi32, #tpu.memory_space<vmem>> -> memref<1x128xi32, #tpu.memory_space<vmem>>
    %dma_wait3A_73 = tpu.memref_squeeze %dma_wait3A_72 : memref<1x128xi32, #tpu.memory_space<vmem>> -> memref<128xi32, #tpu.memory_space<vmem>>
    %dma_wait3A_74 = arith.constant 0 : i32
    %dma_wait3A_75 = arith.constant 0 : i32
    %dma_wait3A_76 = tpu.memref_slice %arg16[%dma_wait3A_74, %dma_wait3A_75] : memref<10240x32xi32, #tpu.memory_space<vmem_shared>> -> memref<10240x32xi32, #tpu.memory_space<vmem_shared>>
    tpu.wait_indirect_dma semaphore(%arg19 : memref<!tpu.dma_semaphore, #tpu.memory_space<semaphore_mem>>) src(%dma_wait3A_76 : memref<10240x32xi32, #tpu.memory_space<vmem_shared>>) dst(%dma_wait3A_70 : memref<128x32xi32, #tpu.memory_space<vmem>>)
    %dma_start3A_77 = arith.constant 1 : i32
    %dma_start3A_78 = arith.constant 1 : i32
    %dma_start3A_79 = arith.constant 0 : i32
    %dma_start3A_80 = arith.constant 0 : i32
    %dma_start3A_81 = tpu.memref_slice %arg11[%dma_start3A_78, %dma_start3A_79, %dma_start3A_80] : memref<2x128x16xf32, #tpu.memory_space<vmem>> -> memref<1x128x16xf32, #tpu.memory_space<vmem>>
    %dma_start3A_82 = tpu.memref_squeeze %dma_start3A_81 : memref<1x128x16xf32, #tpu.memory_space<vmem>> -> memref<128x16xf32, #tpu.memory_space<vmem>>
    %dma_start3A_83 = arith.constant 0 : i32
    %dma_start3A_84 = tpu.memref_slice %arg9[%dma_start3A_77, %dma_start3A_83] : memref<81x128xi32, #tpu.memory_space<vmem>> -> memref<1x128xi32, #tpu.memory_space<vmem>>
    %dma_start3A_85 = tpu.memref_squeeze %dma_start3A_84 : memref<1x128xi32, #tpu.memory_space<vmem>> -> memref<128xi32, #tpu.memory_space<vmem>>
    %dma_start3A_86 = arith.constant 0 : i32
    %dma_start3A_87 = arith.constant 0 : i32
    %dma_start3A_88 = tpu.memref_slice %arg4[%dma_start3A_86, %dma_start3A_87] : memref<10240x16xf32, #tpu.memory_space<hbm>> -> memref<10240x16xf32, #tpu.memory_space<hbm>>
    tpu.enqueue_indirect_dma source(%dma_start3A_88 : memref<10240x16xf32, #tpu.memory_space<hbm>>) target(%dma_start3A_82 : memref<128x16xf32, #tpu.memory_space<vmem>>) offsets(%dma_start3A_85 : memref<128xi32, #tpu.memory_space<vmem>>) semaphore(%arg20 : memref<!tpu.dma_semaphore, #tpu.memory_space<semaphore_mem>>)
    %dma_start3A_89 = arith.constant 1 : i32
    %dma_start3A_90 = arith.constant 1 : i32
    %dma_start3A_91 = arith.constant 0 : i32
    %dma_start3A_92 = arith.constant 0 : i32
    %dma_start3A_93 = tpu.memref_slice %arg12[%dma_start3A_90, %dma_start3A_91, %dma_start3A_92] : memref<2x128x16xf32, #tpu.memory_space<vmem>> -> memref<1x128x16xf32, #tpu.memory_space<vmem>>
    %dma_start3A_94 = tpu.memref_squeeze %dma_start3A_93 : memref<1x128x16xf32, #tpu.memory_space<vmem>> -> memref<128x16xf32, #tpu.memory_space<vmem>>
    %dma_start3A_95 = arith.constant 0 : i32
    %dma_start3A_96 = tpu.memref_slice %arg10[%dma_start3A_89, %dma_start3A_95] : memref<81x128xi32, #tpu.memory_space<vmem>> -> memref<1x128xi32, #tpu.memory_space<vmem>>
    %dma_start3A_97 = tpu.memref_squeeze %dma_start3A_96 : memref<1x128xi32, #tpu.memory_space<vmem>> -> memref<128xi32, #tpu.memory_space<vmem>>
    %dma_start3A_98 = arith.constant 0 : i32
    %dma_start3A_99 = arith.constant 0 : i32
    %dma_start3A_100 = tpu.memref_slice %arg5[%dma_start3A_98, %dma_start3A_99] : memref<10240x16xf32, #tpu.memory_space<hbm>> -> memref<10240x16xf32, #tpu.memory_space<hbm>>
    tpu.enqueue_indirect_dma source(%dma_start3A_100 : memref<10240x16xf32, #tpu.memory_space<hbm>>) target(%dma_start3A_94 : memref<128x16xf32, #tpu.memory_space<vmem>>) offsets(%dma_start3A_97 : memref<128xi32, #tpu.memory_space<vmem>>) semaphore(%arg21 : memref<!tpu.dma_semaphore, #tpu.memory_space<semaphore_mem>>)
    %dma_start3A_101 = arith.constant 1 : i32
    %dma_start3A_102 = arith.constant 1 : i32
    %dma_start3A_103 = arith.constant 0 : i32
    %dma_start3A_104 = arith.constant 0 : i32
    %dma_start3A_105 = tpu.memref_slice %arg13[%dma_start3A_102, %dma_start3A_103, %dma_start3A_104] : memref<2x128x32xi32, #tpu.memory_space<vmem>> -> memref<1x128x32xi32, #tpu.memory_space<vmem>>
    %dma_start3A_106 = tpu.memref_squeeze %dma_start3A_105 : memref<1x128x32xi32, #tpu.memory_space<vmem>> -> memref<128x32xi32, #tpu.memory_space<vmem>>
    %dma_start3A_107 = arith.constant 0 : i32
    %dma_start3A_108 = tpu.memref_slice %arg9[%dma_start3A_101, %dma_start3A_107] : memref<81x128xi32, #tpu.memory_space<vmem>> -> memref<1x128xi32, #tpu.memory_space<vmem>>
    %dma_start3A_109 = tpu.memref_squeeze %dma_start3A_108 : memref<1x128xi32, #tpu.memory_space<vmem>> -> memref<128xi32, #tpu.memory_space<vmem>>
    %dma_start3A_110 = arith.constant 0 : i32
    %dma_start3A_111 = arith.constant 0 : i32
    %dma_start3A_112 = tpu.memref_slice %arg16[%dma_start3A_110, %dma_start3A_111] : memref<10240x32xi32, #tpu.memory_space<vmem_shared>> -> memref<10240x32xi32, #tpu.memory_space<vmem_shared>>
    tpu.enqueue_indirect_dma source(%dma_start3A_112 : memref<10240x32xi32, #tpu.memory_space<vmem_shared>>) target(%dma_start3A_106 : memref<128x32xi32, #tpu.memory_space<vmem>>) offsets(%dma_start3A_109 : memref<128xi32, #tpu.memory_space<vmem>>) semaphore(%arg22 : memref<!tpu.dma_semaphore, #tpu.memory_space<semaphore_mem>>)
    %parallel_loop3A = arith.constant 0 : i32
    %parallel_loop3A_113 = arith.constant 128 : i32
    %parallel_loop3A_114 = arith.constant 1 : i32
    scf.for %parallel_loop3A_280 = %parallel_loop3A to %parallel_loop3A_113 step %parallel_loop3A_114  : i32 {
      %parallel_loop3A_281 = arith.constant 0 : i32
      %parallel_loop3A_282 = arith.index_cast %parallel_loop3A_281 : i32 to index
      %parallel_loop3A_283 = arith.index_cast %parallel_loop3A_280 : i32 to index
      %parallel_loop3A_284 = arith.constant 0 : index
      %parallel_loop3A_285 = tpu.vector_load %arg11[%parallel_loop3A_282, %parallel_loop3A_283, %parallel_loop3A_284] {strides = array<i32>} : memref<2x128x16xf32, #tpu.memory_space<vmem>>, vector<1x1x16xf32>,
      %parallel_loop3A_286 = vector.shape_cast %parallel_loop3A_285 : vector<1x1x16xf32> to vector<16xf32>
      %parallel_loop3A_287 = arith.constant 0 : i32
      %parallel_loop3A_288 = arith.index_cast %parallel_loop3A_287 : i32 to index
      %parallel_loop3A_289 = arith.index_cast %parallel_loop3A_280 : i32 to index
      %parallel_loop3A_290 = arith.constant 0 : index
      %parallel_loop3A_291 = tpu.vector_load %arg12[%parallel_loop3A_288, %parallel_loop3A_289, %parallel_loop3A_290] {strides = array<i32>} : memref<2x128x16xf32, #tpu.memory_space<vmem>>, vector<1x1x16xf32>,
      %parallel_loop3A_292 = vector.shape_cast %parallel_loop3A_291 : vector<1x1x16xf32> to vector<16xf32>
      %parallel_loop3A_293 = arith.addf %parallel_loop3A_286, %parallel_loop3A_292 : vector<16xf32>
      %parallel_loop3A_294 = arith.constant 2.000000e-01 : f32
      %parallel_loop3A_295 = vector.broadcast %parallel_loop3A_294 : f32 to vector<16xf32>
      %parallel_loop3A_296 = arith.mulf %parallel_loop3A_295, %parallel_loop3A_293 : vector<16xf32>
      %parallel_loop3A_297 = arith.maximumf %parallel_loop3A_293, %parallel_loop3A_296 : vector<16xf32>
      %parallel_loop3A_298 = math.exp %parallel_loop3A_297 : vector<16xf32>
      %parallel_loop3A_299 = arith.constant 0 : i32
      %parallel_loop3A_300 = arith.index_cast %parallel_loop3A_299 : i32 to index
      %parallel_loop3A_301 = arith.index_cast %parallel_loop3A_280 : i32 to index
      %parallel_loop3A_302 = arith.constant 0 : index
      %parallel_loop3A_303 = tpu.vector_load %arg14[%parallel_loop3A_300, %parallel_loop3A_301, %parallel_loop3A_302] {strides = array<i32>} : memref<2x128x80xf32, #tpu.memory_space<vmem>>, vector<1x1x16xf32>,
      %parallel_loop3A_304 = vector.shape_cast %parallel_loop3A_303 : vector<1x1x16xf32> to vector<16xf32>
      %parallel_loop3A_305 = vector.shape_cast %parallel_loop3A_298 : vector<16xf32> to vector<1x1x16xf32>
      tpu.vector_store %arg14[%parallel_loop3A_300, %parallel_loop3A_301, %parallel_loop3A_302], %parallel_loop3A_305 {strides = array<i32>} : memref<2x128x80xf32, #tpu.memory_space<vmem>>, vector<1x1x16xf32>,
      %parallel_loop3A_306 = arith.constant 0 : i32
      %parallel_loop3A_307 = arith.index_cast %parallel_loop3A_306 : i32 to index
      %parallel_loop3A_308 = arith.index_cast %parallel_loop3A_280 : i32 to index
      %parallel_loop3A_309 = arith.constant 0 : index
      %parallel_loop3A_310 = tpu.vector_load %arg13[%parallel_loop3A_307, %parallel_loop3A_308, %parallel_loop3A_309] {strides = array<i32>} : memref<2x128x32xi32, #tpu.memory_space<vmem>>, vector<1x1x16xi32>,
      %parallel_loop3A_311 = vector.shape_cast %parallel_loop3A_310 : vector<1x1x16xi32> to vector<16xi32>
      %parallel_loop3A_312 = arith.constant 16 : i32
      %parallel_loop3A_313 = vector.broadcast %parallel_loop3A_312 : i32 to vector<16xi32>
      %parallel_loop3A_314 = arith.shli %parallel_loop3A_311, %parallel_loop3A_313 : vector<16xi32>
      %parallel_loop3A_315 = tpu.bitcast %parallel_loop3A_314 : vector<16xi32> -> vector<16xf32>
      %parallel_loop3A_316 = arith.constant -65536 : i32
      %parallel_loop3A_317 = vector.broadcast %parallel_loop3A_316 : i32 to vector<16xi32>
      %parallel_loop3A_318 = arith.andi %parallel_loop3A_311, %parallel_loop3A_317 : vector<16xi32>
      %parallel_loop3A_319 = tpu.bitcast %parallel_loop3A_318 : vector<16xi32> -> vector<16xf32>
      %parallel_loop3A_320 = vector.extract_strided_slice %parallel_loop3A_298 {offsets = [1], sizes = [1], strides = [1]} : vector<16xf32> to vector<1xf32>
      %parallel_loop3A_321 = vector.extract %parallel_loop3A_320[0] : f32 from vector<1xf32>
      %parallel_loop3A_322 = vector.extract_strided_slice %parallel_loop3A_298 {offsets = [0], sizes = [1], strides = [1]} : vector<16xf32> to vector<1xf32>
      %parallel_loop3A_323 = vector.extract %parallel_loop3A_322[0] : f32 from vector<1xf32>
      %parallel_loop3A_324 = vector.broadcast %parallel_loop3A_321 : f32 to vector<16xf32>
      %parallel_loop3A_325 = vector.broadcast %parallel_loop3A_323 : f32 to vector<16xf32>
      %parallel_loop3A_326 = arith.select %ge3A_4, %parallel_loop3A_324, %parallel_loop3A_325 : vector<16xi1>, vector<16xf32>
      %parallel_loop3A_327 = arith.mulf %parallel_loop3A_326, %parallel_loop3A_315 : vector<16xf32>
      %parallel_loop3A_328 = arith.constant 0 : i32
      %parallel_loop3A_329 = arith.index_cast %parallel_loop3A_328 : i32 to index
      %parallel_loop3A_330 = arith.index_cast %parallel_loop3A_280 : i32 to index
      %parallel_loop3A_331 = arith.constant 16 : index
      %parallel_loop3A_332 = tpu.vector_load %arg14[%parallel_loop3A_329, %parallel_loop3A_330, %parallel_loop3A_331] {strides = array<i32>} : memref<2x128x80xf32, #tpu.memory_space<vmem>>, vector<1x1x16xf32>,
      %parallel_loop3A_333 = vector.shape_cast %parallel_loop3A_332 : vector<1x1x16xf32> to vector<16xf32>
      %parallel_loop3A_334 = vector.shape_cast %parallel_loop3A_327 : vector<16xf32> to vector<1x1x16xf32>
      tpu.vector_store %arg14[%parallel_loop3A_329, %parallel_loop3A_330, %parallel_loop3A_331], %parallel_loop3A_334 {strides = array<i32>} : memref<2x128x80xf32, #tpu.memory_space<vmem>>, vector<1x1x16xf32>,
      %parallel_loop3A_335 = vector.extract_strided_slice %parallel_loop3A_298 {offsets = [3], sizes = [1], strides = [1]} : vector<16xf32> to vector<1xf32>
      %parallel_loop3A_336 = vector.extract %parallel_loop3A_335[0] : f32 from vector<1xf32>
      %parallel_loop3A_337 = vector.extract_strided_slice %parallel_loop3A_298 {offsets = [2], sizes = [1], strides = [1]} : vector<16xf32> to vector<1xf32>
      %parallel_loop3A_338 = vector.extract %parallel_loop3A_337[0] : f32 from vector<1xf32>
      %parallel_loop3A_339 = vector.broadcast %parallel_loop3A_336 : f32 to vector<16xf32>
      %parallel_loop3A_340 = vector.broadcast %parallel_loop3A_338 : f32 to vector<16xf32>
      %parallel_loop3A_341 = arith.select %ge3A_4, %parallel_loop3A_339, %parallel_loop3A_340 : vector<16xi1>, vector<16xf32>
      %parallel_loop3A_342 = arith.mulf %parallel_loop3A_341, %parallel_loop3A_319 : vector<16xf32>
      %parallel_loop3A_343 = arith.constant 0 : i32
      %parallel_loop3A_344 = arith.index_cast %parallel_loop3A_343 : i32 to index
      %parallel_loop3A_345 = arith.index_cast %parallel_loop3A_280 : i32 to index
      %parallel_loop3A_346 = arith.constant 32 : index
      %parallel_loop3A_347 = tpu.vector_load %arg14[%parallel_loop3A_344, %parallel_loop3A_345, %parallel_loop3A_346] {strides = array<i32>} : memref<2x128x80xf32, #tpu.memory_space<vmem>>, vector<1x1x16xf32>,
      %parallel_loop3A_348 = vector.shape_cast %parallel_loop3A_347 : vector<1x1x16xf32> to vector<16xf32>
      %parallel_loop3A_349 = vector.shape_cast %parallel_loop3A_342 : vector<16xf32> to vector<1x1x16xf32>
      tpu.vector_store %arg14[%parallel_loop3A_344, %parallel_loop3A_345, %parallel_loop3A_346], %parallel_loop3A_349 {strides = array<i32>} : memref<2x128x80xf32, #tpu.memory_space<vmem>>, vector<1x1x16xf32>,
      %parallel_loop3A_350 = arith.constant 0 : i32
      %parallel_loop3A_351 = arith.index_cast %parallel_loop3A_350 : i32 to index
      %parallel_loop3A_352 = arith.index_cast %parallel_loop3A_280 : i32 to index
      %parallel_loop3A_353 = arith.constant 16 : index
      %parallel_loop3A_354 = tpu.vector_load %arg13[%parallel_loop3A_351, %parallel_loop3A_352, %parallel_loop3A_353] {strides = array<i32>} : memref<2x128x32xi32, #tpu.memory_space<vmem>>, vector<1x1x16xi32>,
      %parallel_loop3A_355 = vector.shape_cast %parallel_loop3A_354 : vector<1x1x16xi32> to vector<16xi32>
      %parallel_loop3A_356 = arith.constant 16 : i32
      %parallel_loop3A_357 = vector.broadcast %parallel_loop3A_356 : i32 to vector<16xi32>
      %parallel_loop3A_358 = arith.shli %parallel_loop3A_355, %parallel_loop3A_357 : vector<16xi32>
      %parallel_loop3A_359 = tpu.bitcast %parallel_loop3A_358 : vector<16xi32> -> vector<16xf32>
      %parallel_loop3A_360 = arith.constant -65536 : i32
      %parallel_loop3A_361 = vector.broadcast %parallel_loop3A_360 : i32 to vector<16xi32>
      %parallel_loop3A_362 = arith.andi %parallel_loop3A_355, %parallel_loop3A_361 : vector<16xi32>
      %parallel_loop3A_363 = tpu.bitcast %parallel_loop3A_362 : vector<16xi32> -> vector<16xf32>
      %parallel_loop3A_364 = vector.extract_strided_slice %parallel_loop3A_298 {offsets = [5], sizes = [1], strides = [1]} : vector<16xf32> to vector<1xf32>
      %parallel_loop3A_365 = vector.extract %parallel_loop3A_364[0] : f32 from vector<1xf32>
      %parallel_loop3A_366 = vector.extract_strided_slice %parallel_loop3A_298 {offsets = [4], sizes = [1], strides = [1]} : vector<16xf32> to vector<1xf32>
      %parallel_loop3A_367 = vector.extract %parallel_loop3A_366[0] : f32 from vector<1xf32>
      %parallel_loop3A_368 = vector.broadcast %parallel_loop3A_365 : f32 to vector<16xf32>
      %parallel_loop3A_369 = vector.broadcast %parallel_loop3A_367 : f32 to vector<16xf32>
      %parallel_loop3A_370 = arith.select %ge3A_4, %parallel_loop3A_368, %parallel_loop3A_369 : vector<16xi1>, vector<16xf32>
      %parallel_loop3A_371 = arith.mulf %parallel_loop3A_370, %parallel_loop3A_359 : vector<16xf32>
      %parallel_loop3A_372 = arith.constant 0 : i32
      %parallel_loop3A_373 = arith.index_cast %parallel_loop3A_372 : i32 to index
      %parallel_loop3A_374 = arith.index_cast %parallel_loop3A_280 : i32 to index
      %parallel_loop3A_375 = arith.constant 48 : index
      %parallel_loop3A_376 = tpu.vector_load %arg14[%parallel_loop3A_373, %parallel_loop3A_374, %parallel_loop3A_375] {strides = array<i32>} : memref<2x128x80xf32, #tpu.memory_space<vmem>>, vector<1x1x16xf32>,
      %parallel_loop3A_377 = vector.shape_cast %parallel_loop3A_376 : vector<1x1x16xf32> to vector<16xf32>
      %parallel_loop3A_378 = vector.shape_cast %parallel_loop3A_371 : vector<16xf32> to vector<1x1x16xf32>
      tpu.vector_store %arg14[%parallel_loop3A_373, %parallel_loop3A_374, %parallel_loop3A_375], %parallel_loop3A_378 {strides = array<i32>} : memref<2x128x80xf32, #tpu.memory_space<vmem>>, vector<1x1x16xf32>,
      %parallel_loop3A_379 = vector.extract_strided_slice %parallel_loop3A_298 {offsets = [7], sizes = [1], strides = [1]} : vector<16xf32> to vector<1xf32>
      %parallel_loop3A_380 = vector.extract %parallel_loop3A_379[0] : f32 from vector<1xf32>
      %parallel_loop3A_381 = vector.extract_strided_slice %parallel_loop3A_298 {offsets = [6], sizes = [1], strides = [1]} : vector<16xf32> to vector<1xf32>
      %parallel_loop3A_382 = vector.extract %parallel_loop3A_381[0] : f32 from vector<1xf32>
      %parallel_loop3A_383 = vector.broadcast %parallel_loop3A_380 : f32 to vector<16xf32>
      %parallel_loop3A_384 = vector.broadcast %parallel_loop3A_382 : f32 to vector<16xf32>
      %parallel_loop3A_385 = arith.select %ge3A_4, %parallel_loop3A_383, %parallel_loop3A_384 : vector<16xi1>, vector<16xf32>
      %parallel_loop3A_386 = arith.mulf %parallel_loop3A_385, %parallel_loop3A_363 : vector<16xf32>
      %parallel_loop3A_387 = arith.constant 0 : i32
      %parallel_loop3A_388 = arith.index_cast %parallel_loop3A_387 : i32 to index
      %parallel_loop3A_389 = arith.index_cast %parallel_loop3A_280 : i32 to index
      %parallel_loop3A_390 = arith.constant 64 : index
      %parallel_loop3A_391 = tpu.vector_load %arg14[%parallel_loop3A_388, %parallel_loop3A_389, %parallel_loop3A_390] {strides = array<i32>} : memref<2x128x80xf32, #tpu.memory_space<vmem>>, vector<1x1x16xf32>,
      %parallel_loop3A_392 = vector.shape_cast %parallel_loop3A_391 : vector<1x1x16xf32> to vector<16xf32>
      %parallel_loop3A_393 = vector.shape_cast %parallel_loop3A_386 : vector<16xf32> to vector<1x1x16xf32>
      tpu.vector_store %arg14[%parallel_loop3A_388, %parallel_loop3A_389, %parallel_loop3A_390], %parallel_loop3A_393 {strides = array<i32>} : memref<2x128x80xf32, #tpu.memory_space<vmem>>, vector<1x1x16xf32>,
    } {sc.loop_unroll_factor = 1 : i64, sc.parallel_access}
    %dma_start3A_115 = arith.constant 0 : i32
    %dma_start3A_116 = arith.constant 0 : i32
    %dma_start3A_117 = arith.constant 0 : i32
    %dma_start3A_118 = arith.constant 0 : i32
    %dma_start3A_119 = tpu.memref_slice %arg14[%dma_start3A_115, %dma_start3A_117, %dma_start3A_118] : memref<2x128x80xf32, #tpu.memory_space<vmem>> -> memref<1x128x80xf32, #tpu.memory_space<vmem>>
    %dma_start3A_120 = tpu.memref_squeeze %dma_start3A_119 : memref<1x128x80xf32, #tpu.memory_space<vmem>> -> memref<128x80xf32, #tpu.memory_space<vmem>>
    %dma_start3A_121 = arith.constant 0 : i32
    %dma_start3A_122 = tpu.memref_slice %arg10[%dma_start3A_116, %dma_start3A_121] : memref<81x128xi32, #tpu.memory_space<vmem>> -> memref<1x128xi32, #tpu.memory_space<vmem>>
    %dma_start3A_123 = tpu.memref_squeeze %dma_start3A_122 : memref<1x128xi32, #tpu.memory_space<vmem>> -> memref<128xi32, #tpu.memory_space<vmem>>
    %dma_start3A_124 = arith.constant 0 : i32
    %dma_start3A_125 = arith.constant 0 : i32
    %dma_start3A_126 = tpu.memref_slice %arg15[%dma_start3A_124, %dma_start3A_125] : memref<10240x80xf32, #tpu.memory_space<vmem_shared>> -> memref<10240x80xf32, #tpu.memory_space<vmem_shared>>
    tpu.enqueue_indirect_dma source(%dma_start3A_120 : memref<128x80xf32, #tpu.memory_space<vmem>>) target(%dma_start3A_126 : memref<10240x80xf32, #tpu.memory_space<vmem_shared>>) offsets(%dma_start3A_123 : memref<128xi32, #tpu.memory_space<vmem>>) semaphore(%arg23 : memref<!tpu.dma_semaphore, #tpu.memory_space<semaphore_mem>>) {add = true}
    %dma_wait3A_127 = arith.constant 0 : i32
    %dma_wait3A_128 = arith.constant 1 : i32
    %dma_wait3A_129 = arith.constant 0 : i32
    %dma_wait3A_130 = arith.constant 0 : i32
    %dma_wait3A_131 = tpu.memref_slice %arg11[%dma_wait3A_128, %dma_wait3A_129, %dma_wait3A_130] : memref<2x128x16xf32, #tpu.memory_space<vmem>> -> memref<1x128x16xf32, #tpu.memory_space<vmem>>
    %dma_wait3A_132 = tpu.memref_squeeze %dma_wait3A_131 : memref<1x128x16xf32, #tpu.memory_space<vmem>> -> memref<128x16xf32, #tpu.memory_space<vmem>>
    %dma_wait3A_133 = arith.constant 0 : i32
    %dma_wait3A_134 = tpu.memref_slice %arg9[%dma_wait3A_127, %dma_wait3A_133] : memref<81x128xi32, #tpu.memory_space<vmem>> -> memref<1x128xi32, #tpu.memory_space<vmem>>
    %dma_wait3A_135 = tpu.memref_squeeze %dma_wait3A_134 : memref<1x128xi32, #tpu.memory_space<vmem>> -> memref<128xi32, #tpu.memory_space<vmem>>
    %dma_wait3A_136 = arith.constant 0 : i32
    %dma_wait3A_137 = arith.constant 0 : i32
    %dma_wait3A_138 = tpu.memref_slice %arg4[%dma_wait3A_136, %dma_wait3A_137] : memref<10240x16xf32, #tpu.memory_space<hbm>> -> memref<10240x16xf32, #tpu.memory_space<hbm>>
    tpu.wait_indirect_dma semaphore(%arg20 : memref<!tpu.dma_semaphore, #tpu.memory_space<semaphore_mem>>) src(%dma_wait3A_138 : memref<10240x16xf32, #tpu.memory_space<hbm>>) dst(%dma_wait3A_132 : memref<128x16xf32, #tpu.memory_space<vmem>>)
    %dma_wait3A_139 = arith.constant 0 : i32
    %dma_wait3A_140 = arith.constant 1 : i32
    %dma_wait3A_141 = arith.constant 0 : i32
    %dma_wait3A_142 = arith.constant 0 : i32
    %dma_wait3A_143 = tpu.memref_slice %arg12[%dma_wait3A_140, %dma_wait3A_141, %dma_wait3A_142] : memref<2x128x16xf32, #tpu.memory_space<vmem>> -> memref<1x128x16xf32, #tpu.memory_space<vmem>>
    %dma_wait3A_144 = tpu.memref_squeeze %dma_wait3A_143 : memref<1x128x16xf32, #tpu.memory_space<vmem>> -> memref<128x16xf32, #tpu.memory_space<vmem>>
    %dma_wait3A_145 = arith.constant 0 : i32
    %dma_wait3A_146 = tpu.memref_slice %arg10[%dma_wait3A_139, %dma_wait3A_145] : memref<81x128xi32, #tpu.memory_space<vmem>> -> memref<1x128xi32, #tpu.memory_space<vmem>>
    %dma_wait3A_147 = tpu.memref_squeeze %dma_wait3A_146 : memref<1x128xi32, #tpu.memory_space<vmem>> -> memref<128xi32, #tpu.memory_space<vmem>>
    %dma_wait3A_148 = arith.constant 0 : i32
    %dma_wait3A_149 = arith.constant 0 : i32
    %dma_wait3A_150 = tpu.memref_slice %arg5[%dma_wait3A_148, %dma_wait3A_149] : memref<10240x16xf32, #tpu.memory_space<hbm>> -> memref<10240x16xf32, #tpu.memory_space<hbm>>
    tpu.wait_indirect_dma semaphore(%arg21 : memref<!tpu.dma_semaphore, #tpu.memory_space<semaphore_mem>>) src(%dma_wait3A_150 : memref<10240x16xf32, #tpu.memory_space<hbm>>) dst(%dma_wait3A_144 : memref<128x16xf32, #tpu.memory_space<vmem>>)
    %dma_wait3A_151 = arith.constant 0 : i32
    %dma_wait3A_152 = arith.constant 1 : i32
    %dma_wait3A_153 = arith.constant 0 : i32
    %dma_wait3A_154 = arith.constant 0 : i32
    %dma_wait3A_155 = tpu.memref_slice %arg13[%dma_wait3A_152, %dma_wait3A_153, %dma_wait3A_154] : memref<2x128x32xi32, #tpu.memory_space<vmem>> -> memref<1x128x32xi32, #tpu.memory_space<vmem>>
    %dma_wait3A_156 = tpu.memref_squeeze %dma_wait3A_155 : memref<1x128x32xi32, #tpu.memory_space<vmem>> -> memref<128x32xi32, #tpu.memory_space<vmem>>
    %dma_wait3A_157 = arith.constant 0 : i32
    %dma_wait3A_158 = tpu.memref_slice %arg9[%dma_wait3A_151, %dma_wait3A_157] : memref<81x128xi32, #tpu.memory_space<vmem>> -> memref<1x128xi32, #tpu.memory_space<vmem>>
    %dma_wait3A_159 = tpu.memref_squeeze %dma_wait3A_158 : memref<1x128xi32, #tpu.memory_space<vmem>> -> memref<128xi32, #tpu.memory_space<vmem>>
    %dma_wait3A_160 = arith.constant 0 : i32
    %dma_wait3A_161 = arith.constant 0 : i32
    %dma_wait3A_162 = tpu.memref_slice %arg16[%dma_wait3A_160, %dma_wait3A_161] : memref<10240x32xi32, #tpu.memory_space<vmem_shared>> -> memref<10240x32xi32, #tpu.memory_space<vmem_shared>>
    tpu.wait_indirect_dma semaphore(%arg22 : memref<!tpu.dma_semaphore, #tpu.memory_space<semaphore_mem>>) src(%dma_wait3A_162 : memref<10240x32xi32, #tpu.memory_space<vmem_shared>>) dst(%dma_wait3A_156 : memref<128x32xi32, #tpu.memory_space<vmem>>)
    %dma_start3A_163 = arith.constant 2 : i32
    %dma_start3A_164 = arith.constant 0 : i32
    %dma_start3A_165 = arith.constant 0 : i32
    %dma_start3A_166 = arith.constant 0 : i32
    %dma_start3A_167 = tpu.memref_slice %arg11[%dma_start3A_164, %dma_start3A_165, %dma_start3A_166] : memref<2x128x16xf32, #tpu.memory_space<vmem>> -> memref<1x128x16xf32, #tpu.memory_space<vmem>>
    %dma_start3A_168 = tpu.memref_squeeze %dma_start3A_167 : memref<1x128x16xf32, #tpu.memory_space<vmem>> -> memref<128x16xf32, #tpu.memory_space<vmem>>
    %dma_start3A_169 = arith.constant 0 : i32
    %dma_start3A_170 = tpu.memref_slice %arg9[%dma_start3A_163, %dma_start3A_169] : memref<81x128xi32, #tpu.memory_space<vmem>> -> memref<1x128xi32, #tpu.memory_space<vmem>>
    %dma_start3A_171 = tpu.memref_squeeze %dma_start3A_170 : memref<1x128xi32, #tpu.memory_space<vmem>> -> memref<128xi32, #tpu.memory_space<vmem>>
    %dma_start3A_172 = arith.constant 0 : i32
    %dma_start3A_173 = arith.constant 0 : i32
    %dma_start3A_174 = tpu.memref_slice %arg4[%dma_start3A_172, %dma_start3A_173] : memref<10240x16xf32, #tpu.memory_space<hbm>> -> memref<10240x16xf32, #tpu.memory_space<hbm>>
    tpu.enqueue_indirect_dma source(%dma_start3A_174 : memref<10240x16xf32, #tpu.memory_space<hbm>>) target(%dma_start3A_168 : memref<128x16xf32, #tpu.memory_space<vmem>>) offsets(%dma_start3A_171 : memref<128xi32, #tpu.memory_space<vmem>>) semaphore(%arg17 : memref<!tpu.dma_semaphore, #tpu.memory_space<semaphore_mem>>)
    %dma_start3A_175 = arith.constant 2 : i32
    %dma_start3A_176 = arith.constant 0 : i32
    %dma_start3A_177 = arith.constant 0 : i32
    %dma_start3A_178 = arith.constant 0 : i32
    %dma_start3A_179 = tpu.memref_slice %arg12[%dma_start3A_176, %dma_start3A_177, %dma_start3A_178] : memref<2x128x16xf32, #tpu.memory_space<vmem>> -> memref<1x128x16xf32, #tpu.memory_space<vmem>>
    %dma_start3A_180 = tpu.memref_squeeze %dma_start3A_179 : memref<1x128x16xf32, #tpu.memory_space<vmem>> -> memref<128x16xf32, #tpu.memory_space<vmem>>
    %dma_start3A_181 = arith.constant 0 : i32
    %dma_start3A_182 = tpu.memref_slice %arg10[%dma_start3A_175, %dma_start3A_181] : memref<81x128xi32, #tpu.memory_space<vmem>> -> memref<1x128xi32, #tpu.memory_space<vmem>>
    %dma_start3A_183 = tpu.memref_squeeze %dma_start3A_182 : memref<1x128xi32, #tpu.memory_space<vmem>> -> memref<128xi32, #tpu.memory_space<vmem>>
    %dma_start3A_184 = arith.constant 0 : i32
    %dma_start3A_185 = arith.constant 0 : i32
    %dma_start3A_186 = tpu.memref_slice %arg5[%dma_start3A_184, %dma_start3A_185] : memref<10240x16xf32, #tpu.memory_space<hbm>> -> memref<10240x16xf32, #tpu.memory_space<hbm>>
    tpu.enqueue_indirect_dma source(%dma_start3A_186 : memref<10240x16xf32, #tpu.memory_space<hbm>>) target(%dma_start3A_180 : memref<128x16xf32, #tpu.memory_space<vmem>>) offsets(%dma_start3A_183 : memref<128xi32, #tpu.memory_space<vmem>>) semaphore(%arg18 : memref<!tpu.dma_semaphore, #tpu.memory_space<semaphore_mem>>)
    %dma_start3A_187 = arith.constant 2 : i32
    %dma_start3A_188 = arith.constant 0 : i32
    %dma_start3A_189 = arith.constant 0 : i32
    %dma_start3A_190 = arith.constant 0 : i32
    %dma_start3A_191 = tpu.memref_slice %arg13[%dma_start3A_188, %dma_start3A_189, %dma_start3A_190] : memref<2x128x32xi32, #tpu.memory_space<vmem>> -> memref<1x128x32xi32, #tpu.memory_space<vmem>>
    %dma_start3A_192 = tpu.memref_squeeze %dma_start3A_191 : memref<1x128x32xi32, #tpu.memory_space<vmem>> -> memref<128x32xi32, #tpu.memory_space<vmem>>
    %dma_start3A_193 = arith.constant 0 : i32
    %dma_start3A_194 = tpu.memref_slice %arg9[%dma_start3A_187, %dma_start3A_193] : memref<81x128xi32, #tpu.memory_space<vmem>> -> memref<1x128xi32, #tpu.memory_space<vmem>>
    %dma_start3A_195 = tpu.memref_squeeze %dma_start3A_194 : memref<1x128xi32, #tpu.memory_space<vmem>> -> memref<128xi32, #tpu.memory_space<vmem>>
    %dma_start3A_196 = arith.constant 0 : i32
    %dma_start3A_197 = arith.constant 0 : i32
    %dma_start3A_198 = tpu.memref_slice %arg16[%dma_start3A_196, %dma_start3A_197] : memref<10240x32xi32, #tpu.memory_space<vmem_shared>> -> memref<10240x32xi32, #tpu.memory_space<vmem_shared>>
    tpu.enqueue_indirect_dma source(%dma_start3A_198 : memref<10240x32xi32, #tpu.memory_space<vmem_shared>>) target(%dma_start3A_192 : memref<128x32xi32, #tpu.memory_space<vmem>>) offsets(%dma_start3A_195 : memref<128xi32, #tpu.memory_space<vmem>>) semaphore(%arg19 : memref<!tpu.dma_semaphore, #tpu.memory_space<semaphore_mem>>)
    %parallel_loop3A_199 = arith.constant 0 : i32
    %parallel_loop3A_200 = arith.constant 128 : i32
    %parallel_loop3A_201 = arith.constant 1 : i32
    scf.for %parallel_loop3A_280 = %parallel_loop3A_199 to %parallel_loop3A_200 step %parallel_loop3A_201  : i32 {
      %parallel_loop3A_281 = arith.constant 1 : i32
      %parallel_loop3A_282 = arith.index_cast %parallel_loop3A_281 : i32 to index
      %parallel_loop3A_283 = arith.index_cast %parallel_loop3A_280 : i32 to index
      %parallel_loop3A_284 = arith.constant 0 : index
      %parallel_loop3A_285 = tpu.vector_load %arg11[%parallel_loop3A_282, %parallel_loop3A_283, %parallel_loop3A_284] {strides = array<i32>} : memref<2x128x16xf32, #tpu.memory_space<vmem>>, vector<1x1x16xf32>,
      %parallel_loop3A_286 = vector.shape_cast %parallel_loop3A_285 : vector<1x1x16xf32> to vector<16xf32>
      %parallel_loop3A_287 = arith.constant 1 : i32
      %parallel_loop3A_288 = arith.index_cast %parallel_loop3A_287 : i32 to index
      %parallel_loop3A_289 = arith.index_cast %parallel_loop3A_280 : i32 to index
      %parallel_loop3A_290 = arith.constant 0 : index
      %parallel_loop3A_291 = tpu.vector_load %arg12[%parallel_loop3A_288, %parallel_loop3A_289, %parallel_loop3A_290] {strides = array<i32>} : memref<2x128x16xf32, #tpu.memory_space<vmem>>, vector<1x1x16xf32>,
      %parallel_loop3A_292 = vector.shape_cast %parallel_loop3A_291 : vector<1x1x16xf32> to vector<16xf32>
      %parallel_loop3A_293 = arith.addf %parallel_loop3A_286, %parallel_loop3A_292 : vector<16xf32>
      %parallel_loop3A_294 = arith.constant 2.000000e-01 : f32
      %parallel_loop3A_295 = vector.broadcast %parallel_loop3A_294 : f32 to vector<16xf32>
      %parallel_loop3A_296 = arith.mulf %parallel_loop3A_295, %parallel_loop3A_293 : vector<16xf32>
      %parallel_loop3A_297 = arith.maximumf %parallel_loop3A_293, %parallel_loop3A_296 : vector<16xf32>
      %parallel_loop3A_298 = math.exp %parallel_loop3A_297 : vector<16xf32>
      %parallel_loop3A_299 = arith.constant 1 : i32
      %parallel_loop3A_300 = arith.index_cast %parallel_loop3A_299 : i32 to index
      %parallel_loop3A_301 = arith.index_cast %parallel_loop3A_280 : i32 to index
      %parallel_loop3A_302 = arith.constant 0 : index
      %parallel_loop3A_303 = tpu.vector_load %arg14[%parallel_loop3A_300, %parallel_loop3A_301, %parallel_loop3A_302] {strides = array<i32>} : memref<2x128x80xf32, #tpu.memory_space<vmem>>, vector<1x1x16xf32>,
      %parallel_loop3A_304 = vector.shape_cast %parallel_loop3A_303 : vector<1x1x16xf32> to vector<16xf32>
      %parallel_loop3A_305 = vector.shape_cast %parallel_loop3A_298 : vector<16xf32> to vector<1x1x16xf32>
      tpu.vector_store %arg14[%parallel_loop3A_300, %parallel_loop3A_301, %parallel_loop3A_302], %parallel_loop3A_305 {strides = array<i32>} : memref<2x128x80xf32, #tpu.memory_space<vmem>>, vector<1x1x16xf32>,
      %parallel_loop3A_306 = arith.constant 1 : i32
      %parallel_loop3A_307 = arith.index_cast %parallel_loop3A_306 : i32 to index
      %parallel_loop3A_308 = arith.index_cast %parallel_loop3A_280 : i32 to index
      %parallel_loop3A_309 = arith.constant 0 : index
      %parallel_loop3A_310 = tpu.vector_load %arg13[%parallel_loop3A_307, %parallel_loop3A_308, %parallel_loop3A_309] {strides = array<i32>} : memref<2x128x32xi32, #tpu.memory_space<vmem>>, vector<1x1x16xi32>,
      %parallel_loop3A_311 = vector.shape_cast %parallel_loop3A_310 : vector<1x1x16xi32> to vector<16xi32>
      %parallel_loop3A_312 = arith.constant 16 : i32
      %parallel_loop3A_313 = vector.broadcast %parallel_loop3A_312 : i32 to vector<16xi32>
      %parallel_loop3A_314 = arith.shli %parallel_loop3A_311, %parallel_loop3A_313 : vector<16xi32>
      %parallel_loop3A_315 = tpu.bitcast %parallel_loop3A_314 : vector<16xi32> -> vector<16xf32>
      %parallel_loop3A_316 = arith.constant -65536 : i32
      %parallel_loop3A_317 = vector.broadcast %parallel_loop3A_316 : i32 to vector<16xi32>
      %parallel_loop3A_318 = arith.andi %parallel_loop3A_311, %parallel_loop3A_317 : vector<16xi32>
      %parallel_loop3A_319 = tpu.bitcast %parallel_loop3A_318 : vector<16xi32> -> vector<16xf32>
      %parallel_loop3A_320 = vector.extract_strided_slice %parallel_loop3A_298 {offsets = [1], sizes = [1], strides = [1]} : vector<16xf32> to vector<1xf32>
      %parallel_loop3A_321 = vector.extract %parallel_loop3A_320[0] : f32 from vector<1xf32>
      %parallel_loop3A_322 = vector.extract_strided_slice %parallel_loop3A_298 {offsets = [0], sizes = [1], strides = [1]} : vector<16xf32> to vector<1xf32>
      %parallel_loop3A_323 = vector.extract %parallel_loop3A_322[0] : f32 from vector<1xf32>
      %parallel_loop3A_324 = vector.broadcast %parallel_loop3A_321 : f32 to vector<16xf32>
      %parallel_loop3A_325 = vector.broadcast %parallel_loop3A_323 : f32 to vector<16xf32>
      %parallel_loop3A_326 = arith.select %ge3A_4, %parallel_loop3A_324, %parallel_loop3A_325 : vector<16xi1>, vector<16xf32>
      %parallel_loop3A_327 = arith.mulf %parallel_loop3A_326, %parallel_loop3A_315 : vector<16xf32>
      %parallel_loop3A_328 = arith.constant 1 : i32
      %parallel_loop3A_329 = arith.index_cast %parallel_loop3A_328 : i32 to index
      %parallel_loop3A_330 = arith.index_cast %parallel_loop3A_280 : i32 to index
      %parallel_loop3A_331 = arith.constant 16 : index
      %parallel_loop3A_332 = tpu.vector_load %arg14[%parallel_loop3A_329, %parallel_loop3A_330, %parallel_loop3A_331] {strides = array<i32>} : memref<2x128x80xf32, #tpu.memory_space<vmem>>, vector<1x1x16xf32>,
      %parallel_loop3A_333 = vector.shape_cast %parallel_loop3A_332 : vector<1x1x16xf32> to vector<16xf32>
      %parallel_loop3A_334 = vector.shape_cast %parallel_loop3A_327 : vector<16xf32> to vector<1x1x16xf32>
      tpu.vector_store %arg14[%parallel_loop3A_329, %parallel_loop3A_330, %parallel_loop3A_331], %parallel_loop3A_334 {strides = array<i32>} : memref<2x128x80xf32, #tpu.memory_space<vmem>>, vector<1x1x16xf32>,
      %parallel_loop3A_335 = vector.extract_strided_slice %parallel_loop3A_298 {offsets = [3], sizes = [1], strides = [1]} : vector<16xf32> to vector<1xf32>
      %parallel_loop3A_336 = vector.extract %parallel_loop3A_335[0] : f32 from vector<1xf32>
      %parallel_loop3A_337 = vector.extract_strided_slice %parallel_loop3A_298 {offsets = [2], sizes = [1], strides = [1]} : vector<16xf32> to vector<1xf32>
      %parallel_loop3A_338 = vector.extract %parallel_loop3A_337[0] : f32 from vector<1xf32>
      %parallel_loop3A_339 = vector.broadcast %parallel_loop3A_336 : f32 to vector<16xf32>
      %parallel_loop3A_340 = vector.broadcast %parallel_loop3A_338 : f32 to vector<16xf32>
      %parallel_loop3A_341 = arith.select %ge3A_4, %parallel_loop3A_339, %parallel_loop3A_340 : vector<16xi1>, vector<16xf32>
      %parallel_loop3A_342 = arith.mulf %parallel_loop3A_341, %parallel_loop3A_319 : vector<16xf32>
      %parallel_loop3A_343 = arith.constant 1 : i32
      %parallel_loop3A_344 = arith.index_cast %parallel_loop3A_343 : i32 to index
      %parallel_loop3A_345 = arith.index_cast %parallel_loop3A_280 : i32 to index
      %parallel_loop3A_346 = arith.constant 32 : index
      %parallel_loop3A_347 = tpu.vector_load %arg14[%parallel_loop3A_344, %parallel_loop3A_345, %parallel_loop3A_346] {strides = array<i32>} : memref<2x128x80xf32, #tpu.memory_space<vmem>>, vector<1x1x16xf32>,
      %parallel_loop3A_348 = vector.shape_cast %parallel_loop3A_347 : vector<1x1x16xf32> to vector<16xf32>
      %parallel_loop3A_349 = vector.shape_cast %parallel_loop3A_342 : vector<16xf32> to vector<1x1x16xf32>
      tpu.vector_store %arg14[%parallel_loop3A_344, %parallel_loop3A_345, %parallel_loop3A_346], %parallel_loop3A_349 {strides = array<i32>} : memref<2x128x80xf32, #tpu.memory_space<vmem>>, vector<1x1x16xf32>,
      %parallel_loop3A_350 = arith.constant 1 : i32
      %parallel_loop3A_351 = arith.index_cast %parallel_loop3A_350 : i32 to index
      %parallel_loop3A_352 = arith.index_cast %parallel_loop3A_280 : i32 to index
      %parallel_loop3A_353 = arith.constant 16 : index
      %parallel_loop3A_354 = tpu.vector_load %arg13[%parallel_loop3A_351, %parallel_loop3A_352, %parallel_loop3A_353] {strides = array<i32>} : memref<2x128x32xi32, #tpu.memory_space<vmem>>, vector<1x1x16xi32>,
      %parallel_loop3A_355 = vector.shape_cast %parallel_loop3A_354 : vector<1x1x16xi32> to vector<16xi32>
      %parallel_loop3A_356 = arith.constant 16 : i32
      %parallel_loop3A_357 = vector.broadcast %parallel_loop3A_356 : i32 to vector<16xi32>
      %parallel_loop3A_358 = arith.shli %parallel_loop3A_355, %parallel_loop3A_357 : vector<16xi32>
      %parallel_loop3A_359 = tpu.bitcast %parallel_loop3A_358 : vector<16xi32> -> vector<16xf32>
      %parallel_loop3A_360 = arith.constant -65536 : i32
      %parallel_loop3A_361 = vector.broadcast %parallel_loop3A_360 : i32 to vector<16xi32>
      %parallel_loop3A_362 = arith.andi %parallel_loop3A_355, %parallel_loop3A_361 : vector<16xi32>
      %parallel_loop3A_363 = tpu.bitcast %parallel_loop3A_362 : vector<16xi32> -> vector<16xf32>
      %parallel_loop3A_364 = vector.extract_strided_slice %parallel_loop3A_298 {offsets = [5], sizes = [1], strides = [1]} : vector<16xf32> to vector<1xf32>
      %parallel_loop3A_365 = vector.extract %parallel_loop3A_364[0] : f32 from vector<1xf32>
      %parallel_loop3A_366 = vector.extract_strided_slice %parallel_loop3A_298 {offsets = [4], sizes = [1], strides = [1]} : vector<16xf32> to vector<1xf32>
      %parallel_loop3A_367 = vector.extract %parallel_loop3A_366[0] : f32 from vector<1xf32>
      %parallel_loop3A_368 = vector.broadcast %parallel_loop3A_365 : f32 to vector<16xf32>
      %parallel_loop3A_369 = vector.broadcast %parallel_loop3A_367 : f32 to vector<16xf32>
      %parallel_loop3A_370 = arith.select %ge3A_4, %parallel_loop3A_368, %parallel_loop3A_369 : vector<16xi1>, vector<16xf32>
      %parallel_loop3A_371 = arith.mulf %parallel_loop3A_370, %parallel_loop3A_359 : vector<16xf32>
      %parallel_loop3A_372 = arith.constant 1 : i32
      %parallel_loop3A_373 = arith.index_cast %parallel_loop3A_372 : i32 to index
      %parallel_loop3A_374 = arith.index_cast %parallel_loop3A_280 : i32 to index
      %parallel_loop3A_375 = arith.constant 48 : index
      %parallel_loop3A_376 = tpu.vector_load %arg14[%parallel_loop3A_373, %parallel_loop3A_374, %parallel_loop3A_375] {strides = array<i32>} : memref<2x128x80xf32, #tpu.memory_space<vmem>>, vector<1x1x16xf32>,
      %parallel_loop3A_377 = vector.shape_cast %parallel_loop3A_376 : vector<1x1x16xf32> to vector<16xf32>
      %parallel_loop3A_378 = vector.shape_cast %parallel_loop3A_371 : vector<16xf32> to vector<1x1x16xf32>
      tpu.vector_store %arg14[%parallel_loop3A_373, %parallel_loop3A_374, %parallel_loop3A_375], %parallel_loop3A_378 {strides = array<i32>} : memref<2x128x80xf32, #tpu.memory_space<vmem>>, vector<1x1x16xf32>,
      %parallel_loop3A_379 = vector.extract_strided_slice %parallel_loop3A_298 {offsets = [7], sizes = [1], strides = [1]} : vector<16xf32> to vector<1xf32>
      %parallel_loop3A_380 = vector.extract %parallel_loop3A_379[0] : f32 from vector<1xf32>
      %parallel_loop3A_381 = vector.extract_strided_slice %parallel_loop3A_298 {offsets = [6], sizes = [1], strides = [1]} : vector<16xf32> to vector<1xf32>
      %parallel_loop3A_382 = vector.extract %parallel_loop3A_381[0] : f32 from vector<1xf32>
      %parallel_loop3A_383 = vector.broadcast %parallel_loop3A_380 : f32 to vector<16xf32>
      %parallel_loop3A_384 = vector.broadcast %parallel_loop3A_382 : f32 to vector<16xf32>
      %parallel_loop3A_385 = arith.select %ge3A_4, %parallel_loop3A_383, %parallel_loop3A_384 : vector<16xi1>, vector<16xf32>
      %parallel_loop3A_386 = arith.mulf %parallel_loop3A_385, %parallel_loop3A_363 : vector<16xf32>
      %parallel_loop3A_387 = arith.constant 1 : i32
      %parallel_loop3A_388 = arith.index_cast %parallel_loop3A_387 : i32 to index
      %parallel_loop3A_389 = arith.index_cast %parallel_loop3A_280 : i32 to index
      %parallel_loop3A_390 = arith.constant 64 : index
      %parallel_loop3A_391 = tpu.vector_load %arg14[%parallel_loop3A_388, %parallel_loop3A_389, %parallel_loop3A_390] {strides = array<i32>} : memref<2x128x80xf32, #tpu.memory_space<vmem>>, vector<1x1x16xf32>,
      %parallel_loop3A_392 = vector.shape_cast %parallel_loop3A_391 : vector<1x1x16xf32> to vector<16xf32>
      %parallel_loop3A_393 = vector.shape_cast %parallel_loop3A_386 : vector<16xf32> to vector<1x1x16xf32>
      tpu.vector_store %arg14[%parallel_loop3A_388, %parallel_loop3A_389, %parallel_loop3A_390], %parallel_loop3A_393 {strides = array<i32>} : memref<2x128x80xf32, #tpu.memory_space<vmem>>, vector<1x1x16xf32>,
    } {sc.loop_unroll_factor = 1 : i64, sc.parallel_access}
    %dma_start3A_202 = arith.constant 1 : i32
    %dma_start3A_203 = arith.constant 1 : i32
    %dma_start3A_204 = arith.constant 0 : i32
    %dma_start3A_205 = arith.constant 0 : i32
    %dma_start3A_206 = tpu.memref_slice %arg14[%dma_start3A_202, %dma_start3A_204, %dma_start3A_205] : memref<2x128x80xf32, #tpu.memory_space<vmem>> -> memref<1x128x80xf32, #tpu.memory_space<vmem>>
    %dma_start3A_207 = tpu.memref_squeeze %dma_start3A_206 : memref<1x128x80xf32, #tpu.memory_space<vmem>> -> memref<128x80xf32, #tpu.memory_space<vmem>>
    %dma_start3A_208 = arith.constant 0 : i32
    %dma_start3A_209 = tpu.memref_slice %arg10[%dma_start3A_203, %dma_start3A_208] : memref<81x128xi32, #tpu.memory_space<vmem>> -> memref<1x128xi32, #tpu.memory_space<vmem>>
    %dma_start3A_210 = tpu.memref_squeeze %dma_start3A_209 : memref<1x128xi32, #tpu.memory_space<vmem>> -> memref<128xi32, #tpu.memory_space<vmem>>
    %dma_start3A_211 = arith.constant 0 : i32
    %dma_start3A_212 = arith.constant 0 : i32
    %dma_start3A_213 = tpu.memref_slice %arg15[%dma_start3A_211, %dma_start3A_212] : memref<10240x80xf32, #tpu.memory_space<vmem_shared>> -> memref<10240x80xf32, #tpu.memory_space<vmem_shared>>
    tpu.enqueue_indirect_dma source(%dma_start3A_207 : memref<128x80xf32, #tpu.memory_space<vmem>>) target(%dma_start3A_213 : memref<10240x80xf32, #tpu.memory_space<vmem_shared>>) offsets(%dma_start3A_210 : memref<128xi32, #tpu.memory_space<vmem>>) semaphore(%arg24 : memref<!tpu.dma_semaphore, #tpu.memory_space<semaphore_mem>>) {add = true}
    %scan3A = arith.constant 0 : i32
    %scan3A_214 = arith.constant 1 : i32
    %scan3A_215 = arith.constant 39 : i32
    %scan3A_216 = arith.addi %scan3A_214, %scan3A_215 : i32
    %scan3A_217 = arith.constant 1 : i32
    scf.for %scan3A_280 = %scan3A_214 to %scan3A_216 step %scan3A_217  : i32 {
      %mul3A_281 = arith.constant 2 : i32
      %mul3A_282 = arith.muli %mul3A_281, %scan3A_280 : i32
      %add3A_283 = arith.constant 0 : i32
      %add3A_284 = arith.addi %mul3A_282, %add3A_283 : i32
      %dma_wait3A_285 = arith.constant 0 : i32
      %dma_wait3A_286 = arith.constant 0 : i32
      %dma_wait3A_287 = arith.constant 0 : i32
      %dma_wait3A_288 = arith.constant 0 : i32
      %dma_wait3A_289 = tpu.memref_slice %arg11[%dma_wait3A_286, %dma_wait3A_287, %dma_wait3A_288] : memref<2x128x16xf32, #tpu.memory_space<vmem>> -> memref<1x128x16xf32, #tpu.memory_space<vmem>>
      %dma_wait3A_290 = tpu.memref_squeeze %dma_wait3A_289 : memref<1x128x16xf32, #tpu.memory_space<vmem>> -> memref<128x16xf32, #tpu.memory_space<vmem>>
      %dma_wait3A_291 = arith.constant 0 : i32
      %dma_wait3A_292 = tpu.memref_slice %arg9[%dma_wait3A_285, %dma_wait3A_291] : memref<81x128xi32, #tpu.memory_space<vmem>> -> memref<1x128xi32, #tpu.memory_space<vmem>>
      %dma_wait3A_293 = tpu.memref_squeeze %dma_wait3A_292 : memref<1x128xi32, #tpu.memory_space<vmem>> -> memref<128xi32, #tpu.memory_space<vmem>>
      %dma_wait3A_294 = arith.constant 0 : i32
      %dma_wait3A_295 = arith.constant 0 : i32
      %dma_wait3A_296 = tpu.memref_slice %arg4[%dma_wait3A_294, %dma_wait3A_295] : memref<10240x16xf32, #tpu.memory_space<hbm>> -> memref<10240x16xf32, #tpu.memory_space<hbm>>
      tpu.wait_indirect_dma semaphore(%arg17 : memref<!tpu.dma_semaphore, #tpu.memory_space<semaphore_mem>>) src(%dma_wait3A_296 : memref<10240x16xf32, #tpu.memory_space<hbm>>) dst(%dma_wait3A_290 : memref<128x16xf32, #tpu.memory_space<vmem>>)
      %dma_wait3A_297 = arith.constant 0 : i32
      %dma_wait3A_298 = arith.constant 0 : i32
      %dma_wait3A_299 = arith.constant 0 : i32
      %dma_wait3A_300 = arith.constant 0 : i32
      %dma_wait3A_301 = tpu.memref_slice %arg12[%dma_wait3A_298, %dma_wait3A_299, %dma_wait3A_300] : memref<2x128x16xf32, #tpu.memory_space<vmem>> -> memref<1x128x16xf32, #tpu.memory_space<vmem>>
      %dma_wait3A_302 = tpu.memref_squeeze %dma_wait3A_301 : memref<1x128x16xf32, #tpu.memory_space<vmem>> -> memref<128x16xf32, #tpu.memory_space<vmem>>
      %dma_wait3A_303 = arith.constant 0 : i32
      %dma_wait3A_304 = tpu.memref_slice %arg10[%dma_wait3A_297, %dma_wait3A_303] : memref<81x128xi32, #tpu.memory_space<vmem>> -> memref<1x128xi32, #tpu.memory_space<vmem>>
      %dma_wait3A_305 = tpu.memref_squeeze %dma_wait3A_304 : memref<1x128xi32, #tpu.memory_space<vmem>> -> memref<128xi32, #tpu.memory_space<vmem>>
      %dma_wait3A_306 = arith.constant 0 : i32
      %dma_wait3A_307 = arith.constant 0 : i32
      %dma_wait3A_308 = tpu.memref_slice %arg5[%dma_wait3A_306, %dma_wait3A_307] : memref<10240x16xf32, #tpu.memory_space<hbm>> -> memref<10240x16xf32, #tpu.memory_space<hbm>>
      tpu.wait_indirect_dma semaphore(%arg18 : memref<!tpu.dma_semaphore, #tpu.memory_space<semaphore_mem>>) src(%dma_wait3A_308 : memref<10240x16xf32, #tpu.memory_space<hbm>>) dst(%dma_wait3A_302 : memref<128x16xf32, #tpu.memory_space<vmem>>)
      %dma_wait3A_309 = arith.constant 0 : i32
      %dma_wait3A_310 = arith.constant 0 : i32
      %dma_wait3A_311 = arith.constant 0 : i32
      %dma_wait3A_312 = arith.constant 0 : i32
      %dma_wait3A_313 = tpu.memref_slice %arg13[%dma_wait3A_310, %dma_wait3A_311, %dma_wait3A_312] : memref<2x128x32xi32, #tpu.memory_space<vmem>> -> memref<1x128x32xi32, #tpu.memory_space<vmem>>
      %dma_wait3A_314 = tpu.memref_squeeze %dma_wait3A_313 : memref<1x128x32xi32, #tpu.memory_space<vmem>> -> memref<128x32xi32, #tpu.memory_space<vmem>>
      %dma_wait3A_315 = arith.constant 0 : i32
      %dma_wait3A_316 = tpu.memref_slice %arg9[%dma_wait3A_309, %dma_wait3A_315] : memref<81x128xi32, #tpu.memory_space<vmem>> -> memref<1x128xi32, #tpu.memory_space<vmem>>
      %dma_wait3A_317 = tpu.memref_squeeze %dma_wait3A_316 : memref<1x128xi32, #tpu.memory_space<vmem>> -> memref<128xi32, #tpu.memory_space<vmem>>
      %dma_wait3A_318 = arith.constant 0 : i32
      %dma_wait3A_319 = arith.constant 0 : i32
      %dma_wait3A_320 = tpu.memref_slice %arg16[%dma_wait3A_318, %dma_wait3A_319] : memref<10240x32xi32, #tpu.memory_space<vmem_shared>> -> memref<10240x32xi32, #tpu.memory_space<vmem_shared>>
      tpu.wait_indirect_dma semaphore(%arg19 : memref<!tpu.dma_semaphore, #tpu.memory_space<semaphore_mem>>) src(%dma_wait3A_320 : memref<10240x32xi32, #tpu.memory_space<vmem_shared>>) dst(%dma_wait3A_314 : memref<128x32xi32, #tpu.memory_space<vmem>>)
      %add3A_321 = arith.constant 1 : i32
      %add3A_322 = arith.addi %add3A_284, %add3A_321 : i32
      %dma_start3A_323 = arith.constant 1 : i32
      %dma_start3A_324 = arith.constant 0 : i32
      %dma_start3A_325 = arith.constant 0 : i32
      %dma_start3A_326 = tpu.memref_slice %arg11[%dma_start3A_323, %dma_start3A_324, %dma_start3A_325] : memref<2x128x16xf32, #tpu.memory_space<vmem>> -> memref<1x128x16xf32, #tpu.memory_space<vmem>>
      %dma_start3A_327 = tpu.memref_squeeze %dma_start3A_326 : memref<1x128x16xf32, #tpu.memory_space<vmem>> -> memref<128x16xf32, #tpu.memory_space<vmem>>
      %dma_start3A_328 = arith.constant 0 : i32
      %dma_start3A_329 = tpu.memref_slice %arg9[%add3A_322, %dma_start3A_328] : memref<81x128xi32, #tpu.memory_space<vmem>> -> memref<1x128xi32, #tpu.memory_space<vmem>>
      %dma_start3A_330 = tpu.memref_squeeze %dma_start3A_329 : memref<1x128xi32, #tpu.memory_space<vmem>> -> memref<128xi32, #tpu.memory_space<vmem>>
      %dma_start3A_331 = arith.constant 0 : i32
      %dma_start3A_332 = arith.constant 0 : i32
      %dma_start3A_333 = tpu.memref_slice %arg4[%dma_start3A_331, %dma_start3A_332] : memref<10240x16xf32, #tpu.memory_space<hbm>> -> memref<10240x16xf32, #tpu.memory_space<hbm>>
      tpu.enqueue_indirect_dma source(%dma_start3A_333 : memref<10240x16xf32, #tpu.memory_space<hbm>>) target(%dma_start3A_327 : memref<128x16xf32, #tpu.memory_space<vmem>>) offsets(%dma_start3A_330 : memref<128xi32, #tpu.memory_space<vmem>>) semaphore(%arg20 : memref<!tpu.dma_semaphore, #tpu.memory_space<semaphore_mem>>)
      %dma_start3A_334 = arith.constant 1 : i32
      %dma_start3A_335 = arith.constant 0 : i32
      %dma_start3A_336 = arith.constant 0 : i32
      %dma_start3A_337 = tpu.memref_slice %arg12[%dma_start3A_334, %dma_start3A_335, %dma_start3A_336] : memref<2x128x16xf32, #tpu.memory_space<vmem>> -> memref<1x128x16xf32, #tpu.memory_space<vmem>>
      %dma_start3A_338 = tpu.memref_squeeze %dma_start3A_337 : memref<1x128x16xf32, #tpu.memory_space<vmem>> -> memref<128x16xf32, #tpu.memory_space<vmem>>
      %dma_start3A_339 = arith.constant 0 : i32
      %dma_start3A_340 = tpu.memref_slice %arg10[%add3A_322, %dma_start3A_339] : memref<81x128xi32, #tpu.memory_space<vmem>> -> memref<1x128xi32, #tpu.memory_space<vmem>>
      %dma_start3A_341 = tpu.memref_squeeze %dma_start3A_340 : memref<1x128xi32, #tpu.memory_space<vmem>> -> memref<128xi32, #tpu.memory_space<vmem>>
      %dma_start3A_342 = arith.constant 0 : i32
      %dma_start3A_343 = arith.constant 0 : i32
      %dma_start3A_344 = tpu.memref_slice %arg5[%dma_start3A_342, %dma_start3A_343] : memref<10240x16xf32, #tpu.memory_space<hbm>> -> memref<10240x16xf32, #tpu.memory_space<hbm>>
      tpu.enqueue_indirect_dma source(%dma_start3A_344 : memref<10240x16xf32, #tpu.memory_space<hbm>>) target(%dma_start3A_338 : memref<128x16xf32, #tpu.memory_space<vmem>>) offsets(%dma_start3A_341 : memref<128xi32, #tpu.memory_space<vmem>>) semaphore(%arg21 : memref<!tpu.dma_semaphore, #tpu.memory_space<semaphore_mem>>)
      %dma_start3A_345 = arith.constant 1 : i32
      %dma_start3A_346 = arith.constant 0 : i32
      %dma_start3A_347 = arith.constant 0 : i32
      %dma_start3A_348 = tpu.memref_slice %arg13[%dma_start3A_345, %dma_start3A_346, %dma_start3A_347] : memref<2x128x32xi32, #tpu.memory_space<vmem>> -> memref<1x128x32xi32, #tpu.memory_space<vmem>>
      %dma_start3A_349 = tpu.memref_squeeze %dma_start3A_348 : memref<1x128x32xi32, #tpu.memory_space<vmem>> -> memref<128x32xi32, #tpu.memory_space<vmem>>
      %dma_start3A_350 = arith.constant 0 : i32
      %dma_start3A_351 = tpu.memref_slice %arg9[%add3A_322, %dma_start3A_350] : memref<81x128xi32, #tpu.memory_space<vmem>> -> memref<1x128xi32, #tpu.memory_space<vmem>>
      %dma_start3A_352 = tpu.memref_squeeze %dma_start3A_351 : memref<1x128xi32, #tpu.memory_space<vmem>> -> memref<128xi32, #tpu.memory_space<vmem>>
      %dma_start3A_353 = arith.constant 0 : i32
      %dma_start3A_354 = arith.constant 0 : i32
      %dma_start3A_355 = tpu.memref_slice %arg16[%dma_start3A_353, %dma_start3A_354] : memref<10240x32xi32, #tpu.memory_space<vmem_shared>> -> memref<10240x32xi32, #tpu.memory_space<vmem_shared>>
      tpu.enqueue_indirect_dma source(%dma_start3A_355 : memref<10240x32xi32, #tpu.memory_space<vmem_shared>>) target(%dma_start3A_349 : memref<128x32xi32, #tpu.memory_space<vmem>>) offsets(%dma_start3A_352 : memref<128xi32, #tpu.memory_space<vmem>>) semaphore(%arg22 : memref<!tpu.dma_semaphore, #tpu.memory_space<semaphore_mem>>)
      %dma_wait3A_356 = arith.constant 0 : i32
      %dma_wait3A_357 = arith.constant 0 : i32
      %dma_wait3A_358 = arith.constant 0 : i32
      %dma_wait3A_359 = arith.constant 0 : i32
      %dma_wait3A_360 = tpu.memref_slice %arg14[%dma_wait3A_356, %dma_wait3A_358, %dma_wait3A_359] : memref<2x128x80xf32, #tpu.memory_space<vmem>> -> memref<1x128x80xf32, #tpu.memory_space<vmem>>
      %dma_wait3A_361 = tpu.memref_squeeze %dma_wait3A_360 : memref<1x128x80xf32, #tpu.memory_space<vmem>> -> memref<128x80xf32, #tpu.memory_space<vmem>>
      %dma_wait3A_362 = arith.constant 0 : i32
      %dma_wait3A_363 = tpu.memref_slice %arg10[%dma_wait3A_357, %dma_wait3A_362] : memref<81x128xi32, #tpu.memory_space<vmem>> -> memref<1x128xi32, #tpu.memory_space<vmem>>
      %dma_wait3A_364 = tpu.memref_squeeze %dma_wait3A_363 : memref<1x128xi32, #tpu.memory_space<vmem>> -> memref<128xi32, #tpu.memory_space<vmem>>
      %dma_wait3A_365 = arith.constant 0 : i32
      %dma_wait3A_366 = arith.constant 0 : i32
      %dma_wait3A_367 = tpu.memref_slice %arg15[%dma_wait3A_365, %dma_wait3A_366] : memref<10240x80xf32, #tpu.memory_space<vmem_shared>> -> memref<10240x80xf32, #tpu.memory_space<vmem_shared>>
      tpu.wait_indirect_dma semaphore(%arg23 : memref<!tpu.dma_semaphore, #tpu.memory_space<semaphore_mem>>) src(%dma_wait3A_361 : memref<128x80xf32, #tpu.memory_space<vmem>>) dst(%dma_wait3A_367 : memref<10240x80xf32, #tpu.memory_space<vmem_shared>>)
      %parallel_loop3A_368 = arith.constant 0 : i32
      %parallel_loop3A_369 = arith.constant 128 : i32
      %parallel_loop3A_370 = arith.constant 1 : i32
      scf.for %parallel_loop3A_483 = %parallel_loop3A_368 to %parallel_loop3A_369 step %parallel_loop3A_370  : i32 {
        %parallel_loop3A_484 = arith.constant 0 : i32
        %parallel_loop3A_485 = arith.index_cast %parallel_loop3A_484 : i32 to index
        %parallel_loop3A_486 = arith.index_cast %parallel_loop3A_483 : i32 to index
        %parallel_loop3A_487 = arith.constant 0 : index
        %parallel_loop3A_488 = tpu.vector_load %arg11[%parallel_loop3A_485, %parallel_loop3A_486, %parallel_loop3A_487] {strides = array<i32>} : memref<2x128x16xf32, #tpu.memory_space<vmem>>, vector<1x1x16xf32>,
        %parallel_loop3A_489 = vector.shape_cast %parallel_loop3A_488 : vector<1x1x16xf32> to vector<16xf32>
        %parallel_loop3A_490 = arith.constant 0 : i32
        %parallel_loop3A_491 = arith.index_cast %parallel_loop3A_490 : i32 to index
        %parallel_loop3A_492 = arith.index_cast %parallel_loop3A_483 : i32 to index
        %parallel_loop3A_493 = arith.constant 0 : index
        %parallel_loop3A_494 = tpu.vector_load %arg12[%parallel_loop3A_491, %parallel_loop3A_492, %parallel_loop3A_493] {strides = array<i32>} : memref<2x128x16xf32, #tpu.memory_space<vmem>>, vector<1x1x16xf32>,
        %parallel_loop3A_495 = vector.shape_cast %parallel_loop3A_494 : vector<1x1x16xf32> to vector<16xf32>
        %parallel_loop3A_496 = arith.addf %parallel_loop3A_489, %parallel_loop3A_495 : vector<16xf32>
        %parallel_loop3A_497 = arith.constant 2.000000e-01 : f32
        %parallel_loop3A_498 = vector.broadcast %parallel_loop3A_497 : f32 to vector<16xf32>
        %parallel_loop3A_499 = arith.mulf %parallel_loop3A_498, %parallel_loop3A_496 : vector<16xf32>
        %parallel_loop3A_500 = arith.maximumf %parallel_loop3A_496, %parallel_loop3A_499 : vector<16xf32>
        %parallel_loop3A_501 = math.exp %parallel_loop3A_500 : vector<16xf32>
        %parallel_loop3A_502 = arith.constant 0 : i32
        %parallel_loop3A_503 = arith.index_cast %parallel_loop3A_502 : i32 to index
        %parallel_loop3A_504 = arith.index_cast %parallel_loop3A_483 : i32 to index
        %parallel_loop3A_505 = arith.constant 0 : index
        %parallel_loop3A_506 = tpu.vector_load %arg14[%parallel_loop3A_503, %parallel_loop3A_504, %parallel_loop3A_505] {strides = array<i32>} : memref<2x128x80xf32, #tpu.memory_space<vmem>>, vector<1x1x16xf32>,
        %parallel_loop3A_507 = vector.shape_cast %parallel_loop3A_506 : vector<1x1x16xf32> to vector<16xf32>
        %parallel_loop3A_508 = vector.shape_cast %parallel_loop3A_501 : vector<16xf32> to vector<1x1x16xf32>
        tpu.vector_store %arg14[%parallel_loop3A_503, %parallel_loop3A_504, %parallel_loop3A_505], %parallel_loop3A_508 {strides = array<i32>} : memref<2x128x80xf32, #tpu.memory_space<vmem>>, vector<1x1x16xf32>,
        %parallel_loop3A_509 = arith.constant 0 : i32
        %parallel_loop3A_510 = arith.index_cast %parallel_loop3A_509 : i32 to index
        %parallel_loop3A_511 = arith.index_cast %parallel_loop3A_483 : i32 to index
        %parallel_loop3A_512 = arith.constant 0 : index
        %parallel_loop3A_513 = tpu.vector_load %arg13[%parallel_loop3A_510, %parallel_loop3A_511, %parallel_loop3A_512] {strides = array<i32>} : memref<2x128x32xi32, #tpu.memory_space<vmem>>, vector<1x1x16xi32>,
        %parallel_loop3A_514 = vector.shape_cast %parallel_loop3A_513 : vector<1x1x16xi32> to vector<16xi32>
        %parallel_loop3A_515 = arith.constant 16 : i32
        %parallel_loop3A_516 = vector.broadcast %parallel_loop3A_515 : i32 to vector<16xi32>
        %parallel_loop3A_517 = arith.shli %parallel_loop3A_514, %parallel_loop3A_516 : vector<16xi32>
        %parallel_loop3A_518 = tpu.bitcast %parallel_loop3A_517 : vector<16xi32> -> vector<16xf32>
        %parallel_loop3A_519 = arith.constant -65536 : i32
        %parallel_loop3A_520 = vector.broadcast %parallel_loop3A_519 : i32 to vector<16xi32>
        %parallel_loop3A_521 = arith.andi %parallel_loop3A_514, %parallel_loop3A_520 : vector<16xi32>
        %parallel_loop3A_522 = tpu.bitcast %parallel_loop3A_521 : vector<16xi32> -> vector<16xf32>
        %parallel_loop3A_523 = vector.extract_strided_slice %parallel_loop3A_501 {offsets = [1], sizes = [1], strides = [1]} : vector<16xf32> to vector<1xf32>
        %parallel_loop3A_524 = vector.extract %parallel_loop3A_523[0] : f32 from vector<1xf32>
        %parallel_loop3A_525 = vector.extract_strided_slice %parallel_loop3A_501 {offsets = [0], sizes = [1], strides = [1]} : vector<16xf32> to vector<1xf32>
        %parallel_loop3A_526 = vector.extract %parallel_loop3A_525[0] : f32 from vector<1xf32>
        %parallel_loop3A_527 = vector.broadcast %parallel_loop3A_524 : f32 to vector<16xf32>
        %parallel_loop3A_528 = vector.broadcast %parallel_loop3A_526 : f32 to vector<16xf32>
        %parallel_loop3A_529 = arith.select %ge3A_4, %parallel_loop3A_527, %parallel_loop3A_528 : vector<16xi1>, vector<16xf32>
        %parallel_loop3A_530 = arith.mulf %parallel_loop3A_529, %parallel_loop3A_518 : vector<16xf32>
        %parallel_loop3A_531 = arith.constant 0 : i32
        %parallel_loop3A_532 = arith.index_cast %parallel_loop3A_531 : i32 to index
        %parallel_loop3A_533 = arith.index_cast %parallel_loop3A_483 : i32 to index
        %parallel_loop3A_534 = arith.constant 16 : index
        %parallel_loop3A_535 = tpu.vector_load %arg14[%parallel_loop3A_532, %parallel_loop3A_533, %parallel_loop3A_534] {strides = array<i32>} : memref<2x128x80xf32, #tpu.memory_space<vmem>>, vector<1x1x16xf32>,
        %parallel_loop3A_536 = vector.shape_cast %parallel_loop3A_535 : vector<1x1x16xf32> to vector<16xf32>
        %parallel_loop3A_537 = vector.shape_cast %parallel_loop3A_530 : vector<16xf32> to vector<1x1x16xf32>
        tpu.vector_store %arg14[%parallel_loop3A_532, %parallel_loop3A_533, %parallel_loop3A_534], %parallel_loop3A_537 {strides = array<i32>} : memref<2x128x80xf32, #tpu.memory_space<vmem>>, vector<1x1x16xf32>,
        %parallel_loop3A_538 = vector.extract_strided_slice %parallel_loop3A_501 {offsets = [3], sizes = [1], strides = [1]} : vector<16xf32> to vector<1xf32>
        %parallel_loop3A_539 = vector.extract %parallel_loop3A_538[0] : f32 from vector<1xf32>
        %parallel_loop3A_540 = vector.extract_strided_slice %parallel_loop3A_501 {offsets = [2], sizes = [1], strides = [1]} : vector<16xf32> to vector<1xf32>
        %parallel_loop3A_541 = vector.extract %parallel_loop3A_540[0] : f32 from vector<1xf32>
        %parallel_loop3A_542 = vector.broadcast %parallel_loop3A_539 : f32 to vector<16xf32>
        %parallel_loop3A_543 = vector.broadcast %parallel_loop3A_541 : f32 to vector<16xf32>
        %parallel_loop3A_544 = arith.select %ge3A_4, %parallel_loop3A_542, %parallel_loop3A_543 : vector<16xi1>, vector<16xf32>
        %parallel_loop3A_545 = arith.mulf %parallel_loop3A_544, %parallel_loop3A_522 : vector<16xf32>
        %parallel_loop3A_546 = arith.constant 0 : i32
        %parallel_loop3A_547 = arith.index_cast %parallel_loop3A_546 : i32 to index
        %parallel_loop3A_548 = arith.index_cast %parallel_loop3A_483 : i32 to index
        %parallel_loop3A_549 = arith.constant 32 : index
        %parallel_loop3A_550 = tpu.vector_load %arg14[%parallel_loop3A_547, %parallel_loop3A_548, %parallel_loop3A_549] {strides = array<i32>} : memref<2x128x80xf32, #tpu.memory_space<vmem>>, vector<1x1x16xf32>,
        %parallel_loop3A_551 = vector.shape_cast %parallel_loop3A_550 : vector<1x1x16xf32> to vector<16xf32>
        %parallel_loop3A_552 = vector.shape_cast %parallel_loop3A_545 : vector<16xf32> to vector<1x1x16xf32>
        tpu.vector_store %arg14[%parallel_loop3A_547, %parallel_loop3A_548, %parallel_loop3A_549], %parallel_loop3A_552 {strides = array<i32>} : memref<2x128x80xf32, #tpu.memory_space<vmem>>, vector<1x1x16xf32>,
        %parallel_loop3A_553 = arith.constant 0 : i32
        %parallel_loop3A_554 = arith.index_cast %parallel_loop3A_553 : i32 to index
        %parallel_loop3A_555 = arith.index_cast %parallel_loop3A_483 : i32 to index
        %parallel_loop3A_556 = arith.constant 16 : index
        %parallel_loop3A_557 = tpu.vector_load %arg13[%parallel_loop3A_554, %parallel_loop3A_555, %parallel_loop3A_556] {strides = array<i32>} : memref<2x128x32xi32, #tpu.memory_space<vmem>>, vector<1x1x16xi32>,
        %parallel_loop3A_558 = vector.shape_cast %parallel_loop3A_557 : vector<1x1x16xi32> to vector<16xi32>
        %parallel_loop3A_559 = arith.constant 16 : i32
        %parallel_loop3A_560 = vector.broadcast %parallel_loop3A_559 : i32 to vector<16xi32>
        %parallel_loop3A_561 = arith.shli %parallel_loop3A_558, %parallel_loop3A_560 : vector<16xi32>
        %parallel_loop3A_562 = tpu.bitcast %parallel_loop3A_561 : vector<16xi32> -> vector<16xf32>
        %parallel_loop3A_563 = arith.constant -65536 : i32
        %parallel_loop3A_564 = vector.broadcast %parallel_loop3A_563 : i32 to vector<16xi32>
        %parallel_loop3A_565 = arith.andi %parallel_loop3A_558, %parallel_loop3A_564 : vector<16xi32>
        %parallel_loop3A_566 = tpu.bitcast %parallel_loop3A_565 : vector<16xi32> -> vector<16xf32>
        %parallel_loop3A_567 = vector.extract_strided_slice %parallel_loop3A_501 {offsets = [5], sizes = [1], strides = [1]} : vector<16xf32> to vector<1xf32>
        %parallel_loop3A_568 = vector.extract %parallel_loop3A_567[0] : f32 from vector<1xf32>
        %parallel_loop3A_569 = vector.extract_strided_slice %parallel_loop3A_501 {offsets = [4], sizes = [1], strides = [1]} : vector<16xf32> to vector<1xf32>
        %parallel_loop3A_570 = vector.extract %parallel_loop3A_569[0] : f32 from vector<1xf32>
        %parallel_loop3A_571 = vector.broadcast %parallel_loop3A_568 : f32 to vector<16xf32>
        %parallel_loop3A_572 = vector.broadcast %parallel_loop3A_570 : f32 to vector<16xf32>
        %parallel_loop3A_573 = arith.select %ge3A_4, %parallel_loop3A_571, %parallel_loop3A_572 : vector<16xi1>, vector<16xf32>
        %parallel_loop3A_574 = arith.mulf %parallel_loop3A_573, %parallel_loop3A_562 : vector<16xf32>
        %parallel_loop3A_575 = arith.constant 0 : i32
        %parallel_loop3A_576 = arith.index_cast %parallel_loop3A_575 : i32 to index
        %parallel_loop3A_577 = arith.index_cast %parallel_loop3A_483 : i32 to index
        %parallel_loop3A_578 = arith.constant 48 : index
        %parallel_loop3A_579 = tpu.vector_load %arg14[%parallel_loop3A_576, %parallel_loop3A_577, %parallel_loop3A_578] {strides = array<i32>} : memref<2x128x80xf32, #tpu.memory_space<vmem>>, vector<1x1x16xf32>,
        %parallel_loop3A_580 = vector.shape_cast %parallel_loop3A_579 : vector<1x1x16xf32> to vector<16xf32>
        %parallel_loop3A_581 = vector.shape_cast %parallel_loop3A_574 : vector<16xf32> to vector<1x1x16xf32>
        tpu.vector_store %arg14[%parallel_loop3A_576, %parallel_loop3A_577, %parallel_loop3A_578], %parallel_loop3A_581 {strides = array<i32>} : memref<2x128x80xf32, #tpu.memory_space<vmem>>, vector<1x1x16xf32>,
        %parallel_loop3A_582 = vector.extract_strided_slice %parallel_loop3A_501 {offsets = [7], sizes = [1], strides = [1]} : vector<16xf32> to vector<1xf32>
        %parallel_loop3A_583 = vector.extract %parallel_loop3A_582[0] : f32 from vector<1xf32>
        %parallel_loop3A_584 = vector.extract_strided_slice %parallel_loop3A_501 {offsets = [6], sizes = [1], strides = [1]} : vector<16xf32> to vector<1xf32>
        %parallel_loop3A_585 = vector.extract %parallel_loop3A_584[0] : f32 from vector<1xf32>
        %parallel_loop3A_586 = vector.broadcast %parallel_loop3A_583 : f32 to vector<16xf32>
        %parallel_loop3A_587 = vector.broadcast %parallel_loop3A_585 : f32 to vector<16xf32>
        %parallel_loop3A_588 = arith.select %ge3A_4, %parallel_loop3A_586, %parallel_loop3A_587 : vector<16xi1>, vector<16xf32>
        %parallel_loop3A_589 = arith.mulf %parallel_loop3A_588, %parallel_loop3A_566 : vector<16xf32>
        %parallel_loop3A_590 = arith.constant 0 : i32
        %parallel_loop3A_591 = arith.index_cast %parallel_loop3A_590 : i32 to index
        %parallel_loop3A_592 = arith.index_cast %parallel_loop3A_483 : i32 to index
        %parallel_loop3A_593 = arith.constant 64 : index
        %parallel_loop3A_594 = tpu.vector_load %arg14[%parallel_loop3A_591, %parallel_loop3A_592, %parallel_loop3A_593] {strides = array<i32>} : memref<2x128x80xf32, #tpu.memory_space<vmem>>, vector<1x1x16xf32>,
        %parallel_loop3A_595 = vector.shape_cast %parallel_loop3A_594 : vector<1x1x16xf32> to vector<16xf32>
        %parallel_loop3A_596 = vector.shape_cast %parallel_loop3A_589 : vector<16xf32> to vector<1x1x16xf32>
        tpu.vector_store %arg14[%parallel_loop3A_591, %parallel_loop3A_592, %parallel_loop3A_593], %parallel_loop3A_596 {strides = array<i32>} : memref<2x128x80xf32, #tpu.memory_space<vmem>>, vector<1x1x16xf32>,
      } {sc.loop_unroll_factor = 1 : i64, sc.parallel_access}
      %dma_start3A_371 = arith.constant 0 : i32
      %dma_start3A_372 = arith.constant 0 : i32
      %dma_start3A_373 = arith.constant 0 : i32
      %dma_start3A_374 = tpu.memref_slice %arg14[%dma_start3A_371, %dma_start3A_372, %dma_start3A_373] : memref<2x128x80xf32, #tpu.memory_space<vmem>> -> memref<1x128x80xf32, #tpu.memory_space<vmem>>
      %dma_start3A_375 = tpu.memref_squeeze %dma_start3A_374 : memref<1x128x80xf32, #tpu.memory_space<vmem>> -> memref<128x80xf32, #tpu.memory_space<vmem>>
      %dma_start3A_376 = arith.constant 0 : i32
      %dma_start3A_377 = tpu.memref_slice %arg10[%add3A_284, %dma_start3A_376] : memref<81x128xi32, #tpu.memory_space<vmem>> -> memref<1x128xi32, #tpu.memory_space<vmem>>
      %dma_start3A_378 = tpu.memref_squeeze %dma_start3A_377 : memref<1x128xi32, #tpu.memory_space<vmem>> -> memref<128xi32, #tpu.memory_space<vmem>>
      %dma_start3A_379 = arith.constant 0 : i32
      %dma_start3A_380 = arith.constant 0 : i32
      %dma_start3A_381 = tpu.memref_slice %arg15[%dma_start3A_379, %dma_start3A_380] : memref<10240x80xf32, #tpu.memory_space<vmem_shared>> -> memref<10240x80xf32, #tpu.memory_space<vmem_shared>>
      tpu.enqueue_indirect_dma source(%dma_start3A_375 : memref<128x80xf32, #tpu.memory_space<vmem>>) target(%dma_start3A_381 : memref<10240x80xf32, #tpu.memory_space<vmem_shared>>) offsets(%dma_start3A_378 : memref<128xi32, #tpu.memory_space<vmem>>) semaphore(%arg23 : memref<!tpu.dma_semaphore, #tpu.memory_space<semaphore_mem>>) {add = true}
      %mul3A_382 = arith.constant 2 : i32
      %mul3A_383 = arith.muli %mul3A_382, %scan3A_280 : i32
      %add3A_384 = arith.constant 1 : i32
      %add3A_385 = arith.addi %mul3A_383, %add3A_384 : i32
      %dma_wait3A_386 = arith.constant 0 : i32
      %dma_wait3A_387 = arith.constant 1 : i32
      %dma_wait3A_388 = arith.constant 0 : i32
      %dma_wait3A_389 = arith.constant 0 : i32
      %dma_wait3A_390 = tpu.memref_slice %arg11[%dma_wait3A_387, %dma_wait3A_388, %dma_wait3A_389] : memref<2x128x16xf32, #tpu.memory_space<vmem>> -> memref<1x128x16xf32, #tpu.memory_space<vmem>>
      %dma_wait3A_391 = tpu.memref_squeeze %dma_wait3A_390 : memref<1x128x16xf32, #tpu.memory_space<vmem>> -> memref<128x16xf32, #tpu.memory_space<vmem>>
      %dma_wait3A_392 = arith.constant 0 : i32
      %dma_wait3A_393 = tpu.memref_slice %arg9[%dma_wait3A_386, %dma_wait3A_392] : memref<81x128xi32, #tpu.memory_space<vmem>> -> memref<1x128xi32, #tpu.memory_space<vmem>>
      %dma_wait3A_394 = tpu.memref_squeeze %dma_wait3A_393 : memref<1x128xi32, #tpu.memory_space<vmem>> -> memref<128xi32, #tpu.memory_space<vmem>>
      %dma_wait3A_395 = arith.constant 0 : i32
      %dma_wait3A_396 = arith.constant 0 : i32
      %dma_wait3A_397 = tpu.memref_slice %arg4[%dma_wait3A_395, %dma_wait3A_396] : memref<10240x16xf32, #tpu.memory_space<hbm>> -> memref<10240x16xf32, #tpu.memory_space<hbm>>
      tpu.wait_indirect_dma semaphore(%arg20 : memref<!tpu.dma_semaphore, #tpu.memory_space<semaphore_mem>>) src(%dma_wait3A_397 : memref<10240x16xf32, #tpu.memory_space<hbm>>) dst(%dma_wait3A_391 : memref<128x16xf32, #tpu.memory_space<vmem>>)
      %dma_wait3A_398 = arith.constant 0 : i32
      %dma_wait3A_399 = arith.constant 1 : i32
      %dma_wait3A_400 = arith.constant 0 : i32
      %dma_wait3A_401 = arith.constant 0 : i32
      %dma_wait3A_402 = tpu.memref_slice %arg12[%dma_wait3A_399, %dma_wait3A_400, %dma_wait3A_401] : memref<2x128x16xf32, #tpu.memory_space<vmem>> -> memref<1x128x16xf32, #tpu.memory_space<vmem>>
      %dma_wait3A_403 = tpu.memref_squeeze %dma_wait3A_402 : memref<1x128x16xf32, #tpu.memory_space<vmem>> -> memref<128x16xf32, #tpu.memory_space<vmem>>
      %dma_wait3A_404 = arith.constant 0 : i32
      %dma_wait3A_405 = tpu.memref_slice %arg10[%dma_wait3A_398, %dma_wait3A_404] : memref<81x128xi32, #tpu.memory_space<vmem>> -> memref<1x128xi32, #tpu.memory_space<vmem>>
      %dma_wait3A_406 = tpu.memref_squeeze %dma_wait3A_405 : memref<1x128xi32, #tpu.memory_space<vmem>> -> memref<128xi32, #tpu.memory_space<vmem>>
      %dma_wait3A_407 = arith.constant 0 : i32
      %dma_wait3A_408 = arith.constant 0 : i32
      %dma_wait3A_409 = tpu.memref_slice %arg5[%dma_wait3A_407, %dma_wait3A_408] : memref<10240x16xf32, #tpu.memory_space<hbm>> -> memref<10240x16xf32, #tpu.memory_space<hbm>>
      tpu.wait_indirect_dma semaphore(%arg21 : memref<!tpu.dma_semaphore, #tpu.memory_space<semaphore_mem>>) src(%dma_wait3A_409 : memref<10240x16xf32, #tpu.memory_space<hbm>>) dst(%dma_wait3A_403 : memref<128x16xf32, #tpu.memory_space<vmem>>)
      %dma_wait3A_410 = arith.constant 0 : i32
      %dma_wait3A_411 = arith.constant 1 : i32
      %dma_wait3A_412 = arith.constant 0 : i32
      %dma_wait3A_413 = arith.constant 0 : i32
      %dma_wait3A_414 = tpu.memref_slice %arg13[%dma_wait3A_411, %dma_wait3A_412, %dma_wait3A_413] : memref<2x128x32xi32, #tpu.memory_space<vmem>> -> memref<1x128x32xi32, #tpu.memory_space<vmem>>
      %dma_wait3A_415 = tpu.memref_squeeze %dma_wait3A_414 : memref<1x128x32xi32, #tpu.memory_space<vmem>> -> memref<128x32xi32, #tpu.memory_space<vmem>>
      %dma_wait3A_416 = arith.constant 0 : i32
      %dma_wait3A_417 = tpu.memref_slice %arg9[%dma_wait3A_410, %dma_wait3A_416] : memref<81x128xi32, #tpu.memory_space<vmem>> -> memref<1x128xi32, #tpu.memory_space<vmem>>
      %dma_wait3A_418 = tpu.memref_squeeze %dma_wait3A_417 : memref<1x128xi32, #tpu.memory_space<vmem>> -> memref<128xi32, #tpu.memory_space<vmem>>
      %dma_wait3A_419 = arith.constant 0 : i32
      %dma_wait3A_420 = arith.constant 0 : i32
      %dma_wait3A_421 = tpu.memref_slice %arg16[%dma_wait3A_419, %dma_wait3A_420] : memref<10240x32xi32, #tpu.memory_space<vmem_shared>> -> memref<10240x32xi32, #tpu.memory_space<vmem_shared>>
      tpu.wait_indirect_dma semaphore(%arg22 : memref<!tpu.dma_semaphore, #tpu.memory_space<semaphore_mem>>) src(%dma_wait3A_421 : memref<10240x32xi32, #tpu.memory_space<vmem_shared>>) dst(%dma_wait3A_415 : memref<128x32xi32, #tpu.memory_space<vmem>>)
      %add3A_422 = arith.constant 1 : i32
      %add3A_423 = arith.addi %add3A_385, %add3A_422 : i32
      %dma_start3A_424 = arith.constant 0 : i32
      %dma_start3A_425 = arith.constant 0 : i32
      %dma_start3A_426 = arith.constant 0 : i32
      %dma_start3A_427 = tpu.memref_slice %arg11[%dma_start3A_424, %dma_start3A_425, %dma_start3A_426] : memref<2x128x16xf32, #tpu.memory_space<vmem>> -> memref<1x128x16xf32, #tpu.memory_space<vmem>>
      %dma_start3A_428 = tpu.memref_squeeze %dma_start3A_427 : memref<1x128x16xf32, #tpu.memory_space<vmem>> -> memref<128x16xf32, #tpu.memory_space<vmem>>
      %dma_start3A_429 = arith.constant 0 : i32
      %dma_start3A_430 = tpu.memref_slice %arg9[%add3A_423, %dma_start3A_429] : memref<81x128xi32, #tpu.memory_space<vmem>> -> memref<1x128xi32, #tpu.memory_space<vmem>>
      %dma_start3A_431 = tpu.memref_squeeze %dma_start3A_430 : memref<1x128xi32, #tpu.memory_space<vmem>> -> memref<128xi32, #tpu.memory_space<vmem>>
      %dma_start3A_432 = arith.constant 0 : i32
      %dma_start3A_433 = arith.constant 0 : i32
      %dma_start3A_434 = tpu.memref_slice %arg4[%dma_start3A_432, %dma_start3A_433] : memref<10240x16xf32, #tpu.memory_space<hbm>> -> memref<10240x16xf32, #tpu.memory_space<hbm>>
      tpu.enqueue_indirect_dma source(%dma_start3A_434 : memref<10240x16xf32, #tpu.memory_space<hbm>>) target(%dma_start3A_428 : memref<128x16xf32, #tpu.memory_space<vmem>>) offsets(%dma_start3A_431 : memref<128xi32, #tpu.memory_space<vmem>>) semaphore(%arg17 : memref<!tpu.dma_semaphore, #tpu.memory_space<semaphore_mem>>)
      %dma_start3A_435 = arith.constant 0 : i32
      %dma_start3A_436 = arith.constant 0 : i32
      %dma_start3A_437 = arith.constant 0 : i32
      %dma_start3A_438 = tpu.memref_slice %arg12[%dma_start3A_435, %dma_start3A_436, %dma_start3A_437] : memref<2x128x16xf32, #tpu.memory_space<vmem>> -> memref<1x128x16xf32, #tpu.memory_space<vmem>>
      %dma_start3A_439 = tpu.memref_squeeze %dma_start3A_438 : memref<1x128x16xf32, #tpu.memory_space<vmem>> -> memref<128x16xf32, #tpu.memory_space<vmem>>
      %dma_start3A_440 = arith.constant 0 : i32
      %dma_start3A_441 = tpu.memref_slice %arg10[%add3A_423, %dma_start3A_440] : memref<81x128xi32, #tpu.memory_space<vmem>> -> memref<1x128xi32, #tpu.memory_space<vmem>>
      %dma_start3A_442 = tpu.memref_squeeze %dma_start3A_441 : memref<1x128xi32, #tpu.memory_space<vmem>> -> memref<128xi32, #tpu.memory_space<vmem>>
      %dma_start3A_443 = arith.constant 0 : i32
      %dma_start3A_444 = arith.constant 0 : i32
      %dma_start3A_445 = tpu.memref_slice %arg5[%dma_start3A_443, %dma_start3A_444] : memref<10240x16xf32, #tpu.memory_space<hbm>> -> memref<10240x16xf32, #tpu.memory_space<hbm>>
      tpu.enqueue_indirect_dma source(%dma_start3A_445 : memref<10240x16xf32, #tpu.memory_space<hbm>>) target(%dma_start3A_439 : memref<128x16xf32, #tpu.memory_space<vmem>>) offsets(%dma_start3A_442 : memref<128xi32, #tpu.memory_space<vmem>>) semaphore(%arg18 : memref<!tpu.dma_semaphore, #tpu.memory_space<semaphore_mem>>)
      %dma_start3A_446 = arith.constant 0 : i32
      %dma_start3A_447 = arith.constant 0 : i32
      %dma_start3A_448 = arith.constant 0 : i32
      %dma_start3A_449 = tpu.memref_slice %arg13[%dma_start3A_446, %dma_start3A_447, %dma_start3A_448] : memref<2x128x32xi32, #tpu.memory_space<vmem>> -> memref<1x128x32xi32, #tpu.memory_space<vmem>>
      %dma_start3A_450 = tpu.memref_squeeze %dma_start3A_449 : memref<1x128x32xi32, #tpu.memory_space<vmem>> -> memref<128x32xi32, #tpu.memory_space<vmem>>
      %dma_start3A_451 = arith.constant 0 : i32
      %dma_start3A_452 = tpu.memref_slice %arg9[%add3A_423, %dma_start3A_451] : memref<81x128xi32, #tpu.memory_space<vmem>> -> memref<1x128xi32, #tpu.memory_space<vmem>>
      %dma_start3A_453 = tpu.memref_squeeze %dma_start3A_452 : memref<1x128xi32, #tpu.memory_space<vmem>> -> memref<128xi32, #tpu.memory_space<vmem>>
      %dma_start3A_454 = arith.constant 0 : i32
      %dma_start3A_455 = arith.constant 0 : i32
      %dma_start3A_456 = tpu.memref_slice %arg16[%dma_start3A_454, %dma_start3A_455] : memref<10240x32xi32, #tpu.memory_space<vmem_shared>> -> memref<10240x32xi32, #tpu.memory_space<vmem_shared>>
      tpu.enqueue_indirect_dma source(%dma_start3A_456 : memref<10240x32xi32, #tpu.memory_space<vmem_shared>>) target(%dma_start3A_450 : memref<128x32xi32, #tpu.memory_space<vmem>>) offsets(%dma_start3A_453 : memref<128xi32, #tpu.memory_space<vmem>>) semaphore(%arg19 : memref<!tpu.dma_semaphore, #tpu.memory_space<semaphore_mem>>)
      %dma_wait3A_457 = arith.constant 1 : i32
      %dma_wait3A_458 = arith.constant 0 : i32
      %dma_wait3A_459 = arith.constant 0 : i32
      %dma_wait3A_460 = arith.constant 0 : i32
      %dma_wait3A_461 = tpu.memref_slice %arg14[%dma_wait3A_457, %dma_wait3A_459, %dma_wait3A_460] : memref<2x128x80xf32, #tpu.memory_space<vmem>> -> memref<1x128x80xf32, #tpu.memory_space<vmem>>
      %dma_wait3A_462 = tpu.memref_squeeze %dma_wait3A_461 : memref<1x128x80xf32, #tpu.memory_space<vmem>> -> memref<128x80xf32, #tpu.memory_space<vmem>>
      %dma_wait3A_463 = arith.constant 0 : i32
      %dma_wait3A_464 = tpu.memref_slice %arg10[%dma_wait3A_458, %dma_wait3A_463] : memref<81x128xi32, #tpu.memory_space<vmem>> -> memref<1x128xi32, #tpu.memory_space<vmem>>
      %dma_wait3A_465 = tpu.memref_squeeze %dma_wait3A_464 : memref<1x128xi32, #tpu.memory_space<vmem>> -> memref<128xi32, #tpu.memory_space<vmem>>
      %dma_wait3A_466 = arith.constant 0 : i32
      %dma_wait3A_467 = arith.constant 0 : i32
      %dma_wait3A_468 = tpu.memref_slice %arg15[%dma_wait3A_466, %dma_wait3A_467] : memref<10240x80xf32, #tpu.memory_space<vmem_shared>> -> memref<10240x80xf32, #tpu.memory_space<vmem_shared>>
      tpu.wait_indirect_dma semaphore(%arg24 : memref<!tpu.dma_semaphore, #tpu.memory_space<semaphore_mem>>) src(%dma_wait3A_462 : memref<128x80xf32, #tpu.memory_space<vmem>>) dst(%dma_wait3A_468 : memref<10240x80xf32, #tpu.memory_space<vmem_shared>>)
      %parallel_loop3A_469 = arith.constant 0 : i32
      %parallel_loop3A_470 = arith.constant 128 : i32
      %parallel_loop3A_471 = arith.constant 1 : i32
      scf.for %parallel_loop3A_483 = %parallel_loop3A_469 to %parallel_loop3A_470 step %parallel_loop3A_471  : i32 {
        %parallel_loop3A_484 = arith.constant 1 : i32
        %parallel_loop3A_485 = arith.index_cast %parallel_loop3A_484 : i32 to index
        %parallel_loop3A_486 = arith.index_cast %parallel_loop3A_483 : i32 to index
        %parallel_loop3A_487 = arith.constant 0 : index
        %parallel_loop3A_488 = tpu.vector_load %arg11[%parallel_loop3A_485, %parallel_loop3A_486, %parallel_loop3A_487] {strides = array<i32>} : memref<2x128x16xf32, #tpu.memory_space<vmem>>, vector<1x1x16xf32>,
        %parallel_loop3A_489 = vector.shape_cast %parallel_loop3A_488 : vector<1x1x16xf32> to vector<16xf32>
        %parallel_loop3A_490 = arith.constant 1 : i32
        %parallel_loop3A_491 = arith.index_cast %parallel_loop3A_490 : i32 to index
        %parallel_loop3A_492 = arith.index_cast %parallel_loop3A_483 : i32 to index
        %parallel_loop3A_493 = arith.constant 0 : index
        %parallel_loop3A_494 = tpu.vector_load %arg12[%parallel_loop3A_491, %parallel_loop3A_492, %parallel_loop3A_493] {strides = array<i32>} : memref<2x128x16xf32, #tpu.memory_space<vmem>>, vector<1x1x16xf32>,
        %parallel_loop3A_495 = vector.shape_cast %parallel_loop3A_494 : vector<1x1x16xf32> to vector<16xf32>
        %parallel_loop3A_496 = arith.addf %parallel_loop3A_489, %parallel_loop3A_495 : vector<16xf32>
        %parallel_loop3A_497 = arith.constant 2.000000e-01 : f32
        %parallel_loop3A_498 = vector.broadcast %parallel_loop3A_497 : f32 to vector<16xf32>
        %parallel_loop3A_499 = arith.mulf %parallel_loop3A_498, %parallel_loop3A_496 : vector<16xf32>
        %parallel_loop3A_500 = arith.maximumf %parallel_loop3A_496, %parallel_loop3A_499 : vector<16xf32>
        %parallel_loop3A_501 = math.exp %parallel_loop3A_500 : vector<16xf32>
        %parallel_loop3A_502 = arith.constant 1 : i32
        %parallel_loop3A_503 = arith.index_cast %parallel_loop3A_502 : i32 to index
        %parallel_loop3A_504 = arith.index_cast %parallel_loop3A_483 : i32 to index
        %parallel_loop3A_505 = arith.constant 0 : index
        %parallel_loop3A_506 = tpu.vector_load %arg14[%parallel_loop3A_503, %parallel_loop3A_504, %parallel_loop3A_505] {strides = array<i32>} : memref<2x128x80xf32, #tpu.memory_space<vmem>>, vector<1x1x16xf32>,
        %parallel_loop3A_507 = vector.shape_cast %parallel_loop3A_506 : vector<1x1x16xf32> to vector<16xf32>
        %parallel_loop3A_508 = vector.shape_cast %parallel_loop3A_501 : vector<16xf32> to vector<1x1x16xf32>
        tpu.vector_store %arg14[%parallel_loop3A_503, %parallel_loop3A_504, %parallel_loop3A_505], %parallel_loop3A_508 {strides = array<i32>} : memref<2x128x80xf32, #tpu.memory_space<vmem>>, vector<1x1x16xf32>,
        %parallel_loop3A_509 = arith.constant 1 : i32
        %parallel_loop3A_510 = arith.index_cast %parallel_loop3A_509 : i32 to index
        %parallel_loop3A_511 = arith.index_cast %parallel_loop3A_483 : i32 to index
        %parallel_loop3A_512 = arith.constant 0 : index
        %parallel_loop3A_513 = tpu.vector_load %arg13[%parallel_loop3A_510, %parallel_loop3A_511, %parallel_loop3A_512] {strides = array<i32>} : memref<2x128x32xi32, #tpu.memory_space<vmem>>, vector<1x1x16xi32>,
        %parallel_loop3A_514 = vector.shape_cast %parallel_loop3A_513 : vector<1x1x16xi32> to vector<16xi32>
        %parallel_loop3A_515 = arith.constant 16 : i32
        %parallel_loop3A_516 = vector.broadcast %parallel_loop3A_515 : i32 to vector<16xi32>
        %parallel_loop3A_517 = arith.shli %parallel_loop3A_514, %parallel_loop3A_516 : vector<16xi32>
        %parallel_loop3A_518 = tpu.bitcast %parallel_loop3A_517 : vector<16xi32> -> vector<16xf32>
        %parallel_loop3A_519 = arith.constant -65536 : i32
        %parallel_loop3A_520 = vector.broadcast %parallel_loop3A_519 : i32 to vector<16xi32>
        %parallel_loop3A_521 = arith.andi %parallel_loop3A_514, %parallel_loop3A_520 : vector<16xi32>
        %parallel_loop3A_522 = tpu.bitcast %parallel_loop3A_521 : vector<16xi32> -> vector<16xf32>
        %parallel_loop3A_523 = vector.extract_strided_slice %parallel_loop3A_501 {offsets = [1], sizes = [1], strides = [1]} : vector<16xf32> to vector<1xf32>
        %parallel_loop3A_524 = vector.extract %parallel_loop3A_523[0] : f32 from vector<1xf32>
        %parallel_loop3A_525 = vector.extract_strided_slice %parallel_loop3A_501 {offsets = [0], sizes = [1], strides = [1]} : vector<16xf32> to vector<1xf32>
        %parallel_loop3A_526 = vector.extract %parallel_loop3A_525[0] : f32 from vector<1xf32>
        %parallel_loop3A_527 = vector.broadcast %parallel_loop3A_524 : f32 to vector<16xf32>
        %parallel_loop3A_528 = vector.broadcast %parallel_loop3A_526 : f32 to vector<16xf32>
        %parallel_loop3A_529 = arith.select %ge3A_4, %parallel_loop3A_527, %parallel_loop3A_528 : vector<16xi1>, vector<16xf32>
        %parallel_loop3A_530 = arith.mulf %parallel_loop3A_529, %parallel_loop3A_518 : vector<16xf32>
        %parallel_loop3A_531 = arith.constant 1 : i32
        %parallel_loop3A_532 = arith.index_cast %parallel_loop3A_531 : i32 to index
        %parallel_loop3A_533 = arith.index_cast %parallel_loop3A_483 : i32 to index
        %parallel_loop3A_534 = arith.constant 16 : index
        %parallel_loop3A_535 = tpu.vector_load %arg14[%parallel_loop3A_532, %parallel_loop3A_533, %parallel_loop3A_534] {strides = array<i32>} : memref<2x128x80xf32, #tpu.memory_space<vmem>>, vector<1x1x16xf32>,
        %parallel_loop3A_536 = vector.shape_cast %parallel_loop3A_535 : vector<1x1x16xf32> to vector<16xf32>
        %parallel_loop3A_537 = vector.shape_cast %parallel_loop3A_530 : vector<16xf32> to vector<1x1x16xf32>
        tpu.vector_store %arg14[%parallel_loop3A_532, %parallel_loop3A_533, %parallel_loop3A_534], %parallel_loop3A_537 {strides = array<i32>} : memref<2x128x80xf32, #tpu.memory_space<vmem>>, vector<1x1x16xf32>,
        %parallel_loop3A_538 = vector.extract_strided_slice %parallel_loop3A_501 {offsets = [3], sizes = [1], strides = [1]} : vector<16xf32> to vector<1xf32>
        %parallel_loop3A_539 = vector.extract %parallel_loop3A_538[0] : f32 from vector<1xf32>
        %parallel_loop3A_540 = vector.extract_strided_slice %parallel_loop3A_501 {offsets = [2], sizes = [1], strides = [1]} : vector<16xf32> to vector<1xf32>
        %parallel_loop3A_541 = vector.extract %parallel_loop3A_540[0] : f32 from vector<1xf32>
        %parallel_loop3A_542 = vector.broadcast %parallel_loop3A_539 : f32 to vector<16xf32>
        %parallel_loop3A_543 = vector.broadcast %parallel_loop3A_541 : f32 to vector<16xf32>
        %parallel_loop3A_544 = arith.select %ge3A_4, %parallel_loop3A_542, %parallel_loop3A_543 : vector<16xi1>, vector<16xf32>
        %parallel_loop3A_545 = arith.mulf %parallel_loop3A_544, %parallel_loop3A_522 : vector<16xf32>
        %parallel_loop3A_546 = arith.constant 1 : i32
        %parallel_loop3A_547 = arith.index_cast %parallel_loop3A_546 : i32 to index
        %parallel_loop3A_548 = arith.index_cast %parallel_loop3A_483 : i32 to index
        %parallel_loop3A_549 = arith.constant 32 : index
        %parallel_loop3A_550 = tpu.vector_load %arg14[%parallel_loop3A_547, %parallel_loop3A_548, %parallel_loop3A_549] {strides = array<i32>} : memref<2x128x80xf32, #tpu.memory_space<vmem>>, vector<1x1x16xf32>,
        %parallel_loop3A_551 = vector.shape_cast %parallel_loop3A_550 : vector<1x1x16xf32> to vector<16xf32>
        %parallel_loop3A_552 = vector.shape_cast %parallel_loop3A_545 : vector<16xf32> to vector<1x1x16xf32>
        tpu.vector_store %arg14[%parallel_loop3A_547, %parallel_loop3A_548, %parallel_loop3A_549], %parallel_loop3A_552 {strides = array<i32>} : memref<2x128x80xf32, #tpu.memory_space<vmem>>, vector<1x1x16xf32>,
        %parallel_loop3A_553 = arith.constant 1 : i32
        %parallel_loop3A_554 = arith.index_cast %parallel_loop3A_553 : i32 to index
        %parallel_loop3A_555 = arith.index_cast %parallel_loop3A_483 : i32 to index
        %parallel_loop3A_556 = arith.constant 16 : index
        %parallel_loop3A_557 = tpu.vector_load %arg13[%parallel_loop3A_554, %parallel_loop3A_555, %parallel_loop3A_556] {strides = array<i32>} : memref<2x128x32xi32, #tpu.memory_space<vmem>>, vector<1x1x16xi32>,
        %parallel_loop3A_558 = vector.shape_cast %parallel_loop3A_557 : vector<1x1x16xi32> to vector<16xi32>
        %parallel_loop3A_559 = arith.constant 16 : i32
        %parallel_loop3A_560 = vector.broadcast %parallel_loop3A_559 : i32 to vector<16xi32>
        %parallel_loop3A_561 = arith.shli %parallel_loop3A_558, %parallel_loop3A_560 : vector<16xi32>
        %parallel_loop3A_562 = tpu.bitcast %parallel_loop3A_561 : vector<16xi32> -> vector<16xf32>
        %parallel_loop3A_563 = arith.constant -65536 : i32
        %parallel_loop3A_564 = vector.broadcast %parallel_loop3A_563 : i32 to vector<16xi32>
        %parallel_loop3A_565 = arith.andi %parallel_loop3A_558, %parallel_loop3A_564 : vector<16xi32>
        %parallel_loop3A_566 = tpu.bitcast %parallel_loop3A_565 : vector<16xi32> -> vector<16xf32>
        %parallel_loop3A_567 = vector.extract_strided_slice %parallel_loop3A_501 {offsets = [5], sizes = [1], strides = [1]} : vector<16xf32> to vector<1xf32>
        %parallel_loop3A_568 = vector.extract %parallel_loop3A_567[0] : f32 from vector<1xf32>
        %parallel_loop3A_569 = vector.extract_strided_slice %parallel_loop3A_501 {offsets = [4], sizes = [1], strides = [1]} : vector<16xf32> to vector<1xf32>
        %parallel_loop3A_570 = vector.extract %parallel_loop3A_569[0] : f32 from vector<1xf32>
        %parallel_loop3A_571 = vector.broadcast %parallel_loop3A_568 : f32 to vector<16xf32>
        %parallel_loop3A_572 = vector.broadcast %parallel_loop3A_570 : f32 to vector<16xf32>
        %parallel_loop3A_573 = arith.select %ge3A_4, %parallel_loop3A_571, %parallel_loop3A_572 : vector<16xi1>, vector<16xf32>
        %parallel_loop3A_574 = arith.mulf %parallel_loop3A_573, %parallel_loop3A_562 : vector<16xf32>
        %parallel_loop3A_575 = arith.constant 1 : i32
        %parallel_loop3A_576 = arith.index_cast %parallel_loop3A_575 : i32 to index
        %parallel_loop3A_577 = arith.index_cast %parallel_loop3A_483 : i32 to index
        %parallel_loop3A_578 = arith.constant 48 : index
        %parallel_loop3A_579 = tpu.vector_load %arg14[%parallel_loop3A_576, %parallel_loop3A_577, %parallel_loop3A_578] {strides = array<i32>} : memref<2x128x80xf32, #tpu.memory_space<vmem>>, vector<1x1x16xf32>,
        %parallel_loop3A_580 = vector.shape_cast %parallel_loop3A_579 : vector<1x1x16xf32> to vector<16xf32>
        %parallel_loop3A_581 = vector.shape_cast %parallel_loop3A_574 : vector<16xf32> to vector<1x1x16xf32>
        tpu.vector_store %arg14[%parallel_loop3A_576, %parallel_loop3A_577, %parallel_loop3A_578], %parallel_loop3A_581 {strides = array<i32>} : memref<2x128x80xf32, #tpu.memory_space<vmem>>, vector<1x1x16xf32>,
        %parallel_loop3A_582 = vector.extract_strided_slice %parallel_loop3A_501 {offsets = [7], sizes = [1], strides = [1]} : vector<16xf32> to vector<1xf32>
        %parallel_loop3A_583 = vector.extract %parallel_loop3A_582[0] : f32 from vector<1xf32>
        %parallel_loop3A_584 = vector.extract_strided_slice %parallel_loop3A_501 {offsets = [6], sizes = [1], strides = [1]} : vector<16xf32> to vector<1xf32>
        %parallel_loop3A_585 = vector.extract %parallel_loop3A_584[0] : f32 from vector<1xf32>
        %parallel_loop3A_586 = vector.broadcast %parallel_loop3A_583 : f32 to vector<16xf32>
        %parallel_loop3A_587 = vector.broadcast %parallel_loop3A_585 : f32 to vector<16xf32>
        %parallel_loop3A_588 = arith.select %ge3A_4, %parallel_loop3A_586, %parallel_loop3A_587 : vector<16xi1>, vector<16xf32>
        %parallel_loop3A_589 = arith.mulf %parallel_loop3A_588, %parallel_loop3A_566 : vector<16xf32>
        %parallel_loop3A_590 = arith.constant 1 : i32
        %parallel_loop3A_591 = arith.index_cast %parallel_loop3A_590 : i32 to index
        %parallel_loop3A_592 = arith.index_cast %parallel_loop3A_483 : i32 to index
        %parallel_loop3A_593 = arith.constant 64 : index
        %parallel_loop3A_594 = tpu.vector_load %arg14[%parallel_loop3A_591, %parallel_loop3A_592, %parallel_loop3A_593] {strides = array<i32>} : memref<2x128x80xf32, #tpu.memory_space<vmem>>, vector<1x1x16xf32>,
        %parallel_loop3A_595 = vector.shape_cast %parallel_loop3A_594 : vector<1x1x16xf32> to vector<16xf32>
        %parallel_loop3A_596 = vector.shape_cast %parallel_loop3A_589 : vector<16xf32> to vector<1x1x16xf32>
        tpu.vector_store %arg14[%parallel_loop3A_591, %parallel_loop3A_592, %parallel_loop3A_593], %parallel_loop3A_596 {strides = array<i32>} : memref<2x128x80xf32, #tpu.memory_space<vmem>>, vector<1x1x16xf32>,
      } {sc.loop_unroll_factor = 1 : i64, sc.parallel_access}
      %dma_start3A_472 = arith.constant 1 : i32
      %dma_start3A_473 = arith.constant 0 : i32
      %dma_start3A_474 = arith.constant 0 : i32
      %dma_start3A_475 = tpu.memref_slice %arg14[%dma_start3A_472, %dma_start3A_473, %dma_start3A_474] : memref<2x128x80xf32, #tpu.memory_space<vmem>> -> memref<1x128x80xf32, #tpu.memory_space<vmem>>
      %dma_start3A_476 = tpu.memref_squeeze %dma_start3A_475 : memref<1x128x80xf32, #tpu.memory_space<vmem>> -> memref<128x80xf32, #tpu.memory_space<vmem>>
      %dma_start3A_477 = arith.constant 0 : i32
      %dma_start3A_478 = tpu.memref_slice %arg10[%add3A_385, %dma_start3A_477] : memref<81x128xi32, #tpu.memory_space<vmem>> -> memref<1x128xi32, #tpu.memory_space<vmem>>
      %dma_start3A_479 = tpu.memref_squeeze %dma_start3A_478 : memref<1x128xi32, #tpu.memory_space<vmem>> -> memref<128xi32, #tpu.memory_space<vmem>>
      %dma_start3A_480 = arith.constant 0 : i32
      %dma_start3A_481 = arith.constant 0 : i32
      %dma_start3A_482 = tpu.memref_slice %arg15[%dma_start3A_480, %dma_start3A_481] : memref<10240x80xf32, #tpu.memory_space<vmem_shared>> -> memref<10240x80xf32, #tpu.memory_space<vmem_shared>>
      tpu.enqueue_indirect_dma source(%dma_start3A_476 : memref<128x80xf32, #tpu.memory_space<vmem>>) target(%dma_start3A_482 : memref<10240x80xf32, #tpu.memory_space<vmem_shared>>) offsets(%dma_start3A_479 : memref<128xi32, #tpu.memory_space<vmem>>) semaphore(%arg24 : memref<!tpu.dma_semaphore, #tpu.memory_space<semaphore_mem>>) {add = true}
    }
    %scan3A_218 = arith.constant 39 : i32
    %dma_wait3A_219 = arith.constant 0 : i32
    %dma_wait3A_220 = arith.constant 0 : i32
    %dma_wait3A_221 = arith.constant 0 : i32
    %dma_wait3A_222 = arith.constant 0 : i32
    %dma_wait3A_223 = tpu.memref_slice %arg11[%dma_wait3A_220, %dma_wait3A_221, %dma_wait3A_222] : memref<2x128x16xf32, #tpu.memory_space<vmem>> -> memref<1x128x16xf32, #tpu.memory_space<vmem>>
    %dma_wait3A_224 = tpu.memref_squeeze %dma_wait3A_223 : memref<1x128x16xf32, #tpu.memory_space<vmem>> -> memref<128x16xf32, #tpu.memory_space<vmem>>
    %dma_wait3A_225 = arith.constant 0 : i32
    %dma_wait3A_226 = tpu.memref_slice %arg9[%dma_wait3A_219, %dma_wait3A_225] : memref<81x128xi32, #tpu.memory_space<vmem>> -> memref<1x128xi32, #tpu.memory_space<vmem>>
    %dma_wait3A_227 = tpu.memref_squeeze %dma_wait3A_226 : memref<1x128xi32, #tpu.memory_space<vmem>> -> memref<128xi32, #tpu.memory_space<vmem>>
    %dma_wait3A_228 = arith.constant 0 : i32
    %dma_wait3A_229 = arith.constant 0 : i32
    %dma_wait3A_230 = tpu.memref_slice %arg4[%dma_wait3A_228, %dma_wait3A_229] : memref<10240x16xf32, #tpu.memory_space<hbm>> -> memref<10240x16xf32, #tpu.memory_space<hbm>>
    tpu.wait_indirect_dma semaphore(%arg17 : memref<!tpu.dma_semaphore, #tpu.memory_space<semaphore_mem>>) src(%dma_wait3A_230 : memref<10240x16xf32, #tpu.memory_space<hbm>>) dst(%dma_wait3A_224 : memref<128x16xf32, #tpu.memory_space<vmem>>)
    %dma_wait3A_231 = arith.constant 0 : i32
    %dma_wait3A_232 = arith.constant 0 : i32
    %dma_wait3A_233 = arith.constant 0 : i32
    %dma_wait3A_234 = arith.constant 0 : i32
    %dma_wait3A_235 = tpu.memref_slice %arg12[%dma_wait3A_232, %dma_wait3A_233, %dma_wait3A_234] : memref<2x128x16xf32, #tpu.memory_space<vmem>> -> memref<1x128x16xf32, #tpu.memory_space<vmem>>
    %dma_wait3A_236 = tpu.memref_squeeze %dma_wait3A_235 : memref<1x128x16xf32, #tpu.memory_space<vmem>> -> memref<128x16xf32, #tpu.memory_space<vmem>>
    %dma_wait3A_237 = arith.constant 0 : i32
    %dma_wait3A_238 = tpu.memref_slice %arg10[%dma_wait3A_231, %dma_wait3A_237] : memref<81x128xi32, #tpu.memory_space<vmem>> -> memref<1x128xi32, #tpu.memory_space<vmem>>
    %dma_wait3A_239 = tpu.memref_squeeze %dma_wait3A_238 : memref<1x128xi32, #tpu.memory_space<vmem>> -> memref<128xi32, #tpu.memory_space<vmem>>
    %dma_wait3A_240 = arith.constant 0 : i32
    %dma_wait3A_241 = arith.constant 0 : i32
    %dma_wait3A_242 = tpu.memref_slice %arg5[%dma_wait3A_240, %dma_wait3A_241] : memref<10240x16xf32, #tpu.memory_space<hbm>> -> memref<10240x16xf32, #tpu.memory_space<hbm>>
    tpu.wait_indirect_dma semaphore(%arg18 : memref<!tpu.dma_semaphore, #tpu.memory_space<semaphore_mem>>) src(%dma_wait3A_242 : memref<10240x16xf32, #tpu.memory_space<hbm>>) dst(%dma_wait3A_236 : memref<128x16xf32, #tpu.memory_space<vmem>>)
    %dma_wait3A_243 = arith.constant 0 : i32
    %dma_wait3A_244 = arith.constant 0 : i32
    %dma_wait3A_245 = arith.constant 0 : i32
    %dma_wait3A_246 = arith.constant 0 : i32
    %dma_wait3A_247 = tpu.memref_slice %arg13[%dma_wait3A_244, %dma_wait3A_245, %dma_wait3A_246] : memref<2x128x32xi32, #tpu.memory_space<vmem>> -> memref<1x128x32xi32, #tpu.memory_space<vmem>>
    %dma_wait3A_248 = tpu.memref_squeeze %dma_wait3A_247 : memref<1x128x32xi32, #tpu.memory_space<vmem>> -> memref<128x32xi32, #tpu.memory_space<vmem>>
    %dma_wait3A_249 = arith.constant 0 : i32
    %dma_wait3A_250 = tpu.memref_slice %arg9[%dma_wait3A_243, %dma_wait3A_249] : memref<81x128xi32, #tpu.memory_space<vmem>> -> memref<1x128xi32, #tpu.memory_space<vmem>>
    %dma_wait3A_251 = tpu.memref_squeeze %dma_wait3A_250 : memref<1x128xi32, #tpu.memory_space<vmem>> -> memref<128xi32, #tpu.memory_space<vmem>>
    %dma_wait3A_252 = arith.constant 0 : i32
    %dma_wait3A_253 = arith.constant 0 : i32
    %dma_wait3A_254 = tpu.memref_slice %arg16[%dma_wait3A_252, %dma_wait3A_253] : memref<10240x32xi32, #tpu.memory_space<vmem_shared>> -> memref<10240x32xi32, #tpu.memory_space<vmem_shared>>
    tpu.wait_indirect_dma semaphore(%arg19 : memref<!tpu.dma_semaphore, #tpu.memory_space<semaphore_mem>>) src(%dma_wait3A_254 : memref<10240x32xi32, #tpu.memory_space<vmem_shared>>) dst(%dma_wait3A_248 : memref<128x32xi32, #tpu.memory_space<vmem>>)
    %dma_wait3A_255 = arith.constant 0 : i32
    %dma_wait3A_256 = arith.constant 0 : i32
    %dma_wait3A_257 = arith.constant 0 : i32
    %dma_wait3A_258 = arith.constant 0 : i32
    %dma_wait3A_259 = tpu.memref_slice %arg14[%dma_wait3A_255, %dma_wait3A_257, %dma_wait3A_258] : memref<2x128x80xf32, #tpu.memory_space<vmem>> -> memref<1x128x80xf32, #tpu.memory_space<vmem>>
    %dma_wait3A_260 = tpu.memref_squeeze %dma_wait3A_259 : memref<1x128x80xf32, #tpu.memory_space<vmem>> -> memref<128x80xf32, #tpu.memory_space<vmem>>
    %dma_wait3A_261 = arith.constant 0 : i32
    %dma_wait3A_262 = tpu.memref_slice %arg10[%dma_wait3A_256, %dma_wait3A_261] : memref<81x128xi32, #tpu.memory_space<vmem>> -> memref<1x128xi32, #tpu.memory_space<vmem>>
    %dma_wait3A_263 = tpu.memref_squeeze %dma_wait3A_262 : memref<1x128xi32, #tpu.memory_space<vmem>> -> memref<128xi32, #tpu.memory_space<vmem>>
    %dma_wait3A_264 = arith.constant 0 : i32
    %dma_wait3A_265 = arith.constant 0 : i32
    %dma_wait3A_266 = tpu.memref_slice %arg15[%dma_wait3A_264, %dma_wait3A_265] : memref<10240x80xf32, #tpu.memory_space<vmem_shared>> -> memref<10240x80xf32, #tpu.memory_space<vmem_shared>>
    tpu.wait_indirect_dma semaphore(%arg23 : memref<!tpu.dma_semaphore, #tpu.memory_space<semaphore_mem>>) src(%dma_wait3A_260 : memref<128x80xf32, #tpu.memory_space<vmem>>) dst(%dma_wait3A_266 : memref<10240x80xf32, #tpu.memory_space<vmem_shared>>)
    %dma_wait3A_267 = arith.constant 1 : i32
    %dma_wait3A_268 = arith.constant 0 : i32
    %dma_wait3A_269 = arith.constant 0 : i32
    %dma_wait3A_270 = arith.constant 0 : i32
    %dma_wait3A_271 = tpu.memref_slice %arg14[%dma_wait3A_267, %dma_wait3A_269, %dma_wait3A_270] : memref<2x128x80xf32, #tpu.memory_space<vmem>> -> memref<1x128x80xf32, #tpu.memory_space<vmem>>
    %dma_wait3A_272 = tpu.memref_squeeze %dma_wait3A_271 : memref<1x128x80xf32, #tpu.memory_space<vmem>> -> memref<128x80xf32, #tpu.memory_space<vmem>>
    %dma_wait3A_273 = arith.constant 0 : i32
    %dma_wait3A_274 = tpu.memref_slice %arg10[%dma_wait3A_268, %dma_wait3A_273] : memref<81x128xi32, #tpu.memory_space<vmem>> -> memref<1x128xi32, #tpu.memory_space<vmem>>
    %dma_wait3A_275 = tpu.memref_squeeze %dma_wait3A_274 : memref<1x128xi32, #tpu.memory_space<vmem>> -> memref<128xi32, #tpu.memory_space<vmem>>
    %dma_wait3A_276 = arith.constant 0 : i32
    %dma_wait3A_277 = arith.constant 0 : i32
    %dma_wait3A_278 = tpu.memref_slice %arg15[%dma_wait3A_276, %dma_wait3A_277] : memref<10240x80xf32, #tpu.memory_space<vmem_shared>> -> memref<10240x80xf32, #tpu.memory_space<vmem_shared>>
    tpu.wait_indirect_dma semaphore(%arg24 : memref<!tpu.dma_semaphore, #tpu.memory_space<semaphore_mem>>) src(%dma_wait3A_272 : memref<128x80xf32, #tpu.memory_space<vmem>>) dst(%dma_wait3A_278 : memref<10240x80xf32, #tpu.memory_space<vmem_shared>>)
    %barrier3A_279 = arith.constant 0 : index
    tpu.barrier barrier_id(%barrier3A_279)
    "tpu.region"() ({
      %run_scoped3A = tpu.sem_alloc : memref<!tpu.dma_semaphore, #tpu.memory_space<semaphore_mem>>
      %dma_start3A_280 = arith.constant 0 : i32
      %dma_start3A_281 = tpu.memref_slice %arg8[%arg0, %mul3A_2, %dma_start3A_280] : memref<2x10240x80xf32, #tpu.memory_space<hbm>> -> memref<1x640x80xf32, #tpu.memory_space<hbm>>
      %dma_start3A_282 = tpu.memref_squeeze %dma_start3A_281 : memref<1x640x80xf32, #tpu.memory_space<hbm>> -> memref<640x80xf32, #tpu.memory_space<hbm>>
      %dma_start3A_283 = arith.constant 0 : i32
      %dma_start3A_284 = tpu.memref_slice %arg15[%mul3A_2, %dma_start3A_283] : memref<10240x80xf32, #tpu.memory_space<vmem_shared>> -> memref<640x80xf32, #tpu.memory_space<vmem_shared>>
      tpu.enqueue_dma source(%dma_start3A_284 : memref<640x80xf32, #tpu.memory_space<vmem_shared>>) target(%dma_start3A_282 : memref<640x80xf32, #tpu.memory_space<hbm>>) target_semaphore(%run_scoped3A : memref<!tpu.dma_semaphore, #tpu.memory_space<semaphore_mem>>)
      %dma_wait3A_285 = arith.constant 0 : i32
      %dma_wait3A_286 = tpu.memref_slice %arg8[%arg0, %mul3A_2, %dma_wait3A_285] : memref<2x10240x80xf32, #tpu.memory_space<hbm>> -> memref<1x640x80xf32, #tpu.memory_space<hbm>>
      %dma_wait3A_287 = tpu.memref_squeeze %dma_wait3A_286 : memref<1x640x80xf32, #tpu.memory_space<hbm>> -> memref<640x80xf32, #tpu.memory_space<hbm>>
      %dma_wait3A_288 = arith.constant 0 : i32
      %dma_wait3A_289 = tpu.memref_slice %arg15[%mul3A_2, %dma_wait3A_288] : memref<10240x80xf32, #tpu.memory_space<vmem_shared>> -> memref<640x80xf32, #tpu.memory_space<vmem_shared>>
      tpu.wait_dma2 semaphore(%run_scoped3A : memref<!tpu.dma_semaphore, #tpu.memory_space<semaphore_mem>>) src(%dma_wait3A_289 : memref<640x80xf32, #tpu.memory_space<vmem_shared>>) dst(%dma_wait3A_287 : memref<640x80xf32, #tpu.memory_space<hbm>>)
      tpu.yield
    }) : () -> ()
    return
  }
}

#map = affine_map<(d0, d1) -> (0, 0)>
#map1 = affine_map<(d0, d1) -> (0, 0, 0)>
module attributes {stable_mosaic.version = 14 : i64} {
  func.func @edge_kernel(%arg0: i32, %arg1: i32, %arg2: memref<2568x128xi32, #tpu.memory_space<hbm>>, %arg3: memref<2568x128xi32, #tpu.memory_space<hbm>>, %arg4: memref<10240x16xf32, #tpu.memory_space<hbm>>, %arg5: memref<10240x16xf32, #tpu.memory_space<hbm>>, %arg6: memref<10240x32xi32, #tpu.memory_space<hbm>>, %arg7: memref<10240x80xf32, #tpu.memory_space<hbm>>, %arg8: memref<2x10240x80xf32, #tpu.memory_space<hbm>>, %arg9: memref<81x128xi32, #tpu.memory_space<vmem>>, %arg10: memref<81x128xi32, #tpu.memory_space<vmem>>, %arg11: memref<2x128x16xf32, #tpu.memory_space<vmem>>, %arg12: memref<2x128x16xf32, #tpu.memory_space<vmem>>, %arg13: memref<2x128x32xi32, #tpu.memory_space<vmem>>, %arg14: memref<2x128x80xf32, #tpu.memory_space<vmem>>, %arg15: memref<10240x80xf32, #tpu.memory_space<vmem_shared>>, %arg16: memref<10240x32xi32, #tpu.memory_space<vmem_shared>>, %arg17: memref<!tpu.dma_semaphore, #tpu.memory_space<semaphore_mem>>, %arg18: memref<!tpu.dma_semaphore, #tpu.memory_space<semaphore_mem>>, %arg19: memref<!tpu.dma_semaphore, #tpu.memory_space<semaphore_mem>>, %arg20: memref<!tpu.dma_semaphore, #tpu.memory_space<semaphore_mem>>, %arg21: memref<!tpu.dma_semaphore, #tpu.memory_space<semaphore_mem>>, %arg22: memref<!tpu.dma_semaphore, #tpu.memory_space<semaphore_mem>>, %arg23: memref<!tpu.dma_semaphore, #tpu.memory_space<semaphore_mem>>, %arg24: memref<!tpu.dma_semaphore, #tpu.memory_space<semaphore_mem>>) attributes {dimension_semantics = [#tpu.dimension_semantics<core_parallel>, #tpu.dimension_semantics<subcore_parallel>], iteration_bounds = array<i64: 2, 16>, scalar_prefetch = 0 : i64, scratch_operands = 16 : i64, tpu.core_type = #tpu.core_type<sc_vector_subcore>, window_params = [{transform_indices = #map}, {transform_indices = #map}, {transform_indices = #map}, {transform_indices = #map}, {transform_indices = #map}, {transform_indices = #map}, {transform_indices = #map1}]} {
    %mul3A = arith.constant 2 : i32
    %mul3A_0 = arith.muli %arg1, %mul3A : i32
    %add3A = arith.addi %mul3A_0, %arg0 : i32
    %mul3A_1 = arith.constant 640 : i32
    %mul3A_2 = arith.muli %arg1, %mul3A_1 : i32
    "tpu.region"() ({
      %run_scoped3A = tpu.sem_alloc : memref<!tpu.dma_semaphore, #tpu.memory_space<semaphore_mem>>
      %dma_start3A_280 = arith.constant 0 : i32
      %dma_start3A_281 = tpu.memref_slice %arg15[%mul3A_2, %dma_start3A_280] : memref<10240x80xf32, #tpu.memory_space<vmem_shared>> -> memref<640x80xf32, #tpu.memory_space<vmem_shared>>
      %dma_start3A_282 = arith.constant 0 : i32
      %dma_start3A_283 = tpu.memref_slice %arg7[%mul3A_2, %dma_start3A_282] : memref<10240x80xf32, #tpu.memory_space<hbm>> -> memref<640x80xf32, #tpu.memory_space<hbm>>
      tpu.enqueue_dma source(%dma_start3A_283 : memref<640x80xf32, #tpu.memory_space<hbm>>) target(%dma_start3A_281 : memref<640x80xf32, #tpu.memory_space<vmem_shared>>) target_semaphore(%run_scoped3A : memref<!tpu.dma_semaphore, #tpu.memory_space<semaphore_mem>>)
      %dma_wait3A_284 = arith.constant 0 : i32
      %dma_wait3A_285 = tpu.memref_slice %arg15[%mul3A_2, %dma_wait3A_284] : memref<10240x80xf32, #tpu.memory_space<vmem_shared>> -> memref<640x80xf32, #tpu.memory_space<vmem_shared>>
      %dma_wait3A_286 = arith.constant 0 : i32
      %dma_wait3A_287 = tpu.memref_slice %arg7[%mul3A_2, %dma_wait3A_286] : memref<10240x80xf32, #tpu.memory_space<hbm>> -> memref<640x80xf32, #tpu.memory_space<hbm>>
      tpu.wait_dma2 semaphore(%run_scoped3A : memref<!tpu.dma_semaphore, #tpu.memory_space<semaphore_mem>>) src(%dma_wait3A_287 : memref<640x80xf32, #tpu.memory_space<hbm>>) dst(%dma_wait3A_285 : memref<640x80xf32, #tpu.memory_space<vmem_shared>>)
      tpu.yield
    }) : () -> ()
    "tpu.region"() ({
      %run_scoped3A = tpu.sem_alloc : memref<!tpu.dma_semaphore, #tpu.memory_space<semaphore_mem>>
      %dma_start3A_280 = arith.constant 0 : i32
      %dma_start3A_281 = tpu.memref_slice %arg16[%mul3A_2, %dma_start3A_280] : memref<10240x32xi32, #tpu.memory_space<vmem_shared>> -> memref<640x32xi32, #tpu.memory_space<vmem_shared>>
      %dma_start3A_282 = arith.constant 0 : i32
      %dma_start3A_283 = tpu.memref_slice %arg6[%mul3A_2, %dma_start3A_282] : memref<10240x32xi32, #tpu.memory_space<hbm>> -> memref<640x32xi32, #tpu.memory_space<hbm>>
      tpu.enqueue_dma source(%dma_start3A_283 : memref<640x32xi32, #tpu.memory_space<hbm>>) target(%dma_start3A_281 : memref<640x32xi32, #tpu.memory_space<vmem_shared>>) target_semaphore(%run_scoped3A : memref<!tpu.dma_semaphore, #tpu.memory_space<semaphore_mem>>)
      %dma_wait3A_284 = arith.constant 0 : i32
      %dma_wait3A_285 = tpu.memref_slice %arg16[%mul3A_2, %dma_wait3A_284] : memref<10240x32xi32, #tpu.memory_space<vmem_shared>> -> memref<640x32xi32, #tpu.memory_space<vmem_shared>>
      %dma_wait3A_286 = arith.constant 0 : i32
      %dma_wait3A_287 = tpu.memref_slice %arg6[%mul3A_2, %dma_wait3A_286] : memref<10240x32xi32, #tpu.memory_space<hbm>> -> memref<640x32xi32, #tpu.memory_space<hbm>>
      tpu.wait_dma2 semaphore(%run_scoped3A : memref<!tpu.dma_semaphore, #tpu.memory_space<semaphore_mem>>) src(%dma_wait3A_287 : memref<640x32xi32, #tpu.memory_space<hbm>>) dst(%dma_wait3A_285 : memref<640x32xi32, #tpu.memory_space<vmem_shared>>)
      tpu.yield
    }) : () -> ()
    %barrier3A = arith.constant 0 : index
    tpu.barrier barrier_id(%barrier3A)
    %iota3A = tpu.iota {dimensions = array<i32: 0>} : vector<16xi32>
    %ge3A = arith.constant 8 : i32
    %ge3A_3 = vector.broadcast %ge3A : i32 to vector<16xi32>
    %ge3A_4 = arith.cmpi sge, %iota3A, %ge3A_3 : vector<16xi32>
    %mul3A_5 = arith.constant 80 : i32
    %mul3A_6 = arith.muli %add3A, %mul3A_5 : i32
    "tpu.region"() ({
      %run_scoped3A = tpu.sem_alloc : memref<!tpu.dma_semaphore, #tpu.memory_space<semaphore_mem>>
      %dma_start3A_280 = arith.constant 0 : i32
      %dma_start3A_281 = tpu.memref_slice %arg2[%mul3A_6, %dma_start3A_280] : memref<2568x128xi32, #tpu.memory_space<hbm>> -> memref<81x128xi32, #tpu.memory_space<hbm>>
      %dma_start3A_282 = arith.constant 0 : i32
      %dma_start3A_283 = tpu.memref_slice %arg2[%mul3A_6, %dma_start3A_282] : memref<2568x128xi32, #tpu.memory_space<hbm>> -> memref<81x128xi32, #tpu.memory_space<hbm>>
      tpu.enqueue_dma source(%dma_start3A_283 : memref<81x128xi32, #tpu.memory_space<hbm>>) target(%arg9 : memref<81x128xi32, #tpu.memory_space<vmem>>) target_semaphore(%run_scoped3A : memref<!tpu.dma_semaphore, #tpu.memory_space<semaphore_mem>>)
      %dma_wait3A_284 = arith.constant 0 : i32
      %dma_wait3A_285 = tpu.memref_slice %arg2[%mul3A_6, %dma_wait3A_284] : memref<2568x128xi32, #tpu.memory_space<hbm>> -> memref<81x128xi32, #tpu.memory_space<hbm>>
      %dma_wait3A_286 = arith.constant 0 : i32
      %dma_wait3A_287 = tpu.memref_slice %arg2[%mul3A_6, %dma_wait3A_286] : memref<2568x128xi32, #tpu.memory_space<hbm>> -> memref<81x128xi32, #tpu.memory_space<hbm>>
      tpu.wait_dma2 semaphore(%run_scoped3A : memref<!tpu.dma_semaphore, #tpu.memory_space<semaphore_mem>>) src(%dma_wait3A_287 : memref<81x128xi32, #tpu.memory_space<hbm>>) dst(%arg9 : memref<81x128xi32, #tpu.memory_space<vmem>>)
      tpu.yield
    }) : () -> ()
    "tpu.region"() ({
      %run_scoped3A = tpu.sem_alloc : memref<!tpu.dma_semaphore, #tpu.memory_space<semaphore_mem>>
      %dma_start3A_280 = arith.constant 0 : i32
      %dma_start3A_281 = tpu.memref_slice %arg3[%mul3A_6, %dma_start3A_280] : memref<2568x128xi32, #tpu.memory_space<hbm>> -> memref<81x128xi32, #tpu.memory_space<hbm>>
      %dma_start3A_282 = arith.constant 0 : i32
      %dma_start3A_283 = tpu.memref_slice %arg3[%mul3A_6, %dma_start3A_282] : memref<2568x128xi32, #tpu.memory_space<hbm>> -> memref<81x128xi32, #tpu.memory_space<hbm>>
      tpu.enqueue_dma source(%dma_start3A_283 : memref<81x128xi32, #tpu.memory_space<hbm>>) target(%arg10 : memref<81x128xi32, #tpu.memory_space<vmem>>) target_semaphore(%run_scoped3A : memref<!tpu.dma_semaphore, #tpu.memory_space<semaphore_mem>>)
      %dma_wait3A_284 = arith.constant 0 : i32
      %dma_wait3A_285 = tpu.memref_slice %arg3[%mul3A_6, %dma_wait3A_284] : memref<2568x128xi32, #tpu.memory_space<hbm>> -> memref<81x128xi32, #tpu.memory_space<hbm>>
      %dma_wait3A_286 = arith.constant 0 : i32
      %dma_wait3A_287 = tpu.memref_slice %arg3[%mul3A_6, %dma_wait3A_286] : memref<2568x128xi32, #tpu.memory_space<hbm>> -> memref<81x128xi32, #tpu.memory_space<hbm>>
      tpu.wait_dma2 semaphore(%run_scoped3A : memref<!tpu.dma_semaphore, #tpu.memory_space<semaphore_mem>>) src(%dma_wait3A_287 : memref<81x128xi32, #tpu.memory_space<hbm>>) dst(%arg10 : memref<81x128xi32, #tpu.memory_space<vmem>>)
      tpu.yield
    }) : () -> ()
    %dma_start3A = arith.constant 0 : i32
    %dma_start3A_7 = arith.constant 0 : i32
    %dma_start3A_8 = arith.constant 0 : i32
    %dma_start3A_9 = arith.constant 0 : i32
    %dma_start3A_10 = tpu.memref_slice %arg11[%dma_start3A_7, %dma_start3A_8, %dma_start3A_9] : memref<2x128x16xf32, #tpu.memory_space<vmem>> -> memref<1x128x16xf32, #tpu.memory_space<vmem>>
    %dma_start3A_11 = tpu.memref_squeeze %dma_start3A_10 : memref<1x128x16xf32, #tpu.memory_space<vmem>> -> memref<128x16xf32, #tpu.memory_space<vmem>>
    %dma_start3A_12 = arith.constant 0 : i32
    %dma_start3A_13 = tpu.memref_slice %arg9[%dma_start3A, %dma_start3A_12] : memref<81x128xi32, #tpu.memory_space<vmem>> -> memref<1x128xi32, #tpu.memory_space<vmem>>
    %dma_start3A_14 = tpu.memref_squeeze %dma_start3A_13 : memref<1x128xi32, #tpu.memory_space<vmem>> -> memref<128xi32, #tpu.memory_space<vmem>>
    %dma_start3A_15 = arith.constant 0 : i32
    %dma_start3A_16 = arith.constant 0 : i32
    %dma_start3A_17 = tpu.memref_slice %arg4[%dma_start3A_15, %dma_start3A_16] : memref<10240x16xf32, #tpu.memory_space<hbm>> -> memref<10240x16xf32, #tpu.memory_space<hbm>>
    tpu.enqueue_indirect_dma source(%dma_start3A_17 : memref<10240x16xf32, #tpu.memory_space<hbm>>) target(%dma_start3A_11 : memref<128x16xf32, #tpu.memory_space<vmem>>) offsets(%dma_start3A_14 : memref<128xi32, #tpu.memory_space<vmem>>) semaphore(%arg17 : memref<!tpu.dma_semaphore, #tpu.memory_space<semaphore_mem>>)
    %dma_start3A_18 = arith.constant 0 : i32
    %dma_start3A_19 = arith.constant 0 : i32
    %dma_start3A_20 = arith.constant 0 : i32
    %dma_start3A_21 = arith.constant 0 : i32
    %dma_start3A_22 = tpu.memref_slice %arg12[%dma_start3A_19, %dma_start3A_20, %dma_start3A_21] : memref<2x128x16xf32, #tpu.memory_space<vmem>> -> memref<1x128x16xf32, #tpu.memory_space<vmem>>
    %dma_start3A_23 = tpu.memref_squeeze %dma_start3A_22 : memref<1x128x16xf32, #tpu.memory_space<vmem>> -> memref<128x16xf32, #tpu.memory_space<vmem>>
    %dma_start3A_24 = arith.constant 0 : i32
    %dma_start3A_25 = tpu.memref_slice %arg10[%dma_start3A_18, %dma_start3A_24] : memref<81x128xi32, #tpu.memory_space<vmem>> -> memref<1x128xi32, #tpu.memory_space<vmem>>
    %dma_start3A_26 = tpu.memref_squeeze %dma_start3A_25 : memref<1x128xi32, #tpu.memory_space<vmem>> -> memref<128xi32, #tpu.memory_space<vmem>>
    %dma_start3A_27 = arith.constant 0 : i32
    %dma_start3A_28 = arith.constant 0 : i32
    %dma_start3A_29 = tpu.memref_slice %arg5[%dma_start3A_27, %dma_start3A_28] : memref<10240x16xf32, #tpu.memory_space<hbm>> -> memref<10240x16xf32, #tpu.memory_space<hbm>>
    tpu.enqueue_indirect_dma source(%dma_start3A_29 : memref<10240x16xf32, #tpu.memory_space<hbm>>) target(%dma_start3A_23 : memref<128x16xf32, #tpu.memory_space<vmem>>) offsets(%dma_start3A_26 : memref<128xi32, #tpu.memory_space<vmem>>) semaphore(%arg18 : memref<!tpu.dma_semaphore, #tpu.memory_space<semaphore_mem>>)
    %dma_start3A_30 = arith.constant 0 : i32
    %dma_start3A_31 = arith.constant 0 : i32
    %dma_start3A_32 = arith.constant 0 : i32
    %dma_start3A_33 = arith.constant 0 : i32
    %dma_start3A_34 = tpu.memref_slice %arg13[%dma_start3A_31, %dma_start3A_32, %dma_start3A_33] : memref<2x128x32xi32, #tpu.memory_space<vmem>> -> memref<1x128x32xi32, #tpu.memory_space<vmem>>
    %dma_start3A_35 = tpu.memref_squeeze %dma_start3A_34 : memref<1x128x32xi32, #tpu.memory_space<vmem>> -> memref<128x32xi32, #tpu.memory_space<vmem>>
    %dma_start3A_36 = arith.constant 0 : i32
    %dma_start3A_37 = tpu.memref_slice %arg9[%dma_start3A_30, %dma_start3A_36] : memref<81x128xi32, #tpu.memory_space<vmem>> -> memref<1x128xi32, #tpu.memory_space<vmem>>
    %dma_start3A_38 = tpu.memref_squeeze %dma_start3A_37 : memref<1x128xi32, #tpu.memory_space<vmem>> -> memref<128xi32, #tpu.memory_space<vmem>>
    %dma_start3A_39 = arith.constant 0 : i32
    %dma_start3A_40 = arith.constant 0 : i32
    %dma_start3A_41 = tpu.memref_slice %arg16[%dma_start3A_39, %dma_start3A_40] : memref<10240x32xi32, #tpu.memory_space<vmem_shared>> -> memref<10240x32xi32, #tpu.memory_space<vmem_shared>>
    tpu.enqueue_indirect_dma source(%dma_start3A_41 : memref<10240x32xi32, #tpu.memory_space<vmem_shared>>) target(%dma_start3A_35 : memref<128x32xi32, #tpu.memory_space<vmem>>) offsets(%dma_start3A_38 : memref<128xi32, #tpu.memory_space<vmem>>) semaphore(%arg19 : memref<!tpu.dma_semaphore, #tpu.memory_space<semaphore_mem>>)
    %dma_wait3A = arith.constant 0 : i32
    %dma_wait3A_42 = arith.constant 0 : i32
    %dma_wait3A_43 = arith.constant 0 : i32
    %dma_wait3A_44 = arith.constant 0 : i32
    %dma_wait3A_45 = tpu.memref_slice %arg11[%dma_wait3A_42, %dma_wait3A_43, %dma_wait3A_44] : memref<2x128x16xf32, #tpu.memory_space<vmem>> -> memref<1x128x16xf32, #tpu.memory_space<vmem>>
    %dma_wait3A_46 = tpu.memref_squeeze %dma_wait3A_45 : memref<1x128x16xf32, #tpu.memory_space<vmem>> -> memref<128x16xf32, #tpu.memory_space<vmem>>
    %dma_wait3A_47 = arith.constant 0 : i32
    %dma_wait3A_48 = tpu.memref_slice %arg9[%dma_wait3A, %dma_wait3A_47] : memref<81x128xi32, #tpu.memory_space<vmem>> -> memref<1x128xi32, #tpu.memory_space<vmem>>
    %dma_wait3A_49 = tpu.memref_squeeze %dma_wait3A_48 : memref<1x128xi32, #tpu.memory_space<vmem>> -> memref<128xi32, #tpu.memory_space<vmem>>
    %dma_wait3A_50 = arith.constant 0 : i32
    %dma_wait3A_51 = arith.constant 0 : i32
    %dma_wait3A_52 = tpu.memref_slice %arg4[%dma_wait3A_50, %dma_wait3A_51] : memref<10240x16xf32, #tpu.memory_space<hbm>> -> memref<10240x16xf32, #tpu.memory_space<hbm>>
    tpu.wait_indirect_dma semaphore(%arg17 : memref<!tpu.dma_semaphore, #tpu.memory_space<semaphore_mem>>) src(%dma_wait3A_52 : memref<10240x16xf32, #tpu.memory_space<hbm>>) dst(%dma_wait3A_46 : memref<128x16xf32, #tpu.memory_space<vmem>>)
    %dma_wait3A_53 = arith.constant 0 : i32
    %dma_wait3A_54 = arith.constant 0 : i32
    %dma_wait3A_55 = arith.constant 0 : i32
    %dma_wait3A_56 = arith.constant 0 : i32
    %dma_wait3A_57 = tpu.memref_slice %arg12[%dma_wait3A_54, %dma_wait3A_55, %dma_wait3A_56] : memref<2x128x16xf32, #tpu.memory_space<vmem>> -> memref<1x128x16xf32, #tpu.memory_space<vmem>>
    %dma_wait3A_58 = tpu.memref_squeeze %dma_wait3A_57 : memref<1x128x16xf32, #tpu.memory_space<vmem>> -> memref<128x16xf32, #tpu.memory_space<vmem>>
    %dma_wait3A_59 = arith.constant 0 : i32
    %dma_wait3A_60 = tpu.memref_slice %arg10[%dma_wait3A_53, %dma_wait3A_59] : memref<81x128xi32, #tpu.memory_space<vmem>> -> memref<1x128xi32, #tpu.memory_space<vmem>>
    %dma_wait3A_61 = tpu.memref_squeeze %dma_wait3A_60 : memref<1x128xi32, #tpu.memory_space<vmem>> -> memref<128xi32, #tpu.memory_space<vmem>>
    %dma_wait3A_62 = arith.constant 0 : i32
    %dma_wait3A_63 = arith.constant 0 : i32
    %dma_wait3A_64 = tpu.memref_slice %arg5[%dma_wait3A_62, %dma_wait3A_63] : memref<10240x16xf32, #tpu.memory_space<hbm>> -> memref<10240x16xf32, #tpu.memory_space<hbm>>
    tpu.wait_indirect_dma semaphore(%arg18 : memref<!tpu.dma_semaphore, #tpu.memory_space<semaphore_mem>>) src(%dma_wait3A_64 : memref<10240x16xf32, #tpu.memory_space<hbm>>) dst(%dma_wait3A_58 : memref<128x16xf32, #tpu.memory_space<vmem>>)
    %dma_wait3A_65 = arith.constant 0 : i32
    %dma_wait3A_66 = arith.constant 0 : i32
    %dma_wait3A_67 = arith.constant 0 : i32
    %dma_wait3A_68 = arith.constant 0 : i32
    %dma_wait3A_69 = tpu.memref_slice %arg13[%dma_wait3A_66, %dma_wait3A_67, %dma_wait3A_68] : memref<2x128x32xi32, #tpu.memory_space<vmem>> -> memref<1x128x32xi32, #tpu.memory_space<vmem>>
    %dma_wait3A_70 = tpu.memref_squeeze %dma_wait3A_69 : memref<1x128x32xi32, #tpu.memory_space<vmem>> -> memref<128x32xi32, #tpu.memory_space<vmem>>
    %dma_wait3A_71 = arith.constant 0 : i32
    %dma_wait3A_72 = tpu.memref_slice %arg9[%dma_wait3A_65, %dma_wait3A_71] : memref<81x128xi32, #tpu.memory_space<vmem>> -> memref<1x128xi32, #tpu.memory_space<vmem>>
    %dma_wait3A_73 = tpu.memref_squeeze %dma_wait3A_72 : memref<1x128xi32, #tpu.memory_space<vmem>> -> memref<128xi32, #tpu.memory_space<vmem>>
    %dma_wait3A_74 = arith.constant 0 : i32
    %dma_wait3A_75 = arith.constant 0 : i32
    %dma_wait3A_76 = tpu.memref_slice %arg16[%dma_wait3A_74, %dma_wait3A_75] : memref<10240x32xi32, #tpu.memory_space<vmem_shared>> -> memref<10240x32xi32, #tpu.memory_space<vmem_shared>>
    tpu.wait_indirect_dma semaphore(%arg19 : memref<!tpu.dma_semaphore, #tpu.memory_space<semaphore_mem>>) src(%dma_wait3A_76 : memref<10240x32xi32, #tpu.memory_space<vmem_shared>>) dst(%dma_wait3A_70 : memref<128x32xi32, #tpu.memory_space<vmem>>)
    %dma_start3A_77 = arith.constant 1 : i32
    %dma_start3A_78 = arith.constant 1 : i32
    %dma_start3A_79 = arith.constant 0 : i32
    %dma_start3A_80 = arith.constant 0 : i32
    %dma_start3A_81 = tpu.memref_slice %arg11[%dma_start3A_78, %dma_start3A_79, %dma_start3A_80] : memref<2x128x16xf32, #tpu.memory_space<vmem>> -> memref<1x128x16xf32, #tpu.memory_space<vmem>>
    %dma_start3A_82 = tpu.memref_squeeze %dma_start3A_81 : memref<1x128x16xf32, #tpu.memory_space<vmem>> -> memref<128x16xf32, #tpu.memory_space<vmem>>
    %dma_start3A_83 = arith.constant 0 : i32
    %dma_start3A_84 = tpu.memref_slice %arg9[%dma_start3A_77, %dma_start3A_83] : memref<81x128xi32, #tpu.memory_space<vmem>> -> memref<1x128xi32, #tpu.memory_space<vmem>>
    %dma_start3A_85 = tpu.memref_squeeze %dma_start3A_84 : memref<1x128xi32, #tpu.memory_space<vmem>> -> memref<128xi32, #tpu.memory_space<vmem>>
    %dma_start3A_86 = arith.constant 0 : i32
    %dma_start3A_87 = arith.constant 0 : i32
    %dma_start3A_88 = tpu.memref_slice %arg4[%dma_start3A_86, %dma_start3A_87] : memref<10240x16xf32, #tpu.memory_space<hbm>> -> memref<10240x16xf32, #tpu.memory_space<hbm>>
    tpu.enqueue_indirect_dma source(%dma_start3A_88 : memref<10240x16xf32, #tpu.memory_space<hbm>>) target(%dma_start3A_82 : memref<128x16xf32, #tpu.memory_space<vmem>>) offsets(%dma_start3A_85 : memref<128xi32, #tpu.memory_space<vmem>>) semaphore(%arg20 : memref<!tpu.dma_semaphore, #tpu.memory_space<semaphore_mem>>)
    %dma_start3A_89 = arith.constant 1 : i32
    %dma_start3A_90 = arith.constant 1 : i32
    %dma_start3A_91 = arith.constant 0 : i32
    %dma_start3A_92 = arith.constant 0 : i32
    %dma_start3A_93 = tpu.memref_slice %arg12[%dma_start3A_90, %dma_start3A_91, %dma_start3A_92] : memref<2x128x16xf32, #tpu.memory_space<vmem>> -> memref<1x128x16xf32, #tpu.memory_space<vmem>>
    %dma_start3A_94 = tpu.memref_squeeze %dma_start3A_93 : memref<1x128x16xf32, #tpu.memory_space<vmem>> -> memref<128x16xf32, #tpu.memory_space<vmem>>
    %dma_start3A_95 = arith.constant 0 : i32
    %dma_start3A_96 = tpu.memref_slice %arg10[%dma_start3A_89, %dma_start3A_95] : memref<81x128xi32, #tpu.memory_space<vmem>> -> memref<1x128xi32, #tpu.memory_space<vmem>>
    %dma_start3A_97 = tpu.memref_squeeze %dma_start3A_96 : memref<1x128xi32, #tpu.memory_space<vmem>> -> memref<128xi32, #tpu.memory_space<vmem>>
    %dma_start3A_98 = arith.constant 0 : i32
    %dma_start3A_99 = arith.constant 0 : i32
    %dma_start3A_100 = tpu.memref_slice %arg5[%dma_start3A_98, %dma_start3A_99] : memref<10240x16xf32, #tpu.memory_space<hbm>> -> memref<10240x16xf32, #tpu.memory_space<hbm>>
    tpu.enqueue_indirect_dma source(%dma_start3A_100 : memref<10240x16xf32, #tpu.memory_space<hbm>>) target(%dma_start3A_94 : memref<128x16xf32, #tpu.memory_space<vmem>>) offsets(%dma_start3A_97 : memref<128xi32, #tpu.memory_space<vmem>>) semaphore(%arg21 : memref<!tpu.dma_semaphore, #tpu.memory_space<semaphore_mem>>)
    %dma_start3A_101 = arith.constant 1 : i32
    %dma_start3A_102 = arith.constant 1 : i32
    %dma_start3A_103 = arith.constant 0 : i32
    %dma_start3A_104 = arith.constant 0 : i32
    %dma_start3A_105 = tpu.memref_slice %arg13[%dma_start3A_102, %dma_start3A_103, %dma_start3A_104] : memref<2x128x32xi32, #tpu.memory_space<vmem>> -> memref<1x128x32xi32, #tpu.memory_space<vmem>>
    %dma_start3A_106 = tpu.memref_squeeze %dma_start3A_105 : memref<1x128x32xi32, #tpu.memory_space<vmem>> -> memref<128x32xi32, #tpu.memory_space<vmem>>
    %dma_start3A_107 = arith.constant 0 : i32
    %dma_start3A_108 = tpu.memref_slice %arg9[%dma_start3A_101, %dma_start3A_107] : memref<81x128xi32, #tpu.memory_space<vmem>> -> memref<1x128xi32, #tpu.memory_space<vmem>>
    %dma_start3A_109 = tpu.memref_squeeze %dma_start3A_108 : memref<1x128xi32, #tpu.memory_space<vmem>> -> memref<128xi32, #tpu.memory_space<vmem>>
    %dma_start3A_110 = arith.constant 0 : i32
    %dma_start3A_111 = arith.constant 0 : i32
    %dma_start3A_112 = tpu.memref_slice %arg16[%dma_start3A_110, %dma_start3A_111] : memref<10240x32xi32, #tpu.memory_space<vmem_shared>> -> memref<10240x32xi32, #tpu.memory_space<vmem_shared>>
    tpu.enqueue_indirect_dma source(%dma_start3A_112 : memref<10240x32xi32, #tpu.memory_space<vmem_shared>>) target(%dma_start3A_106 : memref<128x32xi32, #tpu.memory_space<vmem>>) offsets(%dma_start3A_109 : memref<128xi32, #tpu.memory_space<vmem>>) semaphore(%arg22 : memref<!tpu.dma_semaphore, #tpu.memory_space<semaphore_mem>>)
    %parallel_loop3A = arith.constant 0 : i32
    %parallel_loop3A_113 = arith.constant 128 : i32
    %parallel_loop3A_114 = arith.constant 1 : i32
    scf.for %parallel_loop3A_280 = %parallel_loop3A to %parallel_loop3A_113 step %parallel_loop3A_114  : i32 {
      %parallel_loop3A_281 = arith.constant 0 : i32
      %parallel_loop3A_282 = arith.index_cast %parallel_loop3A_281 : i32 to index
      %parallel_loop3A_283 = arith.index_cast %parallel_loop3A_280 : i32 to index
      %parallel_loop3A_284 = arith.constant 0 : index
      %parallel_loop3A_285 = tpu.vector_load %arg11[%parallel_loop3A_282, %parallel_loop3A_283, %parallel_loop3A_284] {strides = array<i32>} : memref<2x128x16xf32, #tpu.memory_space<vmem>>, vector<1x1x16xf32>,
      %parallel_loop3A_286 = vector.shape_cast %parallel_loop3A_285 : vector<1x1x16xf32> to vector<16xf32>
      %parallel_loop3A_287 = arith.constant 0 : i32
      %parallel_loop3A_288 = arith.index_cast %parallel_loop3A_287 : i32 to index
      %parallel_loop3A_289 = arith.index_cast %parallel_loop3A_280 : i32 to index
      %parallel_loop3A_290 = arith.constant 0 : index
      %parallel_loop3A_291 = tpu.vector_load %arg12[%parallel_loop3A_288, %parallel_loop3A_289, %parallel_loop3A_290] {strides = array<i32>} : memref<2x128x16xf32, #tpu.memory_space<vmem>>, vector<1x1x16xf32>,
      %parallel_loop3A_292 = vector.shape_cast %parallel_loop3A_291 : vector<1x1x16xf32> to vector<16xf32>
      %parallel_loop3A_293 = arith.addf %parallel_loop3A_286, %parallel_loop3A_292 : vector<16xf32>
      %parallel_loop3A_294 = arith.constant 2.000000e-01 : f32
      %parallel_loop3A_295 = vector.broadcast %parallel_loop3A_294 : f32 to vector<16xf32>
      %parallel_loop3A_296 = arith.mulf %parallel_loop3A_295, %parallel_loop3A_293 : vector<16xf32>
      %parallel_loop3A_297 = arith.maximumf %parallel_loop3A_293, %parallel_loop3A_296 : vector<16xf32>
      %parallel_loop3A_298 = math.exp %parallel_loop3A_297 : vector<16xf32>
      %parallel_loop3A_299 = arith.constant 0 : i32
      %parallel_loop3A_300 = arith.index_cast %parallel_loop3A_299 : i32 to index
      %parallel_loop3A_301 = arith.index_cast %parallel_loop3A_280 : i32 to index
      %parallel_loop3A_302 = arith.constant 0 : index
      %parallel_loop3A_303 = tpu.vector_load %arg14[%parallel_loop3A_300, %parallel_loop3A_301, %parallel_loop3A_302] {strides = array<i32>} : memref<2x128x80xf32, #tpu.memory_space<vmem>>, vector<1x1x16xf32>,
      %parallel_loop3A_304 = vector.shape_cast %parallel_loop3A_303 : vector<1x1x16xf32> to vector<16xf32>
      %parallel_loop3A_305 = vector.shape_cast %parallel_loop3A_298 : vector<16xf32> to vector<1x1x16xf32>
      tpu.vector_store %arg14[%parallel_loop3A_300, %parallel_loop3A_301, %parallel_loop3A_302], %parallel_loop3A_305 {strides = array<i32>} : memref<2x128x80xf32, #tpu.memory_space<vmem>>, vector<1x1x16xf32>,
      %parallel_loop3A_306 = arith.constant 0 : i32
      %parallel_loop3A_307 = arith.index_cast %parallel_loop3A_306 : i32 to index
      %parallel_loop3A_308 = arith.index_cast %parallel_loop3A_280 : i32 to index
      %parallel_loop3A_309 = arith.constant 0 : index
      %parallel_loop3A_310 = tpu.vector_load %arg13[%parallel_loop3A_307, %parallel_loop3A_308, %parallel_loop3A_309] {strides = array<i32>} : memref<2x128x32xi32, #tpu.memory_space<vmem>>, vector<1x1x16xi32>,
      %parallel_loop3A_311 = vector.shape_cast %parallel_loop3A_310 : vector<1x1x16xi32> to vector<16xi32>
      %parallel_loop3A_312 = arith.constant 16 : i32
      %parallel_loop3A_313 = vector.broadcast %parallel_loop3A_312 : i32 to vector<16xi32>
      %parallel_loop3A_314 = arith.shli %parallel_loop3A_311, %parallel_loop3A_313 : vector<16xi32>
      %parallel_loop3A_315 = tpu.bitcast %parallel_loop3A_314 : vector<16xi32> -> vector<16xf32>
      %parallel_loop3A_316 = arith.constant -65536 : i32
      %parallel_loop3A_317 = vector.broadcast %parallel_loop3A_316 : i32 to vector<16xi32>
      %parallel_loop3A_318 = arith.andi %parallel_loop3A_311, %parallel_loop3A_317 : vector<16xi32>
      %parallel_loop3A_319 = tpu.bitcast %parallel_loop3A_318 : vector<16xi32> -> vector<16xf32>
      %parallel_loop3A_320 = vector.extract_strided_slice %parallel_loop3A_298 {offsets = [0], sizes = [1], strides = [1]} : vector<16xf32> to vector<1xf32>
      %parallel_loop3A_321 = vector.extract %parallel_loop3A_320[0] : f32 from vector<1xf32>
      %parallel_loop3A_322 = vector.broadcast %parallel_loop3A_321 : f32 to vector<16xf32>
      %parallel_loop3A_323 = arith.mulf %parallel_loop3A_322, %parallel_loop3A_315 : vector<16xf32>
      %parallel_loop3A_324 = arith.constant 0 : i32
      %parallel_loop3A_325 = arith.index_cast %parallel_loop3A_324 : i32 to index
      %parallel_loop3A_326 = arith.index_cast %parallel_loop3A_280 : i32 to index
      %parallel_loop3A_327 = arith.constant 16 : index
      %parallel_loop3A_328 = tpu.vector_load %arg14[%parallel_loop3A_325, %parallel_loop3A_326, %parallel_loop3A_327] {strides = array<i32>} : memref<2x128x80xf32, #tpu.memory_space<vmem>>, vector<1x1x16xf32>,
      %parallel_loop3A_329 = vector.shape_cast %parallel_loop3A_328 : vector<1x1x16xf32> to vector<16xf32>
      %parallel_loop3A_330 = vector.shape_cast %parallel_loop3A_323 : vector<16xf32> to vector<1x1x16xf32>
      tpu.vector_store %arg14[%parallel_loop3A_325, %parallel_loop3A_326, %parallel_loop3A_327], %parallel_loop3A_330 {strides = array<i32>} : memref<2x128x80xf32, #tpu.memory_space<vmem>>, vector<1x1x16xf32>,
      %parallel_loop3A_331 = vector.extract_strided_slice %parallel_loop3A_298 {offsets = [0], sizes = [1], strides = [1]} : vector<16xf32> to vector<1xf32>
      %parallel_loop3A_332 = vector.extract %parallel_loop3A_331[0] : f32 from vector<1xf32>
      %parallel_loop3A_333 = vector.broadcast %parallel_loop3A_332 : f32 to vector<16xf32>
      %parallel_loop3A_334 = arith.mulf %parallel_loop3A_333, %parallel_loop3A_319 : vector<16xf32>
      %parallel_loop3A_335 = arith.constant 0 : i32
      %parallel_loop3A_336 = arith.index_cast %parallel_loop3A_335 : i32 to index
      %parallel_loop3A_337 = arith.index_cast %parallel_loop3A_280 : i32 to index
      %parallel_loop3A_338 = arith.constant 32 : index
      %parallel_loop3A_339 = tpu.vector_load %arg14[%parallel_loop3A_336, %parallel_loop3A_337, %parallel_loop3A_338] {strides = array<i32>} : memref<2x128x80xf32, #tpu.memory_space<vmem>>, vector<1x1x16xf32>,
      %parallel_loop3A_340 = vector.shape_cast %parallel_loop3A_339 : vector<1x1x16xf32> to vector<16xf32>
      %parallel_loop3A_341 = vector.shape_cast %parallel_loop3A_334 : vector<16xf32> to vector<1x1x16xf32>
      tpu.vector_store %arg14[%parallel_loop3A_336, %parallel_loop3A_337, %parallel_loop3A_338], %parallel_loop3A_341 {strides = array<i32>} : memref<2x128x80xf32, #tpu.memory_space<vmem>>, vector<1x1x16xf32>,
      %parallel_loop3A_342 = arith.constant 0 : i32
      %parallel_loop3A_343 = arith.index_cast %parallel_loop3A_342 : i32 to index
      %parallel_loop3A_344 = arith.index_cast %parallel_loop3A_280 : i32 to index
      %parallel_loop3A_345 = arith.constant 16 : index
      %parallel_loop3A_346 = tpu.vector_load %arg13[%parallel_loop3A_343, %parallel_loop3A_344, %parallel_loop3A_345] {strides = array<i32>} : memref<2x128x32xi32, #tpu.memory_space<vmem>>, vector<1x1x16xi32>,
      %parallel_loop3A_347 = vector.shape_cast %parallel_loop3A_346 : vector<1x1x16xi32> to vector<16xi32>
      %parallel_loop3A_348 = arith.constant 16 : i32
      %parallel_loop3A_349 = vector.broadcast %parallel_loop3A_348 : i32 to vector<16xi32>
      %parallel_loop3A_350 = arith.shli %parallel_loop3A_347, %parallel_loop3A_349 : vector<16xi32>
      %parallel_loop3A_351 = tpu.bitcast %parallel_loop3A_350 : vector<16xi32> -> vector<16xf32>
      %parallel_loop3A_352 = arith.constant -65536 : i32
      %parallel_loop3A_353 = vector.broadcast %parallel_loop3A_352 : i32 to vector<16xi32>
      %parallel_loop3A_354 = arith.andi %parallel_loop3A_347, %parallel_loop3A_353 : vector<16xi32>
      %parallel_loop3A_355 = tpu.bitcast %parallel_loop3A_354 : vector<16xi32> -> vector<16xf32>
      %parallel_loop3A_356 = vector.extract_strided_slice %parallel_loop3A_298 {offsets = [0], sizes = [1], strides = [1]} : vector<16xf32> to vector<1xf32>
      %parallel_loop3A_357 = vector.extract %parallel_loop3A_356[0] : f32 from vector<1xf32>
      %parallel_loop3A_358 = vector.broadcast %parallel_loop3A_357 : f32 to vector<16xf32>
      %parallel_loop3A_359 = arith.mulf %parallel_loop3A_358, %parallel_loop3A_351 : vector<16xf32>
      %parallel_loop3A_360 = arith.constant 0 : i32
      %parallel_loop3A_361 = arith.index_cast %parallel_loop3A_360 : i32 to index
      %parallel_loop3A_362 = arith.index_cast %parallel_loop3A_280 : i32 to index
      %parallel_loop3A_363 = arith.constant 48 : index
      %parallel_loop3A_364 = tpu.vector_load %arg14[%parallel_loop3A_361, %parallel_loop3A_362, %parallel_loop3A_363] {strides = array<i32>} : memref<2x128x80xf32, #tpu.memory_space<vmem>>, vector<1x1x16xf32>,
      %parallel_loop3A_365 = vector.shape_cast %parallel_loop3A_364 : vector<1x1x16xf32> to vector<16xf32>
      %parallel_loop3A_366 = vector.shape_cast %parallel_loop3A_359 : vector<16xf32> to vector<1x1x16xf32>
      tpu.vector_store %arg14[%parallel_loop3A_361, %parallel_loop3A_362, %parallel_loop3A_363], %parallel_loop3A_366 {strides = array<i32>} : memref<2x128x80xf32, #tpu.memory_space<vmem>>, vector<1x1x16xf32>,
      %parallel_loop3A_367 = vector.extract_strided_slice %parallel_loop3A_298 {offsets = [0], sizes = [1], strides = [1]} : vector<16xf32> to vector<1xf32>
      %parallel_loop3A_368 = vector.extract %parallel_loop3A_367[0] : f32 from vector<1xf32>
      %parallel_loop3A_369 = vector.broadcast %parallel_loop3A_368 : f32 to vector<16xf32>
      %parallel_loop3A_370 = arith.mulf %parallel_loop3A_369, %parallel_loop3A_355 : vector<16xf32>
      %parallel_loop3A_371 = arith.constant 0 : i32
      %parallel_loop3A_372 = arith.index_cast %parallel_loop3A_371 : i32 to index
      %parallel_loop3A_373 = arith.index_cast %parallel_loop3A_280 : i32 to index
      %parallel_loop3A_374 = arith.constant 64 : index
      %parallel_loop3A_375 = tpu.vector_load %arg14[%parallel_loop3A_372, %parallel_loop3A_373, %parallel_loop3A_374] {strides = array<i32>} : memref<2x128x80xf32, #tpu.memory_space<vmem>>, vector<1x1x16xf32>,
      %parallel_loop3A_376 = vector.shape_cast %parallel_loop3A_375 : vector<1x1x16xf32> to vector<16xf32>
      %parallel_loop3A_377 = vector.shape_cast %parallel_loop3A_370 : vector<16xf32> to vector<1x1x16xf32>
      tpu.vector_store %arg14[%parallel_loop3A_372, %parallel_loop3A_373, %parallel_loop3A_374], %parallel_loop3A_377 {strides = array<i32>} : memref<2x128x80xf32, #tpu.memory_space<vmem>>, vector<1x1x16xf32>,
    } {sc.loop_unroll_factor = 1 : i64, sc.parallel_access}
    %dma_start3A_115 = arith.constant 0 : i32
    %dma_start3A_116 = arith.constant 0 : i32
    %dma_start3A_117 = arith.constant 0 : i32
    %dma_start3A_118 = arith.constant 0 : i32
    %dma_start3A_119 = tpu.memref_slice %arg14[%dma_start3A_115, %dma_start3A_117, %dma_start3A_118] : memref<2x128x80xf32, #tpu.memory_space<vmem>> -> memref<1x128x80xf32, #tpu.memory_space<vmem>>
    %dma_start3A_120 = tpu.memref_squeeze %dma_start3A_119 : memref<1x128x80xf32, #tpu.memory_space<vmem>> -> memref<128x80xf32, #tpu.memory_space<vmem>>
    %dma_start3A_121 = arith.constant 0 : i32
    %dma_start3A_122 = tpu.memref_slice %arg10[%dma_start3A_116, %dma_start3A_121] : memref<81x128xi32, #tpu.memory_space<vmem>> -> memref<1x128xi32, #tpu.memory_space<vmem>>
    %dma_start3A_123 = tpu.memref_squeeze %dma_start3A_122 : memref<1x128xi32, #tpu.memory_space<vmem>> -> memref<128xi32, #tpu.memory_space<vmem>>
    %dma_start3A_124 = arith.constant 0 : i32
    %dma_start3A_125 = arith.constant 0 : i32
    %dma_start3A_126 = tpu.memref_slice %arg15[%dma_start3A_124, %dma_start3A_125] : memref<10240x80xf32, #tpu.memory_space<vmem_shared>> -> memref<10240x80xf32, #tpu.memory_space<vmem_shared>>
    tpu.enqueue_indirect_dma source(%dma_start3A_120 : memref<128x80xf32, #tpu.memory_space<vmem>>) target(%dma_start3A_126 : memref<10240x80xf32, #tpu.memory_space<vmem_shared>>) offsets(%dma_start3A_123 : memref<128xi32, #tpu.memory_space<vmem>>) semaphore(%arg23 : memref<!tpu.dma_semaphore, #tpu.memory_space<semaphore_mem>>) {add = true}
    %dma_wait3A_127 = arith.constant 0 : i32
    %dma_wait3A_128 = arith.constant 1 : i32
    %dma_wait3A_129 = arith.constant 0 : i32
    %dma_wait3A_130 = arith.constant 0 : i32
    %dma_wait3A_131 = tpu.memref_slice %arg11[%dma_wait3A_128, %dma_wait3A_129, %dma_wait3A_130] : memref<2x128x16xf32, #tpu.memory_space<vmem>> -> memref<1x128x16xf32, #tpu.memory_space<vmem>>
    %dma_wait3A_132 = tpu.memref_squeeze %dma_wait3A_131 : memref<1x128x16xf32, #tpu.memory_space<vmem>> -> memref<128x16xf32, #tpu.memory_space<vmem>>
    %dma_wait3A_133 = arith.constant 0 : i32
    %dma_wait3A_134 = tpu.memref_slice %arg9[%dma_wait3A_127, %dma_wait3A_133] : memref<81x128xi32, #tpu.memory_space<vmem>> -> memref<1x128xi32, #tpu.memory_space<vmem>>
    %dma_wait3A_135 = tpu.memref_squeeze %dma_wait3A_134 : memref<1x128xi32, #tpu.memory_space<vmem>> -> memref<128xi32, #tpu.memory_space<vmem>>
    %dma_wait3A_136 = arith.constant 0 : i32
    %dma_wait3A_137 = arith.constant 0 : i32
    %dma_wait3A_138 = tpu.memref_slice %arg4[%dma_wait3A_136, %dma_wait3A_137] : memref<10240x16xf32, #tpu.memory_space<hbm>> -> memref<10240x16xf32, #tpu.memory_space<hbm>>
    tpu.wait_indirect_dma semaphore(%arg20 : memref<!tpu.dma_semaphore, #tpu.memory_space<semaphore_mem>>) src(%dma_wait3A_138 : memref<10240x16xf32, #tpu.memory_space<hbm>>) dst(%dma_wait3A_132 : memref<128x16xf32, #tpu.memory_space<vmem>>)
    %dma_wait3A_139 = arith.constant 0 : i32
    %dma_wait3A_140 = arith.constant 1 : i32
    %dma_wait3A_141 = arith.constant 0 : i32
    %dma_wait3A_142 = arith.constant 0 : i32
    %dma_wait3A_143 = tpu.memref_slice %arg12[%dma_wait3A_140, %dma_wait3A_141, %dma_wait3A_142] : memref<2x128x16xf32, #tpu.memory_space<vmem>> -> memref<1x128x16xf32, #tpu.memory_space<vmem>>
    %dma_wait3A_144 = tpu.memref_squeeze %dma_wait3A_143 : memref<1x128x16xf32, #tpu.memory_space<vmem>> -> memref<128x16xf32, #tpu.memory_space<vmem>>
    %dma_wait3A_145 = arith.constant 0 : i32
    %dma_wait3A_146 = tpu.memref_slice %arg10[%dma_wait3A_139, %dma_wait3A_145] : memref<81x128xi32, #tpu.memory_space<vmem>> -> memref<1x128xi32, #tpu.memory_space<vmem>>
    %dma_wait3A_147 = tpu.memref_squeeze %dma_wait3A_146 : memref<1x128xi32, #tpu.memory_space<vmem>> -> memref<128xi32, #tpu.memory_space<vmem>>
    %dma_wait3A_148 = arith.constant 0 : i32
    %dma_wait3A_149 = arith.constant 0 : i32
    %dma_wait3A_150 = tpu.memref_slice %arg5[%dma_wait3A_148, %dma_wait3A_149] : memref<10240x16xf32, #tpu.memory_space<hbm>> -> memref<10240x16xf32, #tpu.memory_space<hbm>>
    tpu.wait_indirect_dma semaphore(%arg21 : memref<!tpu.dma_semaphore, #tpu.memory_space<semaphore_mem>>) src(%dma_wait3A_150 : memref<10240x16xf32, #tpu.memory_space<hbm>>) dst(%dma_wait3A_144 : memref<128x16xf32, #tpu.memory_space<vmem>>)
    %dma_wait3A_151 = arith.constant 0 : i32
    %dma_wait3A_152 = arith.constant 1 : i32
    %dma_wait3A_153 = arith.constant 0 : i32
    %dma_wait3A_154 = arith.constant 0 : i32
    %dma_wait3A_155 = tpu.memref_slice %arg13[%dma_wait3A_152, %dma_wait3A_153, %dma_wait3A_154] : memref<2x128x32xi32, #tpu.memory_space<vmem>> -> memref<1x128x32xi32, #tpu.memory_space<vmem>>
    %dma_wait3A_156 = tpu.memref_squeeze %dma_wait3A_155 : memref<1x128x32xi32, #tpu.memory_space<vmem>> -> memref<128x32xi32, #tpu.memory_space<vmem>>
    %dma_wait3A_157 = arith.constant 0 : i32
    %dma_wait3A_158 = tpu.memref_slice %arg9[%dma_wait3A_151, %dma_wait3A_157] : memref<81x128xi32, #tpu.memory_space<vmem>> -> memref<1x128xi32, #tpu.memory_space<vmem>>
    %dma_wait3A_159 = tpu.memref_squeeze %dma_wait3A_158 : memref<1x128xi32, #tpu.memory_space<vmem>> -> memref<128xi32, #tpu.memory_space<vmem>>
    %dma_wait3A_160 = arith.constant 0 : i32
    %dma_wait3A_161 = arith.constant 0 : i32
    %dma_wait3A_162 = tpu.memref_slice %arg16[%dma_wait3A_160, %dma_wait3A_161] : memref<10240x32xi32, #tpu.memory_space<vmem_shared>> -> memref<10240x32xi32, #tpu.memory_space<vmem_shared>>
    tpu.wait_indirect_dma semaphore(%arg22 : memref<!tpu.dma_semaphore, #tpu.memory_space<semaphore_mem>>) src(%dma_wait3A_162 : memref<10240x32xi32, #tpu.memory_space<vmem_shared>>) dst(%dma_wait3A_156 : memref<128x32xi32, #tpu.memory_space<vmem>>)
    %dma_start3A_163 = arith.constant 2 : i32
    %dma_start3A_164 = arith.constant 0 : i32
    %dma_start3A_165 = arith.constant 0 : i32
    %dma_start3A_166 = arith.constant 0 : i32
    %dma_start3A_167 = tpu.memref_slice %arg11[%dma_start3A_164, %dma_start3A_165, %dma_start3A_166] : memref<2x128x16xf32, #tpu.memory_space<vmem>> -> memref<1x128x16xf32, #tpu.memory_space<vmem>>
    %dma_start3A_168 = tpu.memref_squeeze %dma_start3A_167 : memref<1x128x16xf32, #tpu.memory_space<vmem>> -> memref<128x16xf32, #tpu.memory_space<vmem>>
    %dma_start3A_169 = arith.constant 0 : i32
    %dma_start3A_170 = tpu.memref_slice %arg9[%dma_start3A_163, %dma_start3A_169] : memref<81x128xi32, #tpu.memory_space<vmem>> -> memref<1x128xi32, #tpu.memory_space<vmem>>
    %dma_start3A_171 = tpu.memref_squeeze %dma_start3A_170 : memref<1x128xi32, #tpu.memory_space<vmem>> -> memref<128xi32, #tpu.memory_space<vmem>>
    %dma_start3A_172 = arith.constant 0 : i32
    %dma_start3A_173 = arith.constant 0 : i32
    %dma_start3A_174 = tpu.memref_slice %arg4[%dma_start3A_172, %dma_start3A_173] : memref<10240x16xf32, #tpu.memory_space<hbm>> -> memref<10240x16xf32, #tpu.memory_space<hbm>>
    tpu.enqueue_indirect_dma source(%dma_start3A_174 : memref<10240x16xf32, #tpu.memory_space<hbm>>) target(%dma_start3A_168 : memref<128x16xf32, #tpu.memory_space<vmem>>) offsets(%dma_start3A_171 : memref<128xi32, #tpu.memory_space<vmem>>) semaphore(%arg17 : memref<!tpu.dma_semaphore, #tpu.memory_space<semaphore_mem>>)
    %dma_start3A_175 = arith.constant 2 : i32
    %dma_start3A_176 = arith.constant 0 : i32
    %dma_start3A_177 = arith.constant 0 : i32
    %dma_start3A_178 = arith.constant 0 : i32
    %dma_start3A_179 = tpu.memref_slice %arg12[%dma_start3A_176, %dma_start3A_177, %dma_start3A_178] : memref<2x128x16xf32, #tpu.memory_space<vmem>> -> memref<1x128x16xf32, #tpu.memory_space<vmem>>
    %dma_start3A_180 = tpu.memref_squeeze %dma_start3A_179 : memref<1x128x16xf32, #tpu.memory_space<vmem>> -> memref<128x16xf32, #tpu.memory_space<vmem>>
    %dma_start3A_181 = arith.constant 0 : i32
    %dma_start3A_182 = tpu.memref_slice %arg10[%dma_start3A_175, %dma_start3A_181] : memref<81x128xi32, #tpu.memory_space<vmem>> -> memref<1x128xi32, #tpu.memory_space<vmem>>
    %dma_start3A_183 = tpu.memref_squeeze %dma_start3A_182 : memref<1x128xi32, #tpu.memory_space<vmem>> -> memref<128xi32, #tpu.memory_space<vmem>>
    %dma_start3A_184 = arith.constant 0 : i32
    %dma_start3A_185 = arith.constant 0 : i32
    %dma_start3A_186 = tpu.memref_slice %arg5[%dma_start3A_184, %dma_start3A_185] : memref<10240x16xf32, #tpu.memory_space<hbm>> -> memref<10240x16xf32, #tpu.memory_space<hbm>>
    tpu.enqueue_indirect_dma source(%dma_start3A_186 : memref<10240x16xf32, #tpu.memory_space<hbm>>) target(%dma_start3A_180 : memref<128x16xf32, #tpu.memory_space<vmem>>) offsets(%dma_start3A_183 : memref<128xi32, #tpu.memory_space<vmem>>) semaphore(%arg18 : memref<!tpu.dma_semaphore, #tpu.memory_space<semaphore_mem>>)
    %dma_start3A_187 = arith.constant 2 : i32
    %dma_start3A_188 = arith.constant 0 : i32
    %dma_start3A_189 = arith.constant 0 : i32
    %dma_start3A_190 = arith.constant 0 : i32
    %dma_start3A_191 = tpu.memref_slice %arg13[%dma_start3A_188, %dma_start3A_189, %dma_start3A_190] : memref<2x128x32xi32, #tpu.memory_space<vmem>> -> memref<1x128x32xi32, #tpu.memory_space<vmem>>
    %dma_start3A_192 = tpu.memref_squeeze %dma_start3A_191 : memref<1x128x32xi32, #tpu.memory_space<vmem>> -> memref<128x32xi32, #tpu.memory_space<vmem>>
    %dma_start3A_193 = arith.constant 0 : i32
    %dma_start3A_194 = tpu.memref_slice %arg9[%dma_start3A_187, %dma_start3A_193] : memref<81x128xi32, #tpu.memory_space<vmem>> -> memref<1x128xi32, #tpu.memory_space<vmem>>
    %dma_start3A_195 = tpu.memref_squeeze %dma_start3A_194 : memref<1x128xi32, #tpu.memory_space<vmem>> -> memref<128xi32, #tpu.memory_space<vmem>>
    %dma_start3A_196 = arith.constant 0 : i32
    %dma_start3A_197 = arith.constant 0 : i32
    %dma_start3A_198 = tpu.memref_slice %arg16[%dma_start3A_196, %dma_start3A_197] : memref<10240x32xi32, #tpu.memory_space<vmem_shared>> -> memref<10240x32xi32, #tpu.memory_space<vmem_shared>>
    tpu.enqueue_indirect_dma source(%dma_start3A_198 : memref<10240x32xi32, #tpu.memory_space<vmem_shared>>) target(%dma_start3A_192 : memref<128x32xi32, #tpu.memory_space<vmem>>) offsets(%dma_start3A_195 : memref<128xi32, #tpu.memory_space<vmem>>) semaphore(%arg19 : memref<!tpu.dma_semaphore, #tpu.memory_space<semaphore_mem>>)
    %parallel_loop3A_199 = arith.constant 0 : i32
    %parallel_loop3A_200 = arith.constant 128 : i32
    %parallel_loop3A_201 = arith.constant 1 : i32
    scf.for %parallel_loop3A_280 = %parallel_loop3A_199 to %parallel_loop3A_200 step %parallel_loop3A_201  : i32 {
      %parallel_loop3A_281 = arith.constant 1 : i32
      %parallel_loop3A_282 = arith.index_cast %parallel_loop3A_281 : i32 to index
      %parallel_loop3A_283 = arith.index_cast %parallel_loop3A_280 : i32 to index
      %parallel_loop3A_284 = arith.constant 0 : index
      %parallel_loop3A_285 = tpu.vector_load %arg11[%parallel_loop3A_282, %parallel_loop3A_283, %parallel_loop3A_284] {strides = array<i32>} : memref<2x128x16xf32, #tpu.memory_space<vmem>>, vector<1x1x16xf32>,
      %parallel_loop3A_286 = vector.shape_cast %parallel_loop3A_285 : vector<1x1x16xf32> to vector<16xf32>
      %parallel_loop3A_287 = arith.constant 1 : i32
      %parallel_loop3A_288 = arith.index_cast %parallel_loop3A_287 : i32 to index
      %parallel_loop3A_289 = arith.index_cast %parallel_loop3A_280 : i32 to index
      %parallel_loop3A_290 = arith.constant 0 : index
      %parallel_loop3A_291 = tpu.vector_load %arg12[%parallel_loop3A_288, %parallel_loop3A_289, %parallel_loop3A_290] {strides = array<i32>} : memref<2x128x16xf32, #tpu.memory_space<vmem>>, vector<1x1x16xf32>,
      %parallel_loop3A_292 = vector.shape_cast %parallel_loop3A_291 : vector<1x1x16xf32> to vector<16xf32>
      %parallel_loop3A_293 = arith.addf %parallel_loop3A_286, %parallel_loop3A_292 : vector<16xf32>
      %parallel_loop3A_294 = arith.constant 2.000000e-01 : f32
      %parallel_loop3A_295 = vector.broadcast %parallel_loop3A_294 : f32 to vector<16xf32>
      %parallel_loop3A_296 = arith.mulf %parallel_loop3A_295, %parallel_loop3A_293 : vector<16xf32>
      %parallel_loop3A_297 = arith.maximumf %parallel_loop3A_293, %parallel_loop3A_296 : vector<16xf32>
      %parallel_loop3A_298 = math.exp %parallel_loop3A_297 : vector<16xf32>
      %parallel_loop3A_299 = arith.constant 1 : i32
      %parallel_loop3A_300 = arith.index_cast %parallel_loop3A_299 : i32 to index
      %parallel_loop3A_301 = arith.index_cast %parallel_loop3A_280 : i32 to index
      %parallel_loop3A_302 = arith.constant 0 : index
      %parallel_loop3A_303 = tpu.vector_load %arg14[%parallel_loop3A_300, %parallel_loop3A_301, %parallel_loop3A_302] {strides = array<i32>} : memref<2x128x80xf32, #tpu.memory_space<vmem>>, vector<1x1x16xf32>,
      %parallel_loop3A_304 = vector.shape_cast %parallel_loop3A_303 : vector<1x1x16xf32> to vector<16xf32>
      %parallel_loop3A_305 = vector.shape_cast %parallel_loop3A_298 : vector<16xf32> to vector<1x1x16xf32>
      tpu.vector_store %arg14[%parallel_loop3A_300, %parallel_loop3A_301, %parallel_loop3A_302], %parallel_loop3A_305 {strides = array<i32>} : memref<2x128x80xf32, #tpu.memory_space<vmem>>, vector<1x1x16xf32>,
      %parallel_loop3A_306 = arith.constant 1 : i32
      %parallel_loop3A_307 = arith.index_cast %parallel_loop3A_306 : i32 to index
      %parallel_loop3A_308 = arith.index_cast %parallel_loop3A_280 : i32 to index
      %parallel_loop3A_309 = arith.constant 0 : index
      %parallel_loop3A_310 = tpu.vector_load %arg13[%parallel_loop3A_307, %parallel_loop3A_308, %parallel_loop3A_309] {strides = array<i32>} : memref<2x128x32xi32, #tpu.memory_space<vmem>>, vector<1x1x16xi32>,
      %parallel_loop3A_311 = vector.shape_cast %parallel_loop3A_310 : vector<1x1x16xi32> to vector<16xi32>
      %parallel_loop3A_312 = arith.constant 16 : i32
      %parallel_loop3A_313 = vector.broadcast %parallel_loop3A_312 : i32 to vector<16xi32>
      %parallel_loop3A_314 = arith.shli %parallel_loop3A_311, %parallel_loop3A_313 : vector<16xi32>
      %parallel_loop3A_315 = tpu.bitcast %parallel_loop3A_314 : vector<16xi32> -> vector<16xf32>
      %parallel_loop3A_316 = arith.constant -65536 : i32
      %parallel_loop3A_317 = vector.broadcast %parallel_loop3A_316 : i32 to vector<16xi32>
      %parallel_loop3A_318 = arith.andi %parallel_loop3A_311, %parallel_loop3A_317 : vector<16xi32>
      %parallel_loop3A_319 = tpu.bitcast %parallel_loop3A_318 : vector<16xi32> -> vector<16xf32>
      %parallel_loop3A_320 = vector.extract_strided_slice %parallel_loop3A_298 {offsets = [0], sizes = [1], strides = [1]} : vector<16xf32> to vector<1xf32>
      %parallel_loop3A_321 = vector.extract %parallel_loop3A_320[0] : f32 from vector<1xf32>
      %parallel_loop3A_322 = vector.broadcast %parallel_loop3A_321 : f32 to vector<16xf32>
      %parallel_loop3A_323 = arith.mulf %parallel_loop3A_322, %parallel_loop3A_315 : vector<16xf32>
      %parallel_loop3A_324 = arith.constant 1 : i32
      %parallel_loop3A_325 = arith.index_cast %parallel_loop3A_324 : i32 to index
      %parallel_loop3A_326 = arith.index_cast %parallel_loop3A_280 : i32 to index
      %parallel_loop3A_327 = arith.constant 16 : index
      %parallel_loop3A_328 = tpu.vector_load %arg14[%parallel_loop3A_325, %parallel_loop3A_326, %parallel_loop3A_327] {strides = array<i32>} : memref<2x128x80xf32, #tpu.memory_space<vmem>>, vector<1x1x16xf32>,
      %parallel_loop3A_329 = vector.shape_cast %parallel_loop3A_328 : vector<1x1x16xf32> to vector<16xf32>
      %parallel_loop3A_330 = vector.shape_cast %parallel_loop3A_323 : vector<16xf32> to vector<1x1x16xf32>
      tpu.vector_store %arg14[%parallel_loop3A_325, %parallel_loop3A_326, %parallel_loop3A_327], %parallel_loop3A_330 {strides = array<i32>} : memref<2x128x80xf32, #tpu.memory_space<vmem>>, vector<1x1x16xf32>,
      %parallel_loop3A_331 = vector.extract_strided_slice %parallel_loop3A_298 {offsets = [0], sizes = [1], strides = [1]} : vector<16xf32> to vector<1xf32>
      %parallel_loop3A_332 = vector.extract %parallel_loop3A_331[0] : f32 from vector<1xf32>
      %parallel_loop3A_333 = vector.broadcast %parallel_loop3A_332 : f32 to vector<16xf32>
      %parallel_loop3A_334 = arith.mulf %parallel_loop3A_333, %parallel_loop3A_319 : vector<16xf32>
      %parallel_loop3A_335 = arith.constant 1 : i32
      %parallel_loop3A_336 = arith.index_cast %parallel_loop3A_335 : i32 to index
      %parallel_loop3A_337 = arith.index_cast %parallel_loop3A_280 : i32 to index
      %parallel_loop3A_338 = arith.constant 32 : index
      %parallel_loop3A_339 = tpu.vector_load %arg14[%parallel_loop3A_336, %parallel_loop3A_337, %parallel_loop3A_338] {strides = array<i32>} : memref<2x128x80xf32, #tpu.memory_space<vmem>>, vector<1x1x16xf32>,
      %parallel_loop3A_340 = vector.shape_cast %parallel_loop3A_339 : vector<1x1x16xf32> to vector<16xf32>
      %parallel_loop3A_341 = vector.shape_cast %parallel_loop3A_334 : vector<16xf32> to vector<1x1x16xf32>
      tpu.vector_store %arg14[%parallel_loop3A_336, %parallel_loop3A_337, %parallel_loop3A_338], %parallel_loop3A_341 {strides = array<i32>} : memref<2x128x80xf32, #tpu.memory_space<vmem>>, vector<1x1x16xf32>,
      %parallel_loop3A_342 = arith.constant 1 : i32
      %parallel_loop3A_343 = arith.index_cast %parallel_loop3A_342 : i32 to index
      %parallel_loop3A_344 = arith.index_cast %parallel_loop3A_280 : i32 to index
      %parallel_loop3A_345 = arith.constant 16 : index
      %parallel_loop3A_346 = tpu.vector_load %arg13[%parallel_loop3A_343, %parallel_loop3A_344, %parallel_loop3A_345] {strides = array<i32>} : memref<2x128x32xi32, #tpu.memory_space<vmem>>, vector<1x1x16xi32>,
      %parallel_loop3A_347 = vector.shape_cast %parallel_loop3A_346 : vector<1x1x16xi32> to vector<16xi32>
      %parallel_loop3A_348 = arith.constant 16 : i32
      %parallel_loop3A_349 = vector.broadcast %parallel_loop3A_348 : i32 to vector<16xi32>
      %parallel_loop3A_350 = arith.shli %parallel_loop3A_347, %parallel_loop3A_349 : vector<16xi32>
      %parallel_loop3A_351 = tpu.bitcast %parallel_loop3A_350 : vector<16xi32> -> vector<16xf32>
      %parallel_loop3A_352 = arith.constant -65536 : i32
      %parallel_loop3A_353 = vector.broadcast %parallel_loop3A_352 : i32 to vector<16xi32>
      %parallel_loop3A_354 = arith.andi %parallel_loop3A_347, %parallel_loop3A_353 : vector<16xi32>
      %parallel_loop3A_355 = tpu.bitcast %parallel_loop3A_354 : vector<16xi32> -> vector<16xf32>
      %parallel_loop3A_356 = vector.extract_strided_slice %parallel_loop3A_298 {offsets = [0], sizes = [1], strides = [1]} : vector<16xf32> to vector<1xf32>
      %parallel_loop3A_357 = vector.extract %parallel_loop3A_356[0] : f32 from vector<1xf32>
      %parallel_loop3A_358 = vector.broadcast %parallel_loop3A_357 : f32 to vector<16xf32>
      %parallel_loop3A_359 = arith.mulf %parallel_loop3A_358, %parallel_loop3A_351 : vector<16xf32>
      %parallel_loop3A_360 = arith.constant 1 : i32
      %parallel_loop3A_361 = arith.index_cast %parallel_loop3A_360 : i32 to index
      %parallel_loop3A_362 = arith.index_cast %parallel_loop3A_280 : i32 to index
      %parallel_loop3A_363 = arith.constant 48 : index
      %parallel_loop3A_364 = tpu.vector_load %arg14[%parallel_loop3A_361, %parallel_loop3A_362, %parallel_loop3A_363] {strides = array<i32>} : memref<2x128x80xf32, #tpu.memory_space<vmem>>, vector<1x1x16xf32>,
      %parallel_loop3A_365 = vector.shape_cast %parallel_loop3A_364 : vector<1x1x16xf32> to vector<16xf32>
      %parallel_loop3A_366 = vector.shape_cast %parallel_loop3A_359 : vector<16xf32> to vector<1x1x16xf32>
      tpu.vector_store %arg14[%parallel_loop3A_361, %parallel_loop3A_362, %parallel_loop3A_363], %parallel_loop3A_366 {strides = array<i32>} : memref<2x128x80xf32, #tpu.memory_space<vmem>>, vector<1x1x16xf32>,
      %parallel_loop3A_367 = vector.extract_strided_slice %parallel_loop3A_298 {offsets = [0], sizes = [1], strides = [1]} : vector<16xf32> to vector<1xf32>
      %parallel_loop3A_368 = vector.extract %parallel_loop3A_367[0] : f32 from vector<1xf32>
      %parallel_loop3A_369 = vector.broadcast %parallel_loop3A_368 : f32 to vector<16xf32>
      %parallel_loop3A_370 = arith.mulf %parallel_loop3A_369, %parallel_loop3A_355 : vector<16xf32>
      %parallel_loop3A_371 = arith.constant 1 : i32
      %parallel_loop3A_372 = arith.index_cast %parallel_loop3A_371 : i32 to index
      %parallel_loop3A_373 = arith.index_cast %parallel_loop3A_280 : i32 to index
      %parallel_loop3A_374 = arith.constant 64 : index
      %parallel_loop3A_375 = tpu.vector_load %arg14[%parallel_loop3A_372, %parallel_loop3A_373, %parallel_loop3A_374] {strides = array<i32>} : memref<2x128x80xf32, #tpu.memory_space<vmem>>, vector<1x1x16xf32>,
      %parallel_loop3A_376 = vector.shape_cast %parallel_loop3A_375 : vector<1x1x16xf32> to vector<16xf32>
      %parallel_loop3A_377 = vector.shape_cast %parallel_loop3A_370 : vector<16xf32> to vector<1x1x16xf32>
      tpu.vector_store %arg14[%parallel_loop3A_372, %parallel_loop3A_373, %parallel_loop3A_374], %parallel_loop3A_377 {strides = array<i32>} : memref<2x128x80xf32, #tpu.memory_space<vmem>>, vector<1x1x16xf32>,
    } {sc.loop_unroll_factor = 1 : i64, sc.parallel_access}
    %dma_start3A_202 = arith.constant 1 : i32
    %dma_start3A_203 = arith.constant 1 : i32
    %dma_start3A_204 = arith.constant 0 : i32
    %dma_start3A_205 = arith.constant 0 : i32
    %dma_start3A_206 = tpu.memref_slice %arg14[%dma_start3A_202, %dma_start3A_204, %dma_start3A_205] : memref<2x128x80xf32, #tpu.memory_space<vmem>> -> memref<1x128x80xf32, #tpu.memory_space<vmem>>
    %dma_start3A_207 = tpu.memref_squeeze %dma_start3A_206 : memref<1x128x80xf32, #tpu.memory_space<vmem>> -> memref<128x80xf32, #tpu.memory_space<vmem>>
    %dma_start3A_208 = arith.constant 0 : i32
    %dma_start3A_209 = tpu.memref_slice %arg10[%dma_start3A_203, %dma_start3A_208] : memref<81x128xi32, #tpu.memory_space<vmem>> -> memref<1x128xi32, #tpu.memory_space<vmem>>
    %dma_start3A_210 = tpu.memref_squeeze %dma_start3A_209 : memref<1x128xi32, #tpu.memory_space<vmem>> -> memref<128xi32, #tpu.memory_space<vmem>>
    %dma_start3A_211 = arith.constant 0 : i32
    %dma_start3A_212 = arith.constant 0 : i32
    %dma_start3A_213 = tpu.memref_slice %arg15[%dma_start3A_211, %dma_start3A_212] : memref<10240x80xf32, #tpu.memory_space<vmem_shared>> -> memref<10240x80xf32, #tpu.memory_space<vmem_shared>>
    tpu.enqueue_indirect_dma source(%dma_start3A_207 : memref<128x80xf32, #tpu.memory_space<vmem>>) target(%dma_start3A_213 : memref<10240x80xf32, #tpu.memory_space<vmem_shared>>) offsets(%dma_start3A_210 : memref<128xi32, #tpu.memory_space<vmem>>) semaphore(%arg24 : memref<!tpu.dma_semaphore, #tpu.memory_space<semaphore_mem>>) {add = true}
    %scan3A = arith.constant 0 : i32
    %scan3A_214 = arith.constant 1 : i32
    %scan3A_215 = arith.constant 39 : i32
    %scan3A_216 = arith.addi %scan3A_214, %scan3A_215 : i32
    %scan3A_217 = arith.constant 1 : i32
    scf.for %scan3A_280 = %scan3A_214 to %scan3A_216 step %scan3A_217  : i32 {
      %mul3A_281 = arith.constant 2 : i32
      %mul3A_282 = arith.muli %mul3A_281, %scan3A_280 : i32
      %add3A_283 = arith.constant 0 : i32
      %add3A_284 = arith.addi %mul3A_282, %add3A_283 : i32
      %dma_wait3A_285 = arith.constant 0 : i32
      %dma_wait3A_286 = arith.constant 0 : i32
      %dma_wait3A_287 = arith.constant 0 : i32
      %dma_wait3A_288 = arith.constant 0 : i32
      %dma_wait3A_289 = tpu.memref_slice %arg11[%dma_wait3A_286, %dma_wait3A_287, %dma_wait3A_288] : memref<2x128x16xf32, #tpu.memory_space<vmem>> -> memref<1x128x16xf32, #tpu.memory_space<vmem>>
      %dma_wait3A_290 = tpu.memref_squeeze %dma_wait3A_289 : memref<1x128x16xf32, #tpu.memory_space<vmem>> -> memref<128x16xf32, #tpu.memory_space<vmem>>
      %dma_wait3A_291 = arith.constant 0 : i32
      %dma_wait3A_292 = tpu.memref_slice %arg9[%dma_wait3A_285, %dma_wait3A_291] : memref<81x128xi32, #tpu.memory_space<vmem>> -> memref<1x128xi32, #tpu.memory_space<vmem>>
      %dma_wait3A_293 = tpu.memref_squeeze %dma_wait3A_292 : memref<1x128xi32, #tpu.memory_space<vmem>> -> memref<128xi32, #tpu.memory_space<vmem>>
      %dma_wait3A_294 = arith.constant 0 : i32
      %dma_wait3A_295 = arith.constant 0 : i32
      %dma_wait3A_296 = tpu.memref_slice %arg4[%dma_wait3A_294, %dma_wait3A_295] : memref<10240x16xf32, #tpu.memory_space<hbm>> -> memref<10240x16xf32, #tpu.memory_space<hbm>>
      tpu.wait_indirect_dma semaphore(%arg17 : memref<!tpu.dma_semaphore, #tpu.memory_space<semaphore_mem>>) src(%dma_wait3A_296 : memref<10240x16xf32, #tpu.memory_space<hbm>>) dst(%dma_wait3A_290 : memref<128x16xf32, #tpu.memory_space<vmem>>)
      %dma_wait3A_297 = arith.constant 0 : i32
      %dma_wait3A_298 = arith.constant 0 : i32
      %dma_wait3A_299 = arith.constant 0 : i32
      %dma_wait3A_300 = arith.constant 0 : i32
      %dma_wait3A_301 = tpu.memref_slice %arg12[%dma_wait3A_298, %dma_wait3A_299, %dma_wait3A_300] : memref<2x128x16xf32, #tpu.memory_space<vmem>> -> memref<1x128x16xf32, #tpu.memory_space<vmem>>
      %dma_wait3A_302 = tpu.memref_squeeze %dma_wait3A_301 : memref<1x128x16xf32, #tpu.memory_space<vmem>> -> memref<128x16xf32, #tpu.memory_space<vmem>>
      %dma_wait3A_303 = arith.constant 0 : i32
      %dma_wait3A_304 = tpu.memref_slice %arg10[%dma_wait3A_297, %dma_wait3A_303] : memref<81x128xi32, #tpu.memory_space<vmem>> -> memref<1x128xi32, #tpu.memory_space<vmem>>
      %dma_wait3A_305 = tpu.memref_squeeze %dma_wait3A_304 : memref<1x128xi32, #tpu.memory_space<vmem>> -> memref<128xi32, #tpu.memory_space<vmem>>
      %dma_wait3A_306 = arith.constant 0 : i32
      %dma_wait3A_307 = arith.constant 0 : i32
      %dma_wait3A_308 = tpu.memref_slice %arg5[%dma_wait3A_306, %dma_wait3A_307] : memref<10240x16xf32, #tpu.memory_space<hbm>> -> memref<10240x16xf32, #tpu.memory_space<hbm>>
      tpu.wait_indirect_dma semaphore(%arg18 : memref<!tpu.dma_semaphore, #tpu.memory_space<semaphore_mem>>) src(%dma_wait3A_308 : memref<10240x16xf32, #tpu.memory_space<hbm>>) dst(%dma_wait3A_302 : memref<128x16xf32, #tpu.memory_space<vmem>>)
      %dma_wait3A_309 = arith.constant 0 : i32
      %dma_wait3A_310 = arith.constant 0 : i32
      %dma_wait3A_311 = arith.constant 0 : i32
      %dma_wait3A_312 = arith.constant 0 : i32
      %dma_wait3A_313 = tpu.memref_slice %arg13[%dma_wait3A_310, %dma_wait3A_311, %dma_wait3A_312] : memref<2x128x32xi32, #tpu.memory_space<vmem>> -> memref<1x128x32xi32, #tpu.memory_space<vmem>>
      %dma_wait3A_314 = tpu.memref_squeeze %dma_wait3A_313 : memref<1x128x32xi32, #tpu.memory_space<vmem>> -> memref<128x32xi32, #tpu.memory_space<vmem>>
      %dma_wait3A_315 = arith.constant 0 : i32
      %dma_wait3A_316 = tpu.memref_slice %arg9[%dma_wait3A_309, %dma_wait3A_315] : memref<81x128xi32, #tpu.memory_space<vmem>> -> memref<1x128xi32, #tpu.memory_space<vmem>>
      %dma_wait3A_317 = tpu.memref_squeeze %dma_wait3A_316 : memref<1x128xi32, #tpu.memory_space<vmem>> -> memref<128xi32, #tpu.memory_space<vmem>>
      %dma_wait3A_318 = arith.constant 0 : i32
      %dma_wait3A_319 = arith.constant 0 : i32
      %dma_wait3A_320 = tpu.memref_slice %arg16[%dma_wait3A_318, %dma_wait3A_319] : memref<10240x32xi32, #tpu.memory_space<vmem_shared>> -> memref<10240x32xi32, #tpu.memory_space<vmem_shared>>
      tpu.wait_indirect_dma semaphore(%arg19 : memref<!tpu.dma_semaphore, #tpu.memory_space<semaphore_mem>>) src(%dma_wait3A_320 : memref<10240x32xi32, #tpu.memory_space<vmem_shared>>) dst(%dma_wait3A_314 : memref<128x32xi32, #tpu.memory_space<vmem>>)
      %add3A_321 = arith.constant 1 : i32
      %add3A_322 = arith.addi %add3A_284, %add3A_321 : i32
      %dma_start3A_323 = arith.constant 1 : i32
      %dma_start3A_324 = arith.constant 0 : i32
      %dma_start3A_325 = arith.constant 0 : i32
      %dma_start3A_326 = tpu.memref_slice %arg11[%dma_start3A_323, %dma_start3A_324, %dma_start3A_325] : memref<2x128x16xf32, #tpu.memory_space<vmem>> -> memref<1x128x16xf32, #tpu.memory_space<vmem>>
      %dma_start3A_327 = tpu.memref_squeeze %dma_start3A_326 : memref<1x128x16xf32, #tpu.memory_space<vmem>> -> memref<128x16xf32, #tpu.memory_space<vmem>>
      %dma_start3A_328 = arith.constant 0 : i32
      %dma_start3A_329 = tpu.memref_slice %arg9[%add3A_322, %dma_start3A_328] : memref<81x128xi32, #tpu.memory_space<vmem>> -> memref<1x128xi32, #tpu.memory_space<vmem>>
      %dma_start3A_330 = tpu.memref_squeeze %dma_start3A_329 : memref<1x128xi32, #tpu.memory_space<vmem>> -> memref<128xi32, #tpu.memory_space<vmem>>
      %dma_start3A_331 = arith.constant 0 : i32
      %dma_start3A_332 = arith.constant 0 : i32
      %dma_start3A_333 = tpu.memref_slice %arg4[%dma_start3A_331, %dma_start3A_332] : memref<10240x16xf32, #tpu.memory_space<hbm>> -> memref<10240x16xf32, #tpu.memory_space<hbm>>
      tpu.enqueue_indirect_dma source(%dma_start3A_333 : memref<10240x16xf32, #tpu.memory_space<hbm>>) target(%dma_start3A_327 : memref<128x16xf32, #tpu.memory_space<vmem>>) offsets(%dma_start3A_330 : memref<128xi32, #tpu.memory_space<vmem>>) semaphore(%arg20 : memref<!tpu.dma_semaphore, #tpu.memory_space<semaphore_mem>>)
      %dma_start3A_334 = arith.constant 1 : i32
      %dma_start3A_335 = arith.constant 0 : i32
      %dma_start3A_336 = arith.constant 0 : i32
      %dma_start3A_337 = tpu.memref_slice %arg12[%dma_start3A_334, %dma_start3A_335, %dma_start3A_336] : memref<2x128x16xf32, #tpu.memory_space<vmem>> -> memref<1x128x16xf32, #tpu.memory_space<vmem>>
      %dma_start3A_338 = tpu.memref_squeeze %dma_start3A_337 : memref<1x128x16xf32, #tpu.memory_space<vmem>> -> memref<128x16xf32, #tpu.memory_space<vmem>>
      %dma_start3A_339 = arith.constant 0 : i32
      %dma_start3A_340 = tpu.memref_slice %arg10[%add3A_322, %dma_start3A_339] : memref<81x128xi32, #tpu.memory_space<vmem>> -> memref<1x128xi32, #tpu.memory_space<vmem>>
      %dma_start3A_341 = tpu.memref_squeeze %dma_start3A_340 : memref<1x128xi32, #tpu.memory_space<vmem>> -> memref<128xi32, #tpu.memory_space<vmem>>
      %dma_start3A_342 = arith.constant 0 : i32
      %dma_start3A_343 = arith.constant 0 : i32
      %dma_start3A_344 = tpu.memref_slice %arg5[%dma_start3A_342, %dma_start3A_343] : memref<10240x16xf32, #tpu.memory_space<hbm>> -> memref<10240x16xf32, #tpu.memory_space<hbm>>
      tpu.enqueue_indirect_dma source(%dma_start3A_344 : memref<10240x16xf32, #tpu.memory_space<hbm>>) target(%dma_start3A_338 : memref<128x16xf32, #tpu.memory_space<vmem>>) offsets(%dma_start3A_341 : memref<128xi32, #tpu.memory_space<vmem>>) semaphore(%arg21 : memref<!tpu.dma_semaphore, #tpu.memory_space<semaphore_mem>>)
      %dma_start3A_345 = arith.constant 1 : i32
      %dma_start3A_346 = arith.constant 0 : i32
      %dma_start3A_347 = arith.constant 0 : i32
      %dma_start3A_348 = tpu.memref_slice %arg13[%dma_start3A_345, %dma_start3A_346, %dma_start3A_347] : memref<2x128x32xi32, #tpu.memory_space<vmem>> -> memref<1x128x32xi32, #tpu.memory_space<vmem>>
      %dma_start3A_349 = tpu.memref_squeeze %dma_start3A_348 : memref<1x128x32xi32, #tpu.memory_space<vmem>> -> memref<128x32xi32, #tpu.memory_space<vmem>>
      %dma_start3A_350 = arith.constant 0 : i32
      %dma_start3A_351 = tpu.memref_slice %arg9[%add3A_322, %dma_start3A_350] : memref<81x128xi32, #tpu.memory_space<vmem>> -> memref<1x128xi32, #tpu.memory_space<vmem>>
      %dma_start3A_352 = tpu.memref_squeeze %dma_start3A_351 : memref<1x128xi32, #tpu.memory_space<vmem>> -> memref<128xi32, #tpu.memory_space<vmem>>
      %dma_start3A_353 = arith.constant 0 : i32
      %dma_start3A_354 = arith.constant 0 : i32
      %dma_start3A_355 = tpu.memref_slice %arg16[%dma_start3A_353, %dma_start3A_354] : memref<10240x32xi32, #tpu.memory_space<vmem_shared>> -> memref<10240x32xi32, #tpu.memory_space<vmem_shared>>
      tpu.enqueue_indirect_dma source(%dma_start3A_355 : memref<10240x32xi32, #tpu.memory_space<vmem_shared>>) target(%dma_start3A_349 : memref<128x32xi32, #tpu.memory_space<vmem>>) offsets(%dma_start3A_352 : memref<128xi32, #tpu.memory_space<vmem>>) semaphore(%arg22 : memref<!tpu.dma_semaphore, #tpu.memory_space<semaphore_mem>>)
      %dma_wait3A_356 = arith.constant 0 : i32
      %dma_wait3A_357 = arith.constant 0 : i32
      %dma_wait3A_358 = arith.constant 0 : i32
      %dma_wait3A_359 = arith.constant 0 : i32
      %dma_wait3A_360 = tpu.memref_slice %arg14[%dma_wait3A_356, %dma_wait3A_358, %dma_wait3A_359] : memref<2x128x80xf32, #tpu.memory_space<vmem>> -> memref<1x128x80xf32, #tpu.memory_space<vmem>>
      %dma_wait3A_361 = tpu.memref_squeeze %dma_wait3A_360 : memref<1x128x80xf32, #tpu.memory_space<vmem>> -> memref<128x80xf32, #tpu.memory_space<vmem>>
      %dma_wait3A_362 = arith.constant 0 : i32
      %dma_wait3A_363 = tpu.memref_slice %arg10[%dma_wait3A_357, %dma_wait3A_362] : memref<81x128xi32, #tpu.memory_space<vmem>> -> memref<1x128xi32, #tpu.memory_space<vmem>>
      %dma_wait3A_364 = tpu.memref_squeeze %dma_wait3A_363 : memref<1x128xi32, #tpu.memory_space<vmem>> -> memref<128xi32, #tpu.memory_space<vmem>>
      %dma_wait3A_365 = arith.constant 0 : i32
      %dma_wait3A_366 = arith.constant 0 : i32
      %dma_wait3A_367 = tpu.memref_slice %arg15[%dma_wait3A_365, %dma_wait3A_366] : memref<10240x80xf32, #tpu.memory_space<vmem_shared>> -> memref<10240x80xf32, #tpu.memory_space<vmem_shared>>
      tpu.wait_indirect_dma semaphore(%arg23 : memref<!tpu.dma_semaphore, #tpu.memory_space<semaphore_mem>>) src(%dma_wait3A_361 : memref<128x80xf32, #tpu.memory_space<vmem>>) dst(%dma_wait3A_367 : memref<10240x80xf32, #tpu.memory_space<vmem_shared>>)
      %parallel_loop3A_368 = arith.constant 0 : i32
      %parallel_loop3A_369 = arith.constant 128 : i32
      %parallel_loop3A_370 = arith.constant 1 : i32
      scf.for %parallel_loop3A_483 = %parallel_loop3A_368 to %parallel_loop3A_369 step %parallel_loop3A_370  : i32 {
        %parallel_loop3A_484 = arith.constant 0 : i32
        %parallel_loop3A_485 = arith.index_cast %parallel_loop3A_484 : i32 to index
        %parallel_loop3A_486 = arith.index_cast %parallel_loop3A_483 : i32 to index
        %parallel_loop3A_487 = arith.constant 0 : index
        %parallel_loop3A_488 = tpu.vector_load %arg11[%parallel_loop3A_485, %parallel_loop3A_486, %parallel_loop3A_487] {strides = array<i32>} : memref<2x128x16xf32, #tpu.memory_space<vmem>>, vector<1x1x16xf32>,
        %parallel_loop3A_489 = vector.shape_cast %parallel_loop3A_488 : vector<1x1x16xf32> to vector<16xf32>
        %parallel_loop3A_490 = arith.constant 0 : i32
        %parallel_loop3A_491 = arith.index_cast %parallel_loop3A_490 : i32 to index
        %parallel_loop3A_492 = arith.index_cast %parallel_loop3A_483 : i32 to index
        %parallel_loop3A_493 = arith.constant 0 : index
        %parallel_loop3A_494 = tpu.vector_load %arg12[%parallel_loop3A_491, %parallel_loop3A_492, %parallel_loop3A_493] {strides = array<i32>} : memref<2x128x16xf32, #tpu.memory_space<vmem>>, vector<1x1x16xf32>,
        %parallel_loop3A_495 = vector.shape_cast %parallel_loop3A_494 : vector<1x1x16xf32> to vector<16xf32>
        %parallel_loop3A_496 = arith.addf %parallel_loop3A_489, %parallel_loop3A_495 : vector<16xf32>
        %parallel_loop3A_497 = arith.constant 2.000000e-01 : f32
        %parallel_loop3A_498 = vector.broadcast %parallel_loop3A_497 : f32 to vector<16xf32>
        %parallel_loop3A_499 = arith.mulf %parallel_loop3A_498, %parallel_loop3A_496 : vector<16xf32>
        %parallel_loop3A_500 = arith.maximumf %parallel_loop3A_496, %parallel_loop3A_499 : vector<16xf32>
        %parallel_loop3A_501 = math.exp %parallel_loop3A_500 : vector<16xf32>
        %parallel_loop3A_502 = arith.constant 0 : i32
        %parallel_loop3A_503 = arith.index_cast %parallel_loop3A_502 : i32 to index
        %parallel_loop3A_504 = arith.index_cast %parallel_loop3A_483 : i32 to index
        %parallel_loop3A_505 = arith.constant 0 : index
        %parallel_loop3A_506 = tpu.vector_load %arg14[%parallel_loop3A_503, %parallel_loop3A_504, %parallel_loop3A_505] {strides = array<i32>} : memref<2x128x80xf32, #tpu.memory_space<vmem>>, vector<1x1x16xf32>,
        %parallel_loop3A_507 = vector.shape_cast %parallel_loop3A_506 : vector<1x1x16xf32> to vector<16xf32>
        %parallel_loop3A_508 = vector.shape_cast %parallel_loop3A_501 : vector<16xf32> to vector<1x1x16xf32>
        tpu.vector_store %arg14[%parallel_loop3A_503, %parallel_loop3A_504, %parallel_loop3A_505], %parallel_loop3A_508 {strides = array<i32>} : memref<2x128x80xf32, #tpu.memory_space<vmem>>, vector<1x1x16xf32>,
        %parallel_loop3A_509 = arith.constant 0 : i32
        %parallel_loop3A_510 = arith.index_cast %parallel_loop3A_509 : i32 to index
        %parallel_loop3A_511 = arith.index_cast %parallel_loop3A_483 : i32 to index
        %parallel_loop3A_512 = arith.constant 0 : index
        %parallel_loop3A_513 = tpu.vector_load %arg13[%parallel_loop3A_510, %parallel_loop3A_511, %parallel_loop3A_512] {strides = array<i32>} : memref<2x128x32xi32, #tpu.memory_space<vmem>>, vector<1x1x16xi32>,
        %parallel_loop3A_514 = vector.shape_cast %parallel_loop3A_513 : vector<1x1x16xi32> to vector<16xi32>
        %parallel_loop3A_515 = arith.constant 16 : i32
        %parallel_loop3A_516 = vector.broadcast %parallel_loop3A_515 : i32 to vector<16xi32>
        %parallel_loop3A_517 = arith.shli %parallel_loop3A_514, %parallel_loop3A_516 : vector<16xi32>
        %parallel_loop3A_518 = tpu.bitcast %parallel_loop3A_517 : vector<16xi32> -> vector<16xf32>
        %parallel_loop3A_519 = arith.constant -65536 : i32
        %parallel_loop3A_520 = vector.broadcast %parallel_loop3A_519 : i32 to vector<16xi32>
        %parallel_loop3A_521 = arith.andi %parallel_loop3A_514, %parallel_loop3A_520 : vector<16xi32>
        %parallel_loop3A_522 = tpu.bitcast %parallel_loop3A_521 : vector<16xi32> -> vector<16xf32>
        %parallel_loop3A_523 = vector.extract_strided_slice %parallel_loop3A_501 {offsets = [0], sizes = [1], strides = [1]} : vector<16xf32> to vector<1xf32>
        %parallel_loop3A_524 = vector.extract %parallel_loop3A_523[0] : f32 from vector<1xf32>
        %parallel_loop3A_525 = vector.broadcast %parallel_loop3A_524 : f32 to vector<16xf32>
        %parallel_loop3A_526 = arith.mulf %parallel_loop3A_525, %parallel_loop3A_518 : vector<16xf32>
        %parallel_loop3A_527 = arith.constant 0 : i32
        %parallel_loop3A_528 = arith.index_cast %parallel_loop3A_527 : i32 to index
        %parallel_loop3A_529 = arith.index_cast %parallel_loop3A_483 : i32 to index
        %parallel_loop3A_530 = arith.constant 16 : index
        %parallel_loop3A_531 = tpu.vector_load %arg14[%parallel_loop3A_528, %parallel_loop3A_529, %parallel_loop3A_530] {strides = array<i32>} : memref<2x128x80xf32, #tpu.memory_space<vmem>>, vector<1x1x16xf32>,
        %parallel_loop3A_532 = vector.shape_cast %parallel_loop3A_531 : vector<1x1x16xf32> to vector<16xf32>
        %parallel_loop3A_533 = vector.shape_cast %parallel_loop3A_526 : vector<16xf32> to vector<1x1x16xf32>
        tpu.vector_store %arg14[%parallel_loop3A_528, %parallel_loop3A_529, %parallel_loop3A_530], %parallel_loop3A_533 {strides = array<i32>} : memref<2x128x80xf32, #tpu.memory_space<vmem>>, vector<1x1x16xf32>,
        %parallel_loop3A_534 = vector.extract_strided_slice %parallel_loop3A_501 {offsets = [0], sizes = [1], strides = [1]} : vector<16xf32> to vector<1xf32>
        %parallel_loop3A_535 = vector.extract %parallel_loop3A_534[0] : f32 from vector<1xf32>
        %parallel_loop3A_536 = vector.broadcast %parallel_loop3A_535 : f32 to vector<16xf32>
        %parallel_loop3A_537 = arith.mulf %parallel_loop3A_536, %parallel_loop3A_522 : vector<16xf32>
        %parallel_loop3A_538 = arith.constant 0 : i32
        %parallel_loop3A_539 = arith.index_cast %parallel_loop3A_538 : i32 to index
        %parallel_loop3A_540 = arith.index_cast %parallel_loop3A_483 : i32 to index
        %parallel_loop3A_541 = arith.constant 32 : index
        %parallel_loop3A_542 = tpu.vector_load %arg14[%parallel_loop3A_539, %parallel_loop3A_540, %parallel_loop3A_541] {strides = array<i32>} : memref<2x128x80xf32, #tpu.memory_space<vmem>>, vector<1x1x16xf32>,
        %parallel_loop3A_543 = vector.shape_cast %parallel_loop3A_542 : vector<1x1x16xf32> to vector<16xf32>
        %parallel_loop3A_544 = vector.shape_cast %parallel_loop3A_537 : vector<16xf32> to vector<1x1x16xf32>
        tpu.vector_store %arg14[%parallel_loop3A_539, %parallel_loop3A_540, %parallel_loop3A_541], %parallel_loop3A_544 {strides = array<i32>} : memref<2x128x80xf32, #tpu.memory_space<vmem>>, vector<1x1x16xf32>,
        %parallel_loop3A_545 = arith.constant 0 : i32
        %parallel_loop3A_546 = arith.index_cast %parallel_loop3A_545 : i32 to index
        %parallel_loop3A_547 = arith.index_cast %parallel_loop3A_483 : i32 to index
        %parallel_loop3A_548 = arith.constant 16 : index
        %parallel_loop3A_549 = tpu.vector_load %arg13[%parallel_loop3A_546, %parallel_loop3A_547, %parallel_loop3A_548] {strides = array<i32>} : memref<2x128x32xi32, #tpu.memory_space<vmem>>, vector<1x1x16xi32>,
        %parallel_loop3A_550 = vector.shape_cast %parallel_loop3A_549 : vector<1x1x16xi32> to vector<16xi32>
        %parallel_loop3A_551 = arith.constant 16 : i32
        %parallel_loop3A_552 = vector.broadcast %parallel_loop3A_551 : i32 to vector<16xi32>
        %parallel_loop3A_553 = arith.shli %parallel_loop3A_550, %parallel_loop3A_552 : vector<16xi32>
        %parallel_loop3A_554 = tpu.bitcast %parallel_loop3A_553 : vector<16xi32> -> vector<16xf32>
        %parallel_loop3A_555 = arith.constant -65536 : i32
        %parallel_loop3A_556 = vector.broadcast %parallel_loop3A_555 : i32 to vector<16xi32>
        %parallel_loop3A_557 = arith.andi %parallel_loop3A_550, %parallel_loop3A_556 : vector<16xi32>
        %parallel_loop3A_558 = tpu.bitcast %parallel_loop3A_557 : vector<16xi32> -> vector<16xf32>
        %parallel_loop3A_559 = vector.extract_strided_slice %parallel_loop3A_501 {offsets = [0], sizes = [1], strides = [1]} : vector<16xf32> to vector<1xf32>
        %parallel_loop3A_560 = vector.extract %parallel_loop3A_559[0] : f32 from vector<1xf32>
        %parallel_loop3A_561 = vector.broadcast %parallel_loop3A_560 : f32 to vector<16xf32>
        %parallel_loop3A_562 = arith.mulf %parallel_loop3A_561, %parallel_loop3A_554 : vector<16xf32>
        %parallel_loop3A_563 = arith.constant 0 : i32
        %parallel_loop3A_564 = arith.index_cast %parallel_loop3A_563 : i32 to index
        %parallel_loop3A_565 = arith.index_cast %parallel_loop3A_483 : i32 to index
        %parallel_loop3A_566 = arith.constant 48 : index
        %parallel_loop3A_567 = tpu.vector_load %arg14[%parallel_loop3A_564, %parallel_loop3A_565, %parallel_loop3A_566] {strides = array<i32>} : memref<2x128x80xf32, #tpu.memory_space<vmem>>, vector<1x1x16xf32>,
        %parallel_loop3A_568 = vector.shape_cast %parallel_loop3A_567 : vector<1x1x16xf32> to vector<16xf32>
        %parallel_loop3A_569 = vector.shape_cast %parallel_loop3A_562 : vector<16xf32> to vector<1x1x16xf32>
        tpu.vector_store %arg14[%parallel_loop3A_564, %parallel_loop3A_565, %parallel_loop3A_566], %parallel_loop3A_569 {strides = array<i32>} : memref<2x128x80xf32, #tpu.memory_space<vmem>>, vector<1x1x16xf32>,
        %parallel_loop3A_570 = vector.extract_strided_slice %parallel_loop3A_501 {offsets = [0], sizes = [1], strides = [1]} : vector<16xf32> to vector<1xf32>
        %parallel_loop3A_571 = vector.extract %parallel_loop3A_570[0] : f32 from vector<1xf32>
        %parallel_loop3A_572 = vector.broadcast %parallel_loop3A_571 : f32 to vector<16xf32>
        %parallel_loop3A_573 = arith.mulf %parallel_loop3A_572, %parallel_loop3A_558 : vector<16xf32>
        %parallel_loop3A_574 = arith.constant 0 : i32
        %parallel_loop3A_575 = arith.index_cast %parallel_loop3A_574 : i32 to index
        %parallel_loop3A_576 = arith.index_cast %parallel_loop3A_483 : i32 to index
        %parallel_loop3A_577 = arith.constant 64 : index
        %parallel_loop3A_578 = tpu.vector_load %arg14[%parallel_loop3A_575, %parallel_loop3A_576, %parallel_loop3A_577] {strides = array<i32>} : memref<2x128x80xf32, #tpu.memory_space<vmem>>, vector<1x1x16xf32>,
        %parallel_loop3A_579 = vector.shape_cast %parallel_loop3A_578 : vector<1x1x16xf32> to vector<16xf32>
        %parallel_loop3A_580 = vector.shape_cast %parallel_loop3A_573 : vector<16xf32> to vector<1x1x16xf32>
        tpu.vector_store %arg14[%parallel_loop3A_575, %parallel_loop3A_576, %parallel_loop3A_577], %parallel_loop3A_580 {strides = array<i32>} : memref<2x128x80xf32, #tpu.memory_space<vmem>>, vector<1x1x16xf32>,
      } {sc.loop_unroll_factor = 1 : i64, sc.parallel_access}
      %dma_start3A_371 = arith.constant 0 : i32
      %dma_start3A_372 = arith.constant 0 : i32
      %dma_start3A_373 = arith.constant 0 : i32
      %dma_start3A_374 = tpu.memref_slice %arg14[%dma_start3A_371, %dma_start3A_372, %dma_start3A_373] : memref<2x128x80xf32, #tpu.memory_space<vmem>> -> memref<1x128x80xf32, #tpu.memory_space<vmem>>
      %dma_start3A_375 = tpu.memref_squeeze %dma_start3A_374 : memref<1x128x80xf32, #tpu.memory_space<vmem>> -> memref<128x80xf32, #tpu.memory_space<vmem>>
      %dma_start3A_376 = arith.constant 0 : i32
      %dma_start3A_377 = tpu.memref_slice %arg10[%add3A_284, %dma_start3A_376] : memref<81x128xi32, #tpu.memory_space<vmem>> -> memref<1x128xi32, #tpu.memory_space<vmem>>
      %dma_start3A_378 = tpu.memref_squeeze %dma_start3A_377 : memref<1x128xi32, #tpu.memory_space<vmem>> -> memref<128xi32, #tpu.memory_space<vmem>>
      %dma_start3A_379 = arith.constant 0 : i32
      %dma_start3A_380 = arith.constant 0 : i32
      %dma_start3A_381 = tpu.memref_slice %arg15[%dma_start3A_379, %dma_start3A_380] : memref<10240x80xf32, #tpu.memory_space<vmem_shared>> -> memref<10240x80xf32, #tpu.memory_space<vmem_shared>>
      tpu.enqueue_indirect_dma source(%dma_start3A_375 : memref<128x80xf32, #tpu.memory_space<vmem>>) target(%dma_start3A_381 : memref<10240x80xf32, #tpu.memory_space<vmem_shared>>) offsets(%dma_start3A_378 : memref<128xi32, #tpu.memory_space<vmem>>) semaphore(%arg23 : memref<!tpu.dma_semaphore, #tpu.memory_space<semaphore_mem>>) {add = true}
      %mul3A_382 = arith.constant 2 : i32
      %mul3A_383 = arith.muli %mul3A_382, %scan3A_280 : i32
      %add3A_384 = arith.constant 1 : i32
      %add3A_385 = arith.addi %mul3A_383, %add3A_384 : i32
      %dma_wait3A_386 = arith.constant 0 : i32
      %dma_wait3A_387 = arith.constant 1 : i32
      %dma_wait3A_388 = arith.constant 0 : i32
      %dma_wait3A_389 = arith.constant 0 : i32
      %dma_wait3A_390 = tpu.memref_slice %arg11[%dma_wait3A_387, %dma_wait3A_388, %dma_wait3A_389] : memref<2x128x16xf32, #tpu.memory_space<vmem>> -> memref<1x128x16xf32, #tpu.memory_space<vmem>>
      %dma_wait3A_391 = tpu.memref_squeeze %dma_wait3A_390 : memref<1x128x16xf32, #tpu.memory_space<vmem>> -> memref<128x16xf32, #tpu.memory_space<vmem>>
      %dma_wait3A_392 = arith.constant 0 : i32
      %dma_wait3A_393 = tpu.memref_slice %arg9[%dma_wait3A_386, %dma_wait3A_392] : memref<81x128xi32, #tpu.memory_space<vmem>> -> memref<1x128xi32, #tpu.memory_space<vmem>>
      %dma_wait3A_394 = tpu.memref_squeeze %dma_wait3A_393 : memref<1x128xi32, #tpu.memory_space<vmem>> -> memref<128xi32, #tpu.memory_space<vmem>>
      %dma_wait3A_395 = arith.constant 0 : i32
      %dma_wait3A_396 = arith.constant 0 : i32
      %dma_wait3A_397 = tpu.memref_slice %arg4[%dma_wait3A_395, %dma_wait3A_396] : memref<10240x16xf32, #tpu.memory_space<hbm>> -> memref<10240x16xf32, #tpu.memory_space<hbm>>
      tpu.wait_indirect_dma semaphore(%arg20 : memref<!tpu.dma_semaphore, #tpu.memory_space<semaphore_mem>>) src(%dma_wait3A_397 : memref<10240x16xf32, #tpu.memory_space<hbm>>) dst(%dma_wait3A_391 : memref<128x16xf32, #tpu.memory_space<vmem>>)
      %dma_wait3A_398 = arith.constant 0 : i32
      %dma_wait3A_399 = arith.constant 1 : i32
      %dma_wait3A_400 = arith.constant 0 : i32
      %dma_wait3A_401 = arith.constant 0 : i32
      %dma_wait3A_402 = tpu.memref_slice %arg12[%dma_wait3A_399, %dma_wait3A_400, %dma_wait3A_401] : memref<2x128x16xf32, #tpu.memory_space<vmem>> -> memref<1x128x16xf32, #tpu.memory_space<vmem>>
      %dma_wait3A_403 = tpu.memref_squeeze %dma_wait3A_402 : memref<1x128x16xf32, #tpu.memory_space<vmem>> -> memref<128x16xf32, #tpu.memory_space<vmem>>
      %dma_wait3A_404 = arith.constant 0 : i32
      %dma_wait3A_405 = tpu.memref_slice %arg10[%dma_wait3A_398, %dma_wait3A_404] : memref<81x128xi32, #tpu.memory_space<vmem>> -> memref<1x128xi32, #tpu.memory_space<vmem>>
      %dma_wait3A_406 = tpu.memref_squeeze %dma_wait3A_405 : memref<1x128xi32, #tpu.memory_space<vmem>> -> memref<128xi32, #tpu.memory_space<vmem>>
      %dma_wait3A_407 = arith.constant 0 : i32
      %dma_wait3A_408 = arith.constant 0 : i32
      %dma_wait3A_409 = tpu.memref_slice %arg5[%dma_wait3A_407, %dma_wait3A_408] : memref<10240x16xf32, #tpu.memory_space<hbm>> -> memref<10240x16xf32, #tpu.memory_space<hbm>>
      tpu.wait_indirect_dma semaphore(%arg21 : memref<!tpu.dma_semaphore, #tpu.memory_space<semaphore_mem>>) src(%dma_wait3A_409 : memref<10240x16xf32, #tpu.memory_space<hbm>>) dst(%dma_wait3A_403 : memref<128x16xf32, #tpu.memory_space<vmem>>)
      %dma_wait3A_410 = arith.constant 0 : i32
      %dma_wait3A_411 = arith.constant 1 : i32
      %dma_wait3A_412 = arith.constant 0 : i32
      %dma_wait3A_413 = arith.constant 0 : i32
      %dma_wait3A_414 = tpu.memref_slice %arg13[%dma_wait3A_411, %dma_wait3A_412, %dma_wait3A_413] : memref<2x128x32xi32, #tpu.memory_space<vmem>> -> memref<1x128x32xi32, #tpu.memory_space<vmem>>
      %dma_wait3A_415 = tpu.memref_squeeze %dma_wait3A_414 : memref<1x128x32xi32, #tpu.memory_space<vmem>> -> memref<128x32xi32, #tpu.memory_space<vmem>>
      %dma_wait3A_416 = arith.constant 0 : i32
      %dma_wait3A_417 = tpu.memref_slice %arg9[%dma_wait3A_410, %dma_wait3A_416] : memref<81x128xi32, #tpu.memory_space<vmem>> -> memref<1x128xi32, #tpu.memory_space<vmem>>
      %dma_wait3A_418 = tpu.memref_squeeze %dma_wait3A_417 : memref<1x128xi32, #tpu.memory_space<vmem>> -> memref<128xi32, #tpu.memory_space<vmem>>
      %dma_wait3A_419 = arith.constant 0 : i32
      %dma_wait3A_420 = arith.constant 0 : i32
      %dma_wait3A_421 = tpu.memref_slice %arg16[%dma_wait3A_419, %dma_wait3A_420] : memref<10240x32xi32, #tpu.memory_space<vmem_shared>> -> memref<10240x32xi32, #tpu.memory_space<vmem_shared>>
      tpu.wait_indirect_dma semaphore(%arg22 : memref<!tpu.dma_semaphore, #tpu.memory_space<semaphore_mem>>) src(%dma_wait3A_421 : memref<10240x32xi32, #tpu.memory_space<vmem_shared>>) dst(%dma_wait3A_415 : memref<128x32xi32, #tpu.memory_space<vmem>>)
      %add3A_422 = arith.constant 1 : i32
      %add3A_423 = arith.addi %add3A_385, %add3A_422 : i32
      %dma_start3A_424 = arith.constant 0 : i32
      %dma_start3A_425 = arith.constant 0 : i32
      %dma_start3A_426 = arith.constant 0 : i32
      %dma_start3A_427 = tpu.memref_slice %arg11[%dma_start3A_424, %dma_start3A_425, %dma_start3A_426] : memref<2x128x16xf32, #tpu.memory_space<vmem>> -> memref<1x128x16xf32, #tpu.memory_space<vmem>>
      %dma_start3A_428 = tpu.memref_squeeze %dma_start3A_427 : memref<1x128x16xf32, #tpu.memory_space<vmem>> -> memref<128x16xf32, #tpu.memory_space<vmem>>
      %dma_start3A_429 = arith.constant 0 : i32
      %dma_start3A_430 = tpu.memref_slice %arg9[%add3A_423, %dma_start3A_429] : memref<81x128xi32, #tpu.memory_space<vmem>> -> memref<1x128xi32, #tpu.memory_space<vmem>>
      %dma_start3A_431 = tpu.memref_squeeze %dma_start3A_430 : memref<1x128xi32, #tpu.memory_space<vmem>> -> memref<128xi32, #tpu.memory_space<vmem>>
      %dma_start3A_432 = arith.constant 0 : i32
      %dma_start3A_433 = arith.constant 0 : i32
      %dma_start3A_434 = tpu.memref_slice %arg4[%dma_start3A_432, %dma_start3A_433] : memref<10240x16xf32, #tpu.memory_space<hbm>> -> memref<10240x16xf32, #tpu.memory_space<hbm>>
      tpu.enqueue_indirect_dma source(%dma_start3A_434 : memref<10240x16xf32, #tpu.memory_space<hbm>>) target(%dma_start3A_428 : memref<128x16xf32, #tpu.memory_space<vmem>>) offsets(%dma_start3A_431 : memref<128xi32, #tpu.memory_space<vmem>>) semaphore(%arg17 : memref<!tpu.dma_semaphore, #tpu.memory_space<semaphore_mem>>)
      %dma_start3A_435 = arith.constant 0 : i32
      %dma_start3A_436 = arith.constant 0 : i32
      %dma_start3A_437 = arith.constant 0 : i32
      %dma_start3A_438 = tpu.memref_slice %arg12[%dma_start3A_435, %dma_start3A_436, %dma_start3A_437] : memref<2x128x16xf32, #tpu.memory_space<vmem>> -> memref<1x128x16xf32, #tpu.memory_space<vmem>>
      %dma_start3A_439 = tpu.memref_squeeze %dma_start3A_438 : memref<1x128x16xf32, #tpu.memory_space<vmem>> -> memref<128x16xf32, #tpu.memory_space<vmem>>
      %dma_start3A_440 = arith.constant 0 : i32
      %dma_start3A_441 = tpu.memref_slice %arg10[%add3A_423, %dma_start3A_440] : memref<81x128xi32, #tpu.memory_space<vmem>> -> memref<1x128xi32, #tpu.memory_space<vmem>>
      %dma_start3A_442 = tpu.memref_squeeze %dma_start3A_441 : memref<1x128xi32, #tpu.memory_space<vmem>> -> memref<128xi32, #tpu.memory_space<vmem>>
      %dma_start3A_443 = arith.constant 0 : i32
      %dma_start3A_444 = arith.constant 0 : i32
      %dma_start3A_445 = tpu.memref_slice %arg5[%dma_start3A_443, %dma_start3A_444] : memref<10240x16xf32, #tpu.memory_space<hbm>> -> memref<10240x16xf32, #tpu.memory_space<hbm>>
      tpu.enqueue_indirect_dma source(%dma_start3A_445 : memref<10240x16xf32, #tpu.memory_space<hbm>>) target(%dma_start3A_439 : memref<128x16xf32, #tpu.memory_space<vmem>>) offsets(%dma_start3A_442 : memref<128xi32, #tpu.memory_space<vmem>>) semaphore(%arg18 : memref<!tpu.dma_semaphore, #tpu.memory_space<semaphore_mem>>)
      %dma_start3A_446 = arith.constant 0 : i32
      %dma_start3A_447 = arith.constant 0 : i32
      %dma_start3A_448 = arith.constant 0 : i32
      %dma_start3A_449 = tpu.memref_slice %arg13[%dma_start3A_446, %dma_start3A_447, %dma_start3A_448] : memref<2x128x32xi32, #tpu.memory_space<vmem>> -> memref<1x128x32xi32, #tpu.memory_space<vmem>>
      %dma_start3A_450 = tpu.memref_squeeze %dma_start3A_449 : memref<1x128x32xi32, #tpu.memory_space<vmem>> -> memref<128x32xi32, #tpu.memory_space<vmem>>
      %dma_start3A_451 = arith.constant 0 : i32
      %dma_start3A_452 = tpu.memref_slice %arg9[%add3A_423, %dma_start3A_451] : memref<81x128xi32, #tpu.memory_space<vmem>> -> memref<1x128xi32, #tpu.memory_space<vmem>>
      %dma_start3A_453 = tpu.memref_squeeze %dma_start3A_452 : memref<1x128xi32, #tpu.memory_space<vmem>> -> memref<128xi32, #tpu.memory_space<vmem>>
      %dma_start3A_454 = arith.constant 0 : i32
      %dma_start3A_455 = arith.constant 0 : i32
      %dma_start3A_456 = tpu.memref_slice %arg16[%dma_start3A_454, %dma_start3A_455] : memref<10240x32xi32, #tpu.memory_space<vmem_shared>> -> memref<10240x32xi32, #tpu.memory_space<vmem_shared>>
      tpu.enqueue_indirect_dma source(%dma_start3A_456 : memref<10240x32xi32, #tpu.memory_space<vmem_shared>>) target(%dma_start3A_450 : memref<128x32xi32, #tpu.memory_space<vmem>>) offsets(%dma_start3A_453 : memref<128xi32, #tpu.memory_space<vmem>>) semaphore(%arg19 : memref<!tpu.dma_semaphore, #tpu.memory_space<semaphore_mem>>)
      %dma_wait3A_457 = arith.constant 1 : i32
      %dma_wait3A_458 = arith.constant 0 : i32
      %dma_wait3A_459 = arith.constant 0 : i32
      %dma_wait3A_460 = arith.constant 0 : i32
      %dma_wait3A_461 = tpu.memref_slice %arg14[%dma_wait3A_457, %dma_wait3A_459, %dma_wait3A_460] : memref<2x128x80xf32, #tpu.memory_space<vmem>> -> memref<1x128x80xf32, #tpu.memory_space<vmem>>
      %dma_wait3A_462 = tpu.memref_squeeze %dma_wait3A_461 : memref<1x128x80xf32, #tpu.memory_space<vmem>> -> memref<128x80xf32, #tpu.memory_space<vmem>>
      %dma_wait3A_463 = arith.constant 0 : i32
      %dma_wait3A_464 = tpu.memref_slice %arg10[%dma_wait3A_458, %dma_wait3A_463] : memref<81x128xi32, #tpu.memory_space<vmem>> -> memref<1x128xi32, #tpu.memory_space<vmem>>
      %dma_wait3A_465 = tpu.memref_squeeze %dma_wait3A_464 : memref<1x128xi32, #tpu.memory_space<vmem>> -> memref<128xi32, #tpu.memory_space<vmem>>
      %dma_wait3A_466 = arith.constant 0 : i32
      %dma_wait3A_467 = arith.constant 0 : i32
      %dma_wait3A_468 = tpu.memref_slice %arg15[%dma_wait3A_466, %dma_wait3A_467] : memref<10240x80xf32, #tpu.memory_space<vmem_shared>> -> memref<10240x80xf32, #tpu.memory_space<vmem_shared>>
      tpu.wait_indirect_dma semaphore(%arg24 : memref<!tpu.dma_semaphore, #tpu.memory_space<semaphore_mem>>) src(%dma_wait3A_462 : memref<128x80xf32, #tpu.memory_space<vmem>>) dst(%dma_wait3A_468 : memref<10240x80xf32, #tpu.memory_space<vmem_shared>>)
      %parallel_loop3A_469 = arith.constant 0 : i32
      %parallel_loop3A_470 = arith.constant 128 : i32
      %parallel_loop3A_471 = arith.constant 1 : i32
      scf.for %parallel_loop3A_483 = %parallel_loop3A_469 to %parallel_loop3A_470 step %parallel_loop3A_471  : i32 {
        %parallel_loop3A_484 = arith.constant 1 : i32
        %parallel_loop3A_485 = arith.index_cast %parallel_loop3A_484 : i32 to index
        %parallel_loop3A_486 = arith.index_cast %parallel_loop3A_483 : i32 to index
        %parallel_loop3A_487 = arith.constant 0 : index
        %parallel_loop3A_488 = tpu.vector_load %arg11[%parallel_loop3A_485, %parallel_loop3A_486, %parallel_loop3A_487] {strides = array<i32>} : memref<2x128x16xf32, #tpu.memory_space<vmem>>, vector<1x1x16xf32>,
        %parallel_loop3A_489 = vector.shape_cast %parallel_loop3A_488 : vector<1x1x16xf32> to vector<16xf32>
        %parallel_loop3A_490 = arith.constant 1 : i32
        %parallel_loop3A_491 = arith.index_cast %parallel_loop3A_490 : i32 to index
        %parallel_loop3A_492 = arith.index_cast %parallel_loop3A_483 : i32 to index
        %parallel_loop3A_493 = arith.constant 0 : index
        %parallel_loop3A_494 = tpu.vector_load %arg12[%parallel_loop3A_491, %parallel_loop3A_492, %parallel_loop3A_493] {strides = array<i32>} : memref<2x128x16xf32, #tpu.memory_space<vmem>>, vector<1x1x16xf32>,
        %parallel_loop3A_495 = vector.shape_cast %parallel_loop3A_494 : vector<1x1x16xf32> to vector<16xf32>
        %parallel_loop3A_496 = arith.addf %parallel_loop3A_489, %parallel_loop3A_495 : vector<16xf32>
        %parallel_loop3A_497 = arith.constant 2.000000e-01 : f32
        %parallel_loop3A_498 = vector.broadcast %parallel_loop3A_497 : f32 to vector<16xf32>
        %parallel_loop3A_499 = arith.mulf %parallel_loop3A_498, %parallel_loop3A_496 : vector<16xf32>
        %parallel_loop3A_500 = arith.maximumf %parallel_loop3A_496, %parallel_loop3A_499 : vector<16xf32>
        %parallel_loop3A_501 = math.exp %parallel_loop3A_500 : vector<16xf32>
        %parallel_loop3A_502 = arith.constant 1 : i32
        %parallel_loop3A_503 = arith.index_cast %parallel_loop3A_502 : i32 to index
        %parallel_loop3A_504 = arith.index_cast %parallel_loop3A_483 : i32 to index
        %parallel_loop3A_505 = arith.constant 0 : index
        %parallel_loop3A_506 = tpu.vector_load %arg14[%parallel_loop3A_503, %parallel_loop3A_504, %parallel_loop3A_505] {strides = array<i32>} : memref<2x128x80xf32, #tpu.memory_space<vmem>>, vector<1x1x16xf32>,
        %parallel_loop3A_507 = vector.shape_cast %parallel_loop3A_506 : vector<1x1x16xf32> to vector<16xf32>
        %parallel_loop3A_508 = vector.shape_cast %parallel_loop3A_501 : vector<16xf32> to vector<1x1x16xf32>
        tpu.vector_store %arg14[%parallel_loop3A_503, %parallel_loop3A_504, %parallel_loop3A_505], %parallel_loop3A_508 {strides = array<i32>} : memref<2x128x80xf32, #tpu.memory_space<vmem>>, vector<1x1x16xf32>,
        %parallel_loop3A_509 = arith.constant 1 : i32
        %parallel_loop3A_510 = arith.index_cast %parallel_loop3A_509 : i32 to index
        %parallel_loop3A_511 = arith.index_cast %parallel_loop3A_483 : i32 to index
        %parallel_loop3A_512 = arith.constant 0 : index
        %parallel_loop3A_513 = tpu.vector_load %arg13[%parallel_loop3A_510, %parallel_loop3A_511, %parallel_loop3A_512] {strides = array<i32>} : memref<2x128x32xi32, #tpu.memory_space<vmem>>, vector<1x1x16xi32>,
        %parallel_loop3A_514 = vector.shape_cast %parallel_loop3A_513 : vector<1x1x16xi32> to vector<16xi32>
        %parallel_loop3A_515 = arith.constant 16 : i32
        %parallel_loop3A_516 = vector.broadcast %parallel_loop3A_515 : i32 to vector<16xi32>
        %parallel_loop3A_517 = arith.shli %parallel_loop3A_514, %parallel_loop3A_516 : vector<16xi32>
        %parallel_loop3A_518 = tpu.bitcast %parallel_loop3A_517 : vector<16xi32> -> vector<16xf32>
        %parallel_loop3A_519 = arith.constant -65536 : i32
        %parallel_loop3A_520 = vector.broadcast %parallel_loop3A_519 : i32 to vector<16xi32>
        %parallel_loop3A_521 = arith.andi %parallel_loop3A_514, %parallel_loop3A_520 : vector<16xi32>
        %parallel_loop3A_522 = tpu.bitcast %parallel_loop3A_521 : vector<16xi32> -> vector<16xf32>
        %parallel_loop3A_523 = vector.extract_strided_slice %parallel_loop3A_501 {offsets = [0], sizes = [1], strides = [1]} : vector<16xf32> to vector<1xf32>
        %parallel_loop3A_524 = vector.extract %parallel_loop3A_523[0] : f32 from vector<1xf32>
        %parallel_loop3A_525 = vector.broadcast %parallel_loop3A_524 : f32 to vector<16xf32>
        %parallel_loop3A_526 = arith.mulf %parallel_loop3A_525, %parallel_loop3A_518 : vector<16xf32>
        %parallel_loop3A_527 = arith.constant 1 : i32
        %parallel_loop3A_528 = arith.index_cast %parallel_loop3A_527 : i32 to index
        %parallel_loop3A_529 = arith.index_cast %parallel_loop3A_483 : i32 to index
        %parallel_loop3A_530 = arith.constant 16 : index
        %parallel_loop3A_531 = tpu.vector_load %arg14[%parallel_loop3A_528, %parallel_loop3A_529, %parallel_loop3A_530] {strides = array<i32>} : memref<2x128x80xf32, #tpu.memory_space<vmem>>, vector<1x1x16xf32>,
        %parallel_loop3A_532 = vector.shape_cast %parallel_loop3A_531 : vector<1x1x16xf32> to vector<16xf32>
        %parallel_loop3A_533 = vector.shape_cast %parallel_loop3A_526 : vector<16xf32> to vector<1x1x16xf32>
        tpu.vector_store %arg14[%parallel_loop3A_528, %parallel_loop3A_529, %parallel_loop3A_530], %parallel_loop3A_533 {strides = array<i32>} : memref<2x128x80xf32, #tpu.memory_space<vmem>>, vector<1x1x16xf32>,
        %parallel_loop3A_534 = vector.extract_strided_slice %parallel_loop3A_501 {offsets = [0], sizes = [1], strides = [1]} : vector<16xf32> to vector<1xf32>
        %parallel_loop3A_535 = vector.extract %parallel_loop3A_534[0] : f32 from vector<1xf32>
        %parallel_loop3A_536 = vector.broadcast %parallel_loop3A_535 : f32 to vector<16xf32>
        %parallel_loop3A_537 = arith.mulf %parallel_loop3A_536, %parallel_loop3A_522 : vector<16xf32>
        %parallel_loop3A_538 = arith.constant 1 : i32
        %parallel_loop3A_539 = arith.index_cast %parallel_loop3A_538 : i32 to index
        %parallel_loop3A_540 = arith.index_cast %parallel_loop3A_483 : i32 to index
        %parallel_loop3A_541 = arith.constant 32 : index
        %parallel_loop3A_542 = tpu.vector_load %arg14[%parallel_loop3A_539, %parallel_loop3A_540, %parallel_loop3A_541] {strides = array<i32>} : memref<2x128x80xf32, #tpu.memory_space<vmem>>, vector<1x1x16xf32>,
        %parallel_loop3A_543 = vector.shape_cast %parallel_loop3A_542 : vector<1x1x16xf32> to vector<16xf32>
        %parallel_loop3A_544 = vector.shape_cast %parallel_loop3A_537 : vector<16xf32> to vector<1x1x16xf32>
        tpu.vector_store %arg14[%parallel_loop3A_539, %parallel_loop3A_540, %parallel_loop3A_541], %parallel_loop3A_544 {strides = array<i32>} : memref<2x128x80xf32, #tpu.memory_space<vmem>>, vector<1x1x16xf32>,
        %parallel_loop3A_545 = arith.constant 1 : i32
        %parallel_loop3A_546 = arith.index_cast %parallel_loop3A_545 : i32 to index
        %parallel_loop3A_547 = arith.index_cast %parallel_loop3A_483 : i32 to index
        %parallel_loop3A_548 = arith.constant 16 : index
        %parallel_loop3A_549 = tpu.vector_load %arg13[%parallel_loop3A_546, %parallel_loop3A_547, %parallel_loop3A_548] {strides = array<i32>} : memref<2x128x32xi32, #tpu.memory_space<vmem>>, vector<1x1x16xi32>,
        %parallel_loop3A_550 = vector.shape_cast %parallel_loop3A_549 : vector<1x1x16xi32> to vector<16xi32>
        %parallel_loop3A_551 = arith.constant 16 : i32
        %parallel_loop3A_552 = vector.broadcast %parallel_loop3A_551 : i32 to vector<16xi32>
        %parallel_loop3A_553 = arith.shli %parallel_loop3A_550, %parallel_loop3A_552 : vector<16xi32>
        %parallel_loop3A_554 = tpu.bitcast %parallel_loop3A_553 : vector<16xi32> -> vector<16xf32>
        %parallel_loop3A_555 = arith.constant -65536 : i32
        %parallel_loop3A_556 = vector.broadcast %parallel_loop3A_555 : i32 to vector<16xi32>
        %parallel_loop3A_557 = arith.andi %parallel_loop3A_550, %parallel_loop3A_556 : vector<16xi32>
        %parallel_loop3A_558 = tpu.bitcast %parallel_loop3A_557 : vector<16xi32> -> vector<16xf32>
        %parallel_loop3A_559 = vector.extract_strided_slice %parallel_loop3A_501 {offsets = [0], sizes = [1], strides = [1]} : vector<16xf32> to vector<1xf32>
        %parallel_loop3A_560 = vector.extract %parallel_loop3A_559[0] : f32 from vector<1xf32>
        %parallel_loop3A_561 = vector.broadcast %parallel_loop3A_560 : f32 to vector<16xf32>
        %parallel_loop3A_562 = arith.mulf %parallel_loop3A_561, %parallel_loop3A_554 : vector<16xf32>
        %parallel_loop3A_563 = arith.constant 1 : i32
        %parallel_loop3A_564 = arith.index_cast %parallel_loop3A_563 : i32 to index
        %parallel_loop3A_565 = arith.index_cast %parallel_loop3A_483 : i32 to index
        %parallel_loop3A_566 = arith.constant 48 : index
        %parallel_loop3A_567 = tpu.vector_load %arg14[%parallel_loop3A_564, %parallel_loop3A_565, %parallel_loop3A_566] {strides = array<i32>} : memref<2x128x80xf32, #tpu.memory_space<vmem>>, vector<1x1x16xf32>,
        %parallel_loop3A_568 = vector.shape_cast %parallel_loop3A_567 : vector<1x1x16xf32> to vector<16xf32>
        %parallel_loop3A_569 = vector.shape_cast %parallel_loop3A_562 : vector<16xf32> to vector<1x1x16xf32>
        tpu.vector_store %arg14[%parallel_loop3A_564, %parallel_loop3A_565, %parallel_loop3A_566], %parallel_loop3A_569 {strides = array<i32>} : memref<2x128x80xf32, #tpu.memory_space<vmem>>, vector<1x1x16xf32>,
        %parallel_loop3A_570 = vector.extract_strided_slice %parallel_loop3A_501 {offsets = [0], sizes = [1], strides = [1]} : vector<16xf32> to vector<1xf32>
        %parallel_loop3A_571 = vector.extract %parallel_loop3A_570[0] : f32 from vector<1xf32>
        %parallel_loop3A_572 = vector.broadcast %parallel_loop3A_571 : f32 to vector<16xf32>
        %parallel_loop3A_573 = arith.mulf %parallel_loop3A_572, %parallel_loop3A_558 : vector<16xf32>
        %parallel_loop3A_574 = arith.constant 1 : i32
        %parallel_loop3A_575 = arith.index_cast %parallel_loop3A_574 : i32 to index
        %parallel_loop3A_576 = arith.index_cast %parallel_loop3A_483 : i32 to index
        %parallel_loop3A_577 = arith.constant 64 : index
        %parallel_loop3A_578 = tpu.vector_load %arg14[%parallel_loop3A_575, %parallel_loop3A_576, %parallel_loop3A_577] {strides = array<i32>} : memref<2x128x80xf32, #tpu.memory_space<vmem>>, vector<1x1x16xf32>,
        %parallel_loop3A_579 = vector.shape_cast %parallel_loop3A_578 : vector<1x1x16xf32> to vector<16xf32>
        %parallel_loop3A_580 = vector.shape_cast %parallel_loop3A_573 : vector<16xf32> to vector<1x1x16xf32>
        tpu.vector_store %arg14[%parallel_loop3A_575, %parallel_loop3A_576, %parallel_loop3A_577], %parallel_loop3A_580 {strides = array<i32>} : memref<2x128x80xf32, #tpu.memory_space<vmem>>, vector<1x1x16xf32>,
      } {sc.loop_unroll_factor = 1 : i64, sc.parallel_access}
      %dma_start3A_472 = arith.constant 1 : i32
      %dma_start3A_473 = arith.constant 0 : i32
      %dma_start3A_474 = arith.constant 0 : i32
      %dma_start3A_475 = tpu.memref_slice %arg14[%dma_start3A_472, %dma_start3A_473, %dma_start3A_474] : memref<2x128x80xf32, #tpu.memory_space<vmem>> -> memref<1x128x80xf32, #tpu.memory_space<vmem>>
      %dma_start3A_476 = tpu.memref_squeeze %dma_start3A_475 : memref<1x128x80xf32, #tpu.memory_space<vmem>> -> memref<128x80xf32, #tpu.memory_space<vmem>>
      %dma_start3A_477 = arith.constant 0 : i32
      %dma_start3A_478 = tpu.memref_slice %arg10[%add3A_385, %dma_start3A_477] : memref<81x128xi32, #tpu.memory_space<vmem>> -> memref<1x128xi32, #tpu.memory_space<vmem>>
      %dma_start3A_479 = tpu.memref_squeeze %dma_start3A_478 : memref<1x128xi32, #tpu.memory_space<vmem>> -> memref<128xi32, #tpu.memory_space<vmem>>
      %dma_start3A_480 = arith.constant 0 : i32
      %dma_start3A_481 = arith.constant 0 : i32
      %dma_start3A_482 = tpu.memref_slice %arg15[%dma_start3A_480, %dma_start3A_481] : memref<10240x80xf32, #tpu.memory_space<vmem_shared>> -> memref<10240x80xf32, #tpu.memory_space<vmem_shared>>
      tpu.enqueue_indirect_dma source(%dma_start3A_476 : memref<128x80xf32, #tpu.memory_space<vmem>>) target(%dma_start3A_482 : memref<10240x80xf32, #tpu.memory_space<vmem_shared>>) offsets(%dma_start3A_479 : memref<128xi32, #tpu.memory_space<vmem>>) semaphore(%arg24 : memref<!tpu.dma_semaphore, #tpu.memory_space<semaphore_mem>>) {add = true}
    }
    %scan3A_218 = arith.constant 39 : i32
    %dma_wait3A_219 = arith.constant 0 : i32
    %dma_wait3A_220 = arith.constant 0 : i32
    %dma_wait3A_221 = arith.constant 0 : i32
    %dma_wait3A_222 = arith.constant 0 : i32
    %dma_wait3A_223 = tpu.memref_slice %arg11[%dma_wait3A_220, %dma_wait3A_221, %dma_wait3A_222] : memref<2x128x16xf32, #tpu.memory_space<vmem>> -> memref<1x128x16xf32, #tpu.memory_space<vmem>>
    %dma_wait3A_224 = tpu.memref_squeeze %dma_wait3A_223 : memref<1x128x16xf32, #tpu.memory_space<vmem>> -> memref<128x16xf32, #tpu.memory_space<vmem>>
    %dma_wait3A_225 = arith.constant 0 : i32
    %dma_wait3A_226 = tpu.memref_slice %arg9[%dma_wait3A_219, %dma_wait3A_225] : memref<81x128xi32, #tpu.memory_space<vmem>> -> memref<1x128xi32, #tpu.memory_space<vmem>>
    %dma_wait3A_227 = tpu.memref_squeeze %dma_wait3A_226 : memref<1x128xi32, #tpu.memory_space<vmem>> -> memref<128xi32, #tpu.memory_space<vmem>>
    %dma_wait3A_228 = arith.constant 0 : i32
    %dma_wait3A_229 = arith.constant 0 : i32
    %dma_wait3A_230 = tpu.memref_slice %arg4[%dma_wait3A_228, %dma_wait3A_229] : memref<10240x16xf32, #tpu.memory_space<hbm>> -> memref<10240x16xf32, #tpu.memory_space<hbm>>
    tpu.wait_indirect_dma semaphore(%arg17 : memref<!tpu.dma_semaphore, #tpu.memory_space<semaphore_mem>>) src(%dma_wait3A_230 : memref<10240x16xf32, #tpu.memory_space<hbm>>) dst(%dma_wait3A_224 : memref<128x16xf32, #tpu.memory_space<vmem>>)
    %dma_wait3A_231 = arith.constant 0 : i32
    %dma_wait3A_232 = arith.constant 0 : i32
    %dma_wait3A_233 = arith.constant 0 : i32
    %dma_wait3A_234 = arith.constant 0 : i32
    %dma_wait3A_235 = tpu.memref_slice %arg12[%dma_wait3A_232, %dma_wait3A_233, %dma_wait3A_234] : memref<2x128x16xf32, #tpu.memory_space<vmem>> -> memref<1x128x16xf32, #tpu.memory_space<vmem>>
    %dma_wait3A_236 = tpu.memref_squeeze %dma_wait3A_235 : memref<1x128x16xf32, #tpu.memory_space<vmem>> -> memref<128x16xf32, #tpu.memory_space<vmem>>
    %dma_wait3A_237 = arith.constant 0 : i32
    %dma_wait3A_238 = tpu.memref_slice %arg10[%dma_wait3A_231, %dma_wait3A_237] : memref<81x128xi32, #tpu.memory_space<vmem>> -> memref<1x128xi32, #tpu.memory_space<vmem>>
    %dma_wait3A_239 = tpu.memref_squeeze %dma_wait3A_238 : memref<1x128xi32, #tpu.memory_space<vmem>> -> memref<128xi32, #tpu.memory_space<vmem>>
    %dma_wait3A_240 = arith.constant 0 : i32
    %dma_wait3A_241 = arith.constant 0 : i32
    %dma_wait3A_242 = tpu.memref_slice %arg5[%dma_wait3A_240, %dma_wait3A_241] : memref<10240x16xf32, #tpu.memory_space<hbm>> -> memref<10240x16xf32, #tpu.memory_space<hbm>>
    tpu.wait_indirect_dma semaphore(%arg18 : memref<!tpu.dma_semaphore, #tpu.memory_space<semaphore_mem>>) src(%dma_wait3A_242 : memref<10240x16xf32, #tpu.memory_space<hbm>>) dst(%dma_wait3A_236 : memref<128x16xf32, #tpu.memory_space<vmem>>)
    %dma_wait3A_243 = arith.constant 0 : i32
    %dma_wait3A_244 = arith.constant 0 : i32
    %dma_wait3A_245 = arith.constant 0 : i32
    %dma_wait3A_246 = arith.constant 0 : i32
    %dma_wait3A_247 = tpu.memref_slice %arg13[%dma_wait3A_244, %dma_wait3A_245, %dma_wait3A_246] : memref<2x128x32xi32, #tpu.memory_space<vmem>> -> memref<1x128x32xi32, #tpu.memory_space<vmem>>
    %dma_wait3A_248 = tpu.memref_squeeze %dma_wait3A_247 : memref<1x128x32xi32, #tpu.memory_space<vmem>> -> memref<128x32xi32, #tpu.memory_space<vmem>>
    %dma_wait3A_249 = arith.constant 0 : i32
    %dma_wait3A_250 = tpu.memref_slice %arg9[%dma_wait3A_243, %dma_wait3A_249] : memref<81x128xi32, #tpu.memory_space<vmem>> -> memref<1x128xi32, #tpu.memory_space<vmem>>
    %dma_wait3A_251 = tpu.memref_squeeze %dma_wait3A_250 : memref<1x128xi32, #tpu.memory_space<vmem>> -> memref<128xi32, #tpu.memory_space<vmem>>
    %dma_wait3A_252 = arith.constant 0 : i32
    %dma_wait3A_253 = arith.constant 0 : i32
    %dma_wait3A_254 = tpu.memref_slice %arg16[%dma_wait3A_252, %dma_wait3A_253] : memref<10240x32xi32, #tpu.memory_space<vmem_shared>> -> memref<10240x32xi32, #tpu.memory_space<vmem_shared>>
    tpu.wait_indirect_dma semaphore(%arg19 : memref<!tpu.dma_semaphore, #tpu.memory_space<semaphore_mem>>) src(%dma_wait3A_254 : memref<10240x32xi32, #tpu.memory_space<vmem_shared>>) dst(%dma_wait3A_248 : memref<128x32xi32, #tpu.memory_space<vmem>>)
    %dma_wait3A_255 = arith.constant 0 : i32
    %dma_wait3A_256 = arith.constant 0 : i32
    %dma_wait3A_257 = arith.constant 0 : i32
    %dma_wait3A_258 = arith.constant 0 : i32
    %dma_wait3A_259 = tpu.memref_slice %arg14[%dma_wait3A_255, %dma_wait3A_257, %dma_wait3A_258] : memref<2x128x80xf32, #tpu.memory_space<vmem>> -> memref<1x128x80xf32, #tpu.memory_space<vmem>>
    %dma_wait3A_260 = tpu.memref_squeeze %dma_wait3A_259 : memref<1x128x80xf32, #tpu.memory_space<vmem>> -> memref<128x80xf32, #tpu.memory_space<vmem>>
    %dma_wait3A_261 = arith.constant 0 : i32
    %dma_wait3A_262 = tpu.memref_slice %arg10[%dma_wait3A_256, %dma_wait3A_261] : memref<81x128xi32, #tpu.memory_space<vmem>> -> memref<1x128xi32, #tpu.memory_space<vmem>>
    %dma_wait3A_263 = tpu.memref_squeeze %dma_wait3A_262 : memref<1x128xi32, #tpu.memory_space<vmem>> -> memref<128xi32, #tpu.memory_space<vmem>>
    %dma_wait3A_264 = arith.constant 0 : i32
    %dma_wait3A_265 = arith.constant 0 : i32
    %dma_wait3A_266 = tpu.memref_slice %arg15[%dma_wait3A_264, %dma_wait3A_265] : memref<10240x80xf32, #tpu.memory_space<vmem_shared>> -> memref<10240x80xf32, #tpu.memory_space<vmem_shared>>
    tpu.wait_indirect_dma semaphore(%arg23 : memref<!tpu.dma_semaphore, #tpu.memory_space<semaphore_mem>>) src(%dma_wait3A_260 : memref<128x80xf32, #tpu.memory_space<vmem>>) dst(%dma_wait3A_266 : memref<10240x80xf32, #tpu.memory_space<vmem_shared>>)
    %dma_wait3A_267 = arith.constant 1 : i32
    %dma_wait3A_268 = arith.constant 0 : i32
    %dma_wait3A_269 = arith.constant 0 : i32
    %dma_wait3A_270 = arith.constant 0 : i32
    %dma_wait3A_271 = tpu.memref_slice %arg14[%dma_wait3A_267, %dma_wait3A_269, %dma_wait3A_270] : memref<2x128x80xf32, #tpu.memory_space<vmem>> -> memref<1x128x80xf32, #tpu.memory_space<vmem>>
    %dma_wait3A_272 = tpu.memref_squeeze %dma_wait3A_271 : memref<1x128x80xf32, #tpu.memory_space<vmem>> -> memref<128x80xf32, #tpu.memory_space<vmem>>
    %dma_wait3A_273 = arith.constant 0 : i32
    %dma_wait3A_274 = tpu.memref_slice %arg10[%dma_wait3A_268, %dma_wait3A_273] : memref<81x128xi32, #tpu.memory_space<vmem>> -> memref<1x128xi32, #tpu.memory_space<vmem>>
    %dma_wait3A_275 = tpu.memref_squeeze %dma_wait3A_274 : memref<1x128xi32, #tpu.memory_space<vmem>> -> memref<128xi32, #tpu.memory_space<vmem>>
    %dma_wait3A_276 = arith.constant 0 : i32
    %dma_wait3A_277 = arith.constant 0 : i32
    %dma_wait3A_278 = tpu.memref_slice %arg15[%dma_wait3A_276, %dma_wait3A_277] : memref<10240x80xf32, #tpu.memory_space<vmem_shared>> -> memref<10240x80xf32, #tpu.memory_space<vmem_shared>>
    tpu.wait_indirect_dma semaphore(%arg24 : memref<!tpu.dma_semaphore, #tpu.memory_space<semaphore_mem>>) src(%dma_wait3A_272 : memref<128x80xf32, #tpu.memory_space<vmem>>) dst(%dma_wait3A_278 : memref<10240x80xf32, #tpu.memory_space<vmem_shared>>)
    %barrier3A_279 = arith.constant 0 : index
    tpu.barrier barrier_id(%barrier3A_279)
    "tpu.region"() ({
      %run_scoped3A = tpu.sem_alloc : memref<!tpu.dma_semaphore, #tpu.memory_space<semaphore_mem>>
      %dma_start3A_280 = arith.constant 0 : i32
      %dma_start3A_281 = tpu.memref_slice %arg8[%arg0, %mul3A_2, %dma_start3A_280] : memref<2x10240x80xf32, #tpu.memory_space<hbm>> -> memref<1x640x80xf32, #tpu.memory_space<hbm>>
      %dma_start3A_282 = tpu.memref_squeeze %dma_start3A_281 : memref<1x640x80xf32, #tpu.memory_space<hbm>> -> memref<640x80xf32, #tpu.memory_space<hbm>>
      %dma_start3A_283 = arith.constant 0 : i32
      %dma_start3A_284 = tpu.memref_slice %arg15[%mul3A_2, %dma_start3A_283] : memref<10240x80xf32, #tpu.memory_space<vmem_shared>> -> memref<640x80xf32, #tpu.memory_space<vmem_shared>>
      tpu.enqueue_dma source(%dma_start3A_284 : memref<640x80xf32, #tpu.memory_space<vmem_shared>>) target(%dma_start3A_282 : memref<640x80xf32, #tpu.memory_space<hbm>>) target_semaphore(%run_scoped3A : memref<!tpu.dma_semaphore, #tpu.memory_space<semaphore_mem>>)
      %dma_wait3A_285 = arith.constant 0 : i32
      %dma_wait3A_286 = tpu.memref_slice %arg8[%arg0, %mul3A_2, %dma_wait3A_285] : memref<2x10240x80xf32, #tpu.memory_space<hbm>> -> memref<1x640x80xf32, #tpu.memory_space<hbm>>
      %dma_wait3A_287 = tpu.memref_squeeze %dma_wait3A_286 : memref<1x640x80xf32, #tpu.memory_space<hbm>> -> memref<640x80xf32, #tpu.memory_space<hbm>>
      %dma_wait3A_288 = arith.constant 0 : i32
      %dma_wait3A_289 = tpu.memref_slice %arg15[%mul3A_2, %dma_wait3A_288] : memref<10240x80xf32, #tpu.memory_space<vmem_shared>> -> memref<640x80xf32, #tpu.memory_space<vmem_shared>>
      tpu.wait_dma2 semaphore(%run_scoped3A : memref<!tpu.dma_semaphore, #tpu.memory_space<semaphore_mem>>) src(%dma_wait3A_289 : memref<640x80xf32, #tpu.memory_space<vmem_shared>>) dst(%dma_wait3A_287 : memref<640x80xf32, #tpu.memory_space<hbm>>)
      tpu.yield
    }) : () -> ()
    return
  }
}

module attributes {stable_mosaic.version = 14 : i64} {
  func.func @_dense1_body(%arg0: i32, %arg1: memref<2048x128xf32, #tpu.memory_space<vmem>>, %arg2: memref<128x64xf32, #tpu.memory_space<vmem>>, %arg3: memref<64x16xf32, #tpu.memory_space<vmem>>, %arg4: memref<64x16xf32, #tpu.memory_space<vmem>>, %arg5: memref<1x16xf32, #tpu.memory_space<vmem>>, %arg6: memref<64x32xf32, #tpu.memory_space<vmem>>, %arg7: memref<64x32xf32, #tpu.memory_space<vmem>>, %arg8: memref<2048x32xi32, #tpu.memory_space<vmem>>, %arg9: memref<2048x16xf32, #tpu.memory_space<vmem>>, %arg10: memref<2048x16xf32, #tpu.memory_space<vmem>>) attributes {dimension_semantics = [#tpu.dimension_semantics<arbitrary>], iteration_bounds = array<i64: 5>, scalar_prefetch = 0 : i64, scratch_operands = 0 : i64, tpu.core_type = #tpu.core_type<tc>, window_params = [{transform_indices = @transform_0, window_bounds = array<i64: 2048, 128>}, {pipeline_mode = #tpu.pipeline_mode<synchronous>, transform_indices = @transform_1, window_bounds = array<i64: 128, 64>}, {pipeline_mode = #tpu.pipeline_mode<synchronous>, transform_indices = @transform_2, window_bounds = array<i64: 64, 16>}, {pipeline_mode = #tpu.pipeline_mode<synchronous>, transform_indices = @transform_3, window_bounds = array<i64: 64, 16>}, {pipeline_mode = #tpu.pipeline_mode<synchronous>, transform_indices = @transform_4, window_bounds = array<i64: 1, 16>}, {pipeline_mode = #tpu.pipeline_mode<synchronous>, transform_indices = @transform_5, window_bounds = array<i64: 64, 32>}, {pipeline_mode = #tpu.pipeline_mode<synchronous>, transform_indices = @transform_6, window_bounds = array<i64: 64, 32>}, {transform_indices = @transform_7, window_bounds = array<i64: 2048, 32>}, {transform_indices = @transform_8, window_bounds = array<i64: 2048, 16>}, {transform_indices = @transform_9, window_bounds = array<i64: 2048, 16>}]} {
    %get3A = arith.constant 0 : index
    %get3A_0 = arith.constant 0 : index
    %get3A_1 = vector.load %arg1[%get3A, %get3A_0] : memref<2048x128xf32, #tpu.memory_space<vmem>>, vector<2048x128xf32>
    %get3A_2 = arith.constant 0 : index
    %get3A_3 = arith.constant 0 : index
    %get3A_4 = vector.load %arg2[%get3A_2, %get3A_3] : memref<128x64xf32, #tpu.memory_space<vmem>>, vector<128x64xf32>
    %dot_general3A = arith.constant dense<0.000000e+00> : vector<2048x64xf32>
    %dot_general3A_5 = tpu.matmul %get3A_1, %get3A_4, %dot_general3A {dimension_numbers = #tpu.dot_dimension_numbers<[1], [0], [0], [1], [0, 0, 1, 1], [], []>, transpose_lhs_hint = false} : vector<2048x128xf32>, vector<128x64xf32>, vector<2048x64xf32> -> vector<2048x64xf32>
    %get3A_6 = arith.constant 0 : index
    %get3A_7 = arith.constant 0 : index
    %get3A_8 = vector.load %arg6[%get3A_6, %get3A_7] : memref<64x32xf32, #tpu.memory_space<vmem>>, vector<64x32xf32>
    %dot_general3A_9 = arith.constant dense<0.000000e+00> : vector<2048x32xf32>
    %dot_general3A_10 = tpu.matmul %dot_general3A_5, %get3A_8, %dot_general3A_9 {dimension_numbers = #tpu.dot_dimension_numbers<[1], [0], [0], [1], [0, 0, 1, 1], [], []>, transpose_lhs_hint = false} : vector<2048x64xf32>, vector<64x32xf32>, vector<2048x32xf32> -> vector<2048x32xf32>
    %get3A_11 = arith.constant 0 : index
    %get3A_12 = arith.constant 0 : index
    %get3A_13 = vector.load %arg7[%get3A_11, %get3A_12] : memref<64x32xf32, #tpu.memory_space<vmem>>, vector<64x32xf32>
    %dot_general3A_14 = arith.constant dense<0.000000e+00> : vector<2048x32xf32>
    %dot_general3A_15 = tpu.matmul %dot_general3A_5, %get3A_13, %dot_general3A_14 {dimension_numbers = #tpu.dot_dimension_numbers<[1], [0], [0], [1], [0, 0, 1, 1], [], []>, transpose_lhs_hint = false} : vector<2048x64xf32>, vector<64x32xf32>, vector<2048x32xf32> -> vector<2048x32xf32>
    %convert_element_type3A = arith.truncf %dot_general3A_10 : vector<2048x32xf32> to vector<2048x32xbf16>
    %convert_element_type3A_16 = arith.extf %convert_element_type3A : vector<2048x32xbf16> to vector<2048x32xf32>
    %bitcast_convert_type3A = tpu.bitcast %convert_element_type3A_16 : vector<2048x32xf32> -> vector<2048x32xi32>
    %convert_element_type3A_17 = arith.truncf %dot_general3A_15 : vector<2048x32xf32> to vector<2048x32xbf16>
    %convert_element_type3A_18 = arith.extf %convert_element_type3A_17 : vector<2048x32xbf16> to vector<2048x32xf32>
    %bitcast_convert_type3A_19 = tpu.bitcast %convert_element_type3A_18 : vector<2048x32xf32> -> vector<2048x32xi32>
    %shift_right_logical3A = arith.constant 16 : i32
    %shift_right_logical3A_20 = vector.broadcast %shift_right_logical3A : i32 to vector<2048x32xi32>
    %shift_right_logical3A_21 = arith.shrui %bitcast_convert_type3A, %shift_right_logical3A_20 : vector<2048x32xi32>
    %and3A = arith.constant -65536 : i32
    %and3A_22 = vector.broadcast %and3A : i32 to vector<2048x32xi32>
    %and3A_23 = arith.andi %bitcast_convert_type3A_19, %and3A_22 : vector<2048x32xi32>
    %or3A = arith.ori %shift_right_logical3A_21, %and3A_23 : vector<2048x32xi32>
    %swap3A = arith.constant 0 : index
    %swap3A_24 = arith.constant 0 : index
    %swap3A_25 = vector.load %arg8[%swap3A, %swap3A_24] : memref<2048x32xi32, #tpu.memory_space<vmem>>, vector<2048x32xi32>
    tpu.vector_store %arg8[%swap3A, %swap3A_24], %or3A {strides = array<i32>} : memref<2048x32xi32, #tpu.memory_space<vmem>>, vector<2048x32xi32>,
    %get3A_26 = arith.constant 0 : index
    %get3A_27 = arith.constant 0 : index
    %get3A_28 = vector.load %arg3[%get3A_26, %get3A_27] : memref<64x16xf32, #tpu.memory_space<vmem>>, vector<64x16xf32>
    %dot_general3A_29 = arith.constant dense<0.000000e+00> : vector<2048x16xf32>
    %dot_general3A_30 = tpu.matmul %dot_general3A_5, %get3A_28, %dot_general3A_29 {dimension_numbers = #tpu.dot_dimension_numbers<[1], [0], [0], [1], [0, 0, 1, 1], [], []>, transpose_lhs_hint = false} : vector<2048x64xf32>, vector<64x16xf32>, vector<2048x16xf32> -> vector<2048x16xf32>
    %swap3A_31 = arith.constant 0 : index
    %swap3A_32 = arith.constant 0 : index
    %swap3A_33 = vector.load %arg9[%swap3A_31, %swap3A_32] : memref<2048x16xf32, #tpu.memory_space<vmem>>, vector<2048x16xf32>
    tpu.vector_store %arg9[%swap3A_31, %swap3A_32], %dot_general3A_30 {strides = array<i32>} : memref<2048x16xf32, #tpu.memory_space<vmem>>, vector<2048x16xf32>,
    %get3A_34 = arith.constant 0 : index
    %get3A_35 = arith.constant 0 : index
    %get3A_36 = vector.load %arg4[%get3A_34, %get3A_35] : memref<64x16xf32, #tpu.memory_space<vmem>>, vector<64x16xf32>
    %dot_general3A_37 = arith.constant dense<0.000000e+00> : vector<2048x16xf32>
    %dot_general3A_38 = tpu.matmul %dot_general3A_5, %get3A_36, %dot_general3A_37 {dimension_numbers = #tpu.dot_dimension_numbers<[1], [0], [0], [1], [0, 0, 1, 1], [], []>, transpose_lhs_hint = false} : vector<2048x64xf32>, vector<64x16xf32>, vector<2048x16xf32> -> vector<2048x16xf32>
    %get3A_39 = arith.constant 0 : index
    %get3A_40 = arith.constant 0 : index
    %get3A_41 = vector.load %arg5[%get3A_39, %get3A_40] : memref<1x16xf32, #tpu.memory_space<vmem>>, vector<1x16xf32>
    %add3A = vector.broadcast %get3A_41 : vector<1x16xf32> to vector<2048x16xf32>
    %add3A_42 = arith.addf %dot_general3A_38, %add3A : vector<2048x16xf32>
    %swap3A_43 = arith.constant 0 : index
    %swap3A_44 = arith.constant 0 : index
    %swap3A_45 = vector.load %arg10[%swap3A_43, %swap3A_44] : memref<2048x16xf32, #tpu.memory_space<vmem>>, vector<2048x16xf32>
    tpu.vector_store %arg10[%swap3A_43, %swap3A_44], %add3A_42 {strides = array<i32>} : memref<2048x16xf32, #tpu.memory_space<vmem>>, vector<2048x16xf32>,
    return
  }
  func.func @transform_0(%arg0: i32) -> (i32, i32) {
    %c0_i32 = arith.constant 0 : i32
    %c0_i32_0 = arith.constant 0 : i32
    return %arg0, %c0_i32 : i32, i32
  }
  func.func @transform_1(%arg0: i32) -> (i32, i32) {
    %c0_i32 = arith.constant 0 : i32
    %c0_i32_0 = arith.constant 0 : i32
    %c0_i32_1 = arith.constant 0 : i32
    return %c0_i32, %c0_i32_0 : i32, i32
  }
  func.func @transform_2(%arg0: i32) -> (i32, i32) {
    %c0_i32 = arith.constant 0 : i32
    %c0_i32_0 = arith.constant 0 : i32
    %c0_i32_1 = arith.constant 0 : i32
    return %c0_i32, %c0_i32_0 : i32, i32
  }
  func.func @transform_3(%arg0: i32) -> (i32, i32) {
    %c0_i32 = arith.constant 0 : i32
    %c0_i32_0 = arith.constant 0 : i32
    %c0_i32_1 = arith.constant 0 : i32
    return %c0_i32, %c0_i32_0 : i32, i32
  }
  func.func @transform_4(%arg0: i32) -> (i32, i32) {
    %c0_i32 = arith.constant 0 : i32
    %c0_i32_0 = arith.constant 0 : i32
    %c0_i32_1 = arith.constant 0 : i32
    return %c0_i32, %c0_i32_0 : i32, i32
  }
  func.func @transform_5(%arg0: i32) -> (i32, i32) {
    %c0_i32 = arith.constant 0 : i32
    %c0_i32_0 = arith.constant 0 : i32
    %c0_i32_1 = arith.constant 0 : i32
    return %c0_i32, %c0_i32_0 : i32, i32
  }
  func.func @transform_6(%arg0: i32) -> (i32, i32) {
    %c0_i32 = arith.constant 0 : i32
    %c0_i32_0 = arith.constant 0 : i32
    %c0_i32_1 = arith.constant 0 : i32
    return %c0_i32, %c0_i32_0 : i32, i32
  }
  func.func @transform_7(%arg0: i32) -> (i32, i32) {
    %c0_i32 = arith.constant 0 : i32
    %c0_i32_0 = arith.constant 0 : i32
    return %arg0, %c0_i32 : i32, i32
  }
  func.func @transform_8(%arg0: i32) -> (i32, i32) {
    %c0_i32 = arith.constant 0 : i32
    %c0_i32_0 = arith.constant 0 : i32
    return %arg0, %c0_i32 : i32, i32
  }
  func.func @transform_9(%arg0: i32) -> (i32, i32) {
    %c0_i32 = arith.constant 0 : i32
    %c0_i32_0 = arith.constant 0 : i32
    return %arg0, %c0_i32 : i32, i32
  }
}

module attributes {stable_mosaic.version = 14 : i64} {
  func.func @_mid_body(%arg0: i32, %arg1: memref<2x2048x80xf32, #tpu.memory_space<vmem>>, %arg2: memref<16x64xf32, #tpu.memory_space<vmem>>, %arg3: memref<1x64xf32, #tpu.memory_space<vmem>>, %arg4: memref<64x64xf32, #tpu.memory_space<vmem>>, %arg5: memref<64x16xf32, #tpu.memory_space<vmem>>, %arg6: memref<64x16xf32, #tpu.memory_space<vmem>>, %arg7: memref<1x16xf32, #tpu.memory_space<vmem>>, %arg8: memref<64x32xf32, #tpu.memory_space<vmem>>, %arg9: memref<64x32xf32, #tpu.memory_space<vmem>>, %arg10: memref<2048x32xi32, #tpu.memory_space<vmem>>, %arg11: memref<2048x16xf32, #tpu.memory_space<vmem>>, %arg12: memref<2048x16xf32, #tpu.memory_space<vmem>>) attributes {dimension_semantics = [#tpu.dimension_semantics<arbitrary>], iteration_bounds = array<i64: 5>, scalar_prefetch = 0 : i64, scratch_operands = 0 : i64, tpu.core_type = #tpu.core_type<tc>, window_params = [{transform_indices = @transform_0, window_bounds = array<i64: 2, 2048, 80>}, {pipeline_mode = #tpu.pipeline_mode<synchronous>, transform_indices = @transform_1, window_bounds = array<i64: 16, 64>}, {pipeline_mode = #tpu.pipeline_mode<synchronous>, transform_indices = @transform_2, window_bounds = array<i64: 1, 64>}, {pipeline_mode = #tpu.pipeline_mode<synchronous>, transform_indices = @transform_3, window_bounds = array<i64: 64, 64>}, {pipeline_mode = #tpu.pipeline_mode<synchronous>, transform_indices = @transform_4, window_bounds = array<i64: 64, 16>}, {pipeline_mode = #tpu.pipeline_mode<synchronous>, transform_indices = @transform_5, window_bounds = array<i64: 64, 16>}, {pipeline_mode = #tpu.pipeline_mode<synchronous>, transform_indices = @transform_6, window_bounds = array<i64: 1, 16>}, {pipeline_mode = #tpu.pipeline_mode<synchronous>, transform_indices = @transform_7, window_bounds = array<i64: 64, 32>}, {pipeline_mode = #tpu.pipeline_mode<synchronous>, transform_indices = @transform_8, window_bounds = array<i64: 64, 32>}, {transform_indices = @transform_9, window_bounds = array<i64: 2048, 32>}, {transform_indices = @transform_10, window_bounds = array<i64: 2048, 16>}, {transform_indices = @transform_11, window_bounds = array<i64: 2048, 16>}]} {
    %get3A = arith.constant 0 : index
    %get3A_0 = arith.constant 0 : index
    %get3A_1 = arith.constant 0 : index
    %get3A_2 = vector.load %arg1[%get3A, %get3A_0, %get3A_1] : memref<2x2048x80xf32, #tpu.memory_space<vmem>>, vector<1x2048x80xf32>
    %get3A_3 = vector.shape_cast %get3A_2 : vector<1x2048x80xf32> to vector<2048x80xf32>
    %get3A_4 = arith.constant 1 : index
    %get3A_5 = arith.constant 0 : index
    %get3A_6 = arith.constant 0 : index
    %get3A_7 = vector.load %arg1[%get3A_4, %get3A_5, %get3A_6] : memref<2x2048x80xf32, #tpu.memory_space<vmem>>, vector<1x2048x80xf32>
    %get3A_8 = vector.shape_cast %get3A_7 : vector<1x2048x80xf32> to vector<2048x80xf32>
    %add3A = arith.addf %get3A_3, %get3A_8 : vector<2048x80xf32>
    %slice3A = vector.extract_strided_slice %add3A {offsets = [0, 0], sizes = [2048, 16], strides = [1, 1]} : vector<2048x80xf32> to vector<2048x16xf32>
    %get3A_9 = arith.constant 0 : index
    %get3A_10 = arith.constant 0 : index
    %get3A_11 = vector.load %arg2[%get3A_9, %get3A_10] : memref<16x64xf32, #tpu.memory_space<vmem>>, vector<16x64xf32>
    %dot_general3A = arith.constant dense<0.000000e+00> : vector<2048x64xf32>
    %dot_general3A_12 = tpu.matmul %slice3A, %get3A_11, %dot_general3A {dimension_numbers = #tpu.dot_dimension_numbers<[1], [0], [0], [1], [0, 0, 1, 1], [], []>, transpose_lhs_hint = false} : vector<2048x16xf32>, vector<16x64xf32>, vector<2048x64xf32> -> vector<2048x64xf32>
    %slice3A_13 = vector.extract_strided_slice %add3A {offsets = [0, 16], sizes = [2048, 64], strides = [1, 1]} : vector<2048x80xf32> to vector<2048x64xf32>
    %add3A_14 = arith.constant 1.000000e-16 : f32
    %add3A_15 = vector.broadcast %add3A_14 : f32 to vector<2048x64xf32>
    %add3A_16 = arith.addf %dot_general3A_12, %add3A_15 : vector<2048x64xf32>
    %div3A = arith.divf %slice3A_13, %add3A_16 : vector<2048x64xf32>
    %get3A_17 = arith.constant 0 : index
    %get3A_18 = arith.constant 0 : index
    %get3A_19 = vector.load %arg3[%get3A_17, %get3A_18] : memref<1x64xf32, #tpu.memory_space<vmem>>, vector<1x64xf32>
    %add3A_20 = vector.broadcast %get3A_19 : vector<1x64xf32> to vector<2048x64xf32>
    %add3A_21 = arith.addf %div3A, %add3A_20 : vector<2048x64xf32>
    %gt3A = arith.constant 0.000000e+00 : f32
    %gt3A_22 = vector.broadcast %gt3A : f32 to vector<2048x64xf32>
    %gt3A_23 = arith.cmpf ogt, %add3A_21, %gt3A_22 : vector<2048x64xf32>
    %exp3A = math.exp %add3A_21 : vector<2048x64xf32>
    %sub3A = arith.constant 1.000000e+00 : f32
    %sub3A_24 = vector.broadcast %sub3A : f32 to vector<2048x64xf32>
    %sub3A_25 = arith.subf %exp3A, %sub3A_24 : vector<2048x64xf32>
    %select_n3A = arith.select %gt3A_23, %add3A_21, %sub3A_25 : vector<2048x64xi1>, vector<2048x64xf32>
    %get3A_26 = arith.constant 0 : index
    %get3A_27 = arith.constant 0 : index
    %get3A_28 = vector.load %arg4[%get3A_26, %get3A_27] : memref<64x64xf32, #tpu.memory_space<vmem>>, vector<64x64xf32>
    %dot_general3A_29 = arith.constant dense<0.000000e+00> : vector<2048x64xf32>
    %dot_general3A_30 = tpu.matmul %select_n3A, %get3A_28, %dot_general3A_29 {dimension_numbers = #tpu.dot_dimension_numbers<[1], [0], [0], [1], [0, 0, 1, 1], [], []>, transpose_lhs_hint = false} : vector<2048x64xf32>, vector<64x64xf32>, vector<2048x64xf32> -> vector<2048x64xf32>
    %get3A_31 = arith.constant 0 : index
    %get3A_32 = arith.constant 0 : index
    %get3A_33 = vector.load %arg8[%get3A_31, %get3A_32] : memref<64x32xf32, #tpu.memory_space<vmem>>, vector<64x32xf32>
    %dot_general3A_34 = arith.constant dense<0.000000e+00> : vector<2048x32xf32>
    %dot_general3A_35 = tpu.matmul %dot_general3A_30, %get3A_33, %dot_general3A_34 {dimension_numbers = #tpu.dot_dimension_numbers<[1], [0], [0], [1], [0, 0, 1, 1], [], []>, transpose_lhs_hint = false} : vector<2048x64xf32>, vector<64x32xf32>, vector<2048x32xf32> -> vector<2048x32xf32>
    %get3A_36 = arith.constant 0 : index
    %get3A_37 = arith.constant 0 : index
    %get3A_38 = vector.load %arg9[%get3A_36, %get3A_37] : memref<64x32xf32, #tpu.memory_space<vmem>>, vector<64x32xf32>
    %dot_general3A_39 = arith.constant dense<0.000000e+00> : vector<2048x32xf32>
    %dot_general3A_40 = tpu.matmul %dot_general3A_30, %get3A_38, %dot_general3A_39 {dimension_numbers = #tpu.dot_dimension_numbers<[1], [0], [0], [1], [0, 0, 1, 1], [], []>, transpose_lhs_hint = false} : vector<2048x64xf32>, vector<64x32xf32>, vector<2048x32xf32> -> vector<2048x32xf32>
    %convert_element_type3A = arith.truncf %dot_general3A_35 : vector<2048x32xf32> to vector<2048x32xbf16>
    %convert_element_type3A_41 = arith.extf %convert_element_type3A : vector<2048x32xbf16> to vector<2048x32xf32>
    %bitcast_convert_type3A = tpu.bitcast %convert_element_type3A_41 : vector<2048x32xf32> -> vector<2048x32xi32>
    %convert_element_type3A_42 = arith.truncf %dot_general3A_40 : vector<2048x32xf32> to vector<2048x32xbf16>
    %convert_element_type3A_43 = arith.extf %convert_element_type3A_42 : vector<2048x32xbf16> to vector<2048x32xf32>
    %bitcast_convert_type3A_44 = tpu.bitcast %convert_element_type3A_43 : vector<2048x32xf32> -> vector<2048x32xi32>
    %shift_right_logical3A = arith.constant 16 : i32
    %shift_right_logical3A_45 = vector.broadcast %shift_right_logical3A : i32 to vector<2048x32xi32>
    %shift_right_logical3A_46 = arith.shrui %bitcast_convert_type3A, %shift_right_logical3A_45 : vector<2048x32xi32>
    %and3A = arith.constant -65536 : i32
    %and3A_47 = vector.broadcast %and3A : i32 to vector<2048x32xi32>
    %and3A_48 = arith.andi %bitcast_convert_type3A_44, %and3A_47 : vector<2048x32xi32>
    %or3A = arith.ori %shift_right_logical3A_46, %and3A_48 : vector<2048x32xi32>
    %swap3A = arith.constant 0 : index
    %swap3A_49 = arith.constant 0 : index
    %swap3A_50 = vector.load %arg10[%swap3A, %swap3A_49] : memref<2048x32xi32, #tpu.memory_space<vmem>>, vector<2048x32xi32>
    tpu.vector_store %arg10[%swap3A, %swap3A_49], %or3A {strides = array<i32>} : memref<2048x32xi32, #tpu.memory_space<vmem>>, vector<2048x32xi32>,
    %get3A_51 = arith.constant 0 : index
    %get3A_52 = arith.constant 0 : index
    %get3A_53 = vector.load %arg5[%get3A_51, %get3A_52] : memref<64x16xf32, #tpu.memory_space<vmem>>, vector<64x16xf32>
    %dot_general3A_54 = arith.constant dense<0.000000e+00> : vector<2048x16xf32>
    %dot_general3A_55 = tpu.matmul %dot_general3A_30, %get3A_53, %dot_general3A_54 {dimension_numbers = #tpu.dot_dimension_numbers<[1], [0], [0], [1], [0, 0, 1, 1], [], []>, transpose_lhs_hint = false} : vector<2048x64xf32>, vector<64x16xf32>, vector<2048x16xf32> -> vector<2048x16xf32>
    %swap3A_56 = arith.constant 0 : index
    %swap3A_57 = arith.constant 0 : index
    %swap3A_58 = vector.load %arg11[%swap3A_56, %swap3A_57] : memref<2048x16xf32, #tpu.memory_space<vmem>>, vector<2048x16xf32>
    tpu.vector_store %arg11[%swap3A_56, %swap3A_57], %dot_general3A_55 {strides = array<i32>} : memref<2048x16xf32, #tpu.memory_space<vmem>>, vector<2048x16xf32>,
    %get3A_59 = arith.constant 0 : index
    %get3A_60 = arith.constant 0 : index
    %get3A_61 = vector.load %arg6[%get3A_59, %get3A_60] : memref<64x16xf32, #tpu.memory_space<vmem>>, vector<64x16xf32>
    %dot_general3A_62 = arith.constant dense<0.000000e+00> : vector<2048x16xf32>
    %dot_general3A_63 = tpu.matmul %dot_general3A_30, %get3A_61, %dot_general3A_62 {dimension_numbers = #tpu.dot_dimension_numbers<[1], [0], [0], [1], [0, 0, 1, 1], [], []>, transpose_lhs_hint = false} : vector<2048x64xf32>, vector<64x16xf32>, vector<2048x16xf32> -> vector<2048x16xf32>
    %get3A_64 = arith.constant 0 : index
    %get3A_65 = arith.constant 0 : index
    %get3A_66 = vector.load %arg7[%get3A_64, %get3A_65] : memref<1x16xf32, #tpu.memory_space<vmem>>, vector<1x16xf32>
    %add3A_67 = vector.broadcast %get3A_66 : vector<1x16xf32> to vector<2048x16xf32>
    %add3A_68 = arith.addf %dot_general3A_63, %add3A_67 : vector<2048x16xf32>
    %swap3A_69 = arith.constant 0 : index
    %swap3A_70 = arith.constant 0 : index
    %swap3A_71 = vector.load %arg12[%swap3A_69, %swap3A_70] : memref<2048x16xf32, #tpu.memory_space<vmem>>, vector<2048x16xf32>
    tpu.vector_store %arg12[%swap3A_69, %swap3A_70], %add3A_68 {strides = array<i32>} : memref<2048x16xf32, #tpu.memory_space<vmem>>, vector<2048x16xf32>,
    return
  }
  func.func @transform_0(%arg0: i32) -> (i32, i32, i32) {
    %c0_i32 = arith.constant 0 : i32
    %c0_i32_0 = arith.constant 0 : i32
    %c0_i32_1 = arith.constant 0 : i32
    return %c0_i32, %arg0, %c0_i32_0 : i32, i32, i32
  }
  func.func @transform_1(%arg0: i32) -> (i32, i32) {
    %c0_i32 = arith.constant 0 : i32
    %c0_i32_0 = arith.constant 0 : i32
    %c0_i32_1 = arith.constant 0 : i32
    return %c0_i32, %c0_i32_0 : i32, i32
  }
  func.func @transform_2(%arg0: i32) -> (i32, i32) {
    %c0_i32 = arith.constant 0 : i32
    %c0_i32_0 = arith.constant 0 : i32
    %c0_i32_1 = arith.constant 0 : i32
    return %c0_i32, %c0_i32_0 : i32, i32
  }
  func.func @transform_3(%arg0: i32) -> (i32, i32) {
    %c0_i32 = arith.constant 0 : i32
    %c0_i32_0 = arith.constant 0 : i32
    %c0_i32_1 = arith.constant 0 : i32
    return %c0_i32, %c0_i32_0 : i32, i32
  }
  func.func @transform_4(%arg0: i32) -> (i32, i32) {
    %c0_i32 = arith.constant 0 : i32
    %c0_i32_0 = arith.constant 0 : i32
    %c0_i32_1 = arith.constant 0 : i32
    return %c0_i32, %c0_i32_0 : i32, i32
  }
  func.func @transform_5(%arg0: i32) -> (i32, i32) {
    %c0_i32 = arith.constant 0 : i32
    %c0_i32_0 = arith.constant 0 : i32
    %c0_i32_1 = arith.constant 0 : i32
    return %c0_i32, %c0_i32_0 : i32, i32
  }
  func.func @transform_6(%arg0: i32) -> (i32, i32) {
    %c0_i32 = arith.constant 0 : i32
    %c0_i32_0 = arith.constant 0 : i32
    %c0_i32_1 = arith.constant 0 : i32
    return %c0_i32, %c0_i32_0 : i32, i32
  }
  func.func @transform_7(%arg0: i32) -> (i32, i32) {
    %c0_i32 = arith.constant 0 : i32
    %c0_i32_0 = arith.constant 0 : i32
    %c0_i32_1 = arith.constant 0 : i32
    return %c0_i32, %c0_i32_0 : i32, i32
  }
  func.func @transform_8(%arg0: i32) -> (i32, i32) {
    %c0_i32 = arith.constant 0 : i32
    %c0_i32_0 = arith.constant 0 : i32
    %c0_i32_1 = arith.constant 0 : i32
    return %c0_i32, %c0_i32_0 : i32, i32
  }
  func.func @transform_9(%arg0: i32) -> (i32, i32) {
    %c0_i32 = arith.constant 0 : i32
    %c0_i32_0 = arith.constant 0 : i32
    return %arg0, %c0_i32 : i32, i32
  }
  func.func @transform_10(%arg0: i32) -> (i32, i32) {
    %c0_i32 = arith.constant 0 : i32
    %c0_i32_0 = arith.constant 0 : i32
    return %arg0, %c0_i32 : i32, i32
  }
  func.func @transform_11(%arg0: i32) -> (i32, i32) {
    %c0_i32 = arith.constant 0 : i32
    %c0_i32_0 = arith.constant 0 : i32
    return %arg0, %c0_i32 : i32, i32
  }
}

module attributes {stable_mosaic.version = 14 : i64} {
  func.func @_fin_body(%arg0: i32, %arg1: memref<2x2048x80xf32, #tpu.memory_space<vmem>>, %arg2: memref<16x64xf32, #tpu.memory_space<vmem>>, %arg3: memref<1x64xf32, #tpu.memory_space<vmem>>, %arg4: memref<2048x64xf32, #tpu.memory_space<vmem>>) attributes {dimension_semantics = [#tpu.dimension_semantics<arbitrary>], iteration_bounds = array<i64: 5>, scalar_prefetch = 0 : i64, scratch_operands = 0 : i64, tpu.core_type = #tpu.core_type<tc>, window_params = [{transform_indices = @transform_0, window_bounds = array<i64: 2, 2048, 80>}, {pipeline_mode = #tpu.pipeline_mode<synchronous>, transform_indices = @transform_1, window_bounds = array<i64: 16, 64>}, {pipeline_mode = #tpu.pipeline_mode<synchronous>, transform_indices = @transform_2, window_bounds = array<i64: 1, 64>}, {transform_indices = @transform_3, window_bounds = array<i64: 2048, 64>}]} {
    %get3A = arith.constant 0 : index
    %get3A_0 = arith.constant 0 : index
    %get3A_1 = arith.constant 0 : index
    %get3A_2 = vector.load %arg1[%get3A, %get3A_0, %get3A_1] : memref<2x2048x80xf32, #tpu.memory_space<vmem>>, vector<1x2048x80xf32>
    %get3A_3 = vector.shape_cast %get3A_2 : vector<1x2048x80xf32> to vector<2048x80xf32>
    %get3A_4 = arith.constant 1 : index
    %get3A_5 = arith.constant 0 : index
    %get3A_6 = arith.constant 0 : index
    %get3A_7 = vector.load %arg1[%get3A_4, %get3A_5, %get3A_6] : memref<2x2048x80xf32, #tpu.memory_space<vmem>>, vector<1x2048x80xf32>
    %get3A_8 = vector.shape_cast %get3A_7 : vector<1x2048x80xf32> to vector<2048x80xf32>
    %add3A = arith.addf %get3A_3, %get3A_8 : vector<2048x80xf32>
    %slice3A = vector.extract_strided_slice %add3A {offsets = [0, 0], sizes = [2048, 16], strides = [1, 1]} : vector<2048x80xf32> to vector<2048x16xf32>
    %get3A_9 = arith.constant 0 : index
    %get3A_10 = arith.constant 0 : index
    %get3A_11 = vector.load %arg2[%get3A_9, %get3A_10] : memref<16x64xf32, #tpu.memory_space<vmem>>, vector<16x64xf32>
    %dot_general3A = arith.constant dense<0.000000e+00> : vector<2048x64xf32>
    %dot_general3A_12 = tpu.matmul %slice3A, %get3A_11, %dot_general3A {dimension_numbers = #tpu.dot_dimension_numbers<[1], [0], [0], [1], [0, 0, 1, 1], [], []>, transpose_lhs_hint = false} : vector<2048x16xf32>, vector<16x64xf32>, vector<2048x64xf32> -> vector<2048x64xf32>
    %slice3A_13 = vector.extract_strided_slice %add3A {offsets = [0, 16], sizes = [2048, 64], strides = [1, 1]} : vector<2048x80xf32> to vector<2048x64xf32>
    %add3A_14 = arith.constant 1.000000e-16 : f32
    %add3A_15 = vector.broadcast %add3A_14 : f32 to vector<2048x64xf32>
    %add3A_16 = arith.addf %dot_general3A_12, %add3A_15 : vector<2048x64xf32>
    %div3A = arith.divf %slice3A_13, %add3A_16 : vector<2048x64xf32>
    %get3A_17 = arith.constant 0 : index
    %get3A_18 = arith.constant 0 : index
    %get3A_19 = vector.load %arg3[%get3A_17, %get3A_18] : memref<1x64xf32, #tpu.memory_space<vmem>>, vector<1x64xf32>
    %add3A_20 = vector.broadcast %get3A_19 : vector<1x64xf32> to vector<2048x64xf32>
    %add3A_21 = arith.addf %div3A, %add3A_20 : vector<2048x64xf32>
    %swap3A = arith.constant 0 : index
    %swap3A_22 = arith.constant 0 : index
    %swap3A_23 = vector.load %arg4[%swap3A, %swap3A_22] : memref<2048x64xf32, #tpu.memory_space<vmem>>, vector<2048x64xf32>
    tpu.vector_store %arg4[%swap3A, %swap3A_22], %add3A_21 {strides = array<i32>} : memref<2048x64xf32, #tpu.memory_space<vmem>>, vector<2048x64xf32>,
    return
  }
  func.func @transform_0(%arg0: i32) -> (i32, i32, i32) {
    %c0_i32 = arith.constant 0 : i32
    %c0_i32_0 = arith.constant 0 : i32
    %c0_i32_1 = arith.constant 0 : i32
    return %c0_i32, %arg0, %c0_i32_0 : i32, i32, i32
  }
  func.func @transform_1(%arg0: i32) -> (i32, i32) {
    %c0_i32 = arith.constant 0 : i32
    %c0_i32_0 = arith.constant 0 : i32
    %c0_i32_1 = arith.constant 0 : i32
    return %c0_i32, %c0_i32_0 : i32, i32
  }
  func.func @transform_2(%arg0: i32) -> (i32, i32) {
    %c0_i32 = arith.constant 0 : i32
    %c0_i32_0 = arith.constant 0 : i32
    %c0_i32_1 = arith.constant 0 : i32
    return %c0_i32, %c0_i32_0 : i32, i32
  }
  func.func @transform_3(%arg0: i32) -> (i32, i32) {
    %c0_i32 = arith.constant 0 : i32
    %c0_i32_0 = arith.constant 0 : i32
    return %arg0, %c0_i32 : i32, i32
  }
}

</mosaic_0001>

<sc_bundles>
// kernel: kernel.10.cloned.1.call-start
scs
__scs_entry_jumppad:
0x0: {  	(pc) =	sbr.rel $0x88, $3  }
0x1: {  	(tag) =	ssettag $0x0;
	lr =	simm.s32 $0x1  }
0x2: {  	[smem:$0x3F97] =	sst lr;
	_ =	strace $0xD0000000  }
0x3: {  	_ = 	snop  }
0x4: {  	_ = 	snop  }
0x5: {  	_ = 	snop  }
0x6: {  	_ = 	snop  }
0x7: {  	_ = 	snop  }
__scs_overlays_trampoline_lowered:
0x8: {  	[smem:$0x3FA6] =	sst s0  }
0x9: {  	[smem:$0x3FA7] =	sst s1  }
0xa: {  	[smem:$0x3FA8] =	sst s2  }
0xb: {  	[smem:$0x3FA9] =	sst s3  }
0xc: {  	[smem:$0x3FAA] =	sst s4  }
0xd: {  	[smem:$0x3FAB] =	sst s5  }
0xe: {  	[smem:$0x3FAC] =	sst s6  }
0xf: {  	[smem:$0x3FAD] =	sst s7  }
0x10: {  	[smem:$0x3FAE] =	sst s8  }
0x11: {  	[smem:$0x3FAF] =	sst s9;
	s0 =	simm.s32 @!p0 $0x0  }
0x12: {  	s1 =	sld [smem:$0x3F95];
	s0 =	simm.s32 @p0 $0x1  }
0x13: {  	[smem:$0x3FB0] =	sst s0;
	s0 =	simm.s32 @!p1 $0x0  }
0x14: {  	s2 =	sld [smem:$0x3F94];
	s0 =	simm.s32 @p1 $0x1  }
0x15: {  	[smem:$0x3FB1] =	sst s0;
	s0 =	simm.s32 @!p2 $0x0  }
0x16: {  	s3 =	sld [smem:$0x3FDB];
	s0 =	simm.s32 @p2 $0x1  }
0x17: {  	s4 =	simm.s32 $0x1BF5;
	[smem:$0x3FB3] =	sst s0  }
0x18: {  	s0 =	sld [smem:$0x3F96];
	_ =	swait.ge [sflag:s4], $0x0  }
0x19: {  	s7 =	sld [smem:$0x3F97]  }
0x1a: {  	s8 =	sadd.s32 $0xFFFFE003, lr  }
0x1b: {  	s9 =	sadd.s32 $0xFFFFFEF7, lr;
	s5 =	simm.s32 $0xFFFFFFFF;
	p2 =	slt.u32 s8, $0xFFFFF086  }
0x1c: {  	p1 =	slt.u32 s9, $0xF7A;
	s5 =	simm.s32 @!p2 $0x0  }
0x1d: {  	s5 =	simm.s32 @p1 $0x1;
	p0 =	seq.s32 s7, s2  }
0x1e: {  	s7 =	smul.u32 @!p0 $0xF7A, s2;
	p2 =	seq.s32 @!p0 s5, $0x0  }
0x1f: {  	s9 =	smul.u32 $0xF7A, s1;
	s8 =	simm.s32 @!p0 $0x1BF5;
	p2 =	por !p2, p0  }
0x20: {  	[sflag:s8] =	ssyncset.s32 @!p0 $0xFFFFF086;
	s6 =	sadd.s32 @!p0 s3, s7;
	s7 =	simm.s32 @!p0 $0x108  }
0x21: {  	s3 =	sadd.s32 s3, s9;
	s6 =	sadd.s32 @!p0 $0x88, s6;
	s7 =	simm.s32 @p2 $0x1082  }
0x22: {  	[simem:s7], [sflag:s8] =	dma.local @!p0 [hbm:s6], $0xF7A  }
0x23: {  	s9 =	sor.u32 $0xD0000000, s2;
	s6 =	simm.s32 $0x108;
	_ =	swait.ge @!p0 [sflag:s8], $0x0  }
0x24: {  	s3 =	sadd.s32 $0x88, s3;
	s6 =	simm.s32 @!p1 $0x1082;
	[sflag:s4] =	ssyncset.s32 $0xFFFFF086  }
0x25: {  	[simem:s6], [sflag:s4] =	dma.local [hbm:s3], $0xF7A  }
0x26: {  	[smem:$0x3F97] =	sst s1;
	(tag) =	ssettag s2;
	_ =	strace s9  }
0x27: {  	s1 =	sld [smem:$0x3FA7]  }
0x28: {  	s2 =	sld [smem:$0x3FA8]  }
0x29: {  	s4 =	sld [smem:$0x3FAA]  }
0x2a: {  	p0 =	seq.s32 s5, $0x0;
	s5 =	sld [smem:$0x3FAB]  }
0x2b: {  	s6 =	sld [smem:$0x3FAC]  }
0x2c: {  	s7 =	sld [smem:$0x3FAD]  }
0x2d: {  	s3 =	simm.s32 $0x108;
	s8 =	sld [smem:$0x3FAE]  }
0x2e: {  	s3 =	simm.s32 @!p0 $0x1082;
	s9 =	sld [smem:$0x3FAF]  }
0x2f: {  	lr =	sadd.s32 s0, s3;
	s0 =	sld [smem:$0x3FA6]  }
0x30: {  	s3 =	sld [smem:$0x3FA9]  }
0x31: {  	[smem:$0x3FB2] =	sst s10  }
0x32: {  	s10 =	sld [smem:$0x3FB0];
	_ =	sdelay $0x3  }
0x33: {  	p0 =	seq.s32 s10, $0x1;
	s10 =	sld [smem:$0x3FB2];
	_ =	sdelay $0x3  }
0x34: {  	[smem:$0x3FB2] =	sst s10  }
0x35: {  	s10 =	sld [smem:$0x3FB1];
	_ =	sdelay $0x3  }
0x36: {  	p1 =	seq.s32 s10, $0x1;
	s10 =	sld [smem:$0x3FB2];
	_ =	sdelay $0x3  }
0x37: {  	[smem:$0x3FB2] =	sst s10  }
0x38: {  	s10 =	sld [smem:$0x3FB3]  }
0x39: {  	_ = 	snop;
	(pc) =	sbr.ind lr, $3  }
0x3a: {  	_ = 	snop  }
0x3b: {  	_ = 	snop  }
0x3c: {  	p2 =	seq.s32 s10, $0x1;
	s10 =	sld [smem:$0x3FB2]  }
0x3d: {  	_ =	shalt  }
0x3e: {  	_ =	shalt  }
0x3f: {  	_ =	shalt  }
0x40: {  	_ =	shalt  }
0x41: {  	_ =	shalt  }
0x42: {  	_ =	shalt  }
0x43: {  	_ =	shalt  }
0x44: {  	_ =	shalt  }
0x45: {  	_ =	shalt  }
0x46: {  	_ =	shalt  }
0x47: {  	_ =	shalt  }
0x48: {  	_ =	shalt  }
0x49: {  	_ =	shalt  }
0x4a: {  	_ =	shalt  }
0x4b: {  	_ =	shalt  }
0x4c: {  	_ =	shalt  }
0x4d: {  	_ =	shalt  }
0x4e: {  	_ =	shalt  }
0x4f: {  	_ =	shalt  }
0x50: {  	_ =	shalt  }
0x51: {  	_ =	shalt  }
0x52: {  	_ =	shalt  }
0x53: {  	_ =	shalt  }
0x54: {  	_ =	shalt  }
0x55: {  	_ =	shalt  }
0x56: {  	_ =	shalt  }
0x57: {  	_ =	shalt  }
0x58: {  	_ =	shalt  }
0x59: {  	_ =	shalt  }
0x5a: {  	_ =	shalt  }
0x5b: {  	_ =	shalt  }
0x5c: {  	_ =	shalt  }
0x5d: {  	_ =	shalt  }
0x5e: {  	_ =	shalt  }
0x5f: {  	_ =	shalt  }
0x60: {  	_ =	shalt  }
0x61: {  	_ =	shalt  }
0x62: {  	_ =	shalt  }
0x63: {  	_ =	shalt  }
0x64: {  	_ =	shalt  }
0x65: {  	_ =	shalt  }
0x66: {  	_ =	shalt  }
0x67: {  	_ =	shalt  }
0x68: {  	_ =	shalt  }
0x69: {  	_ =	shalt  }
0x6a: {  	_ =	shalt  }
0x6b: {  	_ =	shalt  }
0x6c: {  	_ =	shalt  }
0x6d: {  	_ =	shalt  }
0x6e: {  	_ =	shalt  }
0x6f: {  	_ =	shalt  }
0x70: {  	_ =	shalt  }
0x71: {  	_ =	shalt  }
0x72: {  	_ =	shalt  }
0x73: {  	_ =	shalt  }
0x74: {  	_ =	shalt  }
0x75: {  	_ =	shalt  }
0x76: {  	_ =	shalt  }
0x77: {  	_ =	shalt  }
0x78: {  	_ =	shalt  }
0x79: {  	_ =	shalt  }
0x7a: {  	_ =	shalt  }
0x7b: {  	_ =	shalt  }
0x7c: {  	_ =	shalt  }
0x7d: {  	_ =	shalt  }
0x7e: {  	_ =	shalt  }
0x7f: {  	_ =	shalt  }
0x80: {  	_ =	shalt  }
0x81: {  	_ =	shalt  }
0x82: {  	_ =	shalt  }
0x83: {  	_ =	shalt  }
0x84: {  	_ =	shalt  }
0x85: {  	_ =	shalt  }
0x86: {  	_ =	shalt  }
0x87: {  	_ =	shalt  }
.Lfunc_end0:
.L_simem_size_0:
called_computation.1_lowered:
.L_overlay_start_0:
0x88: {  	s2 =	sld [smem:$0x3FD9]  }
0x89: {  	s3 =	sld [smem:$0x3FFE];
	_ =	sdelay $0x1  }
0x8a: {  	s1 =	srdreg.scid  }
0x8b: {  	s0 =	sand.u32 $0x1, s1  }
0x8c: {  	s17 =	sshll.u32 s0, $0xA;
	s2 =	sadd.s32 s3, s2  }
0x8d: {  	s2 =	sadd.s32 s2, s17  }
0x8e: {  	[smem:$0x3FBE] =	sst s2  }
0x8f: {  	_ = 	snop  }
0x90: {  	s2 =	sld [smem:$0x3FD0];
	(tm) =	ssettm $0x1  }
0x91: {  	s18 =	sld [smem:$0x3FFB];
	_ =	sdelay $0x3  }
0x92: {  	_ =	strace s18  }
0x93: {  	s3 =	sld [smem:$0x3FFC];
	_ =	sdelay $0x3  }
0x94: {  	_ =	strace s3  }
0x95: {  	s3 =	sld [smem:$0x3FFD];
	_ =	sdelay $0x3  }
0x96: {  	_ =	strace s3  }
0x97: {  	_ =	strace $0x8FFFFFFF  }
0x98: {  	s19 =	sld [smem:$0x3FDB];
	_ =	sdelay $0x1  }
0x99: {  	s4 =	simm.s32 $_scs_section_size  }
0x9a: {  	s5 =	simm.s32 $_size__tile_overlayer_lowered;
	s6 =	simm.s32 $_tile_overlayer_lowered  }
0x9b: {  	s22 =	simm.s32 $0x1BFF;
	s21 =	sshll.u32 s6, $0x1;
	s3 =	sadd.s32 s4, s19  }
0x9c: {  	s7 =	simm.s32 $0x0;
	s20 =	sshll.u32 s5, $0x1;
	s5 =	sadd.s32 s21, s3  }
0x9d: {  	[timem:s7], [sflag:s22] =	dma.local [hbm:s5], s20  }
0x9e: {  	_ =	swait.ge [sflag:s22], s20  }
0x9f: {  	s4 =	ssub.s32 $0x0, s20;
	[sflag:s22] =	ssyncset.done $0x0  }
0xa0: {  	[sflag:s22] =	ssyncadd.s32 s4;
	_ =	sdelay $0x1  }
0xa1: {  	s23 =	simm.s32 $0x1B8B  }
0xa2: {  	_ =	swait.ge [sflag:s23], $0x1  }
0xa3: {  	[sflag:s23] =	ssyncset.done $0x0  }
0xa4: {  	s25 =	simm.s32 $0x1B8E;
	s24 =	sld [smem:$0x3FFE];
	[sflag:s23] =	ssyncadd.s32 $0xFFFFFFFF  }
0xa5: {  	s26 =	simm.s32 $execute0_lowered;
	[smem:$0x3FD2] =	sst s25  }
0xa6: {  	s5 =	sshll.u32 s26, $0x1;
	_ =	strace $0x80000049;
	[dreg:$0x1] =	wrdreg $0xFFFFFFFF  }
0xa7: {  	s28 =	simm.s32 $_size_execute0_lowered;
	s3 =	sadd.s32 s3, s5;
	[dreg:$0x0] =	wrdreg $0x0  }
0xa8: {  	s5 =	sshll.u32 s28, $0x1;
	[dreg:$0x2] =	wrdreg s3  }
0xa9: {  	[dreg:$0x3] =	wrdreg s5  }
0xaa: {  	[dreg:$0x4] =	wrdreg $0xC0  }
0xab: {  	_ =	task [dreg:s7], $0x5FFFF  }
0xac: {  	[dreg:$0x1] =	wrdreg $0xFFFFFFFF  }
0xad: {  	[dreg:$0x0] =	wrdreg $0x60  }
0xae: {  	[dreg:$0x2] =	wrdreg s2  }
0xaf: {  	[dreg:$0x3] =	wrdreg s24  }
0xb0: {  	[dreg:$0x4] =	wrdreg $0xE1000  }
0xb1: {  	[dreg:$0x5] =	wrdreg $0x1A9000  }
0xb2: {  	[dreg:$0x6] =	wrdreg $0x9  }
0xb3: {  	_ =	task.clear_ibuf [dreg:s7], $0x7FFFF;
	_ =	strace $0x90000049  }
0xb4: {  	s29 =	simm.s32 $0x9;
	_ =	strace $0x8000004B  }
0xb5: {  	_ =	swait.ge [sflag:s29], $0x1  }
0xb6: {  	[sflag:s29] =	ssyncadd.s32 $0xFFFFFFFF  }
0xb7: {  	_ =	strace $0x9000004B  }
0xb8: {  	_ =	sfence  }
0xb9: {  	s30 =	sld [smem:$0x0];
	_ =	sdelay $0x2  }
0xba: {  	s31 =	sshll.u32 s1, $0xD;
	s1 =	sshrl.u32 s1, $0x2  }
0xbb: {  	s3 =	sand.u32 $0x4000, s31;
	s1 =	sadd.s32 s1, s30  }
0xbc: {  	s0 =	sor.u32 s3, s0;
	s1 =	sshll.u32 s1, $0x11  }
0xbd: {  	s0 =	sor.u32 s1, s0  }
0xbe: {  	s0 =	sadd.s32 $0x8F2B, s0  }
0xbf: {  	[sflag:s0] =	ssyncadd.remote.s32 $0x1  }
0xc0: {  	_ =	sfence.sel $0xFFFF  }
0xc1: {  	[dreg:$0x0] =	wrdreg $0xFFFFFFFF;
	(pc) =	sbr.abs _section_cstart, $3  }
0xc2: {  	[dreg:$0x1] =	wrdreg $0xFFFFFFFF  }
0xc3: {  	_ =	task.clear_ibuf [dreg:s7], $0x2FFFF;
	_ =	strace $0x9FFFFFFF  }
0xc4: {  	(tm) =	ssettm $0x7FFFFFFF  }
0xc5: {  	_ =	shalt  }
tec
execute0_lowered:
.L_overlay_start_1:
0x0: {  	(tag) =	ssettag $0x1  }
0x1: {  	s0 =	rddreg [dreg:$0x0]  }
0x2: {  	s1 =	srdreg.scid;
	s4 =	rddreg [dreg:$0x1]  }
0x3: {  	s14 =	stileid.u32;
	s2 =	rddreg [dreg:$0x2]  }
0x4: {  	s20 =	simm.s32 $0x0;
	s18 =	simm.s32 $0x80;
	s19 =	simm.s32 $0x5100  }
0x5: {  	s28 =	simm.s32 $0x2900;
	s30 =	simm.s32 $0x9100;
	s31 =	simm.s32 $0x4  }
0x6: {  	s1 =	sand.u32 $0x1, s1;
	s3 =	sshll.u32 s14, $0x1;
	s8 =	smul.u32 $0x5000, s14  }
0x7: {  	[smem:$0x7FF] =	sst s20;
	s9 =	smul.u32 $0xC800, s14;
	s6 =	sadd.s32 $0x7400, s4  }
0x8: {  	s22 =	sshll.u32 s14, $0x6;
	s20 =	simm.s32 $0x6100;
	s5 =	sor.u32 s1, s3  }
0x9: {  	s3 =	rddreg [dreg:$0x3];
	_ =	strace $0x8000004A;
	s10 =	smul.u32 $0xC8000, s1  }
0xa: {  	s1 =	ssub.s32 $0x2, s1;
	s7 =	smul.u32 $0x500, s5;
	s5 =	sadd.s32 $0x2400, s4  }
0xb: {  	s12 =	sshrl.u32 s8, $0x3;
	s13 =	sshrl.u32 s9, $0x3;
	s21 =	sshrl.u32 s1, $0x1  }
0xc: {  	s8 =	sadd.s32 s8, s3;
	s12 =	sadd.s32 s12, s4;
	s10 =	sadd.s32 s9, s10  }
0xd: {  	s13 =	sadd.s32 s13, s4;
	s1 =	ssub.s32 s1, s21;
	s9 =	sadd.s32 s9, s2  }
0xe: {  	s29 =	sshrl.u32 s8, $0x3;
	s21 =	simm.s32 $0x7100;
	s8 =	simm.s32 $0x0  }
0xf: {  	s11 =	sadd.s32 s7, s4;
	s10 =	sshrl.u32 s10, $0x3;
	s13 =	sadd.s32 $0x20600, s13  }
0x10: {  	s23 =	sadd.s32 $0xC400, s12;
	s0 =	sadd.s32 s0, s7;
	[dreg:$0xd] =	wrdreg s29  }
0x11: {  	s26 =	smax.u32 s1, $0x1;
	s7 =	sshrl.u32 s9, $0x3;
	[dreg:$0x5] =	wrdreg s13  }
0x12: {  	s1 =	simm.s32 $0x5;
	s9 =	simm.s32 $0x7;
	[dreg:$0x7] =	wrdreg s23  }
0x13: {  	s4 =	sadd.s32 s10, s4;
	s13 =	sor.u32 $0x1C09, s22;
	[dreg:$0x8] =	wrdreg s0  }
0x14: {  	s24 =	sadd.s32 $0x16400, s11;
	[dreg:$0xb] =	wrdreg s26;
	s11 =	simm.s32 $0x9  }
0x15: {  	s22 =	simm.s32 $0x1;
	s23 =	simm.s32 $0x2;
	[dreg:$0xc] =	wrdreg s7  }
0x16: {  	s0 =	simm.s32 $0x6;
	s26 =	simm.s32 $0xB900;
	[dreg:$0x9] =	wrdreg s24  }
0x17: {  	s10 =	simm.s32 $0x8;
	s25 =	sadd.s32 $0x39600, s4;
	[dreg:$0x6] =	wrdreg s13  }
0x18: {  	s24 =	simm.s32 $0x3;
	[dreg:$0xa] =	wrdreg s25;
	s25 =	simm.s32 $0x2880  }
.LBB2_1:
0x19: {  	[dreg:$0xe] =	wrdreg s8  }
0x1a: {  	s4 =	rddreg [dreg:$0x5]  }
0x1b: {  	[spmem:s7], [sflag:s13] =	dma.local [hbm:s4], $0x1900  }
0x1c: {  	_ =	swait.ge [sflag:s11], $0x1900  }
0x1d: {  	[sflag:s11] =	ssyncset.done $0x0;
	s12 =	rddreg [dreg:$0x7]  }
0x1e: {  	s14 =	rddreg [dreg:$0xd];
	[sflag:s11] =	ssyncadd.s32 $0xFFFFE700  }
0x1f: {  	[spmem:s14], [sflag:s13] =	dma.local [hbm:s12], $0xA00  }
0x20: {  	_ =	swait.ge [sflag:s11], $0xA00  }
0x21: {  	[sflag:s11] =	ssyncset.done $0x0  }
0x22: {  	[sflag:s11] =	ssyncadd.s32 $0xFFFFF600  }
0x23: {  	[bflag:$0x0] =	sbarrier.arrive $0xFFFF  }
0x24: {  	s15 =	simm.s32 $0x0;
	s16 =	rddreg [dreg:$0x8]  }
0x25: {  	[tilespmem:s15], [sflag:$0x9] =	stream.linear.gather [hbm4b:s16+s15], $0x2880, $0x38;
	[tilespmem:$0x1F900] =	vst v63  }
0x26: {  	_ =	swait.ge [sflag:s11], $0x2880  }
0x27: {  	[sflag:s11] =	ssyncset.done $0x0  }
0x28: {  	s17 =	rddreg [dreg:$0x9];
	[sflag:s11] =	ssyncadd.s32 $0xFFFFD780  }
0x29: {  	[tilespmem:s25], [sflag:$0x9] =	stream.linear.gather [hbm4b:s17+s15], $0x2880, $0x38;
	[tilespmem:$0x1F900] =	vst v63  }
0x2a: {  	_ =	swait.ge [sflag:s11], $0x2880  }
0x2b: {  	[sflag:s11] =	ssyncset.done $0x0  }
0x2c: {  	[sflag:s11] =	ssyncadd.s32 $0xFFFFD780  }
0x2d: {  	[tilespmem:s19], [sflag:$0x1] =	stream.indirect.gather [hbm4b:s5+s18], $0x10, s15, s18, $0xb8;
	[tilespmem:$0x1F900] =	vst v63  }
0x2e: {  	_ = 	snop  }
0x2f: {  	[tilespmem:s20], [sflag:$0x2] =	stream.indirect.gather [hbm4b:s6+s18], $0x10, s25, s18, $0xb8;
	[tilespmem:$0x1F900] =	vst v63  }
0x30: {  	_ = 	snop  }
0x31: {  	[tilespmem:s21], [sflag:$0x3] =	stream.indirect.gather [spmem:s3], $0x20, s15, s18, $0xb8;
	[tilespmem:$0x1F900] =	vst v63  }
0x32: {  	_ =	swait.ge [sflag:s22], $0x800  }
0x33: {  	[sflag:s22] =	ssyncset.done $0x0  }
0x34: {  	[sflag:s22] =	ssyncadd.s32 $0xFFFFF800  }
0x35: {  	_ =	swait.ge [sflag:s23], $0x800  }
0x36: {  	[sflag:s23] =	ssyncset.done $0x0  }
0x37: {  	[sflag:s23] =	ssyncadd.s32 $0xFFFFF800  }
0x38: {  	_ =	swait.ge [sflag:s24], $0x1000  }
0x39: {  	[sflag:s24] =	ssyncset.done $0x0  }
0x3a: {  	s29 =	simm.s32 $0x5900;
	[sflag:s24] =	ssyncadd.s32 $0xFFFFF000  }
0x3b: {  	[tilespmem:s29], [sflag:$0x4] =	stream.indirect.gather [hbm4b:s5+s18], $0x10, s18, s18, $0xb8;
	[tilespmem:$0x1F900] =	vst v63  }
0x3c: {  	s7 =	simm.s32 $0x6900  }
0x3d: {  	[tilespmem:s7], [sflag:$0x5] =	stream.indirect.gather [hbm4b:s6+s18], $0x10, s28, s18, $0xb8;
	[tilespmem:$0x1F900] =	vst v63  }
0x3e: {  	s8 =	simm.s32 $0x8100;
	s11 =	simm.s32 $0x0  }
0x3f: {  	[tilespmem:s8], [sflag:$0x6] =	stream.indirect.gather [spmem:s3], $0x20, s18, s18, $0xb8;
	[tilespmem:$0x1F900] =	vst v63  }
0x40: {  	v0 =	vld [tilespmem:s11+$0x5100]  }
0x41: {  	v1 =	vld [tilespmem:s11+$0x6100];
	_ =	sdelay $0x4  }
0x42: {  	s12 =	simm.s32 $0x10;
	v0 =	vadd.f32 v1, v0  }
0x43: {  	v2 =	vld [tilespmem:s12+$0x5100]  }
0x44: {  	v1 =	vld [tilespmem:s12+$0x6100];
	v3 =	vmul.f32 $2.000000030e-01, v0;
	_ =	sdelay $0x1  }
0x45: {  	v0 =	vmax.f32 v0, v3  }
0x46: {  	v0 =	vmul.f32 $1.442695020e+00, v0  }
0x47: {  	s13 =	simm.s32 $0x20  }
0x48: {  	v1 =	vadd.f32 v1, v2;
	v2 =	vld [tilespmem:s13+$0x5100];
	(erf) = vpow2.f32 v0  }
0x49: {  	v0 =	vld [tilespmem:s13+$0x6100];
	_ =	sdelay $0x1  }
0x4a: {  	v3 =	vmul.f32 $2.000000030e-01, v1;
	_ =	sdelay $0x1  }
0x4b: {  	v1 =	vmax.f32 v1, v3  }
0x4c: {  	v1 =	vmul.f32 $1.442695020e+00, v1;
	v0 =	vadd.f32 v0, v2  }
0x4d: {  	s14 =	simm.s32 $0x30  }
0x4e: {  	s16 =	simm.s32 $0x40;
	v4 =	vld [tilespmem:s14+$0x6100];
	(erf) = vpow2.f32 v1;
	v1 =	vmul.f32 $2.000000030e-01, v0  }
0x4f: {  	s7 =	simm.s32 $0x9120;
	v5 =	vld [tilespmem:s16+$0x5100];
	v3 =	vpop (erf)  }
0x50: {  	s15 =	simm.s32 $0x7110;
	v2 =	vld [tilespmem:s14+$0x5100];
	v0 =	vmax.f32 v0, v1;
	[tilespmem:s7+$0xFFFFFFE0] =	vst v3  }
0x51: {  	v0 =	vmul.f32 $1.442695020e+00, v0;
	v1 =	vld [tilespmem:s15+$0xFFFFFFF0]  }
0x52: {  	v6 =	vld [tilespmem:s16+$0x6100]  }
0x53: {  	(erf) = vpow2.f32 v0;
	_ =	sdelay $0x1  }
0x54: {  	v2 =	vadd.f32 v4, v2;
	v0 =	vbroadcast v3, $0x0  }
0x55: {  	v3 =	vshll.u32 v1, $0x10;
	v1 =	vand.u32 $0xFFFF0000, v1  }
0x56: {  	s13 =	simm.s32 $0x9170;
	v4 =	vadd.f32 v6, v5;
	v5 =	vmul.f32 $2.000000030e-01, v2;
	v7 =	vpop (erf);
	v1 =	vmul.f32 v1, v0  }
0x57: {  	[tilespmem:s13+$0xFFFFFFE0] =	vst v7  }
0x58: {  	s14 =	simm.s32 $0x7130;
	[tilespmem:s7+$0x0] =	vst v1;
	v1 =	vmax.f32 v2, v5  }
0x59: {  	s17 =	simm.s32 $0x50;
	v8 =	vld [tilespmem:s14+$0xFFFFFFF0];
	v3 =	vmul.f32 v3, v0;
	v5 =	vmul.f32 $1.442695020e+00, v1  }
0x5a: {  	v9 =	vld [tilespmem:s17+$0x5100]  }
0x5b: {  	v6 =	vld [tilespmem:s17+$0x6100];
	[tilespmem:s7+$0xFFFFFFF0] =	vst v3;
	v3 =	vmul.f32 $2.000000030e-01, v4;
	v1 =	vpop (erf);
	(erf) = vpow2.f32 v5;
	_ =	sdelay $0x1  }
0x5c: {  	v2 =	vbroadcast v7, $0x0;
	v10 =	vld [tilespmem:s15+$0x0];
	v3 =	vmax.f32 v4, v3  }
0x5d: {  	s29 =	simm.s32 $0x60;
	s8 =	simm.s32 $0x91C0;
	v7 =	vshll.u32 v8, $0x10;
	v11 =	vmul.f32 $1.442695020e+00, v3  }
0x5e: {  	s4 =	simm.s32 $0x7150;
	v4 =	vld [tilespmem:s29+$0x5100];
	v8 =	vand.u32 $0xFFFF0000, v8;
	v7 =	vmul.f32 v7, v2;
	[tilespmem:s8+$0xFFFFFFE0] =	vst v1  }
0x5f: {  	v6 =	vadd.f32 v6, v9;
	v8 =	vmul.f32 v8, v2;
	v3 =	vld [tilespmem:s4+$0xFFFFFFF0];
	(erf) = vpow2.f32 v11  }
0x60: {  	v5 =	vld [tilespmem:s29+$0x6100];
	[tilespmem:s13+$0xFFFFFFF0] =	vst v7  }
0x61: {  	s11 =	simm.s32 $0x1C0;
	s12 =	simm.s32 $0x91C0;
	v9 =	vmul.f32 $2.000000030e-01, v6;
	[tilespmem:s13+$0x0] =	vst v8;
	v7 =	vshll.u32 v10, $0x10;
	v8 =	vand.u32 $0xFFFF0000, v10  }
.LBB2_2:
0x62: {  	s15 =	sshra.s32 s11, $0x2  }
0x63: {  	v6 =	vmax.f32 v6, v9;
	v9 =	vbroadcast v1, $0x0;
	v1 =	vpop (erf);
	s8 =	sadd.s32 $0x50, s8;
	v10 =	vld [tilespmem:s14+$0x0];
	v8 =	vmul.f32 v8, v0;
	s14 =	smov.u32 s4;
	p0 =	sne.s32 s11, $0x1FC0  }
.Ltmp0:
0x64: {  	s4 =	sadd.s32 $0x20, s4;
	v7 =	vmul.f32 v7, v0;
	v0 =	vmovc v2;
	v14 =	vmovc v4;
	v11 =	vmul.f32 $1.442695020e+00, v6;
	[tilespmem:s8+$0xFFFFFFE0] =	vst v1;
	v12 =	vshll.u32 v3, $0x10;
	v4 =	vld [tilespmem:s15+$0x5100];
	(pc) =	sbr.rel @p0 .LBB2_2-.Ltmp0, $4  }
0x65: {  	v13 =	vand.u32 $0xFFFF0000, v3;
	v6 =	vadd.f32 v5, v14;
	v3 =	vld [tilespmem:s4+$0xFFFFFFF0];
	v12 =	vmul.f32 v12, v9;
	[tilespmem:s7+$0x20] =	vst v8;
	v2 =	vmovc v9  }
0x66: {  	s11 =	sadd.s32 $0x40, s11;
	v5 =	vld [tilespmem:s15+$0x6100];
	(erf) = vpow2.f32 v11;
	v8 =	vmul.f32 v13, v2;
	[tilespmem:s7+$0x10] =	vst v7;
	s7 =	smov.u32 s13  }
0x67: {  	s13 =	smov.u32 s12;
	v9 =	vmul.f32 $2.000000030e-01, v6;
	[tilespmem:s12+$0xFFFFFFF0] =	vst v12;
	s12 =	smov.u32 s8  }
0x68: {  	[tilespmem:s13+$0x0] =	vst v8;
	v7 =	vshll.u32 v10, $0x10;
	v8 =	vand.u32 $0xFFFF0000, v10  }
0x69: {  	_ =	sdelay $0x1  }
0x6a: {  	v4 =	vadd.f32 v5, v4  }
0x6b: {  	v5 =	vmax.f32 v6, v9  }
0x6c: {  	v5 =	vmul.f32 $1.442695020e+00, v5;
	v6 =	vmul.f32 $2.000000030e-01, v4;
	_ =	sdelay $0x1  }
0x6d: {  	(erf) = vpow2.f32 v5;
	v5 =	vld [tilespmem:s14+$0x0];
	v4 =	vmax.f32 v4, v6  }
0x6e: {  	v4 =	vmul.f32 $1.442695020e+00, v4;
	_ =	sdelay $0x1  }
0x6f: {  	v6 =	vmul.f32 v8, v0;
	(erf) = vpow2.f32 v4  }
0x70: {  	v0 =	vmul.f32 v7, v0  }
0x71: {  	[tilespmem:s7+$0x20] =	vst v6;
	v6 =	vand.u32 $0xFFFF0000, v5  }
0x72: {  	s8 =	sadd.s32 $0x50, s8;
	[tilespmem:s7+$0x10] =	vst v0;
	v4 =	vpop (erf);
	v0 =	vmul.f32 v6, v2  }
0x73: {  	s14 =	sadd.s32 $0x20, s4;
	[tilespmem:s8+$0xFFFFFFE0] =	vst v4  }
0x74: {  	s7 =	sadd.s32 $0x50, s8;
	v7 =	vpop (erf);
	v8 =	vld [tilespmem:s14+$0xFFFFFFF0]  }
0x75: {  	s15 =	sadd.s32 $0x20, s14;
	v5 =	vshll.u32 v5, $0x10;
	[tilespmem:s7+$0xFFFFFFE0] =	vst v7  }
0x76: {  	v1 =	vbroadcast v1, $0x0;
	s11 =	sadd.s32 $0x50, s7;
	v2 =	vmul.f32 v5, v2;
	[tilespmem:s13+$0x20] =	vst v0;
	v5 =	vld [tilespmem:s15+$0xFFFFFFF0];
	v0 =	vpop (erf)  }
0x77: {  	s16 =	sadd.s32 $0x20, s15;
	v6 =	vshll.u32 v3, $0x10;
	[tilespmem:s11+$0xFFFFFFE0] =	vst v0  }
0x78: {  	s29 =	sadd.s32 $0x50, s11;
	v3 =	vand.u32 $0xFFFF0000, v3;
	v6 =	vmul.f32 v6, v1;
	v4 =	vbroadcast v4, $0x0;
	[tilespmem:s13+$0x10] =	vst v2;
	v2 =	vld [tilespmem:s16+$0xFFFFFFF0];
	v9 =	vpop (erf)  }
0x79: {  	s17 =	sadd.s32 $0x20, s16;
	v3 =	vmul.f32 v3, v1;
	v10 =	vshll.u32 v8, $0x10;
	[tilespmem:s29+$0xFFFFFFE0] =	vst v9  }
0x7a: {  	v7 =	vbroadcast v7, $0x0;
	[tilespmem:s12+$0xFFFFFFF0] =	vst v6;
	v6 =	vand.u32 $0xFFFF0000, v8;
	v8 =	vmul.f32 v10, v4;
	v10 =	vld [tilespmem:s17+$0xFFFFFFF0]  }
0x7b: {  	[tilespmem:s12+$0x0] =	vst v3;
	v3 =	vmul.f32 v6, v4;
	v6 =	vshll.u32 v5, $0x10  }
0x7c: {  	v11 =	vld [tilespmem:s4+$0x0];
	v0 =	vbroadcast v0, $0x0;
	v5 =	vand.u32 $0xFFFF0000, v5;
	v6 =	vmul.f32 v6, v7;
	[tilespmem:s8+$0xFFFFFFF0] =	vst v8  }
0x7d: {  	[tilespmem:s8+$0x0] =	vst v3;
	v3 =	vmul.f32 v5, v7;
	v5 =	vshll.u32 v2, $0x10  }
0x7e: {  	v8 =	vld [tilespmem:s14+$0x0];
	[tilespmem:s7+$0xFFFFFFF0] =	vst v6;
	v2 =	vand.u32 $0xFFFF0000, v2;
	v6 =	vbroadcast v9, $0x0;
	v5 =	vmul.f32 v5, v0  }
0x7f: {  	[tilespmem:s7+$0x0] =	vst v3;
	v2 =	vmul.f32 v2, v0;
	v3 =	vshll.u32 v10, $0x10  }
0x80: {  	v9 =	vld [tilespmem:s15+$0x0];
	[tilespmem:s11+$0xFFFFFFF0] =	vst v5;
	v5 =	vand.u32 $0xFFFF0000, v10;
	v3 =	vmul.f32 v3, v6  }
0x81: {  	v10 =	vand.u32 $0xFFFF0000, v11;
	[tilespmem:s11+$0x0] =	vst v2;
	v2 =	vmul.f32 v5, v6  }
0x82: {  	v5 =	vshll.u32 v11, $0x10;
	v10 =	vmul.f32 v10, v1;
	v11 =	vld [tilespmem:s16+$0x0];
	[tilespmem:s29+$0xFFFFFFF0] =	vst v3  }
0x83: {  	v1 =	vmul.f32 v5, v1;
	v3 =	vand.u32 $0xFFFF0000, v8;
	[tilespmem:s29+$0x0] =	vst v2  }
0x84: {  	[tilespmem:s12+$0x20] =	vst v10;
	v2 =	vshll.u32 v8, $0x10;
	v3 =	vmul.f32 v3, v4;
	v5 =	vld [tilespmem:s17+$0x0]  }
0x85: {  	[tilespmem:s12+$0x10] =	vst v1;
	v1 =	vmul.f32 v2, v4;
	v2 =	vand.u32 $0xFFFF0000, v9  }
0x86: {  	v2 =	vmul.f32 v2, v7;
	[tilespmem:s8+$0x20] =	vst v3;
	v3 =	vshll.u32 v9, $0x10  }
0x87: {  	[tilespmem:s8+$0x10] =	vst v1;
	v1 =	vmul.f32 v3, v7;
	v3 =	vand.u32 $0xFFFF0000, v11  }
0x88: {  	[tilespmem:s7+$0x20] =	vst v2;
	v2 =	vshll.u32 v11, $0x10;
	v3 =	vmul.f32 v3, v0  }
0x89: {  	v0 =	vmul.f32 v2, v0;
	[tilespmem:s7+$0x10] =	vst v1;
	v1 =	vand.u32 $0xFFFF0000, v5  }
0x8a: {  	v2 =	vshll.u32 v5, $0x10;
	[tilespmem:s11+$0x20] =	vst v3;
	v1 =	vmul.f32 v1, v6  }
0x8b: {  	[tilespmem:s11+$0x10] =	vst v0;
	v0 =	vmul.f32 v2, v6  }
0x8c: {  	[tilespmem:s29+$0x20] =	vst v1  }
0x8d: {  	[tilespmem:s29+$0x10] =	vst v0  }
0x8e: {  	[spmem:s2] =	stream.indirect.scatter.add.f32 [tilespmem:s30], [sflag:$0x7], $0x50, s25, s18, $0xb8;
	[tilespmem:$0x1F900] =	vst v63  }
0x8f: {  	_ =	swait.ge [sflag:s31], $0x800  }
0x90: {  	[sflag:s31] =	ssyncset.done $0x0  }
0x91: {  	[sflag:s31] =	ssyncadd.s32 $0xFFFFF800  }
0x92: {  	_ =	swait.ge [sflag:s1], $0x800  }
0x93: {  	[sflag:s1] =	ssyncset.done $0x0  }
0x94: {  	[sflag:s1] =	ssyncadd.s32 $0xFFFFF800  }
0x95: {  	_ =	swait.ge [sflag:s0], $0x1000  }
0x96: {  	[sflag:s0] =	ssyncset.done $0x0  }
0x97: {  	s8 =	simm.s32 $0x100;
	[sflag:s0] =	ssyncadd.s32 $0xFFFFF000  }
0x98: {  	[tilespmem:s19], [sflag:$0x1] =	stream.indirect.gather [hbm4b:s5+s18], $0x10, s8, s18, $0xb8;
	[tilespmem:$0x1F900] =	vst v63  }
0x99: {  	s11 =	simm.s32 $0x2980  }
0x9a: {  	[tilespmem:s20], [sflag:$0x2] =	stream.indirect.gather [hbm4b:s6+s18], $0x10, s11, s18, $0xb8;
	[tilespmem:$0x1F900] =	vst v63  }
0x9b: {  	s12 =	simm.s32 $0x0  }
0x9c: {  	[tilespmem:s21], [sflag:$0x3] =	stream.indirect.gather [spmem:s3], $0x20, s8, s18, $0xb8;
	[tilespmem:$0x1F900] =	vst v63  }
0x9d: {  	v0 =	vld [tilespmem:s12+$0x5900]  }
0x9e: {  	v1 =	vld [tilespmem:s12+$0x6900];
	_ =	sdelay $0x4  }
0x9f: {  	s13 =	simm.s32 $0x10;
	v0 =	vadd.f32 v1, v0  }
0xa0: {  	v2 =	vld [tilespmem:s13+$0x5900]  }
0xa1: {  	v1 =	vld [tilespmem:s13+$0x6900];
	v3 =	vmul.f32 $2.000000030e-01, v0;
	_ =	sdelay $0x1  }
0xa2: {  	v0 =	vmax.f32 v0, v3  }
0xa3: {  	v0 =	vmul.f32 $1.442695020e+00, v0  }
0xa4: {  	s14 =	simm.s32 $0x20  }
0xa5: {  	v1 =	vadd.f32 v1, v2;
	v2 =	vld [tilespmem:s14+$0x5900];
	(erf) = vpow2.f32 v0  }
0xa6: {  	v0 =	vld [tilespmem:s14+$0x6900];
	_ =	sdelay $0x1  }
0xa7: {  	v3 =	vmul.f32 $2.000000030e-01, v1;
	_ =	sdelay $0x1  }
0xa8: {  	v1 =	vmax.f32 v1, v3  }
0xa9: {  	v1 =	vmul.f32 $1.442695020e+00, v1;
	v0 =	vadd.f32 v0, v2  }
0xaa: {  	s15 =	simm.s32 $0x30  }
0xab: {  	s17 =	simm.s32 $0x40;
	v4 =	vld [tilespmem:s15+$0x6900];
	(erf) = vpow2.f32 v1;
	v1 =	vmul.f32 $2.000000030e-01, v0  }
0xac: {  	s7 =	simm.s32 $0xB940;
	v5 =	vld [tilespmem:s17+$0x5900];
	v3 =	vpop (erf)  }
0xad: {  	s16 =	simm.s32 $0x8110;
	v2 =	vld [tilespmem:s15+$0x5900];
	v0 =	vmax.f32 v0, v1;
	[tilespmem:s7+$0xFFFFFFC0] =	vst v3  }
0xae: {  	v0 =	vmul.f32 $1.442695020e+00, v0;
	v1 =	vld [tilespmem:s16+$0xFFFFFFF0]  }
0xaf: {  	v6 =	vld [tilespmem:s17+$0x6900]  }
0xb0: {  	(erf) = vpow2.f32 v0;
	_ =	sdelay $0x1  }
0xb1: {  	v2 =	vadd.f32 v4, v2;
	v0 =	vbroadcast v3, $0x0  }
0xb2: {  	v3 =	vshll.u32 v1, $0x10;
	v1 =	vand.u32 $0xFFFF0000, v1  }
0xb3: {  	s13 =	simm.s32 $0xB990;
	v4 =	vadd.f32 v6, v5;
	v5 =	vmul.f32 $2.000000030e-01, v2;
	v7 =	vpop (erf);
	v1 =	vmul.f32 v1, v0  }
0xb4: {  	[tilespmem:s13+$0xFFFFFFC0] =	vst v7  }
0xb5: {  	s14 =	simm.s32 $0x8130;
	[tilespmem:s7+$0xFFFFFFE0] =	vst v1;
	v1 =	vmax.f32 v2, v5  }
0xb6: {  	s25 =	simm.s32 $0x50;
	v8 =	vld [tilespmem:s14+$0xFFFFFFF0];
	v3 =	vmul.f32 v3, v0;
	v5 =	vmul.f32 $1.442695020e+00, v1  }
0xb7: {  	v9 =	vld [tilespmem:s25+$0x5900]  }
0xb8: {  	v6 =	vld [tilespmem:s25+$0x6900];
	[tilespmem:s7+$0xFFFFFFD0] =	vst v3;
	v3 =	vmul.f32 $2.000000030e-01, v4;
	v1 =	vpop (erf);
	(erf) = vpow2.f32 v5;
	_ =	sdelay $0x1  }
0xb9: {  	v2 =	vbroadcast v7, $0x0;
	v10 =	vld [tilespmem:s16+$0x0];
	v3 =	vmax.f32 v4, v3  }
0xba: {  	s29 =	simm.s32 $0x60;
	s8 =	simm.s32 $0xB9E0;
	v7 =	vshll.u32 v8, $0x10;
	v11 =	vmul.f32 $1.442695020e+00, v3  }
0xbb: {  	s4 =	simm.s32 $0x8150;
	v4 =	vld [tilespmem:s29+$0x5900];
	v8 =	vand.u32 $0xFFFF0000, v8;
	v7 =	vmul.f32 v7, v2;
	[tilespmem:s8+$0xFFFFFFC0] =	vst v1  }
0xbc: {  	v6 =	vadd.f32 v6, v9;
	v8 =	vmul.f32 v8, v2;
	v3 =	vld [tilespmem:s4+$0xFFFFFFF0];
	(erf) = vpow2.f32 v11  }
0xbd: {  	s11 =	simm.s32 $0x1C0;
	v5 =	vld [tilespmem:s29+$0x6900];
	[tilespmem:s13+$0xFFFFFFD0] =	vst v7  }
0xbe: {  	s12 =	simm.s32 $0xB9E0;
	v9 =	vmul.f32 $2.000000030e-01, v6;
	[tilespmem:s13+$0xFFFFFFE0] =	vst v8;
	v7 =	vshll.u32 v10, $0x10;
	v8 =	vand.u32 $0xFFFF0000, v10  }
.LBB2_4:
0xbf: {  	s15 =	sshra.s32 s11, $0x2  }
0xc0: {  	v6 =	vmax.f32 v6, v9;
	v9 =	vbroadcast v1, $0x0;
	v1 =	vpop (erf);
	s8 =	sadd.s32 $0x50, s8;
	v10 =	vld [tilespmem:s14+$0x0];
	v8 =	vmul.f32 v8, v0;
	s14 =	smov.u32 s4;
	p0 =	sne.s32 s11, $0x1FC0  }
.Ltmp1:
0xc1: {  	s4 =	sadd.s32 $0x20, s4;
	v7 =	vmul.f32 v7, v0;
	v0 =	vmovc v2;
	v14 =	vmovc v4;
	v11 =	vmul.f32 $1.442695020e+00, v6;
	[tilespmem:s8+$0xFFFFFFC0] =	vst v1;
	v12 =	vshll.u32 v3, $0x10;
	v4 =	vld [tilespmem:s15+$0x5900];
	(pc) =	sbr.rel @p0 .LBB2_4-.Ltmp1, $4  }
0xc2: {  	v13 =	vand.u32 $0xFFFF0000, v3;
	v6 =	vadd.f32 v5, v14;
	v3 =	vld [tilespmem:s4+$0xFFFFFFF0];
	v12 =	vmul.f32 v12, v9;
	[tilespmem:s7+$0x0] =	vst v8;
	v2 =	vmovc v9  }
0xc3: {  	s11 =	sadd.s32 $0x40, s11;
	v5 =	vld [tilespmem:s15+$0x6900];
	(erf) = vpow2.f32 v11;
	v8 =	vmul.f32 v13, v2;
	[tilespmem:s7+$0xFFFFFFF0] =	vst v7;
	s7 =	smov.u32 s13  }
0xc4: {  	s13 =	smov.u32 s12;
	v9 =	vmul.f32 $2.000000030e-01, v6;
	[tilespmem:s12+$0xFFFFFFD0] =	vst v12;
	s12 =	smov.u32 s8  }
0xc5: {  	[tilespmem:s13+$0xFFFFFFE0] =	vst v8;
	v7 =	vshll.u32 v10, $0x10;
	v8 =	vand.u32 $0xFFFF0000, v10  }
0xc6: {  	_ =	sdelay $0x1  }
0xc7: {  	v4 =	vadd.f32 v5, v4;
	_ =	sdelay $0x1  }
0xc8: {  	v21 =	vmax.f32 v6, v9;
	v22 =	vmul.f32 $2.000000030e-01, v4  }
0xc9: {  	v5 =	vmul.f32 $1.442695020e+00, v21  }
0xca: {  	v4 =	vmax.f32 v4, v22  }
0xcb: {  	(erf) = vpow2.f32 v5;
	v4 =	vmul.f32 $1.442695020e+00, v4;
	_ =	sdelay $0x1  }
0xcc: {  	(erf) = vpow2.f32 v4;
	_ =	sdelay $0x1  }
0xcd: {  	v24 =	vpop (erf);
	s8 =	sadd.s32 $0x50, s8;
	v25 =	vmul.f32 v8, v0  }
0xce: {  	v23 =	vld [tilespmem:s14+$0x0];
	s14 =	sadd.s32 $0x20, s4;
	v1 =	vbroadcast v1, $0x0;
	[tilespmem:s8+$0xFFFFFFC0] =	vst v24  }
0xcf: {  	v26 =	vmul.f32 v7, v0;
	s25 =	sadd.s32 $0x50, s8;
	v34 =	vshll.u32 v3, $0x10;
	[tilespmem:s7+$0x0] =	vst v25;
	v29 =	vld [tilespmem:s14+$0xFFFFFFF0];
	v28 =	vpop (erf)  }
0xd0: {  	s15 =	sadd.s32 $0x20, s14;
	v6 =	vmul.f32 v34, v1;
	[tilespmem:s25+$0xFFFFFFC0] =	vst v28  }
0xd1: {  	v35 =	vand.u32 $0xFFFF0000, v3;
	[tilespmem:s7+$0xFFFFFFF0] =	vst v26;
	v32 =	vld [tilespmem:s15+$0xFFFFFFF0]  }
0xd2: {  	s11 =	sadd.s32 $0x50, s25;
	v3 =	vmul.f32 v35, v1;
	[tilespmem:s12+$0xFFFFFFD0] =	vst v6;
	v33 =	vpop (erf)  }
0xd3: {  	s16 =	sadd.s32 $0x20, s15;
	v27 =	vand.u32 $0xFFFF0000, v23;
	v4 =	vbroadcast v24, $0x0;
	[tilespmem:s11+$0xFFFFFFC0] =	vst v33  }
0xd4: {  	s29 =	sadd.s32 $0x50, s11;
	[tilespmem:s12+$0xFFFFFFE0] =	vst v3;
	v30 =	vmul.f32 v27, v2;
	v10 =	vshll.u32 v29, $0x10;
	v36 =	vld [tilespmem:s16+$0xFFFFFFF0];
	v37 =	vpop (erf)  }
0xd5: {  	s17 =	sadd.s32 $0x20, s16;
	v38 =	vand.u32 $0xFFFF0000, v29;
	v7 =	vbroadcast v28, $0x0;
	v39 =	vmul.f32 v10, v4;
	[tilespmem:s29+$0xFFFFFFC0] =	vst v37  }
0xd6: {  	v5 =	vshll.u32 v23, $0x10;
	[tilespmem:s13+$0x0] =	vst v30;
	v41 =	vmul.f32 v38, v4;
	v42 =	vshll.u32 v32, $0x10;
	v40 =	vld [tilespmem:s17+$0xFFFFFFF0]  }
0xd7: {  	v31 =	vmul.f32 v5, v2;
	[tilespmem:s8+$0xFFFFFFD0] =	vst v39;
	v5 =	vand.u32 $0xFFFF0000, v32;
	v6 =	vmul.f32 v42, v7  }
0xd8: {  	v11 =	vld [tilespmem:s4+$0x0];
	[tilespmem:s8+$0xFFFFFFE0] =	vst v41;
	v0 =	vbroadcast v33, $0x0;
	v43 =	vmul.f32 v5, v7  }
0xd9: {  	[tilespmem:s25+$0xFFFFFFD0] =	vst v6;
	v44 =	vshll.u32 v36, $0x10  }
0xda: {  	v8 =	vld [tilespmem:s14+$0x0];
	[tilespmem:s25+$0xFFFFFFE0] =	vst v43;
	v45 =	vbroadcast v37, $0x0;
	v2 =	vand.u32 $0xFFFF0000, v36;
	v5 =	vmul.f32 v44, v0  }
0xdb: {  	[tilespmem:s13+$0xFFFFFFF0] =	vst v31;
	v47 =	vld [tilespmem:s15+$0x0];
	v2 =	vmul.f32 v2, v0;
	v46 =	vshll.u32 v40, $0x10  }
0xdc: {  	[tilespmem:s11+$0xFFFFFFD0] =	vst v5;
	v48 =	vand.u32 $0xFFFF0000, v40;
	v3 =	vmul.f32 v46, v45  }
0xdd: {  	v49 =	vand.u32 $0xFFFF0000, v11;
	[tilespmem:s11+$0xFFFFFFE0] =	vst v2;
	v50 =	vmul.f32 v48, v45  }
0xde: {  	v11 =	vshll.u32 v11, $0x10;
	v10 =	vmul.f32 v49, v1;
	v51 =	vld [tilespmem:s16+$0x0];
	[tilespmem:s29+$0xFFFFFFD0] =	vst v3  }
0xdf: {  	v1 =	vmul.f32 v11, v1;
	v53 =	vshll.u32 v8, $0x10;
	[tilespmem:s29+$0xFFFFFFE0] =	vst v50  }
0xe0: {  	[tilespmem:s12+$0x0] =	vst v10;
	v55 =	vmul.f32 v53, v4;
	v56 =	vand.u32 $0xFFFF0000, v47;
	v54 =	vld [tilespmem:s17+$0x0]  }
0xe1: {  	[tilespmem:s12+$0xFFFFFFF0] =	vst v1;
	v52 =	vand.u32 $0xFFFF0000, v8;
	v2 =	vmul.f32 v56, v7  }
0xe2: {  	v57 =	vshll.u32 v47, $0x10;
	[tilespmem:s8+$0xFFFFFFF0] =	vst v55;
	v3 =	vmul.f32 v52, v4  }
0xe3: {  	v58 =	vmul.f32 v57, v7;
	[tilespmem:s25+$0x0] =	vst v2;
	v59 =	vand.u32 $0xFFFF0000, v51  }
0xe4: {  	v60 =	vshll.u32 v51, $0x10;
	[tilespmem:s8+$0x0] =	vst v3;
	v3 =	vmul.f32 v59, v0  }
0xe5: {  	[tilespmem:s25+$0xFFFFFFF0] =	vst v58;
	v0 =	vmul.f32 v60, v0;
	v61 =	vand.u32 $0xFFFF0000, v54  }
0xe6: {  	[tilespmem:s11+$0x0] =	vst v3;
	v62 =	vshll.u32 v54, $0x10;
	v1 =	vmul.f32 v61, v45  }
0xe7: {  	[tilespmem:s11+$0xFFFFFFF0] =	vst v0;
	v63 =	vmul.f32 v62, v45  }
0xe8: {  	[tilespmem:s29+$0x0] =	vst v1  }
0xe9: {  	s12 =	simm.s32 $0x1;
	[tilespmem:s29+$0xFFFFFFF0] =	vst v63  }
0xea: {  	[spmem:s2] =	stream.indirect.scatter.add.f32 [tilespmem:s26], [sflag:$0x8], $0x50, s28, s18, $0xb8;
	[tilespmem:$0x1F900] =	vst v63  }
.LBB2_6:
0xeb: {  	_ =	swait.ge [sflag:s22], $0x800  }
0xec: {  	[sflag:s22] =	ssyncset.done $0x0  }
0xed: {  	[sflag:s22] =	ssyncadd.s32 $0xFFFFF800  }
0xee: {  	_ =	swait.ge [sflag:s23], $0x800  }
0xef: {  	[sflag:s23] =	ssyncset.done $0x0  }
0xf0: {  	[sflag:s23] =	ssyncadd.s32 $0xFFFFF800  }
0xf1: {  	_ =	swait.ge [sflag:s24], $0x1000  }
0xf2: {  	s16 =	sshll.u32 s12, $0x8;
	[sflag:s24] =	ssyncset.done $0x0  }
0xf3: {  	s7 =	simm.s32 $0x5900;
	s4 =	sor.u32 $0x80, s16;
	[sflag:s24] =	ssyncadd.s32 $0xFFFFF000  }
0xf4: {  	[tilespmem:s7], [sflag:$0x4] =	stream.indirect.gather [hbm4b:s5+s18], $0x10, s4, s18, $0xb8;
	[tilespmem:$0x1F900] =	vst v63  }
0xf5: {  	s28 =	simm.s32 $0x6900;
	s13 =	sadd.s32 $0x2900, s16  }
0xf6: {  	[tilespmem:s28], [sflag:$0x5] =	stream.indirect.gather [hbm4b:s6+s18], $0x10, s13, s18, $0xb8;
	[tilespmem:$0x1F900] =	vst v63  }
0xf7: {  	s29 =	simm.s32 $0x8100  }
0xf8: {  	[tilespmem:s29], [sflag:$0x6] =	stream.indirect.gather [spmem:s3], $0x20, s4, s18, $0xb8;
	[tilespmem:$0x1F900] =	vst v63  }
0xf9: {  	_ =	swait.ge [sflag:s9], $0x2800  }
0xfa: {  	[sflag:s9] =	ssyncset.done $0x0  }
0xfb: {  	s8 =	simm.s32 $0x0;
	[sflag:s9] =	ssyncadd.s32 $0xFFFFD800  }
0xfc: {  	v0 =	vld [tilespmem:s8+$0x5100]  }
0xfd: {  	v1 =	vld [tilespmem:s8+$0x6100];
	_ =	sdelay $0x4  }
0xfe: {  	s11 =	simm.s32 $0x10;
	v0 =	vadd.f32 v1, v0  }
0xff: {  	v2 =	vld [tilespmem:s11+$0x5100]  }
0x100: {  	v1 =	vld [tilespmem:s11+$0x6100];
	v3 =	vmul.f32 $2.000000030e-01, v0;
	_ =	sdelay $0x1  }
0x101: {  	v0 =	vmax.f32 v0, v3  }
0x102: {  	v0 =	vmul.f32 $1.442695020e+00, v0  }
0x103: {  	s14 =	simm.s32 $0x20  }
0x104: {  	v1 =	vadd.f32 v1, v2;
	v2 =	vld [tilespmem:s14+$0x5100];
	(erf) = vpow2.f32 v0  }
0x105: {  	v0 =	vld [tilespmem:s14+$0x6100];
	_ =	sdelay $0x1  }
0x106: {  	v3 =	vmul.f32 $2.000000030e-01, v1;
	_ =	sdelay $0x1  }
0x107: {  	v1 =	vmax.f32 v1, v3  }
0x108: {  	v1 =	vmul.f32 $1.442695020e+00, v1;
	v0 =	vadd.f32 v0, v2  }
0x109: {  	s15 =	simm.s32 $0x30  }
0x10a: {  	s28 =	simm.s32 $0x40;
	v4 =	vld [tilespmem:s15+$0x6100];
	(erf) = vpow2.f32 v1;
	v1 =	vmul.f32 $2.000000030e-01, v0  }
0x10b: {  	s17 =	simm.s32 $0x9120;
	v5 =	vld [tilespmem:s28+$0x5100];
	v3 =	vpop (erf)  }
0x10c: {  	s25 =	simm.s32 $0x7110;
	v2 =	vld [tilespmem:s15+$0x5100];
	v0 =	vmax.f32 v0, v1;
	[tilespmem:s17+$0xFFFFFFE0] =	vst v3  }
0x10d: {  	v0 =	vmul.f32 $1.442695020e+00, v0;
	v1 =	vld [tilespmem:s25+$0xFFFFFFF0]  }
0x10e: {  	v6 =	vld [tilespmem:s28+$0x6100]  }
0x10f: {  	(erf) = vpow2.f32 v0;
	_ =	sdelay $0x1  }
0x110: {  	v2 =	vadd.f32 v4, v2;
	v0 =	vbroadcast v3, $0x0  }
0x111: {  	v3 =	vshll.u32 v1, $0x10;
	v1 =	vand.u32 $0xFFFF0000, v1  }
0x112: {  	s4 =	simm.s32 $0x9170;
	v4 =	vadd.f32 v6, v5;
	v5 =	vmul.f32 $2.000000030e-01, v2;
	v7 =	vpop (erf);
	v1 =	vmul.f32 v1, v0  }
0x113: {  	[tilespmem:s4+$0xFFFFFFE0] =	vst v7  }
0x114: {  	s8 =	simm.s32 $0x7130;
	[tilespmem:s17+$0x0] =	vst v1;
	v1 =	vmax.f32 v2, v5  }
0x115: {  	s11 =	simm.s32 $0x50;
	v8 =	vld [tilespmem:s8+$0xFFFFFFF0];
	v3 =	vmul.f32 v3, v0;
	v5 =	vmul.f32 $1.442695020e+00, v1  }
0x116: {  	v9 =	vld [tilespmem:s11+$0x5100]  }
0x117: {  	v6 =	vld [tilespmem:s11+$0x6100];
	[tilespmem:s17+$0xFFFFFFF0] =	vst v3;
	v3 =	vmul.f32 $2.000000030e-01, v4;
	v1 =	vpop (erf);
	(erf) = vpow2.f32 v5;
	_ =	sdelay $0x1  }
0x118: {  	v2 =	vbroadcast v7, $0x0;
	v10 =	vld [tilespmem:s25+$0x0];
	v3 =	vmax.f32 v4, v3  }
0x119: {  	s29 =	simm.s32 $0x60;
	s11 =	simm.s32 $0x91C0;
	v7 =	vshll.u32 v8, $0x10;
	v11 =	vmul.f32 $1.442695020e+00, v3  }
0x11a: {  	s14 =	simm.s32 $0x7150;
	v4 =	vld [tilespmem:s29+$0x5100];
	v8 =	vand.u32 $0xFFFF0000, v8;
	v7 =	vmul.f32 v7, v2;
	[tilespmem:s11+$0xFFFFFFE0] =	vst v1  }
0x11b: {  	v6 =	vadd.f32 v6, v9;
	v8 =	vmul.f32 v8, v2;
	v3 =	vld [tilespmem:s14+$0xFFFFFFF0];
	(erf) = vpow2.f32 v11  }
0x11c: {  	v5 =	vld [tilespmem:s29+$0x6100];
	[tilespmem:s4+$0xFFFFFFF0] =	vst v7  }
0x11d: {  	s7 =	simm.s32 $0x91C0;
	s15 =	simm.s32 $0x1C0;
	v9 =	vmul.f32 $2.000000030e-01, v6;
	[tilespmem:s4+$0x0] =	vst v8;
	v7 =	vshll.u32 v10, $0x10;
	v8 =	vand.u32 $0xFFFF0000, v10  }
.LBB2_7:
0x11e: {  	s25 =	sshra.s32 s15, $0x2  }
0x11f: {  	v6 =	vmax.f32 v6, v9;
	v9 =	vbroadcast v1, $0x0;
	v1 =	vpop (erf);
	s11 =	sadd.s32 $0x50, s11;
	v10 =	vld [tilespmem:s8+$0x0];
	v8 =	vmul.f32 v8, v0;
	s8 =	smov.u32 s14;
	p0 =	sne.s32 s15, $0x1FC0  }
.Ltmp2:
0x120: {  	s14 =	sadd.s32 $0x20, s14;
	v7 =	vmul.f32 v7, v0;
	v0 =	vmovc v2;
	v14 =	vmovc v4;
	v11 =	vmul.f32 $1.442695020e+00, v6;
	[tilespmem:s11+$0xFFFFFFE0] =	vst v1;
	v12 =	vshll.u32 v3, $0x10;
	v4 =	vld [tilespmem:s25+$0x5100];
	(pc) =	sbr.rel @p0 .LBB2_7-.Ltmp2, $4  }
0x121: {  	v13 =	vand.u32 $0xFFFF0000, v3;
	v6 =	vadd.f32 v5, v14;
	v3 =	vld [tilespmem:s14+$0xFFFFFFF0];
	v12 =	vmul.f32 v12, v9;
	[tilespmem:s17+$0x20] =	vst v8;
	v2 =	vmovc v9  }
0x122: {  	s15 =	sadd.s32 $0x40, s15;
	v5 =	vld [tilespmem:s25+$0x6100];
	(erf) = vpow2.f32 v11;
	v8 =	vmul.f32 v13, v2;
	[tilespmem:s17+$0x10] =	vst v7;
	s17 =	smov.u32 s4  }
0x123: {  	s4 =	smov.u32 s7;
	v9 =	vmul.f32 $2.000000030e-01, v6;
	[tilespmem:s7+$0xFFFFFFF0] =	vst v12;
	s7 =	smov.u32 s11  }
0x124: {  	[tilespmem:s4+$0x0] =	vst v8;
	v7 =	vshll.u32 v10, $0x10;
	v8 =	vand.u32 $0xFFFF0000, v10  }
0x125: {  	_ =	sdelay $0x1  }
0x126: {  	v4 =	vadd.f32 v5, v4  }
0x127: {  	v5 =	vmax.f32 v6, v9  }
0x128: {  	v5 =	vmul.f32 $1.442695020e+00, v5;
	v6 =	vmul.f32 $2.000000030e-01, v4;
	_ =	sdelay $0x1  }
0x129: {  	(erf) = vpow2.f32 v5;
	v5 =	vld [tilespmem:s8+$0x0];
	v4 =	vmax.f32 v4, v6  }
0x12a: {  	v4 =	vmul.f32 $1.442695020e+00, v4;
	_ =	sdelay $0x1  }
0x12b: {  	v6 =	vmul.f32 v8, v0;
	(erf) = vpow2.f32 v4  }
0x12c: {  	v0 =	vmul.f32 v7, v0  }
0x12d: {  	[tilespmem:s17+$0x20] =	vst v6;
	v6 =	vand.u32 $0xFFFF0000, v5  }
0x12e: {  	s8 =	sadd.s32 $0x50, s11;
	[tilespmem:s17+$0x10] =	vst v0;
	v4 =	vpop (erf);
	v0 =	vmul.f32 v6, v2  }
0x12f: {  	s15 =	sadd.s32 $0x20, s14;
	[tilespmem:s8+$0xFFFFFFE0] =	vst v4  }
0x130: {  	s17 =	sadd.s32 $0x50, s8;
	v7 =	vpop (erf);
	v8 =	vld [tilespmem:s15+$0xFFFFFFF0]  }
0x131: {  	s25 =	sadd.s32 $0x20, s15;
	v5 =	vshll.u32 v5, $0x10;
	[tilespmem:s17+$0xFFFFFFE0] =	vst v7  }
0x132: {  	v1 =	vbroadcast v1, $0x0;
	s11 =	sadd.s32 $0x50, s17;
	v2 =	vmul.f32 v5, v2;
	[tilespmem:s4+$0x20] =	vst v0;
	v5 =	vld [tilespmem:s25+$0xFFFFFFF0];
	v0 =	vpop (erf)  }
0x133: {  	s28 =	sadd.s32 $0x20, s25;
	v6 =	vshll.u32 v3, $0x10;
	[tilespmem:s11+$0xFFFFFFE0] =	vst v0  }
0x134: {  	v3 =	vand.u32 $0xFFFF0000, v3;
	v6 =	vmul.f32 v6, v1;
	v4 =	vbroadcast v4, $0x0;
	[tilespmem:s4+$0x10] =	vst v2;
	s4 =	sadd.s32 $0x50, s11;
	v2 =	vld [tilespmem:s28+$0xFFFFFFF0];
	v9 =	vpop (erf)  }
0x135: {  	s29 =	sadd.s32 $0x20, s28;
	v3 =	vmul.f32 v3, v1;
	v10 =	vshll.u32 v8, $0x10;
	[tilespmem:s4+$0xFFFFFFE0] =	vst v9  }
0x136: {  	v7 =	vbroadcast v7, $0x0;
	[tilespmem:s7+$0xFFFFFFF0] =	vst v6;
	v6 =	vand.u32 $0xFFFF0000, v8;
	v8 =	vmul.f32 v10, v4;
	v10 =	vld [tilespmem:s29+$0xFFFFFFF0]  }
0x137: {  	[tilespmem:s7+$0x0] =	vst v3;
	v3 =	vmul.f32 v6, v4;
	v6 =	vshll.u32 v5, $0x10  }
0x138: {  	v11 =	vld [tilespmem:s14+$0x0];
	v0 =	vbroadcast v0, $0x0;
	v5 =	vand.u32 $0xFFFF0000, v5;
	v6 =	vmul.f32 v6, v7;
	[tilespmem:s8+$0xFFFFFFF0] =	vst v8  }
0x139: {  	[tilespmem:s8+$0x0] =	vst v3;
	v3 =	vmul.f32 v5, v7;
	v5 =	vshll.u32 v2, $0x10  }
0x13a: {  	v8 =	vld [tilespmem:s15+$0x0];
	[tilespmem:s17+$0xFFFFFFF0] =	vst v6;
	v2 =	vand.u32 $0xFFFF0000, v2;
	v6 =	vbroadcast v9, $0x0;
	v5 =	vmul.f32 v5, v0  }
0x13b: {  	[tilespmem:s17+$0x0] =	vst v3;
	v2 =	vmul.f32 v2, v0;
	v3 =	vshll.u32 v10, $0x10  }
0x13c: {  	v9 =	vld [tilespmem:s25+$0x0];
	[tilespmem:s11+$0xFFFFFFF0] =	vst v5;
	v5 =	vand.u32 $0xFFFF0000, v10;
	v3 =	vmul.f32 v3, v6  }
0x13d: {  	v10 =	vand.u32 $0xFFFF0000, v11;
	[tilespmem:s11+$0x0] =	vst v2;
	v2 =	vmul.f32 v5, v6  }
0x13e: {  	v11 =	vshll.u32 v11, $0x10;
	v5 =	vld [tilespmem:s28+$0x0];
	v10 =	vmul.f32 v10, v1;
	[tilespmem:s4+$0xFFFFFFF0] =	vst v3  }
0x13f: {  	v1 =	vmul.f32 v11, v1;
	v3 =	vand.u32 $0xFFFF0000, v8;
	[tilespmem:s4+$0x0] =	vst v2  }
0x140: {  	[tilespmem:s7+$0x20] =	vst v10;
	v2 =	vshll.u32 v8, $0x10;
	v3 =	vmul.f32 v3, v4;
	v8 =	vld [tilespmem:s29+$0x0]  }
0x141: {  	[tilespmem:s7+$0x10] =	vst v1;
	v1 =	vmul.f32 v2, v4;
	v2 =	vand.u32 $0xFFFF0000, v9  }
0x142: {  	v2 =	vmul.f32 v2, v7;
	[tilespmem:s8+$0x20] =	vst v3;
	v3 =	vshll.u32 v9, $0x10  }
0x143: {  	[tilespmem:s8+$0x10] =	vst v1;
	v1 =	vmul.f32 v3, v7;
	v3 =	vand.u32 $0xFFFF0000, v5  }
0x144: {  	[tilespmem:s17+$0x20] =	vst v2;
	v2 =	vshll.u32 v5, $0x10;
	v3 =	vmul.f32 v3, v0  }
0x145: {  	v0 =	vmul.f32 v2, v0;
	[tilespmem:s17+$0x10] =	vst v1;
	v1 =	vand.u32 $0xFFFF0000, v8  }
0x146: {  	v2 =	vshll.u32 v8, $0x10;
	[tilespmem:s11+$0x20] =	vst v3;
	v1 =	vmul.f32 v1, v6  }
0x147: {  	[tilespmem:s11+$0x10] =	vst v0;
	v0 =	vmul.f32 v2, v6  }
0x148: {  	s25 =	sand.u32 $0x3FFFFF00, s16;
	[tilespmem:s4+$0x20] =	vst v1  }
0x149: {  	s28 =	sadd.s32 $0x2880, s25;
	[tilespmem:s4+$0x10] =	vst v0  }
0x14a: {  	[spmem:s2] =	stream.indirect.scatter.add.f32 [tilespmem:s30], [sflag:$0x7], $0x50, s28, s18, $0xb8;
	[tilespmem:$0x1F900] =	vst v63  }
0x14b: {  	_ =	swait.ge [sflag:s31], $0x800  }
0x14c: {  	[sflag:s31] =	ssyncset.done $0x0  }
0x14d: {  	[sflag:s31] =	ssyncadd.s32 $0xFFFFF800  }
0x14e: {  	_ =	swait.ge [sflag:s1], $0x800  }
0x14f: {  	[sflag:s1] =	ssyncset.done $0x0  }
0x150: {  	[sflag:s1] =	ssyncadd.s32 $0xFFFFF800  }
0x151: {  	_ =	swait.ge [sflag:s0], $0x1000  }
0x152: {  	[sflag:s0] =	ssyncset.done $0x0  }
0x153: {  	s29 =	sadd.s32 $0x100, s16;
	[sflag:s0] =	ssyncadd.s32 $0xFFFFF000  }
0x154: {  	[tilespmem:s19], [sflag:$0x1] =	stream.indirect.gather [hbm4b:s5+s18], $0x10, s29, s18, $0xb8;
	[tilespmem:$0x1F900] =	vst v63  }
0x155: {  	s8 =	sadd.s32 $0x2980, s16  }
0x156: {  	[tilespmem:s20], [sflag:$0x2] =	stream.indirect.gather [hbm4b:s6+s18], $0x10, s8, s18, $0xb8;
	[tilespmem:$0x1F900] =	vst v63  }
0x157: {  	_ = 	snop  }
0x158: {  	[tilespmem:s21], [sflag:$0x3] =	stream.indirect.gather [spmem:s3], $0x20, s29, s18, $0xb8;
	[tilespmem:$0x1F900] =	vst v63  }
0x159: {  	_ =	swait.ge [sflag:s10], $0x2800  }
0x15a: {  	[sflag:s10] =	ssyncset.done $0x0  }
0x15b: {  	s11 =	simm.s32 $0x0;
	[sflag:s10] =	ssyncadd.s32 $0xFFFFD800  }
0x15c: {  	v0 =	vld [tilespmem:s11+$0x5900]  }
0x15d: {  	v1 =	vld [tilespmem:s11+$0x6900];
	_ =	sdelay $0x4  }
0x15e: {  	s14 =	simm.s32 $0x10;
	v0 =	vadd.f32 v1, v0  }
0x15f: {  	v2 =	vld [tilespmem:s14+$0x5900]  }
0x160: {  	v1 =	vld [tilespmem:s14+$0x6900];
	v3 =	vmul.f32 $2.000000030e-01, v0;
	_ =	sdelay $0x1  }
0x161: {  	v0 =	vmax.f32 v0, v3  }
0x162: {  	v0 =	vmul.f32 $1.442695020e+00, v0  }
0x163: {  	s15 =	simm.s32 $0x20  }
0x164: {  	v1 =	vadd.f32 v1, v2;
	v2 =	vld [tilespmem:s15+$0x5900];
	(erf) = vpow2.f32 v0  }
0x165: {  	v0 =	vld [tilespmem:s15+$0x6900];
	_ =	sdelay $0x1  }
0x166: {  	v3 =	vmul.f32 $2.000000030e-01, v1;
	_ =	sdelay $0x1  }
0x167: {  	v1 =	vmax.f32 v1, v3  }
0x168: {  	v1 =	vmul.f32 $1.442695020e+00, v1;
	v0 =	vadd.f32 v0, v2  }
0x169: {  	s16 =	simm.s32 $0x30  }
0x16a: {  	s25 =	simm.s32 $0x40;
	v4 =	vld [tilespmem:s16+$0x6900];
	(erf) = vpow2.f32 v1;
	v1 =	vmul.f32 $2.000000030e-01, v0  }
0x16b: {  	s4 =	simm.s32 $0xB940;
	v5 =	vld [tilespmem:s25+$0x5900];
	v3 =	vpop (erf)  }
0x16c: {  	s17 =	simm.s32 $0x8110;
	v2 =	vld [tilespmem:s16+$0x5900];
	v0 =	vmax.f32 v0, v1;
	[tilespmem:s4+$0xFFFFFFC0] =	vst v3  }
0x16d: {  	v0 =	vmul.f32 $1.442695020e+00, v0;
	v1 =	vld [tilespmem:s17+$0xFFFFFFF0]  }
0x16e: {  	v6 =	vld [tilespmem:s25+$0x6900]  }
0x16f: {  	(erf) = vpow2.f32 v0;
	_ =	sdelay $0x1  }
0x170: {  	v2 =	vadd.f32 v4, v2;
	v0 =	vbroadcast v3, $0x0  }
0x171: {  	v3 =	vshll.u32 v1, $0x10;
	v1 =	vand.u32 $0xFFFF0000, v1  }
0x172: {  	s16 =	simm.s32 $0xB990;
	v4 =	vadd.f32 v6, v5;
	v5 =	vmul.f32 $2.000000030e-01, v2;
	v7 =	vpop (erf);
	v1 =	vmul.f32 v1, v0  }
0x173: {  	[tilespmem:s16+$0xFFFFFFC0] =	vst v7  }
0x174: {  	s8 =	simm.s32 $0x8130;
	[tilespmem:s4+$0xFFFFFFE0] =	vst v1;
	v1 =	vmax.f32 v2, v5  }
0x175: {  	s28 =	simm.s32 $0x50;
	v8 =	vld [tilespmem:s8+$0xFFFFFFF0];
	v3 =	vmul.f32 v3, v0;
	v5 =	vmul.f32 $1.442695020e+00, v1  }
0x176: {  	v9 =	vld [tilespmem:s28+$0x5900]  }
0x177: {  	v6 =	vld [tilespmem:s28+$0x6900];
	[tilespmem:s4+$0xFFFFFFD0] =	vst v3;
	v3 =	vmul.f32 $2.000000030e-01, v4;
	v1 =	vpop (erf);
	(erf) = vpow2.f32 v5;
	_ =	sdelay $0x1  }
0x178: {  	v2 =	vbroadcast v7, $0x0;
	v10 =	vld [tilespmem:s17+$0x0];
	v3 =	vmax.f32 v4, v3  }
0x179: {  	s29 =	simm.s32 $0x60;
	s11 =	simm.s32 $0xB9E0;
	v7 =	vshll.u32 v8, $0x10;
	v11 =	vmul.f32 $1.442695020e+00, v3  }
0x17a: {  	s14 =	simm.s32 $0x8150;
	v4 =	vld [tilespmem:s29+$0x5900];
	v8 =	vand.u32 $0xFFFF0000, v8;
	v7 =	vmul.f32 v7, v2;
	[tilespmem:s11+$0xFFFFFFC0] =	vst v1  }
0x17b: {  	v6 =	vadd.f32 v6, v9;
	v8 =	vmul.f32 v8, v2;
	v3 =	vld [tilespmem:s14+$0xFFFFFFF0];
	(erf) = vpow2.f32 v11  }
0x17c: {  	s7 =	simm.s32 $0xB9E0;
	v5 =	vld [tilespmem:s29+$0x6900];
	[tilespmem:s16+$0xFFFFFFD0] =	vst v7  }
0x17d: {  	v9 =	vmul.f32 $2.000000030e-01, v6;
	s17 =	simm.s32 $0x1C0;
	[tilespmem:s16+$0xFFFFFFE0] =	vst v8;
	v7 =	vshll.u32 v10, $0x10;
	v8 =	vand.u32 $0xFFFF0000, v10  }
.LBB2_9:
0x17e: {  	s15 =	sshra.s32 s17, $0x2  }
0x17f: {  	v6 =	vmax.f32 v6, v9;
	v9 =	vbroadcast v1, $0x0;
	v1 =	vpop (erf);
	s11 =	sadd.s32 $0x50, s11;
	v10 =	vld [tilespmem:s8+$0x0];
	v8 =	vmul.f32 v8, v0;
	s8 =	smov.u32 s14;
	p0 =	sne.s32 s17, $0x1FC0  }
.Ltmp3:
0x180: {  	s14 =	sadd.s32 $0x20, s14;
	v7 =	vmul.f32 v7, v0;
	v0 =	vmovc v2;
	v14 =	vmovc v4;
	v11 =	vmul.f32 $1.442695020e+00, v6;
	[tilespmem:s11+$0xFFFFFFC0] =	vst v1;
	v12 =	vshll.u32 v3, $0x10;
	v4 =	vld [tilespmem:s15+$0x5900];
	(pc) =	sbr.rel @p0 .LBB2_9-.Ltmp3, $4  }
0x181: {  	v13 =	vand.u32 $0xFFFF0000, v3;
	v6 =	vadd.f32 v5, v14;
	v3 =	vld [tilespmem:s14+$0xFFFFFFF0];
	v12 =	vmul.f32 v12, v9;
	[tilespmem:s4+$0x0] =	vst v8;
	v2 =	vmovc v9  }
0x182: {  	s17 =	sadd.s32 $0x40, s17;
	v5 =	vld [tilespmem:s15+$0x6900];
	(erf) = vpow2.f32 v11;
	v8 =	vmul.f32 v13, v2;
	[tilespmem:s4+$0xFFFFFFF0] =	vst v7;
	s4 =	smov.u32 s16  }
0x183: {  	s16 =	smov.u32 s7;
	v9 =	vmul.f32 $2.000000030e-01, v6;
	[tilespmem:s7+$0xFFFFFFD0] =	vst v12;
	s7 =	smov.u32 s11  }
0x184: {  	[tilespmem:s16+$0xFFFFFFE0] =	vst v8;
	v7 =	vshll.u32 v10, $0x10;
	v8 =	vand.u32 $0xFFFF0000, v10  }
0x185: {  	_ =	sdelay $0x1  }
0x186: {  	v4 =	vadd.f32 v5, v4;
	_ =	sdelay $0x1  }
0x187: {  	v21 =	vmax.f32 v6, v9;
	v22 =	vmul.f32 $2.000000030e-01, v4  }
0x188: {  	v5 =	vmul.f32 $1.442695020e+00, v21  }
0x189: {  	v4 =	vmax.f32 v4, v22  }
0x18a: {  	(erf) = vpow2.f32 v5;
	v4 =	vmul.f32 $1.442695020e+00, v4;
	_ =	sdelay $0x1  }
0x18b: {  	(erf) = vpow2.f32 v4  }
0x18c: {  	v23 =	vld [tilespmem:s8+$0x0];
	v24 =	vpop (erf);
	s8 =	sadd.s32 $0x50, s11;
	v25 =	vmul.f32 v8, v0  }
0x18d: {  	v26 =	vmul.f32 v7, v0;
	[tilespmem:s8+$0xFFFFFFC0] =	vst v24  }
0x18e: {  	s15 =	sadd.s32 $0x20, s14;
	v1 =	vbroadcast v1, $0x0;
	[tilespmem:s4+$0x0] =	vst v25  }
0x18f: {  	v34 =	vshll.u32 v3, $0x10;
	v29 =	vld [tilespmem:s15+$0xFFFFFFF0];
	[tilespmem:s4+$0xFFFFFFF0] =	vst v26;
	s4 =	sadd.s32 $0x50, s8;
	v28 =	vpop (erf)  }
0x190: {  	s17 =	sadd.s32 $0x20, s15;
	v6 =	vmul.f32 v34, v1;
	[tilespmem:s4+$0xFFFFFFC0] =	vst v28  }
0x191: {  	v35 =	vand.u32 $0xFFFF0000, v3;
	v32 =	vld [tilespmem:s17+$0xFFFFFFF0]  }
0x192: {  	v3 =	vmul.f32 v35, v1;
	s11 =	sadd.s32 $0x50, s4;
	[tilespmem:s7+$0xFFFFFFD0] =	vst v6;
	v33 =	vpop (erf)  }
0x193: {  	s25 =	sadd.s32 $0x20, s17;
	v27 =	vand.u32 $0xFFFF0000, v23;
	v4 =	vbroadcast v24, $0x0;
	[tilespmem:s11+$0xFFFFFFC0] =	vst v33  }
0x194: {  	s29 =	sadd.s32 $0x50, s11;
	[tilespmem:s7+$0xFFFFFFE0] =	vst v3;
	v30 =	vmul.f32 v27, v2;
	v10 =	vshll.u32 v29, $0x10;
	v36 =	vld [tilespmem:s25+$0xFFFFFFF0];
	v37 =	vpop (erf)  }
0x195: {  	s28 =	sadd.s32 $0x20, s25;
	v38 =	vand.u32 $0xFFFF0000, v29;
	v7 =	vbroadcast v28, $0x0;
	v39 =	vmul.f32 v10, v4;
	[tilespmem:s29+$0xFFFFFFC0] =	vst v37  }
0x196: {  	v5 =	vshll.u32 v23, $0x10;
	[tilespmem:s16+$0x0] =	vst v30;
	v41 =	vmul.f32 v38, v4;
	v42 =	vshll.u32 v32, $0x10;
	v40 =	vld [tilespmem:s28+$0xFFFFFFF0]  }
0x197: {  	v31 =	vmul.f32 v5, v2;
	[tilespmem:s8+$0xFFFFFFD0] =	vst v39;
	v5 =	vand.u32 $0xFFFF0000, v32;
	v6 =	vmul.f32 v42, v7  }
0x198: {  	v11 =	vld [tilespmem:s14+$0x0];
	[tilespmem:s8+$0xFFFFFFE0] =	vst v41;
	v0 =	vbroadcast v33, $0x0;
	v43 =	vmul.f32 v5, v7  }
0x199: {  	[tilespmem:s4+$0xFFFFFFD0] =	vst v6;
	v44 =	vshll.u32 v36, $0x10  }
0x19a: {  	v8 =	vld [tilespmem:s15+$0x0];
	[tilespmem:s4+$0xFFFFFFE0] =	vst v43;
	v45 =	vbroadcast v37, $0x0;
	v2 =	vand.u32 $0xFFFF0000, v36;
	v5 =	vmul.f32 v44, v0  }
0x19b: {  	[tilespmem:s16+$0xFFFFFFF0] =	vst v31;
	v47 =	vld [tilespmem:s17+$0x0];
	v2 =	vmul.f32 v2, v0;
	v46 =	vshll.u32 v40, $0x10  }
0x19c: {  	[tilespmem:s11+$0xFFFFFFD0] =	vst v5;
	v48 =	vand.u32 $0xFFFF0000, v40;
	v3 =	vmul.f32 v46, v45  }
0x19d: {  	v49 =	vand.u32 $0xFFFF0000, v11;
	[tilespmem:s11+$0xFFFFFFE0] =	vst v2;
	v50 =	vmul.f32 v48, v45  }
0x19e: {  	v11 =	vshll.u32 v11, $0x10;
	v10 =	vmul.f32 v49, v1;
	v51 =	vld [tilespmem:s25+$0x0];
	[tilespmem:s29+$0xFFFFFFD0] =	vst v3  }
0x19f: {  	v1 =	vmul.f32 v11, v1;
	v53 =	vshll.u32 v8, $0x10;
	[tilespmem:s29+$0xFFFFFFE0] =	vst v50  }
0x1a0: {  	[tilespmem:s7+$0x0] =	vst v10;
	v55 =	vmul.f32 v53, v4;
	v56 =	vand.u32 $0xFFFF0000, v47;
	v54 =	vld [tilespmem:s28+$0x0]  }
0x1a1: {  	[tilespmem:s7+$0xFFFFFFF0] =	vst v1;
	v52 =	vand.u32 $0xFFFF0000, v8;
	v2 =	vmul.f32 v56, v7  }
0x1a2: {  	v57 =	vshll.u32 v47, $0x10;
	[tilespmem:s8+$0xFFFFFFF0] =	vst v55;
	v3 =	vmul.f32 v52, v4  }
0x1a3: {  	v58 =	vmul.f32 v57, v7;
	[tilespmem:s4+$0x0] =	vst v2;
	v59 =	vand.u32 $0xFFFF0000, v51  }
0x1a4: {  	s12 =	sadd.s32 $0x1, s12;
	v60 =	vshll.u32 v51, $0x10;
	[tilespmem:s8+$0x0] =	vst v3;
	v3 =	vmul.f32 v59, v0  }
0x1a5: {  	p0 =	sne.s32 s12, $0x28;
	[tilespmem:s4+$0xFFFFFFF0] =	vst v58;
	v0 =	vmul.f32 v60, v0;
	v61 =	vand.u32 $0xFFFF0000, v54  }
.Ltmp4:
0x1a6: {  	[tilespmem:s11+$0x0] =	vst v3;
	v62 =	vshll.u32 v54, $0x10;
	v1 =	vmul.f32 v61, v45;
	(pc) =	sbr.rel @p0 .LBB2_6-.Ltmp4, $4  }
0x1a7: {  	[tilespmem:s11+$0xFFFFFFF0] =	vst v0;
	v63 =	vmul.f32 v62, v45  }
0x1a8: {  	[tilespmem:s29+$0x0] =	vst v1  }
0x1a9: {  	[tilespmem:s29+$0xFFFFFFF0] =	vst v63  }
0x1aa: {  	[spmem:s2] =	stream.indirect.scatter.add.f32 [tilespmem:s26], [sflag:$0x8], $0x50, s13, s18, $0xb8;
	[tilespmem:$0x1F900] =	vst v63  }
0x1ab: {  	_ =	swait.ge [sflag:s22], $0x800  }
0x1ac: {  	[sflag:s22] =	ssyncset.done $0x0  }
0x1ad: {  	[sflag:s22] =	ssyncadd.s32 $0xFFFFF800  }
0x1ae: {  	_ =	swait.ge [sflag:s23], $0x800  }
0x1af: {  	[sflag:s23] =	ssyncset.done $0x0  }
0x1b0: {  	[sflag:s23] =	ssyncadd.s32 $0xFFFFF800  }
0x1b1: {  	_ =	swait.ge [sflag:s24], $0x1000  }
0x1b2: {  	[sflag:s24] =	ssyncset.done $0x0  }
0x1b3: {  	[sflag:s24] =	ssyncadd.s32 $0xFFFFF000  }
0x1b4: {  	_ =	swait.ge [sflag:s9], $0x2800  }
0x1b5: {  	[sflag:s9] =	ssyncset.done $0x0  }
0x1b6: {  	[sflag:s9] =	ssyncadd.s32 $0xFFFFD800  }
0x1b7: {  	_ =	swait.ge [sflag:s10], $0x2800  }
0x1b8: {  	[sflag:s10] =	ssyncset.done $0x0  }
0x1b9: {  	[sflag:s10] =	ssyncadd.s32 $0xFFFFD800  }
0x1ba: {  	[bflag:$0x0] =	sbarrier.arrive $0xFFFF  }
0x1bb: {  	s13 =	rddreg [dreg:$0x6]  }
0x1bc: {  	s4 =	rddreg [dreg:$0xa]  }
0x1bd: {  	s11 =	simm.s32 $0x9;
	s7 =	rddreg [dreg:$0xc]  }
0x1be: {  	[hbm:s4], [sflag:s13] =	dma.local [spmem:s7], $0x1900  }
0x1bf: {  	_ =	swait.ge [sflag:s11], $0x1900  }
0x1c0: {  	s8 =	rddreg [dreg:$0xe]  }
0x1c1: {  	s29 =	rddreg [dreg:$0xb];
	s8 =	sadd.s32 $0x1, s8  }
0x1c2: {  	p0 =	sne.s32 s8, s29  }
.Ltmp5:
0x1c3: {  	_ = 	snop;
	(pc) =	sbr.rel @p0 .LBB2_1-.Ltmp5, $3  }
0x1c4: {  	_ =	sdelay $0x1  }
0x1c5: {  	[sflag:s11] =	ssyncset.done $0x0  }
0x1c6: {  	s25 =	simm.s32 $0x2880;
	s28 =	simm.s32 $0x2900;
	[sflag:s11] =	ssyncadd.s32 $0xFFFFE700  }
0x1c7: {  	_ =	sfence.sel $0x180000  }
0x1c8: {  	[bflag:$0x0] =	sbarrier.arrive $0xFFFF  }
0x1c9: {  	_ =	strace $0x9000004A  }
0x1ca: {  	s0 =	stileid.u32;
	[bflag:$0x2] =	sbarrier.arrive $0xFFFF  }
0x1cb: {  	p0 =	sne.s32 s0, $0x0;
	s0 =	rddreg [dreg:$0x4]  }
0x1cc: {  	s0 =	sadd.s32 @!p0 $0x100000, s0  }
0x1cd: {  	[sflag:s0] =	ssyncadd.tile.s32 @!p0 $0x1;
	_ =	shalt  }
.Lfunc_end2:
_tile_overlayer_lowered:
.L_overlay_start_2:
0x1ce: {  	(tag) =	ssettag $0x2  }
0x1cf: {  	s0 =	rddreg [dreg:$0x0];
	s2 =	stileid.u32  }
0x1d0: {  	s1 =	rddreg [dreg:$0x1];
	p0 =	sne.s32 s2, $0x0  }
0x1d1: {  	s3 =	rddreg [dreg:$0x2];
	[bflag:$0x3] =	sbarrier.arrive $0xFFFF;
	s2 =	simm.s32 @!p0 $0x1C09  }
0x1d2: {  	[timem:s3], [sflag:s2] =	dma.local @!p0 [hbm:s0], s1  }
0x1d3: {  	s0 =	simm.s32 @!p0 $0x9  }
0x1d4: {  	_ =	swait.ge @!p0 [sflag:s0], s1  }
0x1d5: {  	s1 =	ssub.s32 @!p0 $0x0, s1;
	[sflag:s0] =	ssyncset.done @!p0 $0x0  }
0x1d6: {  	[sflag:s0] =	ssyncadd.s32 @!p0 s1  }
0x1d7: {  	[bflag:$0x3] =	sbarrier.arrive $0xFFFF  }
0x1d8: {  	_ =	shalt  }

// kernel: kernel.7.cloned.1.call-start
scs
__scs_entry_jumppad:
0x0: {  	(pc) =	sbr.rel $0x88, $3  }
0x1: {  	(tag) =	ssettag $0x0;
	lr =	simm.s32 $0x1  }
0x2: {  	[smem:$0x3F97] =	sst lr;
	_ =	strace $0xD0000000  }
0x3: {  	_ = 	snop  }
0x4: {  	_ = 	snop  }
0x5: {  	_ = 	snop  }
0x6: {  	_ = 	snop  }
0x7: {  	_ = 	snop  }
__scs_overlays_trampoline_lowered:
0x8: {  	[smem:$0x3FA6] =	sst s0  }
0x9: {  	[smem:$0x3FA7] =	sst s1  }
0xa: {  	[smem:$0x3FA8] =	sst s2  }
0xb: {  	[smem:$0x3FA9] =	sst s3  }
0xc: {  	[smem:$0x3FAA] =	sst s4  }
0xd: {  	[smem:$0x3FAB] =	sst s5  }
0xe: {  	[smem:$0x3FAC] =	sst s6  }
0xf: {  	[smem:$0x3FAD] =	sst s7  }
0x10: {  	[smem:$0x3FAE] =	sst s8  }
0x11: {  	[smem:$0x3FAF] =	sst s9;
	s0 =	simm.s32 @!p0 $0x0  }
0x12: {  	s1 =	sld [smem:$0x3F95];
	s0 =	simm.s32 @p0 $0x1  }
0x13: {  	[smem:$0x3FB0] =	sst s0;
	s0 =	simm.s32 @!p1 $0x0  }
0x14: {  	s2 =	sld [smem:$0x3F94];
	s0 =	simm.s32 @p1 $0x1  }
0x15: {  	[smem:$0x3FB1] =	sst s0;
	s0 =	simm.s32 @!p2 $0x0  }
0x16: {  	s3 =	sld [smem:$0x3FDB];
	s0 =	simm.s32 @p2 $0x1  }
0x17: {  	s4 =	simm.s32 $0x1BF5;
	[smem:$0x3FB3] =	sst s0  }
0x18: {  	s0 =	sld [smem:$0x3F96];
	_ =	swait.ge [sflag:s4], $0x0  }
0x19: {  	s7 =	sld [smem:$0x3F97]  }
0x1a: {  	s8 =	sadd.s32 $0xFFFFE003, lr  }
0x1b: {  	s9 =	sadd.s32 $0xFFFFFEF7, lr;
	s5 =	simm.s32 $0xFFFFFFFF;
	p2 =	slt.u32 s8, $0xFFFFF086  }
0x1c: {  	p1 =	slt.u32 s9, $0xF7A;
	s5 =	simm.s32 @!p2 $0x0  }
0x1d: {  	s5 =	simm.s32 @p1 $0x1;
	p0 =	seq.s32 s7, s2  }
0x1e: {  	s7 =	smul.u32 @!p0 $0xF7A, s2;
	p2 =	seq.s32 @!p0 s5, $0x0  }
0x1f: {  	s9 =	smul.u32 $0xF7A, s1;
	s8 =	simm.s32 @!p0 $0x1BF5;
	p2 =	por !p2, p0  }
0x20: {  	[sflag:s8] =	ssyncset.s32 @!p0 $0xFFFFF086;
	s6 =	sadd.s32 @!p0 s3, s7;
	s7 =	simm.s32 @!p0 $0x108  }
0x21: {  	s3 =	sadd.s32 s3, s9;
	s6 =	sadd.s32 @!p0 $0x88, s6;
	s7 =	simm.s32 @p2 $0x1082  }
0x22: {  	[simem:s7], [sflag:s8] =	dma.local @!p0 [hbm:s6], $0xF7A  }
0x23: {  	s9 =	sor.u32 $0xD0000000, s2;
	s6 =	simm.s32 $0x108;
	_ =	swait.ge @!p0 [sflag:s8], $0x0  }
0x24: {  	s3 =	sadd.s32 $0x88, s3;
	s6 =	simm.s32 @!p1 $0x1082;
	[sflag:s4] =	ssyncset.s32 $0xFFFFF086  }
0x25: {  	[simem:s6], [sflag:s4] =	dma.local [hbm:s3], $0xF7A  }
0x26: {  	[smem:$0x3F97] =	sst s1;
	(tag) =	ssettag s2;
	_ =	strace s9  }
0x27: {  	s1 =	sld [smem:$0x3FA7]  }
0x28: {  	s2 =	sld [smem:$0x3FA8]  }
0x29: {  	s4 =	sld [smem:$0x3FAA]  }
0x2a: {  	p0 =	seq.s32 s5, $0x0;
	s5 =	sld [smem:$0x3FAB]  }
0x2b: {  	s6 =	sld [smem:$0x3FAC]  }
0x2c: {  	s7 =	sld [smem:$0x3FAD]  }
0x2d: {  	s3 =	simm.s32 $0x108;
	s8 =	sld [smem:$0x3FAE]  }
0x2e: {  	s3 =	simm.s32 @!p0 $0x1082;
	s9 =	sld [smem:$0x3FAF]  }
0x2f: {  	lr =	sadd.s32 s0, s3;
	s0 =	sld [smem:$0x3FA6]  }
0x30: {  	s3 =	sld [smem:$0x3FA9]  }
0x31: {  	[smem:$0x3FB2] =	sst s10  }
0x32: {  	s10 =	sld [smem:$0x3FB0];
	_ =	sdelay $0x3  }
0x33: {  	p0 =	seq.s32 s10, $0x1;
	s10 =	sld [smem:$0x3FB2];
	_ =	sdelay $0x3  }
0x34: {  	[smem:$0x3FB2] =	sst s10  }
0x35: {  	s10 =	sld [smem:$0x3FB1];
	_ =	sdelay $0x3  }
0x36: {  	p1 =	seq.s32 s10, $0x1;
	s10 =	sld [smem:$0x3FB2];
	_ =	sdelay $0x3  }
0x37: {  	[smem:$0x3FB2] =	sst s10  }
0x38: {  	s10 =	sld [smem:$0x3FB3]  }
0x39: {  	_ = 	snop;
	(pc) =	sbr.ind lr, $3  }
0x3a: {  	_ = 	snop  }
0x3b: {  	_ = 	snop  }
0x3c: {  	p2 =	seq.s32 s10, $0x1;
	s10 =	sld [smem:$0x3FB2]  }
0x3d: {  	_ =	shalt  }
0x3e: {  	_ =	shalt  }
0x3f: {  	_ =	shalt  }
0x40: {  	_ =	shalt  }
0x41: {  	_ =	shalt  }
0x42: {  	_ =	shalt  }
0x43: {  	_ =	shalt  }
0x44: {  	_ =	shalt  }
0x45: {  	_ =	shalt  }
0x46: {  	_ =	shalt  }
0x47: {  	_ =	shalt  }
0x48: {  	_ =	shalt  }
0x49: {  	_ =	shalt  }
0x4a: {  	_ =	shalt  }
0x4b: {  	_ =	shalt  }
0x4c: {  	_ =	shalt  }
0x4d: {  	_ =	shalt  }
0x4e: {  	_ =	shalt  }
0x4f: {  	_ =	shalt  }
0x50: {  	_ =	shalt  }
0x51: {  	_ =	shalt  }
0x52: {  	_ =	shalt  }
0x53: {  	_ =	shalt  }
0x54: {  	_ =	shalt  }
0x55: {  	_ =	shalt  }
0x56: {  	_ =	shalt  }
0x57: {  	_ =	shalt  }
0x58: {  	_ =	shalt  }
0x59: {  	_ =	shalt  }
0x5a: {  	_ =	shalt  }
0x5b: {  	_ =	shalt  }
0x5c: {  	_ =	shalt  }
0x5d: {  	_ =	shalt  }
0x5e: {  	_ =	shalt  }
0x5f: {  	_ =	shalt  }
0x60: {  	_ =	shalt  }
0x61: {  	_ =	shalt  }
0x62: {  	_ =	shalt  }
0x63: {  	_ =	shalt  }
0x64: {  	_ =	shalt  }
0x65: {  	_ =	shalt  }
0x66: {  	_ =	shalt  }
0x67: {  	_ =	shalt  }
0x68: {  	_ =	shalt  }
0x69: {  	_ =	shalt  }
0x6a: {  	_ =	shalt  }
0x6b: {  	_ =	shalt  }
0x6c: {  	_ =	shalt  }
0x6d: {  	_ =	shalt  }
0x6e: {  	_ =	shalt  }
0x6f: {  	_ =	shalt  }
0x70: {  	_ =	shalt  }
0x71: {  	_ =	shalt  }
0x72: {  	_ =	shalt  }
0x73: {  	_ =	shalt  }
0x74: {  	_ =	shalt  }
0x75: {  	_ =	shalt  }
0x76: {  	_ =	shalt  }
0x77: {  	_ =	shalt  }
0x78: {  	_ =	shalt  }
0x79: {  	_ =	shalt  }
0x7a: {  	_ =	shalt  }
0x7b: {  	_ =	shalt  }
0x7c: {  	_ =	shalt  }
0x7d: {  	_ =	shalt  }
0x7e: {  	_ =	shalt  }
0x7f: {  	_ =	shalt  }
0x80: {  	_ =	shalt  }
0x81: {  	_ =	shalt  }
0x82: {  	_ =	shalt  }
0x83: {  	_ =	shalt  }
0x84: {  	_ =	shalt  }
0x85: {  	_ =	shalt  }
0x86: {  	_ =	shalt  }
0x87: {  	_ =	shalt  }
.Lfunc_end0:
.L_simem_size_0:
called_computation_lowered:
.L_overlay_start_0:
0x88: {  	s2 =	sld [smem:$0x3FD9]  }
0x89: {  	s3 =	sld [smem:$0x3FFE];
	_ =	sdelay $0x1  }
0x8a: {  	s1 =	srdreg.scid  }
0x8b: {  	s0 =	sand.u32 $0x1, s1  }
0x8c: {  	s17 =	sshll.u32 s0, $0xA;
	s2 =	sadd.s32 s3, s2  }
0x8d: {  	s2 =	sadd.s32 s2, s17  }
0x8e: {  	[smem:$0x3FBE] =	sst s2  }
0x8f: {  	_ = 	snop  }
0x90: {  	s2 =	sld [smem:$0x3FD0];
	(tm) =	ssettm $0x1  }
0x91: {  	s18 =	sld [smem:$0x3FFB];
	_ =	sdelay $0x3  }
0x92: {  	_ =	strace s18  }
0x93: {  	s3 =	sld [smem:$0x3FFC];
	_ =	sdelay $0x3  }
0x94: {  	_ =	strace s3  }
0x95: {  	s3 =	sld [smem:$0x3FFD];
	_ =	sdelay $0x3  }
0x96: {  	_ =	strace s3  }
0x97: {  	_ =	strace $0x8FFFFFFF  }
0x98: {  	s19 =	sld [smem:$0x3FDB];
	_ =	sdelay $0x1  }
0x99: {  	s4 =	simm.s32 $_scs_section_size  }
0x9a: {  	s5 =	simm.s32 $_size__tile_overlayer_lowered;
	s6 =	simm.s32 $_tile_overlayer_lowered  }
0x9b: {  	s22 =	simm.s32 $0x1BFF;
	s21 =	sshll.u32 s6, $0x1;
	s3 =	sadd.s32 s4, s19  }
0x9c: {  	s7 =	simm.s32 $0x0;
	s20 =	sshll.u32 s5, $0x1;
	s5 =	sadd.s32 s21, s3  }
0x9d: {  	[timem:s7], [sflag:s22] =	dma.local [hbm:s5], s20  }
0x9e: {  	_ =	swait.ge [sflag:s22], s20  }
0x9f: {  	s4 =	ssub.s32 $0x0, s20;
	[sflag:s22] =	ssyncset.done $0x0  }
0xa0: {  	[sflag:s22] =	ssyncadd.s32 s4;
	_ =	sdelay $0x1  }
0xa1: {  	s23 =	simm.s32 $0x1B8B  }
0xa2: {  	_ =	swait.ge [sflag:s23], $0x1  }
0xa3: {  	[sflag:s23] =	ssyncset.done $0x0  }
0xa4: {  	s25 =	simm.s32 $0x1B8E;
	s24 =	sld [smem:$0x3FFE];
	[sflag:s23] =	ssyncadd.s32 $0xFFFFFFFF  }
0xa5: {  	s26 =	simm.s32 $execute0_lowered;
	[smem:$0x3FD2] =	sst s25  }
0xa6: {  	s5 =	sshll.u32 s26, $0x1;
	_ =	strace $0x80000046;
	[dreg:$0x1] =	wrdreg $0xFFFFFFFF  }
0xa7: {  	s28 =	simm.s32 $_size_execute0_lowered;
	s3 =	sadd.s32 s3, s5;
	[dreg:$0x0] =	wrdreg $0x0  }
0xa8: {  	s5 =	sshll.u32 s28, $0x1;
	[dreg:$0x2] =	wrdreg s3  }
0xa9: {  	[dreg:$0x3] =	wrdreg s5  }
0xaa: {  	[dreg:$0x4] =	wrdreg $0xC0  }
0xab: {  	_ =	task [dreg:s7], $0x5FFFF  }
0xac: {  	[dreg:$0x1] =	wrdreg $0xFFFFFFFF  }
0xad: {  	[dreg:$0x0] =	wrdreg $0x60  }
0xae: {  	[dreg:$0x2] =	wrdreg s2  }
0xaf: {  	[dreg:$0x3] =	wrdreg s24  }
0xb0: {  	[dreg:$0x4] =	wrdreg $0xE1000  }
0xb1: {  	[dreg:$0x5] =	wrdreg $0x1A9000  }
0xb2: {  	[dreg:$0x6] =	wrdreg $0x9  }
0xb3: {  	_ =	task.clear_ibuf [dreg:s7], $0x7FFFF;
	_ =	strace $0x90000046  }
0xb4: {  	s29 =	simm.s32 $0x9;
	_ =	strace $0x80000048  }
0xb5: {  	_ =	swait.ge [sflag:s29], $0x1  }
0xb6: {  	[sflag:s29] =	ssyncadd.s32 $0xFFFFFFFF  }
0xb7: {  	_ =	strace $0x90000048  }
0xb8: {  	_ =	sfence  }
0xb9: {  	s30 =	sld [smem:$0x0];
	_ =	sdelay $0x2  }
0xba: {  	s31 =	sshll.u32 s1, $0xD;
	s1 =	sshrl.u32 s1, $0x2  }
0xbb: {  	s3 =	sand.u32 $0x4000, s31;
	s1 =	sadd.s32 s1, s30  }
0xbc: {  	s0 =	sor.u32 s3, s0;
	s1 =	sshll.u32 s1, $0x11  }
0xbd: {  	s0 =	sor.u32 s1, s0  }
0xbe: {  	s0 =	sadd.s32 $0x8F2B, s0  }
0xbf: {  	[sflag:s0] =	ssyncadd.remote.s32 $0x1  }
0xc0: {  	_ =	sfence.sel $0xFFFF  }
0xc1: {  	[dreg:$0x0] =	wrdreg $0xFFFFFFFF;
	(pc) =	sbr.abs _section_cstart, $3  }
0xc2: {  	[dreg:$0x1] =	wrdreg $0xFFFFFFFF  }
0xc3: {  	_ =	task.clear_ibuf [dreg:s7], $0x2FFFF;
	_ =	strace $0x9FFFFFFF  }
0xc4: {  	(tm) =	ssettm $0x7FFFFFFF  }
0xc5: {  	_ =	shalt  }
tec
execute0_lowered:
.L_overlay_start_1:
0x0: {  	(tag) =	ssettag $0x1  }
0x1: {  	s0 =	rddreg [dreg:$0x0];
	s1 =	srdreg.scid  }
0x2: {  	s14 =	stileid.u32;
	s4 =	rddreg [dreg:$0x1]  }
0x3: {  	s2 =	rddreg [dreg:$0x2];
	s19 =	simm.s32 $0x0;
	s16 =	simm.s32 $0x2880  }
0x4: {  	s18 =	simm.s32 $0x80;
	s17 =	simm.s32 $0x2900;
	s28 =	simm.s32 $0x6900  }
0x5: {  	s29 =	simm.s32 $0x8100;
	s30 =	simm.s32 $0x9100;
	s31 =	simm.s32 $0x4  }
0x6: {  	s1 =	sand.u32 $0x1, s1;
	s3 =	sshll.u32 s14, $0x1;
	s8 =	smul.u32 $0x5000, s14  }
0x7: {  	[smem:$0x7FF] =	sst s19;
	s9 =	smul.u32 $0xC800, s14;
	s6 =	sadd.s32 $0x7400, s4  }
0x8: {  	s21 =	sshll.u32 s14, $0x6;
	s19 =	simm.s32 $0x5100;
	s5 =	sor.u32 s1, s3  }
0x9: {  	s3 =	rddreg [dreg:$0x3];
	_ =	strace $0x80000047;
	s10 =	smul.u32 $0xC8000, s1  }
0xa: {  	s1 =	ssub.s32 $0x2, s1;
	s7 =	smul.u32 $0x500, s5;
	s5 =	sadd.s32 $0x2400, s4  }
0xb: {  	s12 =	sshrl.u32 s8, $0x3;
	s13 =	sshrl.u32 s9, $0x3;
	s20 =	sshrl.u32 s1, $0x1  }
0xc: {  	s8 =	sadd.s32 s8, s3;
	s12 =	sadd.s32 s12, s4;
	s10 =	sadd.s32 s9, s10  }
0xd: {  	s13 =	sadd.s32 s13, s4;
	s1 =	ssub.s32 s1, s20;
	s9 =	sadd.s32 s9, s2  }
0xe: {  	s26 =	sshrl.u32 s8, $0x3;
	s20 =	simm.s32 $0x6100;
	s8 =	simm.s32 $0x0  }
0xf: {  	s11 =	sadd.s32 s7, s4;
	s10 =	sshrl.u32 s10, $0x3;
	s13 =	sadd.s32 $0x20600, s13  }
0x10: {  	s22 =	sadd.s32 $0xC400, s12;
	s0 =	sadd.s32 s0, s7;
	[dreg:$0xd] =	wrdreg s26  }
0x11: {  	s25 =	smax.u32 s1, $0x1;
	s7 =	sshrl.u32 s9, $0x3;
	[dreg:$0x5] =	wrdreg s13  }
0x12: {  	s1 =	simm.s32 $0x5;
	s26 =	simm.s32 $0xB900;
	[dreg:$0x7] =	wrdreg s22  }
0x13: {  	s9 =	simm.s32 $0x7;
	s4 =	sadd.s32 s10, s4;
	[dreg:$0x8] =	wrdreg s0  }
0x14: {  	s13 =	sor.u32 $0x1C09, s21;
	s23 =	sadd.s32 $0x16400, s11;
	[dreg:$0xb] =	wrdreg s25  }
0x15: {  	s11 =	simm.s32 $0x9;
	s21 =	simm.s32 $0x7100;
	[dreg:$0xc] =	wrdreg s7  }
0x16: {  	s22 =	simm.s32 $0x1;
	s0 =	simm.s32 $0x6;
	[dreg:$0x9] =	wrdreg s23  }
0x17: {  	s10 =	simm.s32 $0x8;
	s24 =	sadd.s32 $0x39600, s4;
	[dreg:$0x6] =	wrdreg s13  }
0x18: {  	vm0 =	vmmov $0xff;
	s23 =	simm.s32 $0x2;
	[dreg:$0xa] =	wrdreg s24;
	s24 =	simm.s32 $0x3  }
.LBB2_1:
0x19: {  	[dreg:$0xe] =	wrdreg s8  }
0x1a: {  	s4 =	rddreg [dreg:$0x5]  }
0x1b: {  	[spmem:s7], [sflag:s13] =	dma.local [hbm:s4], $0x1900  }
0x1c: {  	_ =	swait.ge [sflag:s11], $0x1900  }
0x1d: {  	[sflag:s11] =	ssyncset.done $0x0;
	s8 =	rddreg [dreg:$0x7]  }
0x1e: {  	s12 =	rddreg [dreg:$0xd];
	[sflag:s11] =	ssyncadd.s32 $0xFFFFE700  }
0x1f: {  	[spmem:s12], [sflag:s13] =	dma.local [hbm:s8], $0xA00  }
0x20: {  	_ =	swait.ge [sflag:s11], $0xA00  }
0x21: {  	[sflag:s11] =	ssyncset.done $0x0  }
0x22: {  	[sflag:s11] =	ssyncadd.s32 $0xFFFFF600  }
0x23: {  	[bflag:$0x0] =	sbarrier.arrive $0xFFFF  }
0x24: {  	s14 =	simm.s32 $0x0;
	s15 =	rddreg [dreg:$0x8]  }
0x25: {  	[tilespmem:s14], [sflag:$0x9] =	stream.linear.gather [hbm4b:s15+s14], $0x2880, $0x38;
	[tilespmem:$0x1F900] =	vst v63  }
0x26: {  	_ =	swait.ge [sflag:s11], $0x2880  }
0x27: {  	[sflag:s11] =	ssyncset.done $0x0  }
0x28: {  	s25 =	rddreg [dreg:$0x9];
	[sflag:s11] =	ssyncadd.s32 $0xFFFFD780  }
0x29: {  	[tilespmem:s16], [sflag:$0x9] =	stream.linear.gather [hbm4b:s25+s14], $0x2880, $0x38;
	[tilespmem:$0x1F900] =	vst v63  }
0x2a: {  	_ =	swait.ge [sflag:s11], $0x2880  }
0x2b: {  	[sflag:s11] =	ssyncset.done $0x0  }
0x2c: {  	[sflag:s11] =	ssyncadd.s32 $0xFFFFD780  }
0x2d: {  	[tilespmem:s19], [sflag:$0x1] =	stream.indirect.gather [hbm4b:s5+s18], $0x10, s14, s18, $0xb8;
	[tilespmem:$0x1F900] =	vst v63  }
0x2e: {  	_ = 	snop  }
0x2f: {  	[tilespmem:s20], [sflag:$0x2] =	stream.indirect.gather [hbm4b:s6+s18], $0x10, s16, s18, $0xb8;
	[tilespmem:$0x1F900] =	vst v63  }
0x30: {  	_ = 	snop  }
0x31: {  	[tilespmem:s21], [sflag:$0x3] =	stream.indirect.gather [spmem:s3], $0x20, s14, s18, $0xb8;
	[tilespmem:$0x1F900] =	vst v63  }
0x32: {  	_ =	swait.ge [sflag:s22], $0x800  }
0x33: {  	[sflag:s22] =	ssyncset.done $0x0  }
0x34: {  	[sflag:s22] =	ssyncadd.s32 $0xFFFFF800  }
0x35: {  	_ =	swait.ge [sflag:s23], $0x800  }
0x36: {  	[sflag:s23] =	ssyncset.done $0x0  }
0x37: {  	[sflag:s23] =	ssyncadd.s32 $0xFFFFF800  }
0x38: {  	_ =	swait.ge [sflag:s24], $0x1000  }
0x39: {  	[sflag:s24] =	ssyncset.done $0x0  }
0x3a: {  	s8 =	simm.s32 $0x5900;
	[sflag:s24] =	ssyncadd.s32 $0xFFFFF000  }
0x3b: {  	[tilespmem:s8], [sflag:$0x4] =	stream.indirect.gather [hbm4b:s5+s18], $0x10, s18, s18, $0xb8;
	[tilespmem:$0x1F900] =	vst v63  }
0x3c: {  	_ = 	snop  }
0x3d: {  	[tilespmem:s28], [sflag:$0x5] =	stream.indirect.gather [hbm4b:s6+s18], $0x10, s17, s18, $0xb8;
	[tilespmem:$0x1F900] =	vst v63  }
0x3e: {  	s11 =	simm.s32 $0x0  }
0x3f: {  	[tilespmem:s29], [sflag:$0x6] =	stream.indirect.gather [spmem:s3], $0x20, s18, s18, $0xb8;
	[tilespmem:$0x1F900] =	vst v63  }
0x40: {  	v0 =	vld [tilespmem:s11+$0x6100]  }
0x41: {  	v1 =	vld [tilespmem:s11+$0x5100];
	_ =	sdelay $0x4  }
0x42: {  	s12 =	simm.s32 $0x10;
	v0 =	vadd.f32 v0, v1  }
0x43: {  	v2 =	vld [tilespmem:s12+$0x6100]  }
0x44: {  	v3 =	vld [tilespmem:s12+$0x5100];
	v1 =	vmul.f32 $2.000000030e-01, v0;
	_ =	sdelay $0x1  }
0x45: {  	v0 =	vmax.f32 v0, v1  }
0x46: {  	v0 =	vmul.f32 $1.442695020e+00, v0;
	_ =	sdelay $0x1  }
0x47: {  	s13 =	simm.s32 $0x20;
	(erf) = vpow2.f32 v0;
	v0 =	vadd.f32 v2, v3  }
0x48: {  	v2 =	vld [tilespmem:s13+$0x6100]  }
0x49: {  	v3 =	vld [tilespmem:s13+$0x5100];
	v1 =	vmul.f32 $2.000000030e-01, v0;
	_ =	sdelay $0x1  }
0x4a: {  	v0 =	vmax.f32 v0, v1  }
0x4b: {  	v0 =	vmul.f32 $1.442695020e+00, v0  }
0x4c: {  	s15 =	simm.s32 $0x30  }
0x4d: {  	v4 =	vld [tilespmem:s15+$0x6100];
	(erf) = vpow2.f32 v0;
	v0 =	vadd.f32 v2, v3  }
0x4e: {  	v7 =	vld [tilespmem:s15+$0x5100]  }
0x4f: {  	s7 =	simm.s32 $0x9120;
	v1 =	vpop (erf);
	v3 =	vmul.f32 $2.000000030e-01, v0  }
0x50: {  	s14 =	simm.s32 $0x7110;
	[tilespmem:s7+$0xFFFFFFE0] =	vst v1  }
0x51: {  	v2 =	vld [tilespmem:s14+$0xFFFFFFF0];
	v0 =	vmax.f32 v0, v3  }
0x52: {  	v0 =	vmul.f32 $1.442695020e+00, v0  }
0x53: {  	v4 =	vadd.f32 v4, v7;
	v8 =	vbroadcast v1, $0x0;
	v3 =	vbroadcast v1, $0x1  }
0x54: {  	v5 =	vbroadcast v1, $0x3;
	v6 =	vbroadcast v1, $0x2  }
0x55: {  	v3 =	vsel vm0, v8, v3;
	v8 =	vmul.f32 $2.000000030e-01, v4  }
0x56: {  	s12 =	simm.s32 $0x9170;
	v5 =	vsel vm0, v6, v5;
	(erf) = vpow2.f32 v0;
	v6 =	vshll.u32 v2, $0x10;
	v0 =	vpop (erf)  }
0x57: {  	s8 =	simm.s32 $0x7130;
	v4 =	vmax.f32 v4, v8;
	v2 =	vand.u32 $0xFFFF0000, v2;
	v3 =	vmul.f32 v6, v3;
	[tilespmem:s12+$0xFFFFFFE0] =	vst v0  }
0x58: {  	v13 =	vmul.f32 $1.442695020e+00, v4;
	v2 =	vmul.f32 v2, v5;
	v7 =	vld [tilespmem:s8+$0xFFFFFFF0]  }
0x59: {  	v5 =	vbroadcast v1, $0x4;
	v6 =	vbroadcast v1, $0x7;
	[tilespmem:s7+$0xFFFFFFF0] =	vst v3  }
0x5a: {  	v9 =	vbroadcast v0, $0x3;
	v3 =	vbroadcast v1, $0x6;
	[tilespmem:s7+$0x0] =	vst v2  }
0x5b: {  	s25 =	simm.s32 $0x40;
	v10 =	vbroadcast v0, $0x2;
	v11 =	vbroadcast v0, $0x1;
	v2 =	vld [tilespmem:s14+$0x0]  }
0x5c: {  	v4 =	vld [tilespmem:s25+$0x6100];
	v12 =	vbroadcast v0, $0x0;
	v1 =	vbroadcast v1, $0x5;
	v3 =	vsel vm0, v3, v6  }
0x5d: {  	v6 =	vsel vm0, v10, v9;
	v9 =	vshll.u32 v7, $0x10;
	v8 =	vand.u32 $0xFFFF0000, v7;
	v7 =	vld [tilespmem:s25+$0x5100];
	_ =	sdelay $0x1  }
0x5e: {  	s4 =	simm.s32 $0x7150;
	(erf) = vpow2.f32 v13;
	v10 =	vsel vm0, v12, v11  }
0x5f: {  	s11 =	simm.s32 $0x140;
	s13 =	simm.s32 $0x91C0;
	s14 =	simm.s32 $0x91C0;
	v5 =	vsel vm0, v5, v1;
	v1 =	vpop (erf);
	v9 =	vmul.f32 v9, v10;
	v10 =	vshll.u32 v2, $0x10  }
.LBB2_2:
0x60: {  	s15 =	sshra.s32 s11, $0x2;
	p0 =	sne.s32 s11, $0x1FC0;
	s11 =	sadd.s32 $0x40, s11;
	[tilespmem:s14+$0xFFFFFFE0] =	vst v1;
	v6 =	vmul.f32 v8, v6;
	v2 =	vand.u32 $0xFFFF0000, v2;
	v5 =	vmul.f32 v10, v5  }
0x61: {  	v8 =	vadd.f32 v4, v7;
	[tilespmem:s12+$0xFFFFFFF0] =	vst v9;
	v7 =	vbroadcast v0, $0x6;
	v3 =	vmul.f32 v2, v3  }
0x62: {  	v10 =	vbroadcast v0, $0x4;
	v9 =	vld [tilespmem:s4+$0xFFFFFFF0];
	[tilespmem:s12+$0x0] =	vst v6;
	v6 =	vbroadcast v0, $0x7  }
0x63: {  	v12 =	vbroadcast v0, $0x5;
	v0 =	vmov v1;
	v11 =	vmul.f32 $2.000000030e-01, v8;
	v2 =	vld [tilespmem:s8+$0x0];
	[tilespmem:s7+$0x20] =	vst v3;
	s8 =	smov.u32 s4  }
.Ltmp0:
0x64: {  	s14 =	sadd.s32 $0x50, s14;
	v1 =	vbroadcast v0, $0x3;
	v13 =	vbroadcast v0, $0x2;
	v4 =	vld [tilespmem:s15+$0x6100];
	v3 =	vsel vm0, v7, v6;
	[tilespmem:s7+$0x10] =	vst v5;
	s7 =	smov.u32 s12;
	(pc) =	sbr.rel @p0 .LBB2_2-.Ltmp0, $4  }
0x65: {  	v14 =	vbroadcast v0, $0x0;
	s4 =	sadd.s32 $0x20, s4;
	s12 =	smov.u32 s13;
	s13 =	smov.u32 s14;
	v7 =	vld [tilespmem:s15+$0x5100];
	v5 =	vmax.f32 v8, v11;
	v11 =	vbroadcast v0, $0x1  }
0x66: {  	v6 =	vsel vm0, v13, v1;
	v15 =	vmul.f32 $1.442695020e+00, v5;
	v5 =	vsel vm0, v10, v12  }
0x67: {  	v10 =	vshll.u32 v9, $0x10;
	v8 =	vand.u32 $0xFFFF0000, v9;
	v9 =	vsel vm0, v14, v11  }
0x68: {  	(erf) = vpow2.f32 v15;
	v1 =	vpop (erf);
	v9 =	vmul.f32 v10, v9;
	v10 =	vshll.u32 v2, $0x10  }
0x69: {  	_ = 	snop  }
0x6a: {  	v4 =	vadd.f32 v4, v7;
	_ =	sdelay $0x1  }
0x6b: {  	v7 =	vmul.f32 $2.000000030e-01, v4;
	_ =	sdelay $0x1  }
0x6c: {  	v4 =	vmax.f32 v4, v7  }
0x6d: {  	v4 =	vmul.f32 $1.442695020e+00, v4;
	_ =	sdelay $0x1  }
0x6e: {  	(erf) = vpow2.f32 v4;
	_ =	sdelay $0x1  }
0x6f: {  	[tilespmem:s14+$0xFFFFFFE0] =	vst v1;
	v5 =	vmul.f32 v10, v5;
	v4 =	vmul.f32 v8, v6  }
0x70: {  	v11 =	vbroadcast v1, $0x1;
	v12 =	vbroadcast v1, $0x0;
	[tilespmem:s12+$0xFFFFFFF0] =	vst v9;
	v7 =	vld [tilespmem:s4+$0xFFFFFFF0]  }
0x71: {  	v9 =	vbroadcast v1, $0x2;
	v8 =	vbroadcast v1, $0x3;
	[tilespmem:s12+$0x0] =	vst v4  }
0x72: {  	v2 =	vand.u32 $0xFFFF0000, v2;
	v13 =	vbroadcast v0, $0x7;
	v60 =	vbroadcast v1, $0x6;
	v10 =	vpop (erf);
	v4 =	vld [tilespmem:s8+$0x0];
	s8 =	sadd.s32 $0x50, s14  }
0x73: {  	s25 =	sadd.s32 $0x20, s4;
	v2 =	vmul.f32 v2, v3;
	v3 =	vbroadcast v0, $0x4;
	v8 =	vsel vm0, v9, v8;
	[tilespmem:s8+$0xFFFFFFE0] =	vst v10  }
0x74: {  	v6 =	vbroadcast v0, $0x6;
	v0 =	vbroadcast v0, $0x5;
	v9 =	vld [tilespmem:s25+$0xFFFFFFF0]  }
0x75: {  	v55 =	vbroadcast v10, $0x3;
	v14 =	vshll.u32 v7, $0x10;
	v7 =	vand.u32 $0xFFFF0000, v7  }
0x76: {  	v56 =	vbroadcast v10, $0x2;
	v7 =	vmul.f32 v7, v8;
	s11 =	sadd.s32 $0x50, s8;
	v8 =	vpop (erf)  }
0x77: {  	s15 =	sadd.s32 $0x20, s25;
	v11 =	vsel vm0, v12, v11;
	v15 =	vbroadcast v10, $0x0;
	v0 =	vsel vm0, v3, v0;
	[tilespmem:s11+$0xFFFFFFE0] =	vst v8  }
0x78: {  	v3 =	vmul.f32 v14, v11;
	v12 =	vsel vm0, v56, v55;
	v11 =	vshll.u32 v4, $0x10;
	v57 =	vld [tilespmem:s15+$0xFFFFFFF0]  }
0x79: {  	v0 =	vmul.f32 v11, v0;
	v11 =	vbroadcast v10, $0x1;
	v58 =	vshll.u32 v9, $0x10  }
0x7a: {  	[tilespmem:s13+$0xFFFFFFF0] =	vst v3;
	v3 =	vand.u32 $0xFFFF0000, v9;
	v9 =	vbroadcast v8, $0x3;
	v59 =	vbroadcast v8, $0x0  }
0x7b: {  	[tilespmem:s13+$0x0] =	vst v7;
	v7 =	vsel vm0, v15, v11;
	v11 =	vbroadcast v8, $0x1;
	v3 =	vmul.f32 v3, v12  }
0x7c: {  	v6 =	vsel vm0, v6, v13;
	v17 =	vld [tilespmem:s4+$0x0];
	v16 =	vbroadcast v8, $0x2;
	v7 =	vmul.f32 v58, v7  }
0x7d: {  	v4 =	vand.u32 $0xFFFF0000, v4;
	v11 =	vsel vm0, v59, v11;
	[tilespmem:s8+$0x0] =	vst v3;
	v61 =	vshll.u32 v57, $0x10  }
0x7e: {  	v9 =	vsel vm0, v16, v9;
	v3 =	vbroadcast v1, $0x7;
	[tilespmem:s8+$0xFFFFFFF0] =	vst v7;
	v7 =	vmul.f32 v61, v11  }
0x7f: {  	v13 =	vand.u32 $0xFFFF0000, v57;
	v11 =	vbroadcast v1, $0x4;
	v1 =	vbroadcast v1, $0x5  }
0x80: {  	v4 =	vmul.f32 v4, v6;
	v6 =	vmul.f32 v13, v9;
	v9 =	vld [tilespmem:s25+$0x0]  }
0x81: {  	v3 =	vsel vm0, v60, v3;
	v1 =	vsel vm0, v11, v1;
	v11 =	vshll.u32 v17, $0x10;
	[tilespmem:s11+$0xFFFFFFF0] =	vst v7  }
0x82: {  	v7 =	vand.u32 $0xFFFF0000, v17;
	[tilespmem:s11+$0x0] =	vst v6;
	v1 =	vmul.f32 v11, v1;
	v11 =	vbroadcast v10, $0x6  }
0x83: {  	[tilespmem:s7+$0x20] =	vst v2;
	v2 =	vmul.f32 v7, v3;
	v3 =	vbroadcast v10, $0x7;
	v6 =	vld [tilespmem:s15+$0x0]  }
0x84: {  	[tilespmem:s7+$0x10] =	vst v5;
	v5 =	vbroadcast v10, $0x4;
	v7 =	vbroadcast v10, $0x5  }
0x85: {  	[tilespmem:s12+$0x20] =	vst v4;
	v10 =	vbroadcast v8, $0x6;
	v3 =	vsel vm0, v11, v3;
	v4 =	vand.u32 $0xFFFF0000, v9  }
0x86: {  	[tilespmem:s12+$0x10] =	vst v0;
	v0 =	vsel vm0, v5, v7;
	v3 =	vmul.f32 v4, v3;
	v4 =	vbroadcast v8, $0x7  }
0x87: {  	[tilespmem:s13+$0x20] =	vst v2;
	v2 =	vshll.u32 v9, $0x10;
	v5 =	vbroadcast v8, $0x4;
	v7 =	vbroadcast v8, $0x5  }
0x88: {  	[tilespmem:s13+$0x10] =	vst v1;
	v0 =	vmul.f32 v2, v0;
	v1 =	vsel vm0, v10, v4;
	v2 =	vand.u32 $0xFFFF0000, v6  }
0x89: {  	[tilespmem:s8+$0x20] =	vst v3;
	v3 =	vsel vm0, v5, v7;
	v4 =	vshll.u32 v6, $0x10;
	v1 =	vmul.f32 v2, v1  }
0x8a: {  	[tilespmem:s8+$0x10] =	vst v0;
	v0 =	vmul.f32 v4, v3  }
0x8b: {  	[tilespmem:s11+$0x20] =	vst v1  }
0x8c: {  	[tilespmem:s11+$0x10] =	vst v0  }
0x8d: {  	[spmem:s2] =	stream.indirect.scatter.add.f32 [tilespmem:s30], [sflag:$0x7], $0x50, s16, s18, $0xb8;
	[tilespmem:$0x1F900] =	vst v63  }
0x8e: {  	_ =	swait.ge [sflag:s31], $0x800  }
0x8f: {  	[sflag:s31] =	ssyncset.done $0x0  }
0x90: {  	[sflag:s31] =	ssyncadd.s32 $0xFFFFF800  }
0x91: {  	_ =	swait.ge [sflag:s1], $0x800  }
0x92: {  	[sflag:s1] =	ssyncset.done $0x0  }
0x93: {  	[sflag:s1] =	ssyncadd.s32 $0xFFFFF800  }
0x94: {  	_ =	swait.ge [sflag:s0], $0x1000  }
0x95: {  	[sflag:s0] =	ssyncset.done $0x0  }
0x96: {  	s8 =	simm.s32 $0x100;
	[sflag:s0] =	ssyncadd.s32 $0xFFFFF000  }
0x97: {  	[tilespmem:s19], [sflag:$0x1] =	stream.indirect.gather [hbm4b:s5+s18], $0x10, s8, s18, $0xb8;
	[tilespmem:$0x1F900] =	vst v63  }
0x98: {  	s11 =	simm.s32 $0x2980  }
0x99: {  	[tilespmem:s20], [sflag:$0x2] =	stream.indirect.gather [hbm4b:s6+s18], $0x10, s11, s18, $0xb8;
	[tilespmem:$0x1F900] =	vst v63  }
0x9a: {  	s12 =	simm.s32 $0x0  }
0x9b: {  	[tilespmem:s21], [sflag:$0x3] =	stream.indirect.gather [spmem:s3], $0x20, s8, s18, $0xb8;
	[tilespmem:$0x1F900] =	vst v63  }
0x9c: {  	v0 =	vld [tilespmem:s12+$0x6900]  }
0x9d: {  	v1 =	vld [tilespmem:s12+$0x5900];
	_ =	sdelay $0x4  }
0x9e: {  	s13 =	simm.s32 $0x10;
	v0 =	vadd.f32 v0, v1  }
0x9f: {  	v2 =	vld [tilespmem:s13+$0x6900]  }
0xa0: {  	v3 =	vld [tilespmem:s13+$0x5900];
	v1 =	vmul.f32 $2.000000030e-01, v0;
	_ =	sdelay $0x1  }
0xa1: {  	v0 =	vmax.f32 v0, v1  }
0xa2: {  	v0 =	vmul.f32 $1.442695020e+00, v0;
	_ =	sdelay $0x1  }
0xa3: {  	s14 =	simm.s32 $0x20;
	(erf) = vpow2.f32 v0;
	v0 =	vadd.f32 v2, v3  }
0xa4: {  	v2 =	vld [tilespmem:s14+$0x6900]  }
0xa5: {  	v3 =	vld [tilespmem:s14+$0x5900];
	v1 =	vmul.f32 $2.000000030e-01, v0;
	_ =	sdelay $0x1  }
0xa6: {  	v0 =	vmax.f32 v0, v1  }
0xa7: {  	v0 =	vmul.f32 $1.442695020e+00, v0  }
0xa8: {  	s16 =	simm.s32 $0x30  }
0xa9: {  	v4 =	vld [tilespmem:s16+$0x6900];
	(erf) = vpow2.f32 v0;
	v0 =	vadd.f32 v2, v3  }
0xaa: {  	v7 =	vld [tilespmem:s16+$0x5900]  }
0xab: {  	s7 =	simm.s32 $0xB940;
	v1 =	vpop (erf);
	v3 =	vmul.f32 $2.000000030e-01, v0  }
0xac: {  	s15 =	simm.s32 $0x8110;
	[tilespmem:s7+$0xFFFFFFC0] =	vst v1  }
0xad: {  	v2 =	vld [tilespmem:s15+$0xFFFFFFF0];
	v0 =	vmax.f32 v0, v3  }
0xae: {  	v0 =	vmul.f32 $1.442695020e+00, v0  }
0xaf: {  	v4 =	vadd.f32 v4, v7;
	v8 =	vbroadcast v1, $0x0;
	v3 =	vbroadcast v1, $0x1  }
0xb0: {  	v5 =	vbroadcast v1, $0x3;
	v6 =	vbroadcast v1, $0x2  }
0xb1: {  	v3 =	vsel vm0, v8, v3;
	v8 =	vmul.f32 $2.000000030e-01, v4  }
0xb2: {  	s12 =	simm.s32 $0xB990;
	v5 =	vsel vm0, v6, v5;
	(erf) = vpow2.f32 v0;
	v6 =	vshll.u32 v2, $0x10;
	v0 =	vpop (erf)  }
0xb3: {  	s14 =	simm.s32 $0x8130;
	v4 =	vmax.f32 v4, v8;
	v2 =	vand.u32 $0xFFFF0000, v2;
	v3 =	vmul.f32 v6, v3;
	[tilespmem:s12+$0xFFFFFFC0] =	vst v0  }
0xb4: {  	v63 =	vmul.f32 $1.442695020e+00, v4;
	v2 =	vmul.f32 v2, v5;
	v7 =	vld [tilespmem:s14+$0xFFFFFFF0]  }
0xb5: {  	v5 =	vbroadcast v1, $0x4;
	v6 =	vbroadcast v1, $0x7;
	[tilespmem:s7+$0xFFFFFFD0] =	vst v3  }
0xb6: {  	v9 =	vbroadcast v0, $0x3;
	v3 =	vbroadcast v1, $0x6;
	[tilespmem:s7+$0xFFFFFFE0] =	vst v2  }
0xb7: {  	s25 =	simm.s32 $0x40;
	v10 =	vbroadcast v0, $0x2;
	v11 =	vbroadcast v0, $0x1;
	v2 =	vld [tilespmem:s15+$0x0]  }
0xb8: {  	v4 =	vld [tilespmem:s25+$0x6900];
	v62 =	vbroadcast v0, $0x0;
	v1 =	vbroadcast v1, $0x5;
	v3 =	vsel vm0, v3, v6  }
0xb9: {  	v6 =	vsel vm0, v10, v9;
	v9 =	vshll.u32 v7, $0x10;
	v8 =	vand.u32 $0xFFFF0000, v7;
	v7 =	vld [tilespmem:s25+$0x5900];
	_ =	sdelay $0x1  }
0xba: {  	s4 =	simm.s32 $0x8150;
	(erf) = vpow2.f32 v63;
	v10 =	vsel vm0, v62, v11  }
0xbb: {  	s11 =	simm.s32 $0x140;
	s8 =	simm.s32 $0xB9E0;
	s13 =	simm.s32 $0xB9E0;
	v5 =	vsel vm0, v5, v1;
	v1 =	vpop (erf);
	v9 =	vmul.f32 v9, v10;
	v10 =	vshll.u32 v2, $0x10  }
.LBB2_4:
0xbc: {  	s15 =	sshra.s32 s11, $0x2;
	p0 =	sne.s32 s11, $0x1FC0;
	s11 =	sadd.s32 $0x40, s11;
	[tilespmem:s8+$0xFFFFFFC0] =	vst v1;
	v6 =	vmul.f32 v8, v6;
	v2 =	vand.u32 $0xFFFF0000, v2;
	v5 =	vmul.f32 v10, v5  }
0xbd: {  	v8 =	vadd.f32 v4, v7;
	[tilespmem:s12+$0xFFFFFFD0] =	vst v9;
	v7 =	vbroadcast v0, $0x6;
	v3 =	vmul.f32 v2, v3  }
0xbe: {  	v10 =	vbroadcast v0, $0x4;
	v9 =	vld [tilespmem:s4+$0xFFFFFFF0];
	[tilespmem:s12+$0xFFFFFFE0] =	vst v6;
	v6 =	vbroadcast v0, $0x7  }
0xbf: {  	v12 =	vbroadcast v0, $0x5;
	v0 =	vmov v1;
	v11 =	vmul.f32 $2.000000030e-01, v8;
	v2 =	vld [tilespmem:s14+$0x0];
	[tilespmem:s7+$0x0] =	vst v3;
	s14 =	smov.u32 s4  }
.Ltmp1:
0xc0: {  	s8 =	sadd.s32 $0x50, s8;
	v1 =	vbroadcast v0, $0x3;
	v13 =	vbroadcast v0, $0x2;
	v4 =	vld [tilespmem:s15+$0x6900];
	v3 =	vsel vm0, v7, v6;
	[tilespmem:s7+$0xFFFFFFF0] =	vst v5;
	s7 =	smov.u32 s12;
	(pc) =	sbr.rel @p0 .LBB2_4-.Ltmp1, $4  }
0xc1: {  	v14 =	vbroadcast v0, $0x0;
	s4 =	sadd.s32 $0x20, s4;
	s12 =	smov.u32 s13;
	s13 =	smov.u32 s8;
	v7 =	vld [tilespmem:s15+$0x5900];
	v5 =	vmax.f32 v8, v11;
	v11 =	vbroadcast v0, $0x1  }
0xc2: {  	v6 =	vsel vm0, v13, v1;
	v15 =	vmul.f32 $1.442695020e+00, v5;
	v5 =	vsel vm0, v10, v12  }
0xc3: {  	v10 =	vshll.u32 v9, $0x10;
	v8 =	vand.u32 $0xFFFF0000, v9;
	v9 =	vsel vm0, v14, v11  }
0xc4: {  	(erf) = vpow2.f32 v15;
	v1 =	vpop (erf);
	v9 =	vmul.f32 v10, v9;
	v10 =	vshll.u32 v2, $0x10  }
0xc5: {  	_ = 	snop  }
0xc6: {  	v4 =	vadd.f32 v4, v7;
	_ =	sdelay $0x1  }
0xc7: {  	v7 =	vmul.f32 $2.000000030e-01, v4;
	_ =	sdelay $0x1  }
0xc8: {  	v4 =	vmax.f32 v4, v7  }
0xc9: {  	v4 =	vmul.f32 $1.442695020e+00, v4;
	_ =	sdelay $0x1  }
0xca: {  	(erf) = vpow2.f32 v4  }
0xcb: {  	v58 =	vmul.f32 v8, v6  }
0xcc: {  	v5 =	vmul.f32 v10, v5;
	v60 =	vbroadcast v0, $0x6  }
0xcd: {  	v61 =	vbroadcast v1, $0x3;
	v62 =	vbroadcast v1, $0x2  }
0xce: {  	[tilespmem:s8+$0xFFFFFFC0] =	vst v1;
	v20 =	vbroadcast v1, $0x1;
	v21 =	vbroadcast v1, $0x0  }
0xcf: {  	s16 =	sadd.s32 $0x50, s8;
	v12 =	vbroadcast v0, $0x4;
	v13 =	vbroadcast v0, $0x5;
	v59 =	vld [tilespmem:s4+$0xFFFFFFF0];
	[tilespmem:s12+$0xFFFFFFD0] =	vst v9;
	v11 =	vpop (erf)  }
0xd0: {  	s25 =	sadd.s32 $0x20, s4;
	v28 =	vbroadcast v0, $0x7;
	v38 =	vbroadcast v1, $0x6;
	[tilespmem:s16+$0xFFFFFFC0] =	vst v11  }
0xd1: {  	v2 =	vand.u32 $0xFFFF0000, v2;
	v39 =	vbroadcast v1, $0x4;
	v40 =	vbroadcast v1, $0x7;
	[tilespmem:s12+$0xFFFFFFE0] =	vst v58;
	v23 =	vld [tilespmem:s25+$0xFFFFFFF0]  }
0xd2: {  	v42 =	vbroadcast v1, $0x5;
	v2 =	vmul.f32 v2, v3;
	v3 =	vsel vm0, v62, v61;
	v63 =	vld [tilespmem:s14+$0x0]  }
0xd3: {  	s11 =	sadd.s32 $0x50, s16;
	v9 =	vsel vm0, v21, v20;
	v24 =	vsel vm0, v12, v13;
	v0 =	vsel vm0, v60, v28;
	v16 =	vpop (erf)  }
0xd4: {  	s15 =	sadd.s32 $0x20, s25;
	v6 =	vand.u32 $0xFFFF0000, v59;
	v14 =	vbroadcast v11, $0x1;
	v15 =	vbroadcast v11, $0x0;
	[tilespmem:s11+$0xFFFFFFC0] =	vst v16  }
0xd5: {  	v22 =	vshll.u32 v59, $0x10;
	v3 =	vmul.f32 v6, v3;
	v25 =	vbroadcast v11, $0x3;
	v31 =	vld [tilespmem:s15+$0xFFFFFFF0]  }
0xd6: {  	v26 =	vbroadcast v11, $0x2;
	v30 =	vsel vm0, v15, v14;
	v29 =	vshll.u32 v23, $0x10  }
0xd7: {  	v4 =	vmul.f32 v22, v9;
	v27 =	vshll.u32 v63, $0x10;
	v32 =	vmul.f32 v29, v30  }
0xd8: {  	[tilespmem:s13+$0xFFFFFFE0] =	vst v3;
	v9 =	vsel vm0, v26, v25;
	v36 =	vbroadcast v16, $0x1;
	v37 =	vbroadcast v16, $0x0  }
0xd9: {  	[tilespmem:s13+$0xFFFFFFD0] =	vst v4;
	v10 =	vand.u32 $0xFFFF0000, v23;
	v33 =	vbroadcast v16, $0x3;
	v34 =	vbroadcast v16, $0x2  }
0xda: {  	v35 =	vld [tilespmem:s4+$0x0];
	v9 =	vmul.f32 v10, v9;
	v12 =	vsel vm0, v37, v36;
	v41 =	vshll.u32 v31, $0x10  }
0xdb: {  	[tilespmem:s16+$0xFFFFFFD0] =	vst v32;
	v3 =	vsel vm0, v34, v33;
	v43 =	vand.u32 $0xFFFF0000, v31;
	v12 =	vmul.f32 v41, v12  }
0xdc: {  	v8 =	vand.u32 $0xFFFF0000, v63;
	v6 =	vmul.f32 v27, v24;
	[tilespmem:s16+$0xFFFFFFE0] =	vst v9;
	v3 =	vmul.f32 v43, v3  }
0xdd: {  	v0 =	vmul.f32 v8, v0;
	v47 =	vbroadcast v11, $0x6;
	v44 =	vld [tilespmem:s25+$0x0];
	[tilespmem:s11+$0xFFFFFFD0] =	vst v12  }
0xde: {  	v1 =	vsel vm0, v39, v42;
	v49 =	vbroadcast v11, $0x7;
	v51 =	vbroadcast v11, $0x4;
	[tilespmem:s11+$0xFFFFFFE0] =	vst v3  }
0xdf: {  	[tilespmem:s7+$0xFFFFFFF0] =	vst v5;
	v52 =	vbroadcast v11, $0x5;
	v4 =	vsel vm0, v38, v40;
	v45 =	vshll.u32 v35, $0x10;
	v50 =	vld [tilespmem:s15+$0x0]  }
0xe0: {  	[tilespmem:s7+$0x0] =	vst v2;
	v53 =	vsel vm0, v47, v49;
	v46 =	vand.u32 $0xFFFF0000, v35;
	v1 =	vmul.f32 v45, v1  }
0xe1: {  	[tilespmem:s12+$0x0] =	vst v0;
	v5 =	vsel vm0, v51, v52;
	v48 =	vmul.f32 v46, v4;
	v55 =	vbroadcast v16, $0x6  }
0xe2: {  	[tilespmem:s12+$0xFFFFFFF0] =	vst v6;
	v56 =	vbroadcast v16, $0x7;
	v58 =	vbroadcast v16, $0x4;
	v54 =	vand.u32 $0xFFFF0000, v44  }
0xe3: {  	v59 =	vbroadcast v16, $0x5;
	[tilespmem:s13+$0x0] =	vst v48;
	v57 =	vshll.u32 v44, $0x10;
	v0 =	vmul.f32 v54, v53  }
0xe4: {  	[tilespmem:s13+$0xFFFFFFF0] =	vst v1;
	v61 =	vsel vm0, v55, v56;
	v60 =	vmul.f32 v57, v5;
	v62 =	vand.u32 $0xFFFF0000, v50  }
0xe5: {  	v63 =	vsel vm0, v58, v59;
	[tilespmem:s16+$0x0] =	vst v0;
	v4 =	vshll.u32 v50, $0x10;
	v2 =	vmul.f32 v62, v61  }
0xe6: {  	[tilespmem:s16+$0xFFFFFFF0] =	vst v60;
	v0 =	vmul.f32 v4, v63  }
0xe7: {  	[tilespmem:s11+$0x0] =	vst v2  }
0xe8: {  	s12 =	simm.s32 $0x1;
	[tilespmem:s11+$0xFFFFFFF0] =	vst v0  }
0xe9: {  	[spmem:s2] =	stream.indirect.scatter.add.f32 [tilespmem:s26], [sflag:$0x8], $0x50, s17, s18, $0xb8;
	[tilespmem:$0x1F900] =	vst v63  }
.LBB2_6:
0xea: {  	_ =	swait.ge [sflag:s22], $0x800  }
0xeb: {  	[sflag:s22] =	ssyncset.done $0x0  }
0xec: {  	[sflag:s22] =	ssyncadd.s32 $0xFFFFF800  }
0xed: {  	_ =	swait.ge [sflag:s23], $0x800  }
0xee: {  	[sflag:s23] =	ssyncset.done $0x0  }
0xef: {  	[sflag:s23] =	ssyncadd.s32 $0xFFFFF800  }
0xf0: {  	_ =	swait.ge [sflag:s24], $0x1000  }
0xf1: {  	s7 =	sshll.u32 s12, $0x8;
	[sflag:s24] =	ssyncset.done $0x0  }
0xf2: {  	s8 =	simm.s32 $0x5900;
	s4 =	sor.u32 $0x80, s7;
	[sflag:s24] =	ssyncadd.s32 $0xFFFFF000  }
0xf3: {  	[tilespmem:s8], [sflag:$0x4] =	stream.indirect.gather [hbm4b:s5+s18], $0x10, s4, s18, $0xb8;
	[tilespmem:$0x1F900] =	vst v63  }
0xf4: {  	s13 =	sadd.s32 $0x2900, s7  }
0xf5: {  	[tilespmem:s28], [sflag:$0x5] =	stream.indirect.gather [hbm4b:s6+s18], $0x10, s13, s18, $0xb8;
	[tilespmem:$0x1F900] =	vst v63  }
0xf6: {  	_ = 	snop  }
0xf7: {  	[tilespmem:s29], [sflag:$0x6] =	stream.indirect.gather [spmem:s3], $0x20, s4, s18, $0xb8;
	[tilespmem:$0x1F900] =	vst v63  }
0xf8: {  	_ =	swait.ge [sflag:s9], $0x2800  }
0xf9: {  	[sflag:s9] =	ssyncset.done $0x0  }
0xfa: {  	s8 =	simm.s32 $0x0;
	[sflag:s9] =	ssyncadd.s32 $0xFFFFD800  }
0xfb: {  	v0 =	vld [tilespmem:s8+$0x6100]  }
0xfc: {  	v1 =	vld [tilespmem:s8+$0x5100];
	_ =	sdelay $0x4  }
0xfd: {  	s11 =	simm.s32 $0x10;
	v0 =	vadd.f32 v0, v1  }
0xfe: {  	v2 =	vld [tilespmem:s11+$0x6100]  }
0xff: {  	v3 =	vld [tilespmem:s11+$0x5100];
	v1 =	vmul.f32 $2.000000030e-01, v0;
	_ =	sdelay $0x1  }
0x100: {  	v0 =	vmax.f32 v0, v1  }
0x101: {  	v0 =	vmul.f32 $1.442695020e+00, v0;
	_ =	sdelay $0x1  }
0x102: {  	s14 =	simm.s32 $0x20;
	(erf) = vpow2.f32 v0;
	v0 =	vadd.f32 v2, v3  }
0x103: {  	v2 =	vld [tilespmem:s14+$0x6100]  }
0x104: {  	v3 =	vld [tilespmem:s14+$0x5100];
	v1 =	vmul.f32 $2.000000030e-01, v0;
	_ =	sdelay $0x1  }
0x105: {  	v0 =	vmax.f32 v0, v1  }
0x106: {  	v0 =	vmul.f32 $1.442695020e+00, v0  }
0x107: {  	s17 =	simm.s32 $0x30  }
0x108: {  	v4 =	vld [tilespmem:s17+$0x6100];
	(erf) = vpow2.f32 v0;
	v0 =	vadd.f32 v2, v3  }
0x109: {  	v7 =	vld [tilespmem:s17+$0x5100]  }
0x10a: {  	s16 =	simm.s32 $0x9120;
	v1 =	vpop (erf);
	v3 =	vmul.f32 $2.000000030e-01, v0  }
0x10b: {  	s15 =	simm.s32 $0x7110;
	[tilespmem:s16+$0xFFFFFFE0] =	vst v1  }
0x10c: {  	v2 =	vld [tilespmem:s15+$0xFFFFFFF0];
	v0 =	vmax.f32 v0, v3  }
0x10d: {  	v0 =	vmul.f32 $1.442695020e+00, v0  }
0x10e: {  	v4 =	vadd.f32 v4, v7;
	v8 =	vbroadcast v1, $0x0;
	v3 =	vbroadcast v1, $0x1  }
0x10f: {  	v5 =	vbroadcast v1, $0x3;
	v6 =	vbroadcast v1, $0x2  }
0x110: {  	v3 =	vsel vm0, v8, v3;
	v8 =	vmul.f32 $2.000000030e-01, v4  }
0x111: {  	s17 =	simm.s32 $0x9170;
	v5 =	vsel vm0, v6, v5;
	(erf) = vpow2.f32 v0;
	v6 =	vshll.u32 v2, $0x10;
	v0 =	vpop (erf)  }
0x112: {  	s8 =	simm.s32 $0x7130;
	v4 =	vmax.f32 v4, v8;
	v2 =	vand.u32 $0xFFFF0000, v2;
	v3 =	vmul.f32 v6, v3;
	[tilespmem:s17+$0xFFFFFFE0] =	vst v0  }
0x113: {  	v13 =	vmul.f32 $1.442695020e+00, v4;
	v2 =	vmul.f32 v2, v5;
	v7 =	vld [tilespmem:s8+$0xFFFFFFF0]  }
0x114: {  	v5 =	vbroadcast v1, $0x4;
	v6 =	vbroadcast v1, $0x7;
	[tilespmem:s16+$0xFFFFFFF0] =	vst v3  }
0x115: {  	v9 =	vbroadcast v0, $0x3;
	v3 =	vbroadcast v1, $0x6;
	[tilespmem:s16+$0x0] =	vst v2  }
0x116: {  	s25 =	simm.s32 $0x40;
	v10 =	vbroadcast v0, $0x2;
	v11 =	vbroadcast v0, $0x1;
	v2 =	vld [tilespmem:s15+$0x0]  }
0x117: {  	v4 =	vld [tilespmem:s25+$0x6100];
	v12 =	vbroadcast v0, $0x0;
	v1 =	vbroadcast v1, $0x5;
	v3 =	vsel vm0, v3, v6  }
0x118: {  	v6 =	vsel vm0, v10, v9;
	v9 =	vshll.u32 v7, $0x10;
	v8 =	vand.u32 $0xFFFF0000, v7;
	v7 =	vld [tilespmem:s25+$0x5100];
	_ =	sdelay $0x1  }
0x119: {  	s4 =	simm.s32 $0x91C0;
	(erf) = vpow2.f32 v13;
	v10 =	vsel vm0, v12, v11  }
0x11a: {  	s11 =	simm.s32 $0x91C0;
	s14 =	simm.s32 $0x7150;
	s15 =	simm.s32 $0x140;
	v5 =	vsel vm0, v5, v1;
	v1 =	vpop (erf);
	v9 =	vmul.f32 v9, v10;
	v10 =	vshll.u32 v2, $0x10  }
.LBB2_7:
0x11b: {  	s25 =	sshra.s32 s15, $0x2;
	p0 =	sne.s32 s15, $0x1FC0;
	s15 =	sadd.s32 $0x40, s15;
	[tilespmem:s11+$0xFFFFFFE0] =	vst v1;
	v6 =	vmul.f32 v8, v6;
	v2 =	vand.u32 $0xFFFF0000, v2;
	v5 =	vmul.f32 v10, v5  }
0x11c: {  	v8 =	vadd.f32 v4, v7;
	[tilespmem:s17+$0xFFFFFFF0] =	vst v9;
	v7 =	vbroadcast v0, $0x6;
	v3 =	vmul.f32 v2, v3  }
0x11d: {  	v10 =	vbroadcast v0, $0x4;
	v9 =	vld [tilespmem:s14+$0xFFFFFFF0];
	[tilespmem:s17+$0x0] =	vst v6;
	v6 =	vbroadcast v0, $0x7  }
0x11e: {  	v12 =	vbroadcast v0, $0x5;
	v0 =	vmov v1;
	v11 =	vmul.f32 $2.000000030e-01, v8;
	v2 =	vld [tilespmem:s8+$0x0];
	[tilespmem:s16+$0x20] =	vst v3;
	s8 =	smov.u32 s14  }
.Ltmp2:
0x11f: {  	s11 =	sadd.s32 $0x50, s11;
	v1 =	vbroadcast v0, $0x3;
	v13 =	vbroadcast v0, $0x2;
	v4 =	vld [tilespmem:s25+$0x6100];
	v3 =	vsel vm0, v7, v6;
	[tilespmem:s16+$0x10] =	vst v5;
	s16 =	smov.u32 s17;
	(pc) =	sbr.rel @p0 .LBB2_7-.Ltmp2, $4  }
0x120: {  	v14 =	vbroadcast v0, $0x0;
	s14 =	sadd.s32 $0x20, s14;
	s17 =	smov.u32 s4;
	s4 =	smov.u32 s11;
	v7 =	vld [tilespmem:s25+$0x5100];
	v5 =	vmax.f32 v8, v11;
	v11 =	vbroadcast v0, $0x1  }
0x121: {  	v6 =	vsel vm0, v13, v1;
	v15 =	vmul.f32 $1.442695020e+00, v5;
	v5 =	vsel vm0, v10, v12  }
0x122: {  	v10 =	vshll.u32 v9, $0x10;
	v8 =	vand.u32 $0xFFFF0000, v9;
	v9 =	vsel vm0, v14, v11  }
0x123: {  	(erf) = vpow2.f32 v15;
	v1 =	vpop (erf);
	v9 =	vmul.f32 v10, v9;
	v10 =	vshll.u32 v2, $0x10  }
0x124: {  	_ = 	snop  }
0x125: {  	v4 =	vadd.f32 v4, v7;
	_ =	sdelay $0x1  }
0x126: {  	v7 =	vmul.f32 $2.000000030e-01, v4;
	_ =	sdelay $0x1  }
0x127: {  	v4 =	vmax.f32 v4, v7  }
0x128: {  	v4 =	vmul.f32 $1.442695020e+00, v4;
	_ =	sdelay $0x1  }
0x129: {  	(erf) = vpow2.f32 v4  }
0x12a: {  	v5 =	vmul.f32 v10, v5;
	v10 =	vbroadcast v1, $0x0  }
0x12b: {  	[tilespmem:s11+$0xFFFFFFE0] =	vst v1;
	v12 =	vbroadcast v0, $0x4;
	v4 =	vmul.f32 v8, v6  }
0x12c: {  	v2 =	vand.u32 $0xFFFF0000, v2;
	v13 =	vbroadcast v0, $0x5;
	v59 =	vbroadcast v1, $0x6;
	[tilespmem:s17+$0xFFFFFFF0] =	vst v9;
	v6 =	vld [tilespmem:s14+$0xFFFFFFF0]  }
0x12d: {  	v2 =	vmul.f32 v2, v3;
	v9 =	vbroadcast v1, $0x1;
	[tilespmem:s17+$0x0] =	vst v4  }
0x12e: {  	v7 =	vbroadcast v0, $0x6;
	v0 =	vbroadcast v0, $0x7;
	v11 =	vpop (erf);
	v8 =	vld [tilespmem:s8+$0x0];
	s8 =	sadd.s32 $0x50, s11  }
0x12f: {  	s15 =	sadd.s32 $0x20, s14;
	v3 =	vbroadcast v1, $0x3;
	v9 =	vsel vm0, v10, v9;
	v4 =	vbroadcast v1, $0x2;
	[tilespmem:s8+$0xFFFFFFE0] =	vst v11  }
0x130: {  	v0 =	vsel vm0, v7, v0;
	v52 =	vbroadcast v11, $0x2;
	v14 =	vbroadcast v11, $0x1;
	v10 =	vld [tilespmem:s15+$0xFFFFFFF0]  }
0x131: {  	v15 =	vbroadcast v11, $0x0;
	v3 =	vsel vm0, v4, v3;
	v4 =	vshll.u32 v6, $0x10  }
0x132: {  	[tilespmem:s16+$0x10] =	vst v5;
	s11 =	sadd.s32 $0x50, s8;
	v6 =	vand.u32 $0xFFFF0000, v6;
	v4 =	vmul.f32 v4, v9;
	v9 =	vbroadcast v11, $0x3;
	v16 =	vpop (erf)  }
0x133: {  	s25 =	sadd.s32 $0x20, s15;
	v5 =	vbroadcast v11, $0x4;
	v55 =	vsel vm0, v15, v14;
	v3 =	vmul.f32 v6, v3;
	[tilespmem:s11+$0xFFFFFFE0] =	vst v16  }
0x134: {  	v6 =	vsel vm0, v12, v13;
	v53 =	vshll.u32 v8, $0x10;
	v9 =	vsel vm0, v52, v9;
	v56 =	vld [tilespmem:s25+$0xFFFFFFF0]  }
0x135: {  	[tilespmem:s4+$0x0] =	vst v3;
	v54 =	vshll.u32 v10, $0x10;
	v3 =	vbroadcast v16, $0x3;
	v7 =	vbroadcast v16, $0x2  }
0x136: {  	[tilespmem:s4+$0xFFFFFFF0] =	vst v4;
	v10 =	vand.u32 $0xFFFF0000, v10;
	v57 =	vbroadcast v16, $0x1;
	v58 =	vbroadcast v16, $0x0  }
0x137: {  	v8 =	vand.u32 $0xFFFF0000, v8;
	v4 =	vmul.f32 v54, v55;
	v9 =	vmul.f32 v10, v9;
	v10 =	vld [tilespmem:s14+$0x0]  }
0x138: {  	v6 =	vmul.f32 v53, v6;
	v3 =	vsel vm0, v7, v3;
	v7 =	vbroadcast v1, $0x4  }
0x139: {  	v12 =	vsel vm0, v58, v57;
	[tilespmem:s8+$0xFFFFFFF0] =	vst v4;
	v4 =	vbroadcast v1, $0x7;
	v60 =	vshll.u32 v56, $0x10  }
0x13a: {  	[tilespmem:s8+$0x0] =	vst v9;
	v1 =	vbroadcast v1, $0x5;
	v9 =	vand.u32 $0xFFFF0000, v56;
	v12 =	vmul.f32 v60, v12  }
0x13b: {  	v0 =	vmul.f32 v8, v0;
	v61 =	vld [tilespmem:s15+$0x0];
	v3 =	vmul.f32 v9, v3  }
0x13c: {  	v4 =	vsel vm0, v59, v4;
	v1 =	vsel vm0, v7, v1;
	v7 =	vshll.u32 v10, $0x10;
	[tilespmem:s11+$0xFFFFFFF0] =	vst v12  }
0x13d: {  	v8 =	vand.u32 $0xFFFF0000, v10;
	v1 =	vmul.f32 v7, v1;
	v7 =	vbroadcast v11, $0x6;
	[tilespmem:s11+$0x0] =	vst v3  }
0x13e: {  	[tilespmem:s16+$0x20] =	vst v2;
	v2 =	vmul.f32 v8, v4;
	v3 =	vbroadcast v11, $0x7;
	v4 =	vld [tilespmem:s25+$0x0]  }
0x13f: {  	[tilespmem:s17+$0x10] =	vst v6;
	v6 =	vbroadcast v16, $0x4;
	v8 =	vbroadcast v11, $0x5  }
0x140: {  	[tilespmem:s17+$0x20] =	vst v0;
	v0 =	vsel vm0, v7, v3;
	v3 =	vand.u32 $0xFFFF0000, v61;
	v7 =	vbroadcast v16, $0x6  }
0x141: {  	v0 =	vmul.f32 v3, v0;
	v3 =	vbroadcast v16, $0x7  }
0x142: {  	v5 =	vsel vm0, v5, v8;
	[tilespmem:s4+$0x20] =	vst v2;
	v2 =	vshll.u32 v61, $0x10;
	v8 =	vbroadcast v16, $0x5  }
0x143: {  	[tilespmem:s4+$0x10] =	vst v1;
	v1 =	vmul.f32 v2, v5;
	v2 =	vsel vm0, v7, v3;
	v3 =	vand.u32 $0xFFFF0000, v4  }
0x144: {  	[tilespmem:s8+$0x20] =	vst v0;
	v0 =	vsel vm0, v6, v8;
	v4 =	vshll.u32 v4, $0x10;
	v2 =	vmul.f32 v3, v2  }
0x145: {  	[tilespmem:s8+$0x10] =	vst v1;
	v0 =	vmul.f32 v4, v0  }
0x146: {  	s16 =	sand.u32 $0x3FFFFF00, s7;
	[tilespmem:s11+$0x20] =	vst v2  }
0x147: {  	s4 =	sadd.s32 $0x2880, s16;
	[tilespmem:s11+$0x10] =	vst v0  }
0x148: {  	[spmem:s2] =	stream.indirect.scatter.add.f32 [tilespmem:s30], [sflag:$0x7], $0x50, s4, s18, $0xb8;
	[tilespmem:$0x1F900] =	vst v63  }
0x149: {  	_ =	swait.ge [sflag:s31], $0x800  }
0x14a: {  	[sflag:s31] =	ssyncset.done $0x0  }
0x14b: {  	[sflag:s31] =	ssyncadd.s32 $0xFFFFF800  }
0x14c: {  	_ =	swait.ge [sflag:s1], $0x800  }
0x14d: {  	[sflag:s1] =	ssyncset.done $0x0  }
0x14e: {  	[sflag:s1] =	ssyncadd.s32 $0xFFFFF800  }
0x14f: {  	_ =	swait.ge [sflag:s0], $0x1000  }
0x150: {  	[sflag:s0] =	ssyncset.done $0x0  }
0x151: {  	s17 =	sadd.s32 $0x100, s7;
	[sflag:s0] =	ssyncadd.s32 $0xFFFFF000  }
0x152: {  	[tilespmem:s19], [sflag:$0x1] =	stream.indirect.gather [hbm4b:s5+s18], $0x10, s17, s18, $0xb8;
	[tilespmem:$0x1F900] =	vst v63  }
0x153: {  	s25 =	sadd.s32 $0x2980, s7  }
0x154: {  	[tilespmem:s20], [sflag:$0x2] =	stream.indirect.gather [hbm4b:s6+s18], $0x10, s25, s18, $0xb8;
	[tilespmem:$0x1F900] =	vst v63  }
0x155: {  	_ = 	snop  }
0x156: {  	[tilespmem:s21], [sflag:$0x3] =	stream.indirect.gather [spmem:s3], $0x20, s17, s18, $0xb8;
	[tilespmem:$0x1F900] =	vst v63  }
0x157: {  	_ =	swait.ge [sflag:s10], $0x2800  }
0x158: {  	[sflag:s10] =	ssyncset.done $0x0  }
0x159: {  	s8 =	simm.s32 $0x0;
	[sflag:s10] =	ssyncadd.s32 $0xFFFFD800  }
0x15a: {  	v0 =	vld [tilespmem:s8+$0x6900]  }
0x15b: {  	v1 =	vld [tilespmem:s8+$0x5900];
	_ =	sdelay $0x4  }
0x15c: {  	s11 =	simm.s32 $0x10;
	v0 =	vadd.f32 v0, v1  }
0x15d: {  	v2 =	vld [tilespmem:s11+$0x6900]  }
0x15e: {  	v3 =	vld [tilespmem:s11+$0x5900];
	v1 =	vmul.f32 $2.000000030e-01, v0;
	_ =	sdelay $0x1  }
0x15f: {  	v0 =	vmax.f32 v0, v1  }
0x160: {  	v0 =	vmul.f32 $1.442695020e+00, v0;
	_ =	sdelay $0x1  }
0x161: {  	s14 =	simm.s32 $0x20;
	(erf) = vpow2.f32 v0;
	v0 =	vadd.f32 v2, v3  }
0x162: {  	v2 =	vld [tilespmem:s14+$0x6900]  }
0x163: {  	v3 =	vld [tilespmem:s14+$0x5900];
	v1 =	vmul.f32 $2.000000030e-01, v0;
	_ =	sdelay $0x1  }
0x164: {  	v0 =	vmax.f32 v0, v1  }
0x165: {  	v0 =	vmul.f32 $1.442695020e+00, v0  }
0x166: {  	s17 =	simm.s32 $0x30  }
0x167: {  	v4 =	vld [tilespmem:s17+$0x6900];
	(erf) = vpow2.f32 v0;
	v0 =	vadd.f32 v2, v3  }
0x168: {  	v7 =	vld [tilespmem:s17+$0x5900]  }
0x169: {  	s7 =	simm.s32 $0xB940;
	v1 =	vpop (erf);
	v3 =	vmul.f32 $2.000000030e-01, v0  }
0x16a: {  	s15 =	simm.s32 $0x8110;
	[tilespmem:s7+$0xFFFFFFC0] =	vst v1  }
0x16b: {  	v2 =	vld [tilespmem:s15+$0xFFFFFFF0];
	v0 =	vmax.f32 v0, v3  }
0x16c: {  	v0 =	vmul.f32 $1.442695020e+00, v0  }
0x16d: {  	v4 =	vadd.f32 v4, v7;
	v8 =	vbroadcast v1, $0x0;
	v3 =	vbroadcast v1, $0x1  }
0x16e: {  	v5 =	vbroadcast v1, $0x3;
	v6 =	vbroadcast v1, $0x2  }
0x16f: {  	v3 =	vsel vm0, v8, v3;
	v8 =	vmul.f32 $2.000000030e-01, v4  }
0x170: {  	s16 =	simm.s32 $0xB990;
	v5 =	vsel vm0, v6, v5;
	(erf) = vpow2.f32 v0;
	v6 =	vshll.u32 v2, $0x10;
	v0 =	vpop (erf)  }
0x171: {  	s8 =	simm.s32 $0x8130;
	v4 =	vmax.f32 v4, v8;
	v2 =	vand.u32 $0xFFFF0000, v2;
	v3 =	vmul.f32 v6, v3;
	[tilespmem:s16+$0xFFFFFFC0] =	vst v0  }
0x172: {  	v63 =	vmul.f32 $1.442695020e+00, v4;
	v2 =	vmul.f32 v2, v5;
	v7 =	vld [tilespmem:s8+$0xFFFFFFF0]  }
0x173: {  	v5 =	vbroadcast v1, $0x4;
	v6 =	vbroadcast v1, $0x7;
	[tilespmem:s7+$0xFFFFFFD0] =	vst v3  }
0x174: {  	v9 =	vbroadcast v0, $0x3;
	v3 =	vbroadcast v1, $0x6;
	[tilespmem:s7+$0xFFFFFFE0] =	vst v2  }
0x175: {  	s25 =	simm.s32 $0x40;
	v10 =	vbroadcast v0, $0x2;
	v11 =	vbroadcast v0, $0x1;
	v2 =	vld [tilespmem:s15+$0x0]  }
0x176: {  	v4 =	vld [tilespmem:s25+$0x6900];
	v62 =	vbroadcast v0, $0x0;
	v1 =	vbroadcast v1, $0x5;
	v3 =	vsel vm0, v3, v6  }
0x177: {  	v6 =	vsel vm0, v10, v9;
	v9 =	vshll.u32 v7, $0x10;
	v8 =	vand.u32 $0xFFFF0000, v7;
	v7 =	vld [tilespmem:s25+$0x5900];
	_ =	sdelay $0x1  }
0x178: {  	s4 =	simm.s32 $0xB9E0;
	(erf) = vpow2.f32 v63;
	v10 =	vsel vm0, v62, v11  }
0x179: {  	s11 =	simm.s32 $0xB9E0;
	s14 =	simm.s32 $0x8150;
	s15 =	simm.s32 $0x140;
	v5 =	vsel vm0, v5, v1;
	v1 =	vpop (erf);
	v9 =	vmul.f32 v9, v10;
	v10 =	vshll.u32 v2, $0x10  }
.LBB2_9:
0x17a: {  	s17 =	sshra.s32 s15, $0x2;
	p0 =	sne.s32 s15, $0x1FC0;
	s15 =	sadd.s32 $0x40, s15;
	[tilespmem:s11+$0xFFFFFFC0] =	vst v1;
	v6 =	vmul.f32 v8, v6;
	v2 =	vand.u32 $0xFFFF0000, v2;
	v5 =	vmul.f32 v10, v5  }
0x17b: {  	v8 =	vadd.f32 v4, v7;
	[tilespmem:s16+$0xFFFFFFD0] =	vst v9;
	v7 =	vbroadcast v0, $0x6;
	v3 =	vmul.f32 v2, v3  }
0x17c: {  	v10 =	vbroadcast v0, $0x4;
	v9 =	vld [tilespmem:s14+$0xFFFFFFF0];
	[tilespmem:s16+$0xFFFFFFE0] =	vst v6;
	v6 =	vbroadcast v0, $0x7  }
0x17d: {  	v12 =	vbroadcast v0, $0x5;
	v0 =	vmov v1;
	v11 =	vmul.f32 $2.000000030e-01, v8;
	v2 =	vld [tilespmem:s8+$0x0];
	[tilespmem:s7+$0x0] =	vst v3;
	s8 =	smov.u32 s14  }
.Ltmp3:
0x17e: {  	s11 =	sadd.s32 $0x50, s11;
	v1 =	vbroadcast v0, $0x3;
	v13 =	vbroadcast v0, $0x2;
	v4 =	vld [tilespmem:s17+$0x6900];
	v3 =	vsel vm0, v7, v6;
	[tilespmem:s7+$0xFFFFFFF0] =	vst v5;
	s7 =	smov.u32 s16;
	(pc) =	sbr.rel @p0 .LBB2_9-.Ltmp3, $4  }
0x17f: {  	v14 =	vbroadcast v0, $0x0;
	s14 =	sadd.s32 $0x20, s14;
	s16 =	smov.u32 s4;
	s4 =	smov.u32 s11;
	v7 =	vld [tilespmem:s17+$0x5900];
	v5 =	vmax.f32 v8, v11;
	v11 =	vbroadcast v0, $0x1  }
0x180: {  	v6 =	vsel vm0, v13, v1;
	v15 =	vmul.f32 $1.442695020e+00, v5;
	v5 =	vsel vm0, v10, v12  }
0x181: {  	v10 =	vshll.u32 v9, $0x10;
	v8 =	vand.u32 $0xFFFF0000, v9;
	v9 =	vsel vm0, v14, v11  }
0x182: {  	(erf) = vpow2.f32 v15;
	v1 =	vpop (erf);
	v9 =	vmul.f32 v10, v9;
	v10 =	vshll.u32 v2, $0x10  }
0x183: {  	_ = 	snop  }
0x184: {  	v4 =	vadd.f32 v4, v7;
	_ =	sdelay $0x1  }
0x185: {  	v7 =	vmul.f32 $2.000000030e-01, v4;
	_ =	sdelay $0x1  }
0x186: {  	v4 =	vmax.f32 v4, v7  }
0x187: {  	v4 =	vmul.f32 $1.442695020e+00, v4;
	_ =	sdelay $0x1  }
0x188: {  	(erf) = vpow2.f32 v4  }
0x189: {  	v58 =	vmul.f32 v8, v6  }
0x18a: {  	v5 =	vmul.f32 v10, v5;
	v60 =	vbroadcast v0, $0x6  }
0x18b: {  	v61 =	vbroadcast v1, $0x3;
	v62 =	vbroadcast v1, $0x2  }
0x18c: {  	[tilespmem:s11+$0xFFFFFFC0] =	vst v1;
	v20 =	vbroadcast v1, $0x1;
	v21 =	vbroadcast v1, $0x0  }
0x18d: {  	s25 =	sadd.s32 $0x50, s11;
	v12 =	vbroadcast v0, $0x4;
	v13 =	vbroadcast v0, $0x5;
	v59 =	vld [tilespmem:s14+$0xFFFFFFF0];
	[tilespmem:s16+$0xFFFFFFD0] =	vst v9;
	v11 =	vpop (erf)  }
0x18e: {  	s15 =	sadd.s32 $0x20, s14;
	v28 =	vbroadcast v0, $0x7;
	v38 =	vbroadcast v1, $0x6;
	[tilespmem:s25+$0xFFFFFFC0] =	vst v11  }
0x18f: {  	v2 =	vand.u32 $0xFFFF0000, v2;
	v39 =	vbroadcast v1, $0x4;
	v40 =	vbroadcast v1, $0x7;
	[tilespmem:s16+$0xFFFFFFE0] =	vst v58;
	v23 =	vld [tilespmem:s15+$0xFFFFFFF0]  }
0x190: {  	v42 =	vbroadcast v1, $0x5;
	v2 =	vmul.f32 v2, v3;
	v3 =	vsel vm0, v62, v61;
	v63 =	vld [tilespmem:s8+$0x0]  }
0x191: {  	s11 =	sadd.s32 $0x50, s25;
	v9 =	vsel vm0, v21, v20;
	v24 =	vsel vm0, v12, v13;
	v0 =	vsel vm0, v60, v28;
	v16 =	vpop (erf)  }
0x192: {  	s17 =	sadd.s32 $0x20, s15;
	v6 =	vand.u32 $0xFFFF0000, v59;
	v14 =	vbroadcast v11, $0x1;
	v15 =	vbroadcast v11, $0x0;
	[tilespmem:s11+$0xFFFFFFC0] =	vst v16  }
0x193: {  	v22 =	vshll.u32 v59, $0x10;
	v3 =	vmul.f32 v6, v3;
	v25 =	vbroadcast v11, $0x3;
	v31 =	vld [tilespmem:s17+$0xFFFFFFF0]  }
0x194: {  	v26 =	vbroadcast v11, $0x2;
	v30 =	vsel vm0, v15, v14;
	v29 =	vshll.u32 v23, $0x10  }
0x195: {  	v4 =	vmul.f32 v22, v9;
	v27 =	vshll.u32 v63, $0x10;
	v32 =	vmul.f32 v29, v30  }
0x196: {  	[tilespmem:s4+$0xFFFFFFE0] =	vst v3;
	v9 =	vsel vm0, v26, v25;
	v36 =	vbroadcast v16, $0x1;
	v37 =	vbroadcast v16, $0x0  }
0x197: {  	[tilespmem:s4+$0xFFFFFFD0] =	vst v4;
	v10 =	vand.u32 $0xFFFF0000, v23;
	v33 =	vbroadcast v16, $0x3;
	v34 =	vbroadcast v16, $0x2  }
0x198: {  	v35 =	vld [tilespmem:s14+$0x0];
	v9 =	vmul.f32 v10, v9;
	v12 =	vsel vm0, v37, v36;
	v41 =	vshll.u32 v31, $0x10  }
0x199: {  	[tilespmem:s25+$0xFFFFFFD0] =	vst v32;
	v3 =	vsel vm0, v34, v33;
	v43 =	vand.u32 $0xFFFF0000, v31;
	v12 =	vmul.f32 v41, v12  }
0x19a: {  	v8 =	vand.u32 $0xFFFF0000, v63;
	v6 =	vmul.f32 v27, v24;
	[tilespmem:s25+$0xFFFFFFE0] =	vst v9;
	v3 =	vmul.f32 v43, v3  }
0x19b: {  	v0 =	vmul.f32 v8, v0;
	v47 =	vbroadcast v11, $0x6;
	v44 =	vld [tilespmem:s15+$0x0];
	[tilespmem:s11+$0xFFFFFFD0] =	vst v12  }
0x19c: {  	v1 =	vsel vm0, v39, v42;
	v49 =	vbroadcast v11, $0x7;
	v51 =	vbroadcast v11, $0x4;
	[tilespmem:s11+$0xFFFFFFE0] =	vst v3  }
0x19d: {  	[tilespmem:s7+$0xFFFFFFF0] =	vst v5;
	v52 =	vbroadcast v11, $0x5;
	v4 =	vsel vm0, v38, v40;
	v45 =	vshll.u32 v35, $0x10;
	v50 =	vld [tilespmem:s17+$0x0]  }
0x19e: {  	[tilespmem:s7+$0x0] =	vst v2;
	v53 =	vsel vm0, v47, v49;
	v46 =	vand.u32 $0xFFFF0000, v35;
	v1 =	vmul.f32 v45, v1  }
0x19f: {  	[tilespmem:s16+$0x0] =	vst v0;
	v5 =	vsel vm0, v51, v52;
	v48 =	vmul.f32 v46, v4;
	v55 =	vbroadcast v16, $0x6  }
0x1a0: {  	[tilespmem:s16+$0xFFFFFFF0] =	vst v6;
	v56 =	vbroadcast v16, $0x7;
	v58 =	vbroadcast v16, $0x4;
	v54 =	vand.u32 $0xFFFF0000, v44  }
0x1a1: {  	s12 =	sadd.s32 $0x1, s12;
	v59 =	vbroadcast v16, $0x5;
	[tilespmem:s4+$0x0] =	vst v48;
	v57 =	vshll.u32 v44, $0x10;
	v0 =	vmul.f32 v54, v53  }
0x1a2: {  	p0 =	sne.s32 s12, $0x28;
	[tilespmem:s4+$0xFFFFFFF0] =	vst v1;
	v61 =	vsel vm0, v55, v56;
	v60 =	vmul.f32 v57, v5;
	v62 =	vand.u32 $0xFFFF0000, v50  }
.Ltmp4:
0x1a3: {  	v63 =	vsel vm0, v58, v59;
	[tilespmem:s25+$0x0] =	vst v0;
	v4 =	vshll.u32 v50, $0x10;
	v2 =	vmul.f32 v62, v61;
	(pc) =	sbr.rel @p0 .LBB2_6-.Ltmp4, $4  }
0x1a4: {  	[tilespmem:s25+$0xFFFFFFF0] =	vst v60;
	v0 =	vmul.f32 v4, v63  }
0x1a5: {  	[tilespmem:s11+$0x0] =	vst v2  }
0x1a6: {  	[tilespmem:s11+$0xFFFFFFF0] =	vst v0  }
0x1a7: {  	[spmem:s2] =	stream.indirect.scatter.add.f32 [tilespmem:s26], [sflag:$0x8], $0x50, s13, s18, $0xb8;
	[tilespmem:$0x1F900] =	vst v63  }
0x1a8: {  	_ =	swait.ge [sflag:s22], $0x800  }
0x1a9: {  	[sflag:s22] =	ssyncset.done $0x0  }
0x1aa: {  	[sflag:s22] =	ssyncadd.s32 $0xFFFFF800  }
0x1ab: {  	_ =	swait.ge [sflag:s23], $0x800  }
0x1ac: {  	[sflag:s23] =	ssyncset.done $0x0  }
0x1ad: {  	[sflag:s23] =	ssyncadd.s32 $0xFFFFF800  }
0x1ae: {  	_ =	swait.ge [sflag:s24], $0x1000  }
0x1af: {  	[sflag:s24] =	ssyncset.done $0x0  }
0x1b0: {  	[sflag:s24] =	ssyncadd.s32 $0xFFFFF000  }
0x1b1: {  	_ =	swait.ge [sflag:s9], $0x2800  }
0x1b2: {  	[sflag:s9] =	ssyncset.done $0x0  }
0x1b3: {  	[sflag:s9] =	ssyncadd.s32 $0xFFFFD800  }
0x1b4: {  	_ =	swait.ge [sflag:s10], $0x2800  }
0x1b5: {  	[sflag:s10] =	ssyncset.done $0x0  }
0x1b6: {  	[sflag:s10] =	ssyncadd.s32 $0xFFFFD800  }
0x1b7: {  	[bflag:$0x0] =	sbarrier.arrive $0xFFFF  }
0x1b8: {  	s13 =	rddreg [dreg:$0x6]  }
0x1b9: {  	s4 =	rddreg [dreg:$0xa]  }
0x1ba: {  	s11 =	simm.s32 $0x9;
	s7 =	rddreg [dreg:$0xc]  }
0x1bb: {  	[hbm:s4], [sflag:s13] =	dma.local [spmem:s7], $0x1900  }
0x1bc: {  	_ =	swait.ge [sflag:s11], $0x1900  }
0x1bd: {  	s8 =	rddreg [dreg:$0xe]  }
0x1be: {  	s25 =	rddreg [dreg:$0xb];
	s8 =	sadd.s32 $0x1, s8  }
0x1bf: {  	p0 =	sne.s32 s8, s25  }
.Ltmp5:
0x1c0: {  	_ = 	snop;
	(pc) =	sbr.rel @p0 .LBB2_1-.Ltmp5, $3  }
0x1c1: {  	_ =	sdelay $0x1  }
0x1c2: {  	[sflag:s11] =	ssyncset.done $0x0  }
0x1c3: {  	s16 =	simm.s32 $0x2880;
	s17 =	simm.s32 $0x2900;
	[sflag:s11] =	ssyncadd.s32 $0xFFFFE700  }
0x1c4: {  	_ =	sfence.sel $0x180000  }
0x1c5: {  	[bflag:$0x0] =	sbarrier.arrive $0xFFFF  }
0x1c6: {  	_ =	strace $0x90000047  }
0x1c7: {  	s0 =	stileid.u32;
	[bflag:$0x2] =	sbarrier.arrive $0xFFFF  }
0x1c8: {  	p0 =	sne.s32 s0, $0x0;
	s0 =	rddreg [dreg:$0x4]  }
0x1c9: {  	s0 =	sadd.s32 @!p0 $0x100000, s0  }
0x1ca: {  	[sflag:s0] =	ssyncadd.tile.s32 @!p0 $0x1;
	_ =	shalt  }
.Lfunc_end2:
_tile_overlayer_lowered:
.L_overlay_start_2:
0x1cb: {  	(tag) =	ssettag $0x2  }
0x1cc: {  	s0 =	rddreg [dreg:$0x0];
	s2 =	stileid.u32  }
0x1cd: {  	s1 =	rddreg [dreg:$0x1];
	p0 =	sne.s32 s2, $0x0  }
0x1ce: {  	s3 =	rddreg [dreg:$0x2];
	[bflag:$0x3] =	sbarrier.arrive $0xFFFF;
	s2 =	simm.s32 @!p0 $0x1C09  }
0x1cf: {  	[timem:s3], [sflag:s2] =	dma.local @!p0 [hbm:s0], s1  }
0x1d0: {  	s0 =	simm.s32 @!p0 $0x9  }
0x1d1: {  	_ =	swait.ge @!p0 [sflag:s0], s1  }
0x1d2: {  	s1 =	ssub.s32 @!p0 $0x0, s1;
	[sflag:s0] =	ssyncset.done @!p0 $0x0  }
0x1d3: {  	[sflag:s0] =	ssyncadd.s32 @!p0 s1  }
0x1d4: {  	[bflag:$0x3] =	sbarrier.arrive $0xFFFF  }
0x1d5: {  	_ =	shalt  }

</sc_bundles>
